<compile_context>
chip_gen: v7x
topology: tpu7x:2x2x1
jax: 0.10.2.dev20260603
libtpu: 0.0.44.dev20260713+nightly
codegen_flags: <defaults>
</compile_context>

<pallas_src>
import jax
import jax.numpy as jnp
from jax import lax
from jax.experimental import pallas as pl
from jax.experimental.pallas import tpu as pltpu
from jax.experimental.pallas import tpu_sc as plsc

f32 = jnp.float32

_NC = 2
_NS = 16
_NW = _NC * _NS
_CH = 80
_CHG = 400
_CHS = 400

_EBLK = 2000
_NBLK = 2000


def _relu(v):
    return jnp.maximum(v, 0.0)



def _node_proj_body(x_ref, wa_ref, wb_ref, b_ref, a_ref, b_out_ref):
    xv = x_ref[...]
    a_ref[...] = jnp.dot(xv, wa_ref[...], preferred_element_type=f32)
    b_out_ref[...] = jnp.dot(xv, wb_ref[...], preferred_element_type=f32) + b_ref[...]


def _tc_node_proj(x, wa, wb, b1):
    n, d = x.shape
    h = wa.shape[1]
    blk = _NBLK
    return pl.pallas_call(
        _node_proj_body,
        grid=(n // blk,),
        in_specs=[
            pl.BlockSpec((blk, d), lambda i: (i, 0)),
            pl.BlockSpec((d, h), lambda i: (0, 0)),
            pl.BlockSpec((d, h), lambda i: (0, 0)),
            pl.BlockSpec((1, h), lambda i: (0, 0)),
        ],
        out_specs=[
            pl.BlockSpec((blk, h), lambda i: (i, 0)),
            pl.BlockSpec((blk, h), lambda i: (i, 0)),
        ],
        out_shape=[
            jax.ShapeDtypeStruct((n, h), f32),
            jax.ShapeDtypeStruct((n, h), f32),
        ],
    )(x, wa, wb, b1)


def _edge0_body(gs_ref, gd_ref, ea_ref, wc_ref, w2_ref, b2_ref, out_ref):
    pre = gs_ref[...] + gd_ref[...] + jnp.dot(
        ea_ref[...], wc_ref[...], preferred_element_type=f32)
    hv = _relu(pre)
    out_ref[...] = jnp.dot(hv, w2_ref[...], preferred_element_type=f32) + b2_ref[...]


def _tc_edge0(gs, gd, ea, wc, w2, b2):
    e, h = gs.shape
    de = ea.shape[1]
    blk = _EBLK
    return pl.pallas_call(
        _edge0_body,
        grid=(e // blk,),
        in_specs=[
            pl.BlockSpec((blk, h), lambda i: (i, 0)),
            pl.BlockSpec((blk, h), lambda i: (i, 0)),
            pl.BlockSpec((blk, de), lambda i: (i, 0)),
            pl.BlockSpec((de, h), lambda i: (0, 0)),
            pl.BlockSpec((h, h), lambda i: (0, 0)),
            pl.BlockSpec((1, h), lambda i: (0, 0)),
        ],
        out_specs=pl.BlockSpec((blk, h), lambda i: (i, 0)),
        out_shape=jax.ShapeDtypeStruct((e, h), f32),
    )(gs, gd, ea, wc, w2, b2)


def _node_body(x_ref, sd_ref, cnt_ref, ss_ref, wx_ref, wp_ref, wf_ref, b1_ref,
               w2_ref, b2_ref, wa_ref, wb_ref, eb1_ref, a_out, b_out):
    inv = 1.0 / jnp.maximum(cnt_ref[..., 0:1], 1.0)
    past = sd_ref[...] * inv
    xv = x_ref[...]
    hv = _relu(
        jnp.dot(xv, wx_ref[...], preferred_element_type=f32)
        + jnp.dot(past, wp_ref[...], preferred_element_type=f32)
        + jnp.dot(ss_ref[...], wf_ref[...], preferred_element_type=f32)
        + b1_ref[...])
    x0 = jnp.dot(hv, w2_ref[...], preferred_element_type=f32) + b2_ref[...] + xv
    a_out[...] = jnp.dot(x0, wa_ref[...], preferred_element_type=f32)
    b_out[...] = jnp.dot(x0, wb_ref[...], preferred_element_type=f32) + eb1_ref[...]


def _tc_node(x, sd, cnt, ss, wx, wp, wf, b1, w2, b2, wa, wb, eb1):
    n, d = x.shape
    h = w2.shape[1]
    blk = _NBLK
    wspec = pl.BlockSpec((d, h), lambda i: (0, 0))
    bspec = pl.BlockSpec((1, h), lambda i: (0, 0))
    return pl.pallas_call(
        _node_body,
        grid=(n // blk,),
        in_specs=[
            pl.BlockSpec((blk, d), lambda i: (i, 0)),
            pl.BlockSpec((blk, h), lambda i: (i, 0)),
            pl.BlockSpec((blk, cnt.shape[1]), lambda i: (i, 0)),
            pl.BlockSpec((blk, h), lambda i: (i, 0)),
            wspec, wspec, wspec, bspec, wspec, bspec, wspec, wspec, bspec,
        ],
        out_specs=[
            pl.BlockSpec((blk, h), lambda i: (i, 0)),
            pl.BlockSpec((blk, h), lambda i: (i, 0)),
        ],
        out_shape=[
            jax.ShapeDtypeStruct((n, h), f32),
            jax.ShapeDtypeStruct((n, h), f32),
        ],
    )(x, sd, cnt, ss, wx, wp, wf, b1, w2, b2, wa, wb, eb1)


def _edge1_body(gs_ref, gd_ref, ea_ref, wc_ref, w2_ref, b2_ref,
                pw1_ref, pb1_ref, pw2_ref, pb2_ref, out_ref):
    ea = ea_ref[...]
    hv = _relu(gs_ref[...] + gd_ref[...] + jnp.dot(
        ea, wc_ref[...], preferred_element_type=f32))
    ea1 = jnp.dot(hv, w2_ref[...], preferred_element_type=f32) + b2_ref[...] + ea
    ph = _relu(jnp.dot(ea1, pw1_ref[...], preferred_element_type=f32) + pb1_ref[...])
    out_ref[...] = jnp.sum(ph * pw2_ref[...], axis=1, keepdims=True) + pb2_ref[...]


def _tc_edge1(gs, gd, ea, wc, w2, b2, pw1, pb1, pw2row, pb2):
    e, h = gs.shape
    blk = _EBLK
    wspec = pl.BlockSpec((h, h), lambda i: (0, 0))
    bspec = pl.BlockSpec((1, h), lambda i: (0, 0))
    return pl.pallas_call(
        _edge1_body,
        grid=(e // blk,),
        in_specs=[
            pl.BlockSpec((blk, h), lambda i: (i, 0)),
            pl.BlockSpec((blk, h), lambda i: (i, 0)),
            pl.BlockSpec((blk, h), lambda i: (i, 0)),
            wspec, wspec, bspec, wspec, bspec, bspec,
            pl.BlockSpec((1, 1), lambda i: (0, 0)),
        ],
        out_specs=pl.BlockSpec((blk, 1), lambda i: (i, 0)),
        out_shape=jax.ShapeDtypeStruct((e, 1), f32),
    )(gs, gd, ea, wc, w2, b2, pw1, pb1, pw2row, pb2)



def _sc_mesh(num_cores=_NC):
    return plsc.VectorSubcoreMesh(
        core_axis_name="c", subcore_axis_name="s",
        num_cores=num_cores, num_subcores=_NS)


def _sc_gather_body(ta, tb, srci, dsti, out_s, out_d,
                    sidx, didx, rows_a, rows_b, sem_a, sem_b):
    ew = srci.shape[0] // _NW
    nch = ew // _CHG
    nsub = _CHG // _CH
    wid = lax.axis_index("s") * _NC + lax.axis_index("c")

    def chunk(i, carry):
        base = pl.multiple_of(wid * ew + i * _CHG, _CH)
        ia = pltpu.async_copy(srci.at[pl.ds(base, _CHG)], sidx, sem_a)
        ib = pltpu.async_copy(dsti.at[pl.ds(base, _CHG)], didx, sem_b)
        ia.wait()
        ib.wait()
        ga = []
        gb = []
        for k in range(nsub):
            sl = pl.ds(k * _CH, _CH)
            ga.append(pltpu.async_copy(ta.at[sidx.at[sl]], rows_a.at[sl], sem_a))
            gb.append(pltpu.async_copy(tb.at[didx.at[sl]], rows_b.at[sl], sem_b))
        for op in ga + gb:
            op.wait()
        pltpu.sync_copy(rows_a, out_s.at[pl.ds(base, _CHG)])
        pltpu.sync_copy(rows_b, out_d.at[pl.ds(base, _CHG)])
        return carry

    lax.fori_loop(0, nch, chunk, 0)


def _sc_gather2(ta, tb, srci, dsti):
    e = srci.shape[0]
    d = ta.shape[1]
    return pl.kernel(
        _sc_gather_body,
        out_type=(
            jax.ShapeDtypeStruct((e, d), f32),
            jax.ShapeDtypeStruct((e, d), f32),
        ),
        mesh=_sc_mesh(),
        scratch_types=[
            pltpu.VMEM((_CHG,), jnp.int32),
            pltpu.VMEM((_CHG,), jnp.int32),
            pltpu.VMEM((_CHG, d), f32),
            pltpu.VMEM((_CHG, d), f32),
            pltpu.SemaphoreType.DMA,
            pltpu.SemaphoreType.DMA,
        ],
    )(ta, tb, srci, dsti)


def _sc_scatter_body(ea, cat_idx, zacc, sums, cnts,
                     idx_v, i2a, i2b, i2c, i2d, i2e, rows_v, acc, sem):
    nacc = zacc.shape[0]
    rng = nacc - 512
    e = ea.shape[0]
    ept = e // _NS
    nch = ept // _CHS
    nsub = _CHS // _CH
    rpt = nacc // _NS
    c = lax.axis_index("c")
    s = lax.axis_index("s")
    r0 = pl.multiple_of(s * rpt, 8)
    idx2 = [i2a, i2b, i2c, i2d, i2e]

    o16v = jnp.full((16,), 1.0, f32)

    def _phase(lo, ioff, w0, out_ref, with_rows):
        pltpu.sync_copy(zacc.at[pl.ds(r0, rpt)], acc.at[pl.ds(r0, rpt)])
        if not with_rows:
            def orow(j, carry):
                for k in range(8):
                    rows_v[j, k * 16:(k + 1) * 16] = o16v
                return carry

            lax.fori_loop(0, _CHS, orow, 0)
        plsc.subcore_barrier()

        def chunk(i, carry):
            ibase = pl.multiple_of(ioff + s * ept + i * _CHS, _CH)
            pltpu.sync_copy(cat_idx.at[pl.ds(ibase, _CHS)], idx_v)
            if with_rows:
                ebase = pl.multiple_of(s * ept + i * _CHS, _CH)
                pltpu.sync_copy(ea.at[pl.ds(ebase, _CHS)], rows_v)
            for k in range(_CHS // 16):
                v = idx_v[pl.ds(k * 16, 16)]
                local = v - lo
                ok = (local >= 0) & (local < rng)
                idx2[k // 5][pl.ds((k % 5) * 16, 16)] = jnp.where(ok, local, rng)
            ops = []
            for k in range(nsub):
                ops.append(pltpu.async_copy(
                    rows_v.at[pl.ds(k * _CH, _CH)], acc.at[idx2[k]], sem,
                    add=True))
            for op in ops:
                op.wait()
            return carry

        lax.fori_loop(0, nch, chunk, 0)
        plsc.subcore_barrier()
        pltpu.sync_copy(acc.at[pl.ds(r0, rpt)],
                        out_ref.at[pl.ds(pl.multiple_of(w0 + r0, 8), rpt)])

    for p in range(2):
        _phase(p * rng, c * e, (c * 2 + p) * nacc, sums, True)
    _phase(c * rng, 0, c * nacc, cnts, False)


def _sc_scatter(ea, cat_idx, zacc):
    nacc = zacc.shape[0]
    h = ea.shape[1]
    return pl.kernel(
        _sc_scatter_body,
        out_type=(
            jax.ShapeDtypeStruct((4 * nacc, h), f32),
            jax.ShapeDtypeStruct((2 * nacc, h), f32),
        ),
        mesh=_sc_mesh(),
        scratch_types=(
            [pltpu.VMEM((_CHS,), jnp.int32)]
            + [pltpu.VMEM((_CH,), jnp.int32)] * 5
            + [pltpu.VMEM((_CHS, h), f32),
               pltpu.VMEM_SHARED((nacc, h), f32),
               pltpu.SemaphoreType.DMA]
        ),
    )(ea, cat_idx, zacc)



def kernel(x, edge_index, edge_attr,
           e0_W1, e0_b1, e0_W2, e0_b2, n0_W1, n0_b1, n0_W2, n0_b2,
           e1_W1, e1_b1, e1_W2, e1_b2, n1_W1, n1_b1, n1_W2, n1_b2,
           p_W1, p_b1, p_W2, p_b2):
    n, d = x.shape
    h = e0_W2.shape[1]
    src = edge_index[0]
    dst = edge_index[1]

    xa, xb = _tc_node_proj(x, e0_W1[:d], e0_W1[d:2 * d], e0_b1[None, :])
    gs, gd = _sc_gather2(xa, xb, src, dst)
    ea0 = _tc_edge0(gs, gd, edge_attr, e0_W1[2 * d:], e0_W2, e0_b2[None, :])

    npad = ((n + 1023) // 1024) * 1024
    rng = npad // 2
    nacc = rng + 512
    zacc = jnp.zeros((nacc, h), f32)
    cat_idx = jnp.concatenate([dst, src])
    sums4, cnts4 = _sc_scatter(ea0, cat_idx, zacc)
    sd = jnp.concatenate([sums4[:rng], sums4[nacc:nacc + (n - rng)]])
    ss = jnp.concatenate([sums4[2 * nacc:2 * nacc + rng],
                          sums4[3 * nacc:3 * nacc + (n - rng)]])
    cnt = jnp.concatenate([cnts4[:rng], cnts4[nacc:nacc + (n - rng)]])

    a1, b1v = _tc_node(
        x, sd, cnt, ss,
        n0_W1[:d], n0_W1[d:d + h], n0_W1[d + h:], n0_b1[None, :],
        n0_W2, n0_b2[None, :],
        e1_W1[:h], e1_W1[h:2 * h], e1_b1[None, :])

    g1s, g1d = _sc_gather2(a1, b1v, src, dst)

    out = _tc_edge1(
        g1s, g1d, ea0, e1_W1[2 * h:], e1_W2, e1_b2[None, :],
        p_W1, p_b1[None, :], p_W2[:, 0][None, :], p_b2[None, :])
    return out[:, 0]

# --- scband reference (transcript-rebuilt; emitter-appended) ---
"""Pipeline reference for scband-net-60808146976930 (READ-ONLY COPY).

The authoritative reference and input builder live on the scoring server;
editing this copy changes nothing except your own understanding.
"""

import jax, jax.numpy as jnp
import numpy as np


def _relu(v):
    return jnp.maximum(v, 0.0)


def _seg_mean(vals, ids, n):
    s = jax.ops.segment_sum(vals, ids, num_segments=n)
    c = jax.ops.segment_sum(jnp.ones((vals.shape[0],), vals.dtype), ids, num_segments=n)
    return s / jnp.maximum(c, 1.0)[:, None]


def _edge_model(x, src, dst, ea, W1, b1, W2, b2):
    # MetaLayer edge model: MLP over [x_src, x_dst, edge_attr], residual when dims match
    h = jnp.concatenate([x[src], x[dst], ea], axis=-1)
    h = _relu(h @ W1 + b1)
    out = h @ W2 + b2
    if out.shape == ea.shape:
        out = out + ea
    return out


def _node_model(x, src, dst, ea, W1, b1, W2, b2):
    # time-aware node model: past = mean over incoming (dst) edges, future = sum over outgoing (src) edges
    n = x.shape[0]
    agg_past = _seg_mean(ea, dst, n)
    agg_future = jax.ops.segment_sum(ea, src, num_segments=n)
    h = jnp.concatenate([x, agg_past, agg_future], axis=-1)
    h = _relu(h @ W1 + b1)
    out = h @ W2 + b2
    if out.shape == x.shape:
        out = out + x
    return out


def setup_inputs(seed: int = 0):
    key = jax.random.key(seed)
    ks = jax.random.split(key, 16)
    N, E, D, DE, H = 10000, 320000, 128, 16, 128

    def lin(k, fi, fo):
        return (jax.random.normal(k, (fi, fo), dtype=jnp.float32) / np.sqrt(fi)).astype(jnp.float32)

    inp = {}
    inp["x"] = jax.random.normal(ks[0], (N, D), dtype=jnp.float32)
    inp["edge_index"] = jax.random.randint(ks[1], (2, E), 0, N, dtype=jnp.int32)
    inp["edge_attr"] = jax.random.normal(ks[2], (E, DE), dtype=jnp.float32)
    inp["e0_W1"] = lin(ks[3], 2 * D + DE, H); inp["e0_b1"] = jnp.zeros((H,), jnp.float32)
    inp["e0_W2"] = lin(ks[4], H, H); inp["e0_b2"] = jnp.zeros((H,), jnp.float32)
    inp["n0_W1"] = lin(ks[5], D + 2 * H, H); inp["n0_b1"] = jnp.zeros((H,), jnp.float32)
    inp["n0_W2"] = lin(ks[6], H, H); inp["n0_b2"] = jnp.zeros((H,), jnp.float32)
    inp["e1_W1"] = lin(ks[7], 3 * H, H); inp["e1_b1"] = jnp.zeros((H,), jnp.float32)
    inp["e1_W2"] = lin(ks[8], H, H); inp["e1_b2"] = jnp.zeros((H,), jnp.float32)
    inp["n1_W1"] = lin(ks[9], 3 * H, H); inp["n1_b1"] = jnp.zeros((H,), jnp.float32)
    inp["n1_W2"] = lin(ks[10], H, H); inp["n1_b2"] = jnp.zeros((H,), jnp.float32)
    inp["p_W1"] = lin(ks[11], H, H); inp["p_b1"] = jnp.zeros((H,), jnp.float32)
    inp["p_W2"] = lin(ks[12], H, 1); inp["p_b2"] = jnp.zeros((1,), jnp.float32)
    return inp


def reference(x, edge_index, edge_attr, e0_W1, e0_b1, e0_W2, e0_b2, n0_W1, n0_b1, n0_W2, n0_b2, e1_W1, e1_b1, e1_W2, e1_b2, n1_W1, n1_b1, n1_W2, n1_b2, p_W1, p_b1, p_W2, p_b2):
    src, dst = edge_index[0], edge_index[1]
    # conv_in (MetaLayer step 1)
    ea = _edge_model(x, src, dst, edge_attr, e0_W1, e0_b1, e0_W2, e0_b2)
    x = _node_model(x, src, dst, ea, n0_W1, n0_b1, n0_W2, n0_b2)
    # conv[0] (MetaLayer step 2)
    ea = _edge_model(x, src, dst, ea, e1_W1, e1_b1, e1_W2, e1_b2)
    x = _node_model(x, src, dst, ea, n1_W1, n1_b1, n1_W2, n1_b2)
    # EdgePredictorFromEdges (is_edge_model=True); dropout is identity in eval
    h = _relu(ea @ p_W1 + p_b1)
    out = (h @ p_W2 + p_b2).squeeze(-1)
    return out

if __name__ == "__main__":
    import jax
    _d = setup_inputs()
    print(jax.jit(kernel)(*tuple(_d.values())))

</pallas_src>

<mosaic_0001>
#map = affine_map<(d0, d1) -> (0, 0)>
#map1 = affine_map<(d0, d1) -> (0)>
module attributes {stable_mosaic.version = 14 : i64} {
  func.func @_sc_gather_body(%arg0: i32, %arg1: i32, %arg2: memref<10000x128xf32, #tpu.memory_space<hbm>>, %arg3: memref<10000x128xf32, #tpu.memory_space<hbm>>, %arg4: memref<320000xi32, #tpu.memory_space<hbm>>, %arg5: memref<320000xi32, #tpu.memory_space<hbm>>, %arg6: memref<320000x128xf32, #tpu.memory_space<hbm>>, %arg7: memref<320000x128xf32, #tpu.memory_space<hbm>>, %arg8: memref<400xi32, #tpu.memory_space<vmem>>, %arg9: memref<400xi32, #tpu.memory_space<vmem>>, %arg10: memref<400x128xf32, #tpu.memory_space<vmem>>, %arg11: memref<400x128xf32, #tpu.memory_space<vmem>>, %arg12: memref<!tpu.dma_semaphore, #tpu.memory_space<semaphore_mem>>, %arg13: memref<!tpu.dma_semaphore, #tpu.memory_space<semaphore_mem>>) attributes {dimension_semantics = [#tpu.dimension_semantics<core_parallel>, #tpu.dimension_semantics<subcore_parallel>], iteration_bounds = array<i64: 2, 16>, scalar_prefetch = 0 : i64, scratch_operands = 6 : i64, tpu.core_type = #tpu.core_type<sc_vector_subcore>, window_params = [{transform_indices = #map}, {transform_indices = #map}, {transform_indices = #map1}, {transform_indices = #map1}, {transform_indices = #map}, {transform_indices = #map}]} {
    %mul3A = arith.constant 2 : i32
    %mul3A_0 = arith.muli %arg1, %mul3A : i32
    %add3A = arith.addi %mul3A_0, %arg0 : i32
    %scan3A = arith.constant 0 : i32
    %scan3A_1 = arith.constant 0 : i32
    %scan3A_2 = arith.constant 25 : i32
    %scan3A_3 = arith.addi %scan3A_1, %scan3A_2 : i32
    %scan3A_4 = arith.constant 1 : i32
    scf.for %scan3A_6 = %scan3A_1 to %scan3A_3 step %scan3A_4  : i32 {
      %mul3A_7 = arith.constant 10000 : i32
      %mul3A_8 = arith.muli %add3A, %mul3A_7 : i32
      %mul3A_9 = arith.constant 400 : i32
      %mul3A_10 = arith.muli %scan3A_6, %mul3A_9 : i32
      %add3A_11 = arith.addi %mul3A_8, %mul3A_10 : i32
      %multiple_of3A = tpu.assume_multiple %add3A_11, 80 : i32
      %dma_start3A = tpu.memref_slice %arg4[%multiple_of3A] : memref<320000xi32, #tpu.memory_space<hbm>> -> memref<400xi32, #tpu.memory_space<hbm>>
      %dma_start3A_12 = tpu.memref_slice %arg4[%multiple_of3A] : memref<320000xi32, #tpu.memory_space<hbm>> -> memref<400xi32, #tpu.memory_space<hbm>>
      tpu.enqueue_dma source(%dma_start3A_12 : memref<400xi32, #tpu.memory_space<hbm>>) target(%arg8 : memref<400xi32, #tpu.memory_space<vmem>>) target_semaphore(%arg12 : memref<!tpu.dma_semaphore, #tpu.memory_space<semaphore_mem>>)
      %dma_start3A_13 = tpu.memref_slice %arg5[%multiple_of3A] : memref<320000xi32, #tpu.memory_space<hbm>> -> memref<400xi32, #tpu.memory_space<hbm>>
      %dma_start3A_14 = tpu.memref_slice %arg5[%multiple_of3A] : memref<320000xi32, #tpu.memory_space<hbm>> -> memref<400xi32, #tpu.memory_space<hbm>>
      tpu.enqueue_dma source(%dma_start3A_14 : memref<400xi32, #tpu.memory_space<hbm>>) target(%arg9 : memref<400xi32, #tpu.memory_space<vmem>>) target_semaphore(%arg13 : memref<!tpu.dma_semaphore, #tpu.memory_space<semaphore_mem>>)
      %dma_wait3A = tpu.memref_slice %arg4[%multiple_of3A] : memref<320000xi32, #tpu.memory_space<hbm>> -> memref<400xi32, #tpu.memory_space<hbm>>
      %dma_wait3A_15 = tpu.memref_slice %arg4[%multiple_of3A] : memref<320000xi32, #tpu.memory_space<hbm>> -> memref<400xi32, #tpu.memory_space<hbm>>
      tpu.wait_dma2 semaphore(%arg12 : memref<!tpu.dma_semaphore, #tpu.memory_space<semaphore_mem>>) src(%dma_wait3A_15 : memref<400xi32, #tpu.memory_space<hbm>>) dst(%arg8 : memref<400xi32, #tpu.memory_space<vmem>>)
      %dma_wait3A_16 = tpu.memref_slice %arg5[%multiple_of3A] : memref<320000xi32, #tpu.memory_space<hbm>> -> memref<400xi32, #tpu.memory_space<hbm>>
      %dma_wait3A_17 = tpu.memref_slice %arg5[%multiple_of3A] : memref<320000xi32, #tpu.memory_space<hbm>> -> memref<400xi32, #tpu.memory_space<hbm>>
      tpu.wait_dma2 semaphore(%arg13 : memref<!tpu.dma_semaphore, #tpu.memory_space<semaphore_mem>>) src(%dma_wait3A_17 : memref<400xi32, #tpu.memory_space<hbm>>) dst(%arg9 : memref<400xi32, #tpu.memory_space<vmem>>)
      %dma_start3A_18 = arith.constant 0 : i32
      %dma_start3A_19 = arith.constant 0 : i32
      %dma_start3A_20 = tpu.memref_slice %arg10[%dma_start3A_18, %dma_start3A_19] : memref<400x128xf32, #tpu.memory_space<vmem>> -> memref<80x128xf32, #tpu.memory_space<vmem>>
      %dma_start3A_21 = arith.constant 0 : i32
      %dma_start3A_22 = tpu.memref_slice %arg8[%dma_start3A_21] : memref<400xi32, #tpu.memory_space<vmem>> -> memref<80xi32, #tpu.memory_space<vmem>>
      %dma_start3A_23 = arith.constant 0 : i32
      %dma_start3A_24 = arith.constant 0 : i32
      %dma_start3A_25 = tpu.memref_slice %arg2[%dma_start3A_23, %dma_start3A_24] : memref<10000x128xf32, #tpu.memory_space<hbm>> -> memref<10000x128xf32, #tpu.memory_space<hbm>>
      tpu.enqueue_indirect_dma source(%dma_start3A_25 : memref<10000x128xf32, #tpu.memory_space<hbm>>) target(%dma_start3A_20 : memref<80x128xf32, #tpu.memory_space<vmem>>) offsets(%dma_start3A_22 : memref<80xi32, #tpu.memory_space<vmem>>) semaphore(%arg12 : memref<!tpu.dma_semaphore, #tpu.memory_space<semaphore_mem>>)
      %dma_start3A_26 = arith.constant 0 : i32
      %dma_start3A_27 = arith.constant 0 : i32
      %dma_start3A_28 = tpu.memref_slice %arg11[%dma_start3A_26, %dma_start3A_27] : memref<400x128xf32, #tpu.memory_space<vmem>> -> memref<80x128xf32, #tpu.memory_space<vmem>>
      %dma_start3A_29 = arith.constant 0 : i32
      %dma_start3A_30 = tpu.memref_slice %arg9[%dma_start3A_29] : memref<400xi32, #tpu.memory_space<vmem>> -> memref<80xi32, #tpu.memory_space<vmem>>
      %dma_start3A_31 = arith.constant 0 : i32
      %dma_start3A_32 = arith.constant 0 : i32
      %dma_start3A_33 = tpu.memref_slice %arg3[%dma_start3A_31, %dma_start3A_32] : memref<10000x128xf32, #tpu.memory_space<hbm>> -> memref<10000x128xf32, #tpu.memory_space<hbm>>
      tpu.enqueue_indirect_dma source(%dma_start3A_33 : memref<10000x128xf32, #tpu.memory_space<hbm>>) target(%dma_start3A_28 : memref<80x128xf32, #tpu.memory_space<vmem>>) offsets(%dma_start3A_30 : memref<80xi32, #tpu.memory_space<vmem>>) semaphore(%arg13 : memref<!tpu.dma_semaphore, #tpu.memory_space<semaphore_mem>>)
      %dma_start3A_34 = arith.constant 80 : i32
      %dma_start3A_35 = arith.constant 0 : i32
      %dma_start3A_36 = tpu.memref_slice %arg10[%dma_start3A_34, %dma_start3A_35] : memref<400x128xf32, #tpu.memory_space<vmem>> -> memref<80x128xf32, #tpu.memory_space<vmem>>
      %dma_start3A_37 = arith.constant 80 : i32
      %dma_start3A_38 = tpu.memref_slice %arg8[%dma_start3A_37] : memref<400xi32, #tpu.memory_space<vmem>> -> memref<80xi32, #tpu.memory_space<vmem>>
      %dma_start3A_39 = arith.constant 0 : i32
      %dma_start3A_40 = arith.constant 0 : i32
      %dma_start3A_41 = tpu.memref_slice %arg2[%dma_start3A_39, %dma_start3A_40] : memref<10000x128xf32, #tpu.memory_space<hbm>> -> memref<10000x128xf32, #tpu.memory_space<hbm>>
      tpu.enqueue_indirect_dma source(%dma_start3A_41 : memref<10000x128xf32, #tpu.memory_space<hbm>>) target(%dma_start3A_36 : memref<80x128xf32, #tpu.memory_space<vmem>>) offsets(%dma_start3A_38 : memref<80xi32, #tpu.memory_space<vmem>>) semaphore(%arg12 : memref<!tpu.dma_semaphore, #tpu.memory_space<semaphore_mem>>)
      %dma_start3A_42 = arith.constant 80 : i32
      %dma_start3A_43 = arith.constant 0 : i32
      %dma_start3A_44 = tpu.memref_slice %arg11[%dma_start3A_42, %dma_start3A_43] : memref<400x128xf32, #tpu.memory_space<vmem>> -> memref<80x128xf32, #tpu.memory_space<vmem>>
      %dma_start3A_45 = arith.constant 80 : i32
      %dma_start3A_46 = tpu.memref_slice %arg9[%dma_start3A_45] : memref<400xi32, #tpu.memory_space<vmem>> -> memref<80xi32, #tpu.memory_space<vmem>>
      %dma_start3A_47 = arith.constant 0 : i32
      %dma_start3A_48 = arith.constant 0 : i32
      %dma_start3A_49 = tpu.memref_slice %arg3[%dma_start3A_47, %dma_start3A_48] : memref<10000x128xf32, #tpu.memory_space<hbm>> -> memref<10000x128xf32, #tpu.memory_space<hbm>>
      tpu.enqueue_indirect_dma source(%dma_start3A_49 : memref<10000x128xf32, #tpu.memory_space<hbm>>) target(%dma_start3A_44 : memref<80x128xf32, #tpu.memory_space<vmem>>) offsets(%dma_start3A_46 : memref<80xi32, #tpu.memory_space<vmem>>) semaphore(%arg13 : memref<!tpu.dma_semaphore, #tpu.memory_space<semaphore_mem>>)
      %dma_start3A_50 = arith.constant 160 : i32
      %dma_start3A_51 = arith.constant 0 : i32
      %dma_start3A_52 = tpu.memref_slice %arg10[%dma_start3A_50, %dma_start3A_51] : memref<400x128xf32, #tpu.memory_space<vmem>> -> memref<80x128xf32, #tpu.memory_space<vmem>>
      %dma_start3A_53 = arith.constant 160 : i32
      %dma_start3A_54 = tpu.memref_slice %arg8[%dma_start3A_53] : memref<400xi32, #tpu.memory_space<vmem>> -> memref<80xi32, #tpu.memory_space<vmem>>
      %dma_start3A_55 = arith.constant 0 : i32
      %dma_start3A_56 = arith.constant 0 : i32
      %dma_start3A_57 = tpu.memref_slice %arg2[%dma_start3A_55, %dma_start3A_56] : memref<10000x128xf32, #tpu.memory_space<hbm>> -> memref<10000x128xf32, #tpu.memory_space<hbm>>
      tpu.enqueue_indirect_dma source(%dma_start3A_57 : memref<10000x128xf32, #tpu.memory_space<hbm>>) target(%dma_start3A_52 : memref<80x128xf32, #tpu.memory_space<vmem>>) offsets(%dma_start3A_54 : memref<80xi32, #tpu.memory_space<vmem>>) semaphore(%arg12 : memref<!tpu.dma_semaphore, #tpu.memory_space<semaphore_mem>>)
      %dma_start3A_58 = arith.constant 160 : i32
      %dma_start3A_59 = arith.constant 0 : i32
      %dma_start3A_60 = tpu.memref_slice %arg11[%dma_start3A_58, %dma_start3A_59] : memref<400x128xf32, #tpu.memory_space<vmem>> -> memref<80x128xf32, #tpu.memory_space<vmem>>
      %dma_start3A_61 = arith.constant 160 : i32
      %dma_start3A_62 = tpu.memref_slice %arg9[%dma_start3A_61] : memref<400xi32, #tpu.memory_space<vmem>> -> memref<80xi32, #tpu.memory_space<vmem>>
      %dma_start3A_63 = arith.constant 0 : i32
      %dma_start3A_64 = arith.constant 0 : i32
      %dma_start3A_65 = tpu.memref_slice %arg3[%dma_start3A_63, %dma_start3A_64] : memref<10000x128xf32, #tpu.memory_space<hbm>> -> memref<10000x128xf32, #tpu.memory_space<hbm>>
      tpu.enqueue_indirect_dma source(%dma_start3A_65 : memref<10000x128xf32, #tpu.memory_space<hbm>>) target(%dma_start3A_60 : memref<80x128xf32, #tpu.memory_space<vmem>>) offsets(%dma_start3A_62 : memref<80xi32, #tpu.memory_space<vmem>>) semaphore(%arg13 : memref<!tpu.dma_semaphore, #tpu.memory_space<semaphore_mem>>)
      %dma_start3A_66 = arith.constant 240 : i32
      %dma_start3A_67 = arith.constant 0 : i32
      %dma_start3A_68 = tpu.memref_slice %arg10[%dma_start3A_66, %dma_start3A_67] : memref<400x128xf32, #tpu.memory_space<vmem>> -> memref<80x128xf32, #tpu.memory_space<vmem>>
      %dma_start3A_69 = arith.constant 240 : i32
      %dma_start3A_70 = tpu.memref_slice %arg8[%dma_start3A_69] : memref<400xi32, #tpu.memory_space<vmem>> -> memref<80xi32, #tpu.memory_space<vmem>>
      %dma_start3A_71 = arith.constant 0 : i32
      %dma_start3A_72 = arith.constant 0 : i32
      %dma_start3A_73 = tpu.memref_slice %arg2[%dma_start3A_71, %dma_start3A_72] : memref<10000x128xf32, #tpu.memory_space<hbm>> -> memref<10000x128xf32, #tpu.memory_space<hbm>>
      tpu.enqueue_indirect_dma source(%dma_start3A_73 : memref<10000x128xf32, #tpu.memory_space<hbm>>) target(%dma_start3A_68 : memref<80x128xf32, #tpu.memory_space<vmem>>) offsets(%dma_start3A_70 : memref<80xi32, #tpu.memory_space<vmem>>) semaphore(%arg12 : memref<!tpu.dma_semaphore, #tpu.memory_space<semaphore_mem>>)
      %dma_start3A_74 = arith.constant 240 : i32
      %dma_start3A_75 = arith.constant 0 : i32
      %dma_start3A_76 = tpu.memref_slice %arg11[%dma_start3A_74, %dma_start3A_75] : memref<400x128xf32, #tpu.memory_space<vmem>> -> memref<80x128xf32, #tpu.memory_space<vmem>>
      %dma_start3A_77 = arith.constant 240 : i32
      %dma_start3A_78 = tpu.memref_slice %arg9[%dma_start3A_77] : memref<400xi32, #tpu.memory_space<vmem>> -> memref<80xi32, #tpu.memory_space<vmem>>
      %dma_start3A_79 = arith.constant 0 : i32
      %dma_start3A_80 = arith.constant 0 : i32
      %dma_start3A_81 = tpu.memref_slice %arg3[%dma_start3A_79, %dma_start3A_80] : memref<10000x128xf32, #tpu.memory_space<hbm>> -> memref<10000x128xf32, #tpu.memory_space<hbm>>
      tpu.enqueue_indirect_dma source(%dma_start3A_81 : memref<10000x128xf32, #tpu.memory_space<hbm>>) target(%dma_start3A_76 : memref<80x128xf32, #tpu.memory_space<vmem>>) offsets(%dma_start3A_78 : memref<80xi32, #tpu.memory_space<vmem>>) semaphore(%arg13 : memref<!tpu.dma_semaphore, #tpu.memory_space<semaphore_mem>>)
      %dma_start3A_82 = arith.constant 320 : i32
      %dma_start3A_83 = arith.constant 0 : i32
      %dma_start3A_84 = tpu.memref_slice %arg10[%dma_start3A_82, %dma_start3A_83] : memref<400x128xf32, #tpu.memory_space<vmem>> -> memref<80x128xf32, #tpu.memory_space<vmem>>
      %dma_start3A_85 = arith.constant 320 : i32
      %dma_start3A_86 = tpu.memref_slice %arg8[%dma_start3A_85] : memref<400xi32, #tpu.memory_space<vmem>> -> memref<80xi32, #tpu.memory_space<vmem>>
      %dma_start3A_87 = arith.constant 0 : i32
      %dma_start3A_88 = arith.constant 0 : i32
      %dma_start3A_89 = tpu.memref_slice %arg2[%dma_start3A_87, %dma_start3A_88] : memref<10000x128xf32, #tpu.memory_space<hbm>> -> memref<10000x128xf32, #tpu.memory_space<hbm>>
      tpu.enqueue_indirect_dma source(%dma_start3A_89 : memref<10000x128xf32, #tpu.memory_space<hbm>>) target(%dma_start3A_84 : memref<80x128xf32, #tpu.memory_space<vmem>>) offsets(%dma_start3A_86 : memref<80xi32, #tpu.memory_space<vmem>>) semaphore(%arg12 : memref<!tpu.dma_semaphore, #tpu.memory_space<semaphore_mem>>)
      %dma_start3A_90 = arith.constant 320 : i32
      %dma_start3A_91 = arith.constant 0 : i32
      %dma_start3A_92 = tpu.memref_slice %arg11[%dma_start3A_90, %dma_start3A_91] : memref<400x128xf32, #tpu.memory_space<vmem>> -> memref<80x128xf32, #tpu.memory_space<vmem>>
      %dma_start3A_93 = arith.constant 320 : i32
      %dma_start3A_94 = tpu.memref_slice %arg9[%dma_start3A_93] : memref<400xi32, #tpu.memory_space<vmem>> -> memref<80xi32, #tpu.memory_space<vmem>>
      %dma_start3A_95 = arith.constant 0 : i32
      %dma_start3A_96 = arith.constant 0 : i32
      %dma_start3A_97 = tpu.memref_slice %arg3[%dma_start3A_95, %dma_start3A_96] : memref<10000x128xf32, #tpu.memory_space<hbm>> -> memref<10000x128xf32, #tpu.memory_space<hbm>>
      tpu.enqueue_indirect_dma source(%dma_start3A_97 : memref<10000x128xf32, #tpu.memory_space<hbm>>) target(%dma_start3A_92 : memref<80x128xf32, #tpu.memory_space<vmem>>) offsets(%dma_start3A_94 : memref<80xi32, #tpu.memory_space<vmem>>) semaphore(%arg13 : memref<!tpu.dma_semaphore, #tpu.memory_space<semaphore_mem>>)
      %dma_wait3A_98 = arith.constant 0 : i32
      %dma_wait3A_99 = arith.constant 0 : i32
      %dma_wait3A_100 = tpu.memref_slice %arg10[%dma_wait3A_98, %dma_wait3A_99] : memref<400x128xf32, #tpu.memory_space<vmem>> -> memref<80x128xf32, #tpu.memory_space<vmem>>
      %dma_wait3A_101 = arith.constant 0 : i32
      %dma_wait3A_102 = tpu.memref_slice %arg8[%dma_wait3A_101] : memref<400xi32, #tpu.memory_space<vmem>> -> memref<80xi32, #tpu.memory_space<vmem>>
      %dma_wait3A_103 = arith.constant 0 : i32
      %dma_wait3A_104 = arith.constant 0 : i32
      %dma_wait3A_105 = tpu.memref_slice %arg2[%dma_wait3A_103, %dma_wait3A_104] : memref<10000x128xf32, #tpu.memory_space<hbm>> -> memref<10000x128xf32, #tpu.memory_space<hbm>>
      tpu.wait_indirect_dma semaphore(%arg12 : memref<!tpu.dma_semaphore, #tpu.memory_space<semaphore_mem>>) src(%dma_wait3A_105 : memref<10000x128xf32, #tpu.memory_space<hbm>>) dst(%dma_wait3A_100 : memref<80x128xf32, #tpu.memory_space<vmem>>)
      %dma_wait3A_106 = arith.constant 80 : i32
      %dma_wait3A_107 = arith.constant 0 : i32
      %dma_wait3A_108 = tpu.memref_slice %arg10[%dma_wait3A_106, %dma_wait3A_107] : memref<400x128xf32, #tpu.memory_space<vmem>> -> memref<80x128xf32, #tpu.memory_space<vmem>>
      %dma_wait3A_109 = arith.constant 80 : i32
      %dma_wait3A_110 = tpu.memref_slice %arg8[%dma_wait3A_109] : memref<400xi32, #tpu.memory_space<vmem>> -> memref<80xi32, #tpu.memory_space<vmem>>
      %dma_wait3A_111 = arith.constant 0 : i32
      %dma_wait3A_112 = arith.constant 0 : i32
      %dma_wait3A_113 = tpu.memref_slice %arg2[%dma_wait3A_111, %dma_wait3A_112] : memref<10000x128xf32, #tpu.memory_space<hbm>> -> memref<10000x128xf32, #tpu.memory_space<hbm>>
      tpu.wait_indirect_dma semaphore(%arg12 : memref<!tpu.dma_semaphore, #tpu.memory_space<semaphore_mem>>) src(%dma_wait3A_113 : memref<10000x128xf32, #tpu.memory_space<hbm>>) dst(%dma_wait3A_108 : memref<80x128xf32, #tpu.memory_space<vmem>>)
      %dma_wait3A_114 = arith.constant 160 : i32
      %dma_wait3A_115 = arith.constant 0 : i32
      %dma_wait3A_116 = tpu.memref_slice %arg10[%dma_wait3A_114, %dma_wait3A_115] : memref<400x128xf32, #tpu.memory_space<vmem>> -> memref<80x128xf32, #tpu.memory_space<vmem>>
      %dma_wait3A_117 = arith.constant 160 : i32
      %dma_wait3A_118 = tpu.memref_slice %arg8[%dma_wait3A_117] : memref<400xi32, #tpu.memory_space<vmem>> -> memref<80xi32, #tpu.memory_space<vmem>>
      %dma_wait3A_119 = arith.constant 0 : i32
      %dma_wait3A_120 = arith.constant 0 : i32
      %dma_wait3A_121 = tpu.memref_slice %arg2[%dma_wait3A_119, %dma_wait3A_120] : memref<10000x128xf32, #tpu.memory_space<hbm>> -> memref<10000x128xf32, #tpu.memory_space<hbm>>
      tpu.wait_indirect_dma semaphore(%arg12 : memref<!tpu.dma_semaphore, #tpu.memory_space<semaphore_mem>>) src(%dma_wait3A_121 : memref<10000x128xf32, #tpu.memory_space<hbm>>) dst(%dma_wait3A_116 : memref<80x128xf32, #tpu.memory_space<vmem>>)
      %dma_wait3A_122 = arith.constant 240 : i32
      %dma_wait3A_123 = arith.constant 0 : i32
      %dma_wait3A_124 = tpu.memref_slice %arg10[%dma_wait3A_122, %dma_wait3A_123] : memref<400x128xf32, #tpu.memory_space<vmem>> -> memref<80x128xf32, #tpu.memory_space<vmem>>
      %dma_wait3A_125 = arith.constant 240 : i32
      %dma_wait3A_126 = tpu.memref_slice %arg8[%dma_wait3A_125] : memref<400xi32, #tpu.memory_space<vmem>> -> memref<80xi32, #tpu.memory_space<vmem>>
      %dma_wait3A_127 = arith.constant 0 : i32
      %dma_wait3A_128 = arith.constant 0 : i32
      %dma_wait3A_129 = tpu.memref_slice %arg2[%dma_wait3A_127, %dma_wait3A_128] : memref<10000x128xf32, #tpu.memory_space<hbm>> -> memref<10000x128xf32, #tpu.memory_space<hbm>>
      tpu.wait_indirect_dma semaphore(%arg12 : memref<!tpu.dma_semaphore, #tpu.memory_space<semaphore_mem>>) src(%dma_wait3A_129 : memref<10000x128xf32, #tpu.memory_space<hbm>>) dst(%dma_wait3A_124 : memref<80x128xf32, #tpu.memory_space<vmem>>)
      %dma_wait3A_130 = arith.constant 320 : i32
      %dma_wait3A_131 = arith.constant 0 : i32
      %dma_wait3A_132 = tpu.memref_slice %arg10[%dma_wait3A_130, %dma_wait3A_131] : memref<400x128xf32, #tpu.memory_space<vmem>> -> memref<80x128xf32, #tpu.memory_space<vmem>>
      %dma_wait3A_133 = arith.constant 320 : i32
      %dma_wait3A_134 = tpu.memref_slice %arg8[%dma_wait3A_133] : memref<400xi32, #tpu.memory_space<vmem>> -> memref<80xi32, #tpu.memory_space<vmem>>
      %dma_wait3A_135 = arith.constant 0 : i32
      %dma_wait3A_136 = arith.constant 0 : i32
      %dma_wait3A_137 = tpu.memref_slice %arg2[%dma_wait3A_135, %dma_wait3A_136] : memref<10000x128xf32, #tpu.memory_space<hbm>> -> memref<10000x128xf32, #tpu.memory_space<hbm>>
      tpu.wait_indirect_dma semaphore(%arg12 : memref<!tpu.dma_semaphore, #tpu.memory_space<semaphore_mem>>) src(%dma_wait3A_137 : memref<10000x128xf32, #tpu.memory_space<hbm>>) dst(%dma_wait3A_132 : memref<80x128xf32, #tpu.memory_space<vmem>>)
      %dma_wait3A_138 = arith.constant 0 : i32
      %dma_wait3A_139 = arith.constant 0 : i32
      %dma_wait3A_140 = tpu.memref_slice %arg11[%dma_wait3A_138, %dma_wait3A_139] : memref<400x128xf32, #tpu.memory_space<vmem>> -> memref<80x128xf32, #tpu.memory_space<vmem>>
      %dma_wait3A_141 = arith.constant 0 : i32
      %dma_wait3A_142 = tpu.memref_slice %arg9[%dma_wait3A_141] : memref<400xi32, #tpu.memory_space<vmem>> -> memref<80xi32, #tpu.memory_space<vmem>>
      %dma_wait3A_143 = arith.constant 0 : i32
      %dma_wait3A_144 = arith.constant 0 : i32
      %dma_wait3A_145 = tpu.memref_slice %arg3[%dma_wait3A_143, %dma_wait3A_144] : memref<10000x128xf32, #tpu.memory_space<hbm>> -> memref<10000x128xf32, #tpu.memory_space<hbm>>
      tpu.wait_indirect_dma semaphore(%arg13 : memref<!tpu.dma_semaphore, #tpu.memory_space<semaphore_mem>>) src(%dma_wait3A_145 : memref<10000x128xf32, #tpu.memory_space<hbm>>) dst(%dma_wait3A_140 : memref<80x128xf32, #tpu.memory_space<vmem>>)
      %dma_wait3A_146 = arith.constant 80 : i32
      %dma_wait3A_147 = arith.constant 0 : i32
      %dma_wait3A_148 = tpu.memref_slice %arg11[%dma_wait3A_146, %dma_wait3A_147] : memref<400x128xf32, #tpu.memory_space<vmem>> -> memref<80x128xf32, #tpu.memory_space<vmem>>
      %dma_wait3A_149 = arith.constant 80 : i32
      %dma_wait3A_150 = tpu.memref_slice %arg9[%dma_wait3A_149] : memref<400xi32, #tpu.memory_space<vmem>> -> memref<80xi32, #tpu.memory_space<vmem>>
      %dma_wait3A_151 = arith.constant 0 : i32
      %dma_wait3A_152 = arith.constant 0 : i32
      %dma_wait3A_153 = tpu.memref_slice %arg3[%dma_wait3A_151, %dma_wait3A_152] : memref<10000x128xf32, #tpu.memory_space<hbm>> -> memref<10000x128xf32, #tpu.memory_space<hbm>>
      tpu.wait_indirect_dma semaphore(%arg13 : memref<!tpu.dma_semaphore, #tpu.memory_space<semaphore_mem>>) src(%dma_wait3A_153 : memref<10000x128xf32, #tpu.memory_space<hbm>>) dst(%dma_wait3A_148 : memref<80x128xf32, #tpu.memory_space<vmem>>)
      %dma_wait3A_154 = arith.constant 160 : i32
      %dma_wait3A_155 = arith.constant 0 : i32
      %dma_wait3A_156 = tpu.memref_slice %arg11[%dma_wait3A_154, %dma_wait3A_155] : memref<400x128xf32, #tpu.memory_space<vmem>> -> memref<80x128xf32, #tpu.memory_space<vmem>>
      %dma_wait3A_157 = arith.constant 160 : i32
      %dma_wait3A_158 = tpu.memref_slice %arg9[%dma_wait3A_157] : memref<400xi32, #tpu.memory_space<vmem>> -> memref<80xi32, #tpu.memory_space<vmem>>
      %dma_wait3A_159 = arith.constant 0 : i32
      %dma_wait3A_160 = arith.constant 0 : i32
      %dma_wait3A_161 = tpu.memref_slice %arg3[%dma_wait3A_159, %dma_wait3A_160] : memref<10000x128xf32, #tpu.memory_space<hbm>> -> memref<10000x128xf32, #tpu.memory_space<hbm>>
      tpu.wait_indirect_dma semaphore(%arg13 : memref<!tpu.dma_semaphore, #tpu.memory_space<semaphore_mem>>) src(%dma_wait3A_161 : memref<10000x128xf32, #tpu.memory_space<hbm>>) dst(%dma_wait3A_156 : memref<80x128xf32, #tpu.memory_space<vmem>>)
      %dma_wait3A_162 = arith.constant 240 : i32
      %dma_wait3A_163 = arith.constant 0 : i32
      %dma_wait3A_164 = tpu.memref_slice %arg11[%dma_wait3A_162, %dma_wait3A_163] : memref<400x128xf32, #tpu.memory_space<vmem>> -> memref<80x128xf32, #tpu.memory_space<vmem>>
      %dma_wait3A_165 = arith.constant 240 : i32
      %dma_wait3A_166 = tpu.memref_slice %arg9[%dma_wait3A_165] : memref<400xi32, #tpu.memory_space<vmem>> -> memref<80xi32, #tpu.memory_space<vmem>>
      %dma_wait3A_167 = arith.constant 0 : i32
      %dma_wait3A_168 = arith.constant 0 : i32
      %dma_wait3A_169 = tpu.memref_slice %arg3[%dma_wait3A_167, %dma_wait3A_168] : memref<10000x128xf32, #tpu.memory_space<hbm>> -> memref<10000x128xf32, #tpu.memory_space<hbm>>
      tpu.wait_indirect_dma semaphore(%arg13 : memref<!tpu.dma_semaphore, #tpu.memory_space<semaphore_mem>>) src(%dma_wait3A_169 : memref<10000x128xf32, #tpu.memory_space<hbm>>) dst(%dma_wait3A_164 : memref<80x128xf32, #tpu.memory_space<vmem>>)
      %dma_wait3A_170 = arith.constant 320 : i32
      %dma_wait3A_171 = arith.constant 0 : i32
      %dma_wait3A_172 = tpu.memref_slice %arg11[%dma_wait3A_170, %dma_wait3A_171] : memref<400x128xf32, #tpu.memory_space<vmem>> -> memref<80x128xf32, #tpu.memory_space<vmem>>
      %dma_wait3A_173 = arith.constant 320 : i32
      %dma_wait3A_174 = tpu.memref_slice %arg9[%dma_wait3A_173] : memref<400xi32, #tpu.memory_space<vmem>> -> memref<80xi32, #tpu.memory_space<vmem>>
      %dma_wait3A_175 = arith.constant 0 : i32
      %dma_wait3A_176 = arith.constant 0 : i32
      %dma_wait3A_177 = tpu.memref_slice %arg3[%dma_wait3A_175, %dma_wait3A_176] : memref<10000x128xf32, #tpu.memory_space<hbm>> -> memref<10000x128xf32, #tpu.memory_space<hbm>>
      tpu.wait_indirect_dma semaphore(%arg13 : memref<!tpu.dma_semaphore, #tpu.memory_space<semaphore_mem>>) src(%dma_wait3A_177 : memref<10000x128xf32, #tpu.memory_space<hbm>>) dst(%dma_wait3A_172 : memref<80x128xf32, #tpu.memory_space<vmem>>)
      "tpu.region"() ({
        %run_scoped3A = tpu.sem_alloc : memref<!tpu.dma_semaphore, #tpu.memory_space<semaphore_mem>>
        %dma_start3A_178 = arith.constant 0 : i32
        %dma_start3A_179 = tpu.memref_slice %arg6[%multiple_of3A, %dma_start3A_178] : memref<320000x128xf32, #tpu.memory_space<hbm>> -> memref<400x128xf32, #tpu.memory_space<hbm>>
        %dma_start3A_180 = arith.constant 0 : i32
        %dma_start3A_181 = tpu.memref_slice %arg6[%multiple_of3A, %dma_start3A_180] : memref<320000x128xf32, #tpu.memory_space<hbm>> -> memref<400x128xf32, #tpu.memory_space<hbm>>
        tpu.enqueue_dma source(%arg10 : memref<400x128xf32, #tpu.memory_space<vmem>>) target(%dma_start3A_181 : memref<400x128xf32, #tpu.memory_space<hbm>>) target_semaphore(%run_scoped3A : memref<!tpu.dma_semaphore, #tpu.memory_space<semaphore_mem>>)
        %dma_wait3A_182 = arith.constant 0 : i32
        %dma_wait3A_183 = tpu.memref_slice %arg6[%multiple_of3A, %dma_wait3A_182] : memref<320000x128xf32, #tpu.memory_space<hbm>> -> memref<400x128xf32, #tpu.memory_space<hbm>>
        %dma_wait3A_184 = arith.constant 0 : i32
        %dma_wait3A_185 = tpu.memref_slice %arg6[%multiple_of3A, %dma_wait3A_184] : memref<320000x128xf32, #tpu.memory_space<hbm>> -> memref<400x128xf32, #tpu.memory_space<hbm>>
        tpu.wait_dma2 semaphore(%run_scoped3A : memref<!tpu.dma_semaphore, #tpu.memory_space<semaphore_mem>>) src(%arg10 : memref<400x128xf32, #tpu.memory_space<vmem>>) dst(%dma_wait3A_185 : memref<400x128xf32, #tpu.memory_space<hbm>>)
        tpu.yield
      }) : () -> ()
      "tpu.region"() ({
        %run_scoped3A = tpu.sem_alloc : memref<!tpu.dma_semaphore, #tpu.memory_space<semaphore_mem>>
        %dma_start3A_178 = arith.constant 0 : i32
        %dma_start3A_179 = tpu.memref_slice %arg7[%multiple_of3A, %dma_start3A_178] : memref<320000x128xf32, #tpu.memory_space<hbm>> -> memref<400x128xf32, #tpu.memory_space<hbm>>
        %dma_start3A_180 = arith.constant 0 : i32
        %dma_start3A_181 = tpu.memref_slice %arg7[%multiple_of3A, %dma_start3A_180] : memref<320000x128xf32, #tpu.memory_space<hbm>> -> memref<400x128xf32, #tpu.memory_space<hbm>>
        tpu.enqueue_dma source(%arg11 : memref<400x128xf32, #tpu.memory_space<vmem>>) target(%dma_start3A_181 : memref<400x128xf32, #tpu.memory_space<hbm>>) target_semaphore(%run_scoped3A : memref<!tpu.dma_semaphore, #tpu.memory_space<semaphore_mem>>)
        %dma_wait3A_182 = arith.constant 0 : i32
        %dma_wait3A_183 = tpu.memref_slice %arg7[%multiple_of3A, %dma_wait3A_182] : memref<320000x128xf32, #tpu.memory_space<hbm>> -> memref<400x128xf32, #tpu.memory_space<hbm>>
        %dma_wait3A_184 = arith.constant 0 : i32
        %dma_wait3A_185 = tpu.memref_slice %arg7[%multiple_of3A, %dma_wait3A_184] : memref<320000x128xf32, #tpu.memory_space<hbm>> -> memref<400x128xf32, #tpu.memory_space<hbm>>
        tpu.wait_dma2 semaphore(%run_scoped3A : memref<!tpu.dma_semaphore, #tpu.memory_space<semaphore_mem>>) src(%arg11 : memref<400x128xf32, #tpu.memory_space<vmem>>) dst(%dma_wait3A_185 : memref<400x128xf32, #tpu.memory_space<hbm>>)
        tpu.yield
      }) : () -> ()
    }
    %scan3A_5 = arith.constant 25 : i32
    return
  }
}

#map = affine_map<(d0, d1) -> (0, 0)>
#map1 = affine_map<(d0, d1) -> (0)>
module attributes {stable_mosaic.version = 14 : i64} {
  func.func @_sc_scatter_body(%arg0: i32, %arg1: i32, %arg2: memref<320000x128xf32, #tpu.memory_space<hbm>>, %arg3: memref<640000xi32, #tpu.memory_space<hbm>>, %arg4: memref<5632x128xf32, #tpu.memory_space<hbm>>, %arg5: memref<22528x128xf32, #tpu.memory_space<hbm>>, %arg6: memref<11264x128xf32, #tpu.memory_space<hbm>>, %arg7: memref<400xi32, #tpu.memory_space<vmem>>, %arg8: memref<80xi32, #tpu.memory_space<vmem>>, %arg9: memref<80xi32, #tpu.memory_space<vmem>>, %arg10: memref<80xi32, #tpu.memory_space<vmem>>, %arg11: memref<80xi32, #tpu.memory_space<vmem>>, %arg12: memref<80xi32, #tpu.memory_space<vmem>>, %arg13: memref<400x128xf32, #tpu.memory_space<vmem>>, %arg14: memref<5632x128xf32, #tpu.memory_space<vmem_shared>>, %arg15: memref<!tpu.dma_semaphore, #tpu.memory_space<semaphore_mem>>) attributes {dimension_semantics = [#tpu.dimension_semantics<core_parallel>, #tpu.dimension_semantics<subcore_parallel>], iteration_bounds = array<i64: 2, 16>, scalar_prefetch = 0 : i64, scratch_operands = 9 : i64, tpu.core_type = #tpu.core_type<sc_vector_subcore>, window_params = [{transform_indices = #map}, {transform_indices = #map1}, {transform_indices = #map}, {transform_indices = #map}, {transform_indices = #map}]} {
    %mul3A = arith.constant 352 : i32
    %mul3A_0 = arith.muli %arg1, %mul3A : i32
    %multiple_of3A = tpu.assume_multiple %mul3A_0, 8 : i32
    %broadcast_in_dim3A = arith.constant 1.000000e+00 : f32
    %broadcast_in_dim3A_1 = vector.broadcast %broadcast_in_dim3A : f32 to vector<16xf32>
    %mul3A_2 = arith.constant 320000 : i32
    %mul3A_3 = arith.muli %arg0, %mul3A_2 : i32
    %mul3A_4 = arith.constant 2 : i32
    %mul3A_5 = arith.muli %arg0, %mul3A_4 : i32
    %add3A = arith.constant 0 : i32
    %add3A_6 = arith.addi %mul3A_5, %add3A : i32
    %mul3A_7 = arith.constant 5632 : i32
    %mul3A_8 = arith.muli %add3A_6, %mul3A_7 : i32
    "tpu.region"() ({
      %run_scoped3A = tpu.sem_alloc : memref<!tpu.dma_semaphore, #tpu.memory_space<semaphore_mem>>
      %dma_start3A = arith.constant 0 : i32
      %dma_start3A_55 = tpu.memref_slice %arg14[%multiple_of3A, %dma_start3A] : memref<5632x128xf32, #tpu.memory_space<vmem_shared>> -> memref<352x128xf32, #tpu.memory_space<vmem_shared>>
      %dma_start3A_56 = arith.constant 0 : i32
      %dma_start3A_57 = tpu.memref_slice %arg4[%multiple_of3A, %dma_start3A_56] : memref<5632x128xf32, #tpu.memory_space<hbm>> -> memref<352x128xf32, #tpu.memory_space<hbm>>
      tpu.enqueue_dma source(%dma_start3A_57 : memref<352x128xf32, #tpu.memory_space<hbm>>) target(%dma_start3A_55 : memref<352x128xf32, #tpu.memory_space<vmem_shared>>) target_semaphore(%run_scoped3A : memref<!tpu.dma_semaphore, #tpu.memory_space<semaphore_mem>>)
      %dma_wait3A = arith.constant 0 : i32
      %dma_wait3A_58 = tpu.memref_slice %arg14[%multiple_of3A, %dma_wait3A] : memref<5632x128xf32, #tpu.memory_space<vmem_shared>> -> memref<352x128xf32, #tpu.memory_space<vmem_shared>>
      %dma_wait3A_59 = arith.constant 0 : i32
      %dma_wait3A_60 = tpu.memref_slice %arg4[%multiple_of3A, %dma_wait3A_59] : memref<5632x128xf32, #tpu.memory_space<hbm>> -> memref<352x128xf32, #tpu.memory_space<hbm>>
      tpu.wait_dma2 semaphore(%run_scoped3A : memref<!tpu.dma_semaphore, #tpu.memory_space<semaphore_mem>>) src(%dma_wait3A_60 : memref<352x128xf32, #tpu.memory_space<hbm>>) dst(%dma_wait3A_58 : memref<352x128xf32, #tpu.memory_space<vmem_shared>>)
      tpu.yield
    }) : () -> ()
    %barrier3A = arith.constant 0 : index
    tpu.barrier barrier_id(%barrier3A)
    %scan3A = arith.constant 0 : i32
    %scan3A_9 = arith.constant 0 : i32
    %scan3A_10 = arith.constant 50 : i32
    %scan3A_11 = arith.addi %scan3A_9, %scan3A_10 : i32
    %scan3A_12 = arith.constant 1 : i32
    scf.for %scan3A_55 = %scan3A_9 to %scan3A_11 step %scan3A_12  : i32 {
      %mul3A_56 = arith.constant 20000 : i32
      %mul3A_57 = arith.muli %arg1, %mul3A_56 : i32
      %add3A_58 = arith.addi %mul3A_3, %mul3A_57 : i32
      %mul3A_59 = arith.constant 400 : i32
      %mul3A_60 = arith.muli %scan3A_55, %mul3A_59 : i32
      %add3A_61 = arith.addi %add3A_58, %mul3A_60 : i32
      %multiple_of3A_62 = tpu.assume_multiple %add3A_61, 80 : i32
      "tpu.region"() ({
        %run_scoped3A = tpu.sem_alloc : memref<!tpu.dma_semaphore, #tpu.memory_space<semaphore_mem>>
        %dma_start3A_619 = tpu.memref_slice %arg3[%multiple_of3A_62] : memref<640000xi32, #tpu.memory_space<hbm>> -> memref<400xi32, #tpu.memory_space<hbm>>
        %dma_start3A_620 = tpu.memref_slice %arg3[%multiple_of3A_62] : memref<640000xi32, #tpu.memory_space<hbm>> -> memref<400xi32, #tpu.memory_space<hbm>>
        tpu.enqueue_dma source(%dma_start3A_620 : memref<400xi32, #tpu.memory_space<hbm>>) target(%arg7 : memref<400xi32, #tpu.memory_space<vmem>>) target_semaphore(%run_scoped3A : memref<!tpu.dma_semaphore, #tpu.memory_space<semaphore_mem>>)
        %dma_wait3A_621 = tpu.memref_slice %arg3[%multiple_of3A_62] : memref<640000xi32, #tpu.memory_space<hbm>> -> memref<400xi32, #tpu.memory_space<hbm>>
        %dma_wait3A_622 = tpu.memref_slice %arg3[%multiple_of3A_62] : memref<640000xi32, #tpu.memory_space<hbm>> -> memref<400xi32, #tpu.memory_space<hbm>>
        tpu.wait_dma2 semaphore(%run_scoped3A : memref<!tpu.dma_semaphore, #tpu.memory_space<semaphore_mem>>) src(%dma_wait3A_622 : memref<400xi32, #tpu.memory_space<hbm>>) dst(%arg7 : memref<400xi32, #tpu.memory_space<vmem>>)
        tpu.yield
      }) : () -> ()
      %mul3A_63 = arith.constant 20000 : i32
      %mul3A_64 = arith.muli %arg1, %mul3A_63 : i32
      %mul3A_65 = arith.constant 400 : i32
      %mul3A_66 = arith.muli %scan3A_55, %mul3A_65 : i32
      %add3A_67 = arith.addi %mul3A_64, %mul3A_66 : i32
      %multiple_of3A_68 = tpu.assume_multiple %add3A_67, 80 : i32
      "tpu.region"() ({
        %run_scoped3A = tpu.sem_alloc : memref<!tpu.dma_semaphore, #tpu.memory_space<semaphore_mem>>
        %dma_start3A_619 = arith.constant 0 : i32
        %dma_start3A_620 = tpu.memref_slice %arg2[%multiple_of3A_68, %dma_start3A_619] : memref<320000x128xf32, #tpu.memory_space<hbm>> -> memref<400x128xf32, #tpu.memory_space<hbm>>
        %dma_start3A_621 = arith.constant 0 : i32
        %dma_start3A_622 = tpu.memref_slice %arg2[%multiple_of3A_68, %dma_start3A_621] : memref<320000x128xf32, #tpu.memory_space<hbm>> -> memref<400x128xf32, #tpu.memory_space<hbm>>
        tpu.enqueue_dma source(%dma_start3A_622 : memref<400x128xf32, #tpu.memory_space<hbm>>) target(%arg13 : memref<400x128xf32, #tpu.memory_space<vmem>>) target_semaphore(%run_scoped3A : memref<!tpu.dma_semaphore, #tpu.memory_space<semaphore_mem>>)
        %dma_wait3A_623 = arith.constant 0 : i32
        %dma_wait3A_624 = tpu.memref_slice %arg2[%multiple_of3A_68, %dma_wait3A_623] : memref<320000x128xf32, #tpu.memory_space<hbm>> -> memref<400x128xf32, #tpu.memory_space<hbm>>
        %dma_wait3A_625 = arith.constant 0 : i32
        %dma_wait3A_626 = tpu.memref_slice %arg2[%multiple_of3A_68, %dma_wait3A_625] : memref<320000x128xf32, #tpu.memory_space<hbm>> -> memref<400x128xf32, #tpu.memory_space<hbm>>
        tpu.wait_dma2 semaphore(%run_scoped3A : memref<!tpu.dma_semaphore, #tpu.memory_space<semaphore_mem>>) src(%dma_wait3A_626 : memref<400x128xf32, #tpu.memory_space<hbm>>) dst(%arg13 : memref<400x128xf32, #tpu.memory_space<vmem>>)
        tpu.yield
      }) : () -> ()
      %get3A = arith.constant 0 : index
      %get3A_69 = tpu.vector_load %arg7[%get3A] {strides = array<i32>} : memref<400xi32, #tpu.memory_space<vmem>>, vector<16xi32>,
      %get3A_70 = vector.shape_cast %get3A_69 : vector<16xi32> to vector<16xi32>
      %sub3A = arith.constant 0 : i32
      %sub3A_71 = vector.broadcast %sub3A : i32 to vector<16xi32>
      %sub3A_72 = arith.subi %get3A_70, %sub3A_71 : vector<16xi32>
      %ge3A = arith.constant 0 : i32
      %ge3A_73 = vector.broadcast %ge3A : i32 to vector<16xi32>
      %ge3A_74 = arith.cmpi sge, %sub3A_72, %ge3A_73 : vector<16xi32>
      %lt3A = arith.constant 5120 : i32
      %lt3A_75 = vector.broadcast %lt3A : i32 to vector<16xi32>
      %lt3A_76 = arith.cmpi slt, %sub3A_72, %lt3A_75 : vector<16xi32>
      %and3A = arith.andi %ge3A_74, %lt3A_76 : vector<16xi1>
      %jit3A = arith.constant 5120 : i32
      %broadcast_in_dim3A_77 = vector.broadcast %jit3A : i32 to vector<16xi32>
      %select_n3A = arith.select %and3A, %sub3A_72, %broadcast_in_dim3A_77 : vector<16xi1>, vector<16xi32>
      %swap3A = arith.constant 0 : index
      %swap3A_78 = tpu.vector_load %arg8[%swap3A] {strides = array<i32>} : memref<80xi32, #tpu.memory_space<vmem>>, vector<16xi32>,
      %swap3A_79 = vector.shape_cast %swap3A_78 : vector<16xi32> to vector<16xi32>
      %swap3A_80 = vector.shape_cast %select_n3A : vector<16xi32> to vector<16xi32>
      tpu.vector_store %arg8[%swap3A], %swap3A_80 {strides = array<i32>} : memref<80xi32, #tpu.memory_space<vmem>>, vector<16xi32>,
      %get3A_81 = arith.constant 16 : index
      %get3A_82 = tpu.vector_load %arg7[%get3A_81] {strides = array<i32>} : memref<400xi32, #tpu.memory_space<vmem>>, vector<16xi32>,
      %get3A_83 = vector.shape_cast %get3A_82 : vector<16xi32> to vector<16xi32>
      %sub3A_84 = arith.constant 0 : i32
      %sub3A_85 = vector.broadcast %sub3A_84 : i32 to vector<16xi32>
      %sub3A_86 = arith.subi %get3A_83, %sub3A_85 : vector<16xi32>
      %ge3A_87 = arith.constant 0 : i32
      %ge3A_88 = vector.broadcast %ge3A_87 : i32 to vector<16xi32>
      %ge3A_89 = arith.cmpi sge, %sub3A_86, %ge3A_88 : vector<16xi32>
      %lt3A_90 = arith.constant 5120 : i32
      %lt3A_91 = vector.broadcast %lt3A_90 : i32 to vector<16xi32>
      %lt3A_92 = arith.cmpi slt, %sub3A_86, %lt3A_91 : vector<16xi32>
      %and3A_93 = arith.andi %ge3A_89, %lt3A_92 : vector<16xi1>
      %jit3A_94 = arith.constant 5120 : i32
      %broadcast_in_dim3A_95 = vector.broadcast %jit3A_94 : i32 to vector<16xi32>
      %select_n3A_96 = arith.select %and3A_93, %sub3A_86, %broadcast_in_dim3A_95 : vector<16xi1>, vector<16xi32>
      %swap3A_97 = arith.constant 16 : index
      %swap3A_98 = tpu.vector_load %arg8[%swap3A_97] {strides = array<i32>} : memref<80xi32, #tpu.memory_space<vmem>>, vector<16xi32>,
      %swap3A_99 = vector.shape_cast %swap3A_98 : vector<16xi32> to vector<16xi32>
      %swap3A_100 = vector.shape_cast %select_n3A_96 : vector<16xi32> to vector<16xi32>
      tpu.vector_store %arg8[%swap3A_97], %swap3A_100 {strides = array<i32>} : memref<80xi32, #tpu.memory_space<vmem>>, vector<16xi32>,
      %get3A_101 = arith.constant 32 : index
      %get3A_102 = tpu.vector_load %arg7[%get3A_101] {strides = array<i32>} : memref<400xi32, #tpu.memory_space<vmem>>, vector<16xi32>,
      %get3A_103 = vector.shape_cast %get3A_102 : vector<16xi32> to vector<16xi32>
      %sub3A_104 = arith.constant 0 : i32
      %sub3A_105 = vector.broadcast %sub3A_104 : i32 to vector<16xi32>
      %sub3A_106 = arith.subi %get3A_103, %sub3A_105 : vector<16xi32>
      %ge3A_107 = arith.constant 0 : i32
      %ge3A_108 = vector.broadcast %ge3A_107 : i32 to vector<16xi32>
      %ge3A_109 = arith.cmpi sge, %sub3A_106, %ge3A_108 : vector<16xi32>
      %lt3A_110 = arith.constant 5120 : i32
      %lt3A_111 = vector.broadcast %lt3A_110 : i32 to vector<16xi32>
      %lt3A_112 = arith.cmpi slt, %sub3A_106, %lt3A_111 : vector<16xi32>
      %and3A_113 = arith.andi %ge3A_109, %lt3A_112 : vector<16xi1>
      %jit3A_114 = arith.constant 5120 : i32
      %broadcast_in_dim3A_115 = vector.broadcast %jit3A_114 : i32 to vector<16xi32>
      %select_n3A_116 = arith.select %and3A_113, %sub3A_106, %broadcast_in_dim3A_115 : vector<16xi1>, vector<16xi32>
      %swap3A_117 = arith.constant 32 : index
      %swap3A_118 = tpu.vector_load %arg8[%swap3A_117] {strides = array<i32>} : memref<80xi32, #tpu.memory_space<vmem>>, vector<16xi32>,
      %swap3A_119 = vector.shape_cast %swap3A_118 : vector<16xi32> to vector<16xi32>
      %swap3A_120 = vector.shape_cast %select_n3A_116 : vector<16xi32> to vector<16xi32>
      tpu.vector_store %arg8[%swap3A_117], %swap3A_120 {strides = array<i32>} : memref<80xi32, #tpu.memory_space<vmem>>, vector<16xi32>,
      %get3A_121 = arith.constant 48 : index
      %get3A_122 = tpu.vector_load %arg7[%get3A_121] {strides = array<i32>} : memref<400xi32, #tpu.memory_space<vmem>>, vector<16xi32>,
      %get3A_123 = vector.shape_cast %get3A_122 : vector<16xi32> to vector<16xi32>
      %sub3A_124 = arith.constant 0 : i32
      %sub3A_125 = vector.broadcast %sub3A_124 : i32 to vector<16xi32>
      %sub3A_126 = arith.subi %get3A_123, %sub3A_125 : vector<16xi32>
      %ge3A_127 = arith.constant 0 : i32
      %ge3A_128 = vector.broadcast %ge3A_127 : i32 to vector<16xi32>
      %ge3A_129 = arith.cmpi sge, %sub3A_126, %ge3A_128 : vector<16xi32>
      %lt3A_130 = arith.constant 5120 : i32
      %lt3A_131 = vector.broadcast %lt3A_130 : i32 to vector<16xi32>
      %lt3A_132 = arith.cmpi slt, %sub3A_126, %lt3A_131 : vector<16xi32>
      %and3A_133 = arith.andi %ge3A_129, %lt3A_132 : vector<16xi1>
      %jit3A_134 = arith.constant 5120 : i32
      %broadcast_in_dim3A_135 = vector.broadcast %jit3A_134 : i32 to vector<16xi32>
      %select_n3A_136 = arith.select %and3A_133, %sub3A_126, %broadcast_in_dim3A_135 : vector<16xi1>, vector<16xi32>
      %swap3A_137 = arith.constant 48 : index
      %swap3A_138 = tpu.vector_load %arg8[%swap3A_137] {strides = array<i32>} : memref<80xi32, #tpu.memory_space<vmem>>, vector<16xi32>,
      %swap3A_139 = vector.shape_cast %swap3A_138 : vector<16xi32> to vector<16xi32>
      %swap3A_140 = vector.shape_cast %select_n3A_136 : vector<16xi32> to vector<16xi32>
      tpu.vector_store %arg8[%swap3A_137], %swap3A_140 {strides = array<i32>} : memref<80xi32, #tpu.memory_space<vmem>>, vector<16xi32>,
      %get3A_141 = arith.constant 64 : index
      %get3A_142 = tpu.vector_load %arg7[%get3A_141] {strides = array<i32>} : memref<400xi32, #tpu.memory_space<vmem>>, vector<16xi32>,
      %get3A_143 = vector.shape_cast %get3A_142 : vector<16xi32> to vector<16xi32>
      %sub3A_144 = arith.constant 0 : i32
      %sub3A_145 = vector.broadcast %sub3A_144 : i32 to vector<16xi32>
      %sub3A_146 = arith.subi %get3A_143, %sub3A_145 : vector<16xi32>
      %ge3A_147 = arith.constant 0 : i32
      %ge3A_148 = vector.broadcast %ge3A_147 : i32 to vector<16xi32>
      %ge3A_149 = arith.cmpi sge, %sub3A_146, %ge3A_148 : vector<16xi32>
      %lt3A_150 = arith.constant 5120 : i32
      %lt3A_151 = vector.broadcast %lt3A_150 : i32 to vector<16xi32>
      %lt3A_152 = arith.cmpi slt, %sub3A_146, %lt3A_151 : vector<16xi32>
      %and3A_153 = arith.andi %ge3A_149, %lt3A_152 : vector<16xi1>
      %jit3A_154 = arith.constant 5120 : i32
      %broadcast_in_dim3A_155 = vector.broadcast %jit3A_154 : i32 to vector<16xi32>
      %select_n3A_156 = arith.select %and3A_153, %sub3A_146, %broadcast_in_dim3A_155 : vector<16xi1>, vector<16xi32>
      %swap3A_157 = arith.constant 64 : index
      %swap3A_158 = tpu.vector_load %arg8[%swap3A_157] {strides = array<i32>} : memref<80xi32, #tpu.memory_space<vmem>>, vector<16xi32>,
      %swap3A_159 = vector.shape_cast %swap3A_158 : vector<16xi32> to vector<16xi32>
      %swap3A_160 = vector.shape_cast %select_n3A_156 : vector<16xi32> to vector<16xi32>
      tpu.vector_store %arg8[%swap3A_157], %swap3A_160 {strides = array<i32>} : memref<80xi32, #tpu.memory_space<vmem>>, vector<16xi32>,
      %get3A_161 = arith.constant 80 : index
      %get3A_162 = tpu.vector_load %arg7[%get3A_161] {strides = array<i32>} : memref<400xi32, #tpu.memory_space<vmem>>, vector<16xi32>,
      %get3A_163 = vector.shape_cast %get3A_162 : vector<16xi32> to vector<16xi32>
      %sub3A_164 = arith.constant 0 : i32
      %sub3A_165 = vector.broadcast %sub3A_164 : i32 to vector<16xi32>
      %sub3A_166 = arith.subi %get3A_163, %sub3A_165 : vector<16xi32>
      %ge3A_167 = arith.constant 0 : i32
      %ge3A_168 = vector.broadcast %ge3A_167 : i32 to vector<16xi32>
      %ge3A_169 = arith.cmpi sge, %sub3A_166, %ge3A_168 : vector<16xi32>
      %lt3A_170 = arith.constant 5120 : i32
      %lt3A_171 = vector.broadcast %lt3A_170 : i32 to vector<16xi32>
      %lt3A_172 = arith.cmpi slt, %sub3A_166, %lt3A_171 : vector<16xi32>
      %and3A_173 = arith.andi %ge3A_169, %lt3A_172 : vector<16xi1>
      %jit3A_174 = arith.constant 5120 : i32
      %broadcast_in_dim3A_175 = vector.broadcast %jit3A_174 : i32 to vector<16xi32>
      %select_n3A_176 = arith.select %and3A_173, %sub3A_166, %broadcast_in_dim3A_175 : vector<16xi1>, vector<16xi32>
      %swap3A_177 = arith.constant 0 : index
      %swap3A_178 = tpu.vector_load %arg9[%swap3A_177] {strides = array<i32>} : memref<80xi32, #tpu.memory_space<vmem>>, vector<16xi32>,
      %swap3A_179 = vector.shape_cast %swap3A_178 : vector<16xi32> to vector<16xi32>
      %swap3A_180 = vector.shape_cast %select_n3A_176 : vector<16xi32> to vector<16xi32>
      tpu.vector_store %arg9[%swap3A_177], %swap3A_180 {strides = array<i32>} : memref<80xi32, #tpu.memory_space<vmem>>, vector<16xi32>,
      %get3A_181 = arith.constant 96 : index
      %get3A_182 = tpu.vector_load %arg7[%get3A_181] {strides = array<i32>} : memref<400xi32, #tpu.memory_space<vmem>>, vector<16xi32>,
      %get3A_183 = vector.shape_cast %get3A_182 : vector<16xi32> to vector<16xi32>
      %sub3A_184 = arith.constant 0 : i32
      %sub3A_185 = vector.broadcast %sub3A_184 : i32 to vector<16xi32>
      %sub3A_186 = arith.subi %get3A_183, %sub3A_185 : vector<16xi32>
      %ge3A_187 = arith.constant 0 : i32
      %ge3A_188 = vector.broadcast %ge3A_187 : i32 to vector<16xi32>
      %ge3A_189 = arith.cmpi sge, %sub3A_186, %ge3A_188 : vector<16xi32>
      %lt3A_190 = arith.constant 5120 : i32
      %lt3A_191 = vector.broadcast %lt3A_190 : i32 to vector<16xi32>
      %lt3A_192 = arith.cmpi slt, %sub3A_186, %lt3A_191 : vector<16xi32>
      %and3A_193 = arith.andi %ge3A_189, %lt3A_192 : vector<16xi1>
      %jit3A_194 = arith.constant 5120 : i32
      %broadcast_in_dim3A_195 = vector.broadcast %jit3A_194 : i32 to vector<16xi32>
      %select_n3A_196 = arith.select %and3A_193, %sub3A_186, %broadcast_in_dim3A_195 : vector<16xi1>, vector<16xi32>
      %swap3A_197 = arith.constant 16 : index
      %swap3A_198 = tpu.vector_load %arg9[%swap3A_197] {strides = array<i32>} : memref<80xi32, #tpu.memory_space<vmem>>, vector<16xi32>,
      %swap3A_199 = vector.shape_cast %swap3A_198 : vector<16xi32> to vector<16xi32>
      %swap3A_200 = vector.shape_cast %select_n3A_196 : vector<16xi32> to vector<16xi32>
      tpu.vector_store %arg9[%swap3A_197], %swap3A_200 {strides = array<i32>} : memref<80xi32, #tpu.memory_space<vmem>>, vector<16xi32>,
      %get3A_201 = arith.constant 112 : index
      %get3A_202 = tpu.vector_load %arg7[%get3A_201] {strides = array<i32>} : memref<400xi32, #tpu.memory_space<vmem>>, vector<16xi32>,
      %get3A_203 = vector.shape_cast %get3A_202 : vector<16xi32> to vector<16xi32>
      %sub3A_204 = arith.constant 0 : i32
      %sub3A_205 = vector.broadcast %sub3A_204 : i32 to vector<16xi32>
      %sub3A_206 = arith.subi %get3A_203, %sub3A_205 : vector<16xi32>
      %ge3A_207 = arith.constant 0 : i32
      %ge3A_208 = vector.broadcast %ge3A_207 : i32 to vector<16xi32>
      %ge3A_209 = arith.cmpi sge, %sub3A_206, %ge3A_208 : vector<16xi32>
      %lt3A_210 = arith.constant 5120 : i32
      %lt3A_211 = vector.broadcast %lt3A_210 : i32 to vector<16xi32>
      %lt3A_212 = arith.cmpi slt, %sub3A_206, %lt3A_211 : vector<16xi32>
      %and3A_213 = arith.andi %ge3A_209, %lt3A_212 : vector<16xi1>
      %jit3A_214 = arith.constant 5120 : i32
      %broadcast_in_dim3A_215 = vector.broadcast %jit3A_214 : i32 to vector<16xi32>
      %select_n3A_216 = arith.select %and3A_213, %sub3A_206, %broadcast_in_dim3A_215 : vector<16xi1>, vector<16xi32>
      %swap3A_217 = arith.constant 32 : index
      %swap3A_218 = tpu.vector_load %arg9[%swap3A_217] {strides = array<i32>} : memref<80xi32, #tpu.memory_space<vmem>>, vector<16xi32>,
      %swap3A_219 = vector.shape_cast %swap3A_218 : vector<16xi32> to vector<16xi32>
      %swap3A_220 = vector.shape_cast %select_n3A_216 : vector<16xi32> to vector<16xi32>
      tpu.vector_store %arg9[%swap3A_217], %swap3A_220 {strides = array<i32>} : memref<80xi32, #tpu.memory_space<vmem>>, vector<16xi32>,
      %get3A_221 = arith.constant 128 : index
      %get3A_222 = tpu.vector_load %arg7[%get3A_221] {strides = array<i32>} : memref<400xi32, #tpu.memory_space<vmem>>, vector<16xi32>,
      %get3A_223 = vector.shape_cast %get3A_222 : vector<16xi32> to vector<16xi32>
      %sub3A_224 = arith.constant 0 : i32
      %sub3A_225 = vector.broadcast %sub3A_224 : i32 to vector<16xi32>
      %sub3A_226 = arith.subi %get3A_223, %sub3A_225 : vector<16xi32>
      %ge3A_227 = arith.constant 0 : i32
      %ge3A_228 = vector.broadcast %ge3A_227 : i32 to vector<16xi32>
      %ge3A_229 = arith.cmpi sge, %sub3A_226, %ge3A_228 : vector<16xi32>
      %lt3A_230 = arith.constant 5120 : i32
      %lt3A_231 = vector.broadcast %lt3A_230 : i32 to vector<16xi32>
      %lt3A_232 = arith.cmpi slt, %sub3A_226, %lt3A_231 : vector<16xi32>
      %and3A_233 = arith.andi %ge3A_229, %lt3A_232 : vector<16xi1>
      %jit3A_234 = arith.constant 5120 : i32
      %broadcast_in_dim3A_235 = vector.broadcast %jit3A_234 : i32 to vector<16xi32>
      %select_n3A_236 = arith.select %and3A_233, %sub3A_226, %broadcast_in_dim3A_235 : vector<16xi1>, vector<16xi32>
      %swap3A_237 = arith.constant 48 : index
      %swap3A_238 = tpu.vector_load %arg9[%swap3A_237] {strides = array<i32>} : memref<80xi32, #tpu.memory_space<vmem>>, vector<16xi32>,
      %swap3A_239 = vector.shape_cast %swap3A_238 : vector<16xi32> to vector<16xi32>
      %swap3A_240 = vector.shape_cast %select_n3A_236 : vector<16xi32> to vector<16xi32>
      tpu.vector_store %arg9[%swap3A_237], %swap3A_240 {strides = array<i32>} : memref<80xi32, #tpu.memory_space<vmem>>, vector<16xi32>,
      %get3A_241 = arith.constant 144 : index
      %get3A_242 = tpu.vector_load %arg7[%get3A_241] {strides = array<i32>} : memref<400xi32, #tpu.memory_space<vmem>>, vector<16xi32>,
      %get3A_243 = vector.shape_cast %get3A_242 : vector<16xi32> to vector<16xi32>
      %sub3A_244 = arith.constant 0 : i32
      %sub3A_245 = vector.broadcast %sub3A_244 : i32 to vector<16xi32>
      %sub3A_246 = arith.subi %get3A_243, %sub3A_245 : vector<16xi32>
      %ge3A_247 = arith.constant 0 : i32
      %ge3A_248 = vector.broadcast %ge3A_247 : i32 to vector<16xi32>
      %ge3A_249 = arith.cmpi sge, %sub3A_246, %ge3A_248 : vector<16xi32>
      %lt3A_250 = arith.constant 5120 : i32
      %lt3A_251 = vector.broadcast %lt3A_250 : i32 to vector<16xi32>
      %lt3A_252 = arith.cmpi slt, %sub3A_246, %lt3A_251 : vector<16xi32>
      %and3A_253 = arith.andi %ge3A_249, %lt3A_252 : vector<16xi1>
      %jit3A_254 = arith.constant 5120 : i32
      %broadcast_in_dim3A_255 = vector.broadcast %jit3A_254 : i32 to vector<16xi32>
      %select_n3A_256 = arith.select %and3A_253, %sub3A_246, %broadcast_in_dim3A_255 : vector<16xi1>, vector<16xi32>
      %swap3A_257 = arith.constant 64 : index
      %swap3A_258 = tpu.vector_load %arg9[%swap3A_257] {strides = array<i32>} : memref<80xi32, #tpu.memory_space<vmem>>, vector<16xi32>,
      %swap3A_259 = vector.shape_cast %swap3A_258 : vector<16xi32> to vector<16xi32>
      %swap3A_260 = vector.shape_cast %select_n3A_256 : vector<16xi32> to vector<16xi32>
      tpu.vector_store %arg9[%swap3A_257], %swap3A_260 {strides = array<i32>} : memref<80xi32, #tpu.memory_space<vmem>>, vector<16xi32>,
      %get3A_261 = arith.constant 160 : index
      %get3A_262 = tpu.vector_load %arg7[%get3A_261] {strides = array<i32>} : memref<400xi32, #tpu.memory_space<vmem>>, vector<16xi32>,
      %get3A_263 = vector.shape_cast %get3A_262 : vector<16xi32> to vector<16xi32>
      %sub3A_264 = arith.constant 0 : i32
      %sub3A_265 = vector.broadcast %sub3A_264 : i32 to vector<16xi32>
      %sub3A_266 = arith.subi %get3A_263, %sub3A_265 : vector<16xi32>
      %ge3A_267 = arith.constant 0 : i32
      %ge3A_268 = vector.broadcast %ge3A_267 : i32 to vector<16xi32>
      %ge3A_269 = arith.cmpi sge, %sub3A_266, %ge3A_268 : vector<16xi32>
      %lt3A_270 = arith.constant 5120 : i32
      %lt3A_271 = vector.broadcast %lt3A_270 : i32 to vector<16xi32>
      %lt3A_272 = arith.cmpi slt, %sub3A_266, %lt3A_271 : vector<16xi32>
      %and3A_273 = arith.andi %ge3A_269, %lt3A_272 : vector<16xi1>
      %jit3A_274 = arith.constant 5120 : i32
      %broadcast_in_dim3A_275 = vector.broadcast %jit3A_274 : i32 to vector<16xi32>
      %select_n3A_276 = arith.select %and3A_273, %sub3A_266, %broadcast_in_dim3A_275 : vector<16xi1>, vector<16xi32>
      %swap3A_277 = arith.constant 0 : index
      %swap3A_278 = tpu.vector_load %arg10[%swap3A_277] {strides = array<i32>} : memref<80xi32, #tpu.memory_space<vmem>>, vector<16xi32>,
      %swap3A_279 = vector.shape_cast %swap3A_278 : vector<16xi32> to vector<16xi32>
      %swap3A_280 = vector.shape_cast %select_n3A_276 : vector<16xi32> to vector<16xi32>
      tpu.vector_store %arg10[%swap3A_277], %swap3A_280 {strides = array<i32>} : memref<80xi32, #tpu.memory_space<vmem>>, vector<16xi32>,
      %get3A_281 = arith.constant 176 : index
      %get3A_282 = tpu.vector_load %arg7[%get3A_281] {strides = array<i32>} : memref<400xi32, #tpu.memory_space<vmem>>, vector<16xi32>,
      %get3A_283 = vector.shape_cast %get3A_282 : vector<16xi32> to vector<16xi32>
      %sub3A_284 = arith.constant 0 : i32
      %sub3A_285 = vector.broadcast %sub3A_284 : i32 to vector<16xi32>
      %sub3A_286 = arith.subi %get3A_283, %sub3A_285 : vector<16xi32>
      %ge3A_287 = arith.constant 0 : i32
      %ge3A_288 = vector.broadcast %ge3A_287 : i32 to vector<16xi32>
      %ge3A_289 = arith.cmpi sge, %sub3A_286, %ge3A_288 : vector<16xi32>
      %lt3A_290 = arith.constant 5120 : i32
      %lt3A_291 = vector.broadcast %lt3A_290 : i32 to vector<16xi32>
      %lt3A_292 = arith.cmpi slt, %sub3A_286, %lt3A_291 : vector<16xi32>
      %and3A_293 = arith.andi %ge3A_289, %lt3A_292 : vector<16xi1>
      %jit3A_294 = arith.constant 5120 : i32
      %broadcast_in_dim3A_295 = vector.broadcast %jit3A_294 : i32 to vector<16xi32>
      %select_n3A_296 = arith.select %and3A_293, %sub3A_286, %broadcast_in_dim3A_295 : vector<16xi1>, vector<16xi32>
      %swap3A_297 = arith.constant 16 : index
      %swap3A_298 = tpu.vector_load %arg10[%swap3A_297] {strides = array<i32>} : memref<80xi32, #tpu.memory_space<vmem>>, vector<16xi32>,
      %swap3A_299 = vector.shape_cast %swap3A_298 : vector<16xi32> to vector<16xi32>
      %swap3A_300 = vector.shape_cast %select_n3A_296 : vector<16xi32> to vector<16xi32>
      tpu.vector_store %arg10[%swap3A_297], %swap3A_300 {strides = array<i32>} : memref<80xi32, #tpu.memory_space<vmem>>, vector<16xi32>,
      %get3A_301 = arith.constant 192 : index
      %get3A_302 = tpu.vector_load %arg7[%get3A_301] {strides = array<i32>} : memref<400xi32, #tpu.memory_space<vmem>>, vector<16xi32>,
      %get3A_303 = vector.shape_cast %get3A_302 : vector<16xi32> to vector<16xi32>
      %sub3A_304 = arith.constant 0 : i32
      %sub3A_305 = vector.broadcast %sub3A_304 : i32 to vector<16xi32>
      %sub3A_306 = arith.subi %get3A_303, %sub3A_305 : vector<16xi32>
      %ge3A_307 = arith.constant 0 : i32
      %ge3A_308 = vector.broadcast %ge3A_307 : i32 to vector<16xi32>
      %ge3A_309 = arith.cmpi sge, %sub3A_306, %ge3A_308 : vector<16xi32>
      %lt3A_310 = arith.constant 5120 : i32
      %lt3A_311 = vector.broadcast %lt3A_310 : i32 to vector<16xi32>
      %lt3A_312 = arith.cmpi slt, %sub3A_306, %lt3A_311 : vector<16xi32>
      %and3A_313 = arith.andi %ge3A_309, %lt3A_312 : vector<16xi1>
      %jit3A_314 = arith.constant 5120 : i32
      %broadcast_in_dim3A_315 = vector.broadcast %jit3A_314 : i32 to vector<16xi32>
      %select_n3A_316 = arith.select %and3A_313, %sub3A_306, %broadcast_in_dim3A_315 : vector<16xi1>, vector<16xi32>
      %swap3A_317 = arith.constant 32 : index
      %swap3A_318 = tpu.vector_load %arg10[%swap3A_317] {strides = array<i32>} : memref<80xi32, #tpu.memory_space<vmem>>, vector<16xi32>,
      %swap3A_319 = vector.shape_cast %swap3A_318 : vector<16xi32> to vector<16xi32>
      %swap3A_320 = vector.shape_cast %select_n3A_316 : vector<16xi32> to vector<16xi32>
      tpu.vector_store %arg10[%swap3A_317], %swap3A_320 {strides = array<i32>} : memref<80xi32, #tpu.memory_space<vmem>>, vector<16xi32>,
      %get3A_321 = arith.constant 208 : index
      %get3A_322 = tpu.vector_load %arg7[%get3A_321] {strides = array<i32>} : memref<400xi32, #tpu.memory_space<vmem>>, vector<16xi32>,
      %get3A_323 = vector.shape_cast %get3A_322 : vector<16xi32> to vector<16xi32>
      %sub3A_324 = arith.constant 0 : i32
      %sub3A_325 = vector.broadcast %sub3A_324 : i32 to vector<16xi32>
      %sub3A_326 = arith.subi %get3A_323, %sub3A_325 : vector<16xi32>
      %ge3A_327 = arith.constant 0 : i32
      %ge3A_328 = vector.broadcast %ge3A_327 : i32 to vector<16xi32>
      %ge3A_329 = arith.cmpi sge, %sub3A_326, %ge3A_328 : vector<16xi32>
      %lt3A_330 = arith.constant 5120 : i32
      %lt3A_331 = vector.broadcast %lt3A_330 : i32 to vector<16xi32>
      %lt3A_332 = arith.cmpi slt, %sub3A_326, %lt3A_331 : vector<16xi32>
      %and3A_333 = arith.andi %ge3A_329, %lt3A_332 : vector<16xi1>
      %jit3A_334 = arith.constant 5120 : i32
      %broadcast_in_dim3A_335 = vector.broadcast %jit3A_334 : i32 to vector<16xi32>
      %select_n3A_336 = arith.select %and3A_333, %sub3A_326, %broadcast_in_dim3A_335 : vector<16xi1>, vector<16xi32>
      %swap3A_337 = arith.constant 48 : index
      %swap3A_338 = tpu.vector_load %arg10[%swap3A_337] {strides = array<i32>} : memref<80xi32, #tpu.memory_space<vmem>>, vector<16xi32>,
      %swap3A_339 = vector.shape_cast %swap3A_338 : vector<16xi32> to vector<16xi32>
      %swap3A_340 = vector.shape_cast %select_n3A_336 : vector<16xi32> to vector<16xi32>
      tpu.vector_store %arg10[%swap3A_337], %swap3A_340 {strides = array<i32>} : memref<80xi32, #tpu.memory_space<vmem>>, vector<16xi32>,
      %get3A_341 = arith.constant 224 : index
      %get3A_342 = tpu.vector_load %arg7[%get3A_341] {strides = array<i32>} : memref<400xi32, #tpu.memory_space<vmem>>, vector<16xi32>,
      %get3A_343 = vector.shape_cast %get3A_342 : vector<16xi32> to vector<16xi32>
      %sub3A_344 = arith.constant 0 : i32
      %sub3A_345 = vector.broadcast %sub3A_344 : i32 to vector<16xi32>
      %sub3A_346 = arith.subi %get3A_343, %sub3A_345 : vector<16xi32>
      %ge3A_347 = arith.constant 0 : i32
      %ge3A_348 = vector.broadcast %ge3A_347 : i32 to vector<16xi32>
      %ge3A_349 = arith.cmpi sge, %sub3A_346, %ge3A_348 : vector<16xi32>
      %lt3A_350 = arith.constant 5120 : i32
      %lt3A_351 = vector.broadcast %lt3A_350 : i32 to vector<16xi32>
      %lt3A_352 = arith.cmpi slt, %sub3A_346, %lt3A_351 : vector<16xi32>
      %and3A_353 = arith.andi %ge3A_349, %lt3A_352 : vector<16xi1>
      %jit3A_354 = arith.constant 5120 : i32
      %broadcast_in_dim3A_355 = vector.broadcast %jit3A_354 : i32 to vector<16xi32>
      %select_n3A_356 = arith.select %and3A_353, %sub3A_346, %broadcast_in_dim3A_355 : vector<16xi1>, vector<16xi32>
      %swap3A_357 = arith.constant 64 : index
      %swap3A_358 = tpu.vector_load %arg10[%swap3A_357] {strides = array<i32>} : memref<80xi32, #tpu.memory_space<vmem>>, vector<16xi32>,
      %swap3A_359 = vector.shape_cast %swap3A_358 : vector<16xi32> to vector<16xi32>
      %swap3A_360 = vector.shape_cast %select_n3A_356 : vector<16xi32> to vector<16xi32>
      tpu.vector_store %arg10[%swap3A_357], %swap3A_360 {strides = array<i32>} : memref<80xi32, #tpu.memory_space<vmem>>, vector<16xi32>,
      %get3A_361 = arith.constant 240 : index
      %get3A_362 = tpu.vector_load %arg7[%get3A_361] {strides = array<i32>} : memref<400xi32, #tpu.memory_space<vmem>>, vector<16xi32>,
      %get3A_363 = vector.shape_cast %get3A_362 : vector<16xi32> to vector<16xi32>
      %sub3A_364 = arith.constant 0 : i32
      %sub3A_365 = vector.broadcast %sub3A_364 : i32 to vector<16xi32>
      %sub3A_366 = arith.subi %get3A_363, %sub3A_365 : vector<16xi32>
      %ge3A_367 = arith.constant 0 : i32
      %ge3A_368 = vector.broadcast %ge3A_367 : i32 to vector<16xi32>
      %ge3A_369 = arith.cmpi sge, %sub3A_366, %ge3A_368 : vector<16xi32>
      %lt3A_370 = arith.constant 5120 : i32
      %lt3A_371 = vector.broadcast %lt3A_370 : i32 to vector<16xi32>
      %lt3A_372 = arith.cmpi slt, %sub3A_366, %lt3A_371 : vector<16xi32>
      %and3A_373 = arith.andi %ge3A_369, %lt3A_372 : vector<16xi1>
      %jit3A_374 = arith.constant 5120 : i32
      %broadcast_in_dim3A_375 = vector.broadcast %jit3A_374 : i32 to vector<16xi32>
      %select_n3A_376 = arith.select %and3A_373, %sub3A_366, %broadcast_in_dim3A_375 : vector<16xi1>, vector<16xi32>
      %swap3A_377 = arith.constant 0 : index
      %swap3A_378 = tpu.vector_load %arg11[%swap3A_377] {strides = array<i32>} : memref<80xi32, #tpu.memory_space<vmem>>, vector<16xi32>,
      %swap3A_379 = vector.shape_cast %swap3A_378 : vector<16xi32> to vector<16xi32>
      %swap3A_380 = vector.shape_cast %select_n3A_376 : vector<16xi32> to vector<16xi32>
      tpu.vector_store %arg11[%swap3A_377], %swap3A_380 {strides = array<i32>} : memref<80xi32, #tpu.memory_space<vmem>>, vector<16xi32>,
      %get3A_381 = arith.constant 256 : index
      %get3A_382 = tpu.vector_load %arg7[%get3A_381] {strides = array<i32>} : memref<400xi32, #tpu.memory_space<vmem>>, vector<16xi32>,
      %get3A_383 = vector.shape_cast %get3A_382 : vector<16xi32> to vector<16xi32>
      %sub3A_384 = arith.constant 0 : i32
      %sub3A_385 = vector.broadcast %sub3A_384 : i32 to vector<16xi32>
      %sub3A_386 = arith.subi %get3A_383, %sub3A_385 : vector<16xi32>
      %ge3A_387 = arith.constant 0 : i32
      %ge3A_388 = vector.broadcast %ge3A_387 : i32 to vector<16xi32>
      %ge3A_389 = arith.cmpi sge, %sub3A_386, %ge3A_388 : vector<16xi32>
      %lt3A_390 = arith.constant 5120 : i32
      %lt3A_391 = vector.broadcast %lt3A_390 : i32 to vector<16xi32>
      %lt3A_392 = arith.cmpi slt, %sub3A_386, %lt3A_391 : vector<16xi32>
      %and3A_393 = arith.andi %ge3A_389, %lt3A_392 : vector<16xi1>
      %jit3A_394 = arith.constant 5120 : i32
      %broadcast_in_dim3A_395 = vector.broadcast %jit3A_394 : i32 to vector<16xi32>
      %select_n3A_396 = arith.select %and3A_393, %sub3A_386, %broadcast_in_dim3A_395 : vector<16xi1>, vector<16xi32>
      %swap3A_397 = arith.constant 16 : index
      %swap3A_398 = tpu.vector_load %arg11[%swap3A_397] {strides = array<i32>} : memref<80xi32, #tpu.memory_space<vmem>>, vector<16xi32>,
      %swap3A_399 = vector.shape_cast %swap3A_398 : vector<16xi32> to vector<16xi32>
      %swap3A_400 = vector.shape_cast %select_n3A_396 : vector<16xi32> to vector<16xi32>
      tpu.vector_store %arg11[%swap3A_397], %swap3A_400 {strides = array<i32>} : memref<80xi32, #tpu.memory_space<vmem>>, vector<16xi32>,
      %get3A_401 = arith.constant 272 : index
      %get3A_402 = tpu.vector_load %arg7[%get3A_401] {strides = array<i32>} : memref<400xi32, #tpu.memory_space<vmem>>, vector<16xi32>,
      %get3A_403 = vector.shape_cast %get3A_402 : vector<16xi32> to vector<16xi32>
      %sub3A_404 = arith.constant 0 : i32
      %sub3A_405 = vector.broadcast %sub3A_404 : i32 to vector<16xi32>
      %sub3A_406 = arith.subi %get3A_403, %sub3A_405 : vector<16xi32>
      %ge3A_407 = arith.constant 0 : i32
      %ge3A_408 = vector.broadcast %ge3A_407 : i32 to vector<16xi32>
      %ge3A_409 = arith.cmpi sge, %sub3A_406, %ge3A_408 : vector<16xi32>
      %lt3A_410 = arith.constant 5120 : i32
      %lt3A_411 = vector.broadcast %lt3A_410 : i32 to vector<16xi32>
      %lt3A_412 = arith.cmpi slt, %sub3A_406, %lt3A_411 : vector<16xi32>
      %and3A_413 = arith.andi %ge3A_409, %lt3A_412 : vector<16xi1>
      %jit3A_414 = arith.constant 5120 : i32
      %broadcast_in_dim3A_415 = vector.broadcast %jit3A_414 : i32 to vector<16xi32>
      %select_n3A_416 = arith.select %and3A_413, %sub3A_406, %broadcast_in_dim3A_415 : vector<16xi1>, vector<16xi32>
      %swap3A_417 = arith.constant 32 : index
      %swap3A_418 = tpu.vector_load %arg11[%swap3A_417] {strides = array<i32>} : memref<80xi32, #tpu.memory_space<vmem>>, vector<16xi32>,
      %swap3A_419 = vector.shape_cast %swap3A_418 : vector<16xi32> to vector<16xi32>
      %swap3A_420 = vector.shape_cast %select_n3A_416 : vector<16xi32> to vector<16xi32>
      tpu.vector_store %arg11[%swap3A_417], %swap3A_420 {strides = array<i32>} : memref<80xi32, #tpu.memory_space<vmem>>, vector<16xi32>,
      %get3A_421 = arith.constant 288 : index
      %get3A_422 = tpu.vector_load %arg7[%get3A_421] {strides = array<i32>} : memref<400xi32, #tpu.memory_space<vmem>>, vector<16xi32>,
      %get3A_423 = vector.shape_cast %get3A_422 : vector<16xi32> to vector<16xi32>
      %sub3A_424 = arith.constant 0 : i32
      %sub3A_425 = vector.broadcast %sub3A_424 : i32 to vector<16xi32>
      %sub3A_426 = arith.subi %get3A_423, %sub3A_425 : vector<16xi32>
      %ge3A_427 = arith.constant 0 : i32
      %ge3A_428 = vector.broadcast %ge3A_427 : i32 to vector<16xi32>
      %ge3A_429 = arith.cmpi sge, %sub3A_426, %ge3A_428 : vector<16xi32>
      %lt3A_430 = arith.constant 5120 : i32
      %lt3A_431 = vector.broadcast %lt3A_430 : i32 to vector<16xi32>
      %lt3A_432 = arith.cmpi slt, %sub3A_426, %lt3A_431 : vector<16xi32>
      %and3A_433 = arith.andi %ge3A_429, %lt3A_432 : vector<16xi1>
      %jit3A_434 = arith.constant 5120 : i32
      %broadcast_in_dim3A_435 = vector.broadcast %jit3A_434 : i32 to vector<16xi32>
      %select_n3A_436 = arith.select %and3A_433, %sub3A_426, %broadcast_in_dim3A_435 : vector<16xi1>, vector<16xi32>
      %swap3A_437 = arith.constant 48 : index
      %swap3A_438 = tpu.vector_load %arg11[%swap3A_437] {strides = array<i32>} : memref<80xi32, #tpu.memory_space<vmem>>, vector<16xi32>,
      %swap3A_439 = vector.shape_cast %swap3A_438 : vector<16xi32> to vector<16xi32>
      %swap3A_440 = vector.shape_cast %select_n3A_436 : vector<16xi32> to vector<16xi32>
      tpu.vector_store %arg11[%swap3A_437], %swap3A_440 {strides = array<i32>} : memref<80xi32, #tpu.memory_space<vmem>>, vector<16xi32>,
      %get3A_441 = arith.constant 304 : index
      %get3A_442 = tpu.vector_load %arg7[%get3A_441] {strides = array<i32>} : memref<400xi32, #tpu.memory_space<vmem>>, vector<16xi32>,
      %get3A_443 = vector.shape_cast %get3A_442 : vector<16xi32> to vector<16xi32>
      %sub3A_444 = arith.constant 0 : i32
      %sub3A_445 = vector.broadcast %sub3A_444 : i32 to vector<16xi32>
      %sub3A_446 = arith.subi %get3A_443, %sub3A_445 : vector<16xi32>
      %ge3A_447 = arith.constant 0 : i32
      %ge3A_448 = vector.broadcast %ge3A_447 : i32 to vector<16xi32>
      %ge3A_449 = arith.cmpi sge, %sub3A_446, %ge3A_448 : vector<16xi32>
      %lt3A_450 = arith.constant 5120 : i32
      %lt3A_451 = vector.broadcast %lt3A_450 : i32 to vector<16xi32>
      %lt3A_452 = arith.cmpi slt, %sub3A_446, %lt3A_451 : vector<16xi32>
      %and3A_453 = arith.andi %ge3A_449, %lt3A_452 : vector<16xi1>
      %jit3A_454 = arith.constant 5120 : i32
      %broadcast_in_dim3A_455 = vector.broadcast %jit3A_454 : i32 to vector<16xi32>
      %select_n3A_456 = arith.select %and3A_453, %sub3A_446, %broadcast_in_dim3A_455 : vector<16xi1>, vector<16xi32>
      %swap3A_457 = arith.constant 64 : index
      %swap3A_458 = tpu.vector_load %arg11[%swap3A_457] {strides = array<i32>} : memref<80xi32, #tpu.memory_space<vmem>>, vector<16xi32>,
      %swap3A_459 = vector.shape_cast %swap3A_458 : vector<16xi32> to vector<16xi32>
      %swap3A_460 = vector.shape_cast %select_n3A_456 : vector<16xi32> to vector<16xi32>
      tpu.vector_store %arg11[%swap3A_457], %swap3A_460 {strides = array<i32>} : memref<80xi32, #tpu.memory_space<vmem>>, vector<16xi32>,
      %get3A_461 = arith.constant 320 : index
      %get3A_462 = tpu.vector_load %arg7[%get3A_461] {strides = array<i32>} : memref<400xi32, #tpu.memory_space<vmem>>, vector<16xi32>,
      %get3A_463 = vector.shape_cast %get3A_462 : vector<16xi32> to vector<16xi32>
      %sub3A_464 = arith.constant 0 : i32
      %sub3A_465 = vector.broadcast %sub3A_464 : i32 to vector<16xi32>
      %sub3A_466 = arith.subi %get3A_463, %sub3A_465 : vector<16xi32>
      %ge3A_467 = arith.constant 0 : i32
      %ge3A_468 = vector.broadcast %ge3A_467 : i32 to vector<16xi32>
      %ge3A_469 = arith.cmpi sge, %sub3A_466, %ge3A_468 : vector<16xi32>
      %lt3A_470 = arith.constant 5120 : i32
      %lt3A_471 = vector.broadcast %lt3A_470 : i32 to vector<16xi32>
      %lt3A_472 = arith.cmpi slt, %sub3A_466, %lt3A_471 : vector<16xi32>
      %and3A_473 = arith.andi %ge3A_469, %lt3A_472 : vector<16xi1>
      %jit3A_474 = arith.constant 5120 : i32
      %broadcast_in_dim3A_475 = vector.broadcast %jit3A_474 : i32 to vector<16xi32>
      %select_n3A_476 = arith.select %and3A_473, %sub3A_466, %broadcast_in_dim3A_475 : vector<16xi1>, vector<16xi32>
      %swap3A_477 = arith.constant 0 : index
      %swap3A_478 = tpu.vector_load %arg12[%swap3A_477] {strides = array<i32>} : memref<80xi32, #tpu.memory_space<vmem>>, vector<16xi32>,
      %swap3A_479 = vector.shape_cast %swap3A_478 : vector<16xi32> to vector<16xi32>
      %swap3A_480 = vector.shape_cast %select_n3A_476 : vector<16xi32> to vector<16xi32>
      tpu.vector_store %arg12[%swap3A_477], %swap3A_480 {strides = array<i32>} : memref<80xi32, #tpu.memory_space<vmem>>, vector<16xi32>,
      %get3A_481 = arith.constant 336 : index
      %get3A_482 = tpu.vector_load %arg7[%get3A_481] {strides = array<i32>} : memref<400xi32, #tpu.memory_space<vmem>>, vector<16xi32>,
      %get3A_483 = vector.shape_cast %get3A_482 : vector<16xi32> to vector<16xi32>
      %sub3A_484 = arith.constant 0 : i32
      %sub3A_485 = vector.broadcast %sub3A_484 : i32 to vector<16xi32>
      %sub3A_486 = arith.subi %get3A_483, %sub3A_485 : vector<16xi32>
      %ge3A_487 = arith.constant 0 : i32
      %ge3A_488 = vector.broadcast %ge3A_487 : i32 to vector<16xi32>
      %ge3A_489 = arith.cmpi sge, %sub3A_486, %ge3A_488 : vector<16xi32>
      %lt3A_490 = arith.constant 5120 : i32
      %lt3A_491 = vector.broadcast %lt3A_490 : i32 to vector<16xi32>
      %lt3A_492 = arith.cmpi slt, %sub3A_486, %lt3A_491 : vector<16xi32>
      %and3A_493 = arith.andi %ge3A_489, %lt3A_492 : vector<16xi1>
      %jit3A_494 = arith.constant 5120 : i32
      %broadcast_in_dim3A_495 = vector.broadcast %jit3A_494 : i32 to vector<16xi32>
      %select_n3A_496 = arith.select %and3A_493, %sub3A_486, %broadcast_in_dim3A_495 : vector<16xi1>, vector<16xi32>
      %swap3A_497 = arith.constant 16 : index
      %swap3A_498 = tpu.vector_load %arg12[%swap3A_497] {strides = array<i32>} : memref<80xi32, #tpu.memory_space<vmem>>, vector<16xi32>,
      %swap3A_499 = vector.shape_cast %swap3A_498 : vector<16xi32> to vector<16xi32>
      %swap3A_500 = vector.shape_cast %select_n3A_496 : vector<16xi32> to vector<16xi32>
      tpu.vector_store %arg12[%swap3A_497], %swap3A_500 {strides = array<i32>} : memref<80xi32, #tpu.memory_space<vmem>>, vector<16xi32>,
      %get3A_501 = arith.constant 352 : index
      %get3A_502 = tpu.vector_load %arg7[%get3A_501] {strides = array<i32>} : memref<400xi32, #tpu.memory_space<vmem>>, vector<16xi32>,
      %get3A_503 = vector.shape_cast %get3A_502 : vector<16xi32> to vector<16xi32>
      %sub3A_504 = arith.constant 0 : i32
      %sub3A_505 = vector.broadcast %sub3A_504 : i32 to vector<16xi32>
      %sub3A_506 = arith.subi %get3A_503, %sub3A_505 : vector<16xi32>
      %ge3A_507 = arith.constant 0 : i32
      %ge3A_508 = vector.broadcast %ge3A_507 : i32 to vector<16xi32>
      %ge3A_509 = arith.cmpi sge, %sub3A_506, %ge3A_508 : vector<16xi32>
      %lt3A_510 = arith.constant 5120 : i32
      %lt3A_511 = vector.broadcast %lt3A_510 : i32 to vector<16xi32>
      %lt3A_512 = arith.cmpi slt, %sub3A_506, %lt3A_511 : vector<16xi32>
      %and3A_513 = arith.andi %ge3A_509, %lt3A_512 : vector<16xi1>
      %jit3A_514 = arith.constant 5120 : i32
      %broadcast_in_dim3A_515 = vector.broadcast %jit3A_514 : i32 to vector<16xi32>
      %select_n3A_516 = arith.select %and3A_513, %sub3A_506, %broadcast_in_dim3A_515 : vector<16xi1>, vector<16xi32>
      %swap3A_517 = arith.constant 32 : index
      %swap3A_518 = tpu.vector_load %arg12[%swap3A_517] {strides = array<i32>} : memref<80xi32, #tpu.memory_space<vmem>>, vector<16xi32>,
      %swap3A_519 = vector.shape_cast %swap3A_518 : vector<16xi32> to vector<16xi32>
      %swap3A_520 = vector.shape_cast %select_n3A_516 : vector<16xi32> to vector<16xi32>
      tpu.vector_store %arg12[%swap3A_517], %swap3A_520 {strides = array<i32>} : memref<80xi32, #tpu.memory_space<vmem>>, vector<16xi32>,
      %get3A_521 = arith.constant 368 : index
      %get3A_522 = tpu.vector_load %arg7[%get3A_521] {strides = array<i32>} : memref<400xi32, #tpu.memory_space<vmem>>, vector<16xi32>,
      %get3A_523 = vector.shape_cast %get3A_522 : vector<16xi32> to vector<16xi32>
      %sub3A_524 = arith.constant 0 : i32
      %sub3A_525 = vector.broadcast %sub3A_524 : i32 to vector<16xi32>
      %sub3A_526 = arith.subi %get3A_523, %sub3A_525 : vector<16xi32>
      %ge3A_527 = arith.constant 0 : i32
      %ge3A_528 = vector.broadcast %ge3A_527 : i32 to vector<16xi32>
      %ge3A_529 = arith.cmpi sge, %sub3A_526, %ge3A_528 : vector<16xi32>
      %lt3A_530 = arith.constant 5120 : i32
      %lt3A_531 = vector.broadcast %lt3A_530 : i32 to vector<16xi32>
      %lt3A_532 = arith.cmpi slt, %sub3A_526, %lt3A_531 : vector<16xi32>
      %and3A_533 = arith.andi %ge3A_529, %lt3A_532 : vector<16xi1>
      %jit3A_534 = arith.constant 5120 : i32
      %broadcast_in_dim3A_535 = vector.broadcast %jit3A_534 : i32 to vector<16xi32>
      %select_n3A_536 = arith.select %and3A_533, %sub3A_526, %broadcast_in_dim3A_535 : vector<16xi1>, vector<16xi32>
      %swap3A_537 = arith.constant 48 : index
      %swap3A_538 = tpu.vector_load %arg12[%swap3A_537] {strides = array<i32>} : memref<80xi32, #tpu.memory_space<vmem>>, vector<16xi32>,
      %swap3A_539 = vector.shape_cast %swap3A_538 : vector<16xi32> to vector<16xi32>
      %swap3A_540 = vector.shape_cast %select_n3A_536 : vector<16xi32> to vector<16xi32>
      tpu.vector_store %arg12[%swap3A_537], %swap3A_540 {strides = array<i32>} : memref<80xi32, #tpu.memory_space<vmem>>, vector<16xi32>,
      %get3A_541 = arith.constant 384 : index
      %get3A_542 = tpu.vector_load %arg7[%get3A_541] {strides = array<i32>} : memref<400xi32, #tpu.memory_space<vmem>>, vector<16xi32>,
      %get3A_543 = vector.shape_cast %get3A_542 : vector<16xi32> to vector<16xi32>
      %sub3A_544 = arith.constant 0 : i32
      %sub3A_545 = vector.broadcast %sub3A_544 : i32 to vector<16xi32>
      %sub3A_546 = arith.subi %get3A_543, %sub3A_545 : vector<16xi32>
      %ge3A_547 = arith.constant 0 : i32
      %ge3A_548 = vector.broadcast %ge3A_547 : i32 to vector<16xi32>
      %ge3A_549 = arith.cmpi sge, %sub3A_546, %ge3A_548 : vector<16xi32>
      %lt3A_550 = arith.constant 5120 : i32
      %lt3A_551 = vector.broadcast %lt3A_550 : i32 to vector<16xi32>
      %lt3A_552 = arith.cmpi slt, %sub3A_546, %lt3A_551 : vector<16xi32>
      %and3A_553 = arith.andi %ge3A_549, %lt3A_552 : vector<16xi1>
      %jit3A_554 = arith.constant 5120 : i32
      %broadcast_in_dim3A_555 = vector.broadcast %jit3A_554 : i32 to vector<16xi32>
      %select_n3A_556 = arith.select %and3A_553, %sub3A_546, %broadcast_in_dim3A_555 : vector<16xi1>, vector<16xi32>
      %swap3A_557 = arith.constant 64 : index
      %swap3A_558 = tpu.vector_load %arg12[%swap3A_557] {strides = array<i32>} : memref<80xi32, #tpu.memory_space<vmem>>, vector<16xi32>,
      %swap3A_559 = vector.shape_cast %swap3A_558 : vector<16xi32> to vector<16xi32>
      %swap3A_560 = vector.shape_cast %select_n3A_556 : vector<16xi32> to vector<16xi32>
      tpu.vector_store %arg12[%swap3A_557], %swap3A_560 {strides = array<i32>} : memref<80xi32, #tpu.memory_space<vmem>>, vector<16xi32>,
      %dma_start3A = arith.constant 0 : i32
      %dma_start3A_561 = arith.constant 0 : i32
      %dma_start3A_562 = tpu.memref_slice %arg13[%dma_start3A, %dma_start3A_561] : memref<400x128xf32, #tpu.memory_space<vmem>> -> memref<80x128xf32, #tpu.memory_space<vmem>>
      %dma_start3A_563 = arith.constant 0 : i32
      %dma_start3A_564 = arith.constant 0 : i32
      %dma_start3A_565 = tpu.memref_slice %arg14[%dma_start3A_563, %dma_start3A_564] : memref<5632x128xf32, #tpu.memory_space<vmem_shared>> -> memref<5632x128xf32, #tpu.memory_space<vmem_shared>>
      tpu.enqueue_indirect_dma source(%dma_start3A_562 : memref<80x128xf32, #tpu.memory_space<vmem>>) target(%dma_start3A_565 : memref<5632x128xf32, #tpu.memory_space<vmem_shared>>) offsets(%arg8 : memref<80xi32, #tpu.memory_space<vmem>>) semaphore(%arg15 : memref<!tpu.dma_semaphore, #tpu.memory_space<semaphore_mem>>) {add = true}
      %dma_start3A_566 = arith.constant 80 : i32
      %dma_start3A_567 = arith.constant 0 : i32
      %dma_start3A_568 = tpu.memref_slice %arg13[%dma_start3A_566, %dma_start3A_567] : memref<400x128xf32, #tpu.memory_space<vmem>> -> memref<80x128xf32, #tpu.memory_space<vmem>>
      %dma_start3A_569 = arith.constant 0 : i32
      %dma_start3A_570 = arith.constant 0 : i32
      %dma_start3A_571 = tpu.memref_slice %arg14[%dma_start3A_569, %dma_start3A_570] : memref<5632x128xf32, #tpu.memory_space<vmem_shared>> -> memref<5632x128xf32, #tpu.memory_space<vmem_shared>>
      tpu.enqueue_indirect_dma source(%dma_start3A_568 : memref<80x128xf32, #tpu.memory_space<vmem>>) target(%dma_start3A_571 : memref<5632x128xf32, #tpu.memory_space<vmem_shared>>) offsets(%arg9 : memref<80xi32, #tpu.memory_space<vmem>>) semaphore(%arg15 : memref<!tpu.dma_semaphore, #tpu.memory_space<semaphore_mem>>) {add = true}
      %dma_start3A_572 = arith.constant 160 : i32
      %dma_start3A_573 = arith.constant 0 : i32
      %dma_start3A_574 = tpu.memref_slice %arg13[%dma_start3A_572, %dma_start3A_573] : memref<400x128xf32, #tpu.memory_space<vmem>> -> memref<80x128xf32, #tpu.memory_space<vmem>>
      %dma_start3A_575 = arith.constant 0 : i32
      %dma_start3A_576 = arith.constant 0 : i32
      %dma_start3A_577 = tpu.memref_slice %arg14[%dma_start3A_575, %dma_start3A_576] : memref<5632x128xf32, #tpu.memory_space<vmem_shared>> -> memref<5632x128xf32, #tpu.memory_space<vmem_shared>>
      tpu.enqueue_indirect_dma source(%dma_start3A_574 : memref<80x128xf32, #tpu.memory_space<vmem>>) target(%dma_start3A_577 : memref<5632x128xf32, #tpu.memory_space<vmem_shared>>) offsets(%arg10 : memref<80xi32, #tpu.memory_space<vmem>>) semaphore(%arg15 : memref<!tpu.dma_semaphore, #tpu.memory_space<semaphore_mem>>) {add = true}
      %dma_start3A_578 = arith.constant 240 : i32
      %dma_start3A_579 = arith.constant 0 : i32
      %dma_start3A_580 = tpu.memref_slice %arg13[%dma_start3A_578, %dma_start3A_579] : memref<400x128xf32, #tpu.memory_space<vmem>> -> memref<80x128xf32, #tpu.memory_space<vmem>>
      %dma_start3A_581 = arith.constant 0 : i32
      %dma_start3A_582 = arith.constant 0 : i32
      %dma_start3A_583 = tpu.memref_slice %arg14[%dma_start3A_581, %dma_start3A_582] : memref<5632x128xf32, #tpu.memory_space<vmem_shared>> -> memref<5632x128xf32, #tpu.memory_space<vmem_shared>>
      tpu.enqueue_indirect_dma source(%dma_start3A_580 : memref<80x128xf32, #tpu.memory_space<vmem>>) target(%dma_start3A_583 : memref<5632x128xf32, #tpu.memory_space<vmem_shared>>) offsets(%arg11 : memref<80xi32, #tpu.memory_space<vmem>>) semaphore(%arg15 : memref<!tpu.dma_semaphore, #tpu.memory_space<semaphore_mem>>) {add = true}
      %dma_start3A_584 = arith.constant 320 : i32
      %dma_start3A_585 = arith.constant 0 : i32
      %dma_start3A_586 = tpu.memref_slice %arg13[%dma_start3A_584, %dma_start3A_585] : memref<400x128xf32, #tpu.memory_space<vmem>> -> memref<80x128xf32, #tpu.memory_space<vmem>>
      %dma_start3A_587 = arith.constant 0 : i32
      %dma_start3A_588 = arith.constant 0 : i32
      %dma_start3A_589 = tpu.memref_slice %arg14[%dma_start3A_587, %dma_start3A_588] : memref<5632x128xf32, #tpu.memory_space<vmem_shared>> -> memref<5632x128xf32, #tpu.memory_space<vmem_shared>>
      tpu.enqueue_indirect_dma source(%dma_start3A_586 : memref<80x128xf32, #tpu.memory_space<vmem>>) target(%dma_start3A_589 : memref<5632x128xf32, #tpu.memory_space<vmem_shared>>) offsets(%arg12 : memref<80xi32, #tpu.memory_space<vmem>>) semaphore(%arg15 : memref<!tpu.dma_semaphore, #tpu.memory_space<semaphore_mem>>) {add = true}
      %dma_wait3A = arith.constant 0 : i32
      %dma_wait3A_590 = arith.constant 0 : i32
      %dma_wait3A_591 = tpu.memref_slice %arg13[%dma_wait3A, %dma_wait3A_590] : memref<400x128xf32, #tpu.memory_space<vmem>> -> memref<80x128xf32, #tpu.memory_space<vmem>>
      %dma_wait3A_592 = arith.constant 0 : i32
      %dma_wait3A_593 = arith.constant 0 : i32
      %dma_wait3A_594 = tpu.memref_slice %arg14[%dma_wait3A_592, %dma_wait3A_593] : memref<5632x128xf32, #tpu.memory_space<vmem_shared>> -> memref<5632x128xf32, #tpu.memory_space<vmem_shared>>
      tpu.wait_indirect_dma semaphore(%arg15 : memref<!tpu.dma_semaphore, #tpu.memory_space<semaphore_mem>>) src(%dma_wait3A_591 : memref<80x128xf32, #tpu.memory_space<vmem>>) dst(%dma_wait3A_594 : memref<5632x128xf32, #tpu.memory_space<vmem_shared>>)
      %dma_wait3A_595 = arith.constant 80 : i32
      %dma_wait3A_596 = arith.constant 0 : i32
      %dma_wait3A_597 = tpu.memref_slice %arg13[%dma_wait3A_595, %dma_wait3A_596] : memref<400x128xf32, #tpu.memory_space<vmem>> -> memref<80x128xf32, #tpu.memory_space<vmem>>
      %dma_wait3A_598 = arith.constant 0 : i32
      %dma_wait3A_599 = arith.constant 0 : i32
      %dma_wait3A_600 = tpu.memref_slice %arg14[%dma_wait3A_598, %dma_wait3A_599] : memref<5632x128xf32, #tpu.memory_space<vmem_shared>> -> memref<5632x128xf32, #tpu.memory_space<vmem_shared>>
      tpu.wait_indirect_dma semaphore(%arg15 : memref<!tpu.dma_semaphore, #tpu.memory_space<semaphore_mem>>) src(%dma_wait3A_597 : memref<80x128xf32, #tpu.memory_space<vmem>>) dst(%dma_wait3A_600 : memref<5632x128xf32, #tpu.memory_space<vmem_shared>>)
      %dma_wait3A_601 = arith.constant 160 : i32
      %dma_wait3A_602 = arith.constant 0 : i32
      %dma_wait3A_603 = tpu.memref_slice %arg13[%dma_wait3A_601, %dma_wait3A_602] : memref<400x128xf32, #tpu.memory_space<vmem>> -> memref<80x128xf32, #tpu.memory_space<vmem>>
      %dma_wait3A_604 = arith.constant 0 : i32
      %dma_wait3A_605 = arith.constant 0 : i32
      %dma_wait3A_606 = tpu.memref_slice %arg14[%dma_wait3A_604, %dma_wait3A_605] : memref<5632x128xf32, #tpu.memory_space<vmem_shared>> -> memref<5632x128xf32, #tpu.memory_space<vmem_shared>>
      tpu.wait_indirect_dma semaphore(%arg15 : memref<!tpu.dma_semaphore, #tpu.memory_space<semaphore_mem>>) src(%dma_wait3A_603 : memref<80x128xf32, #tpu.memory_space<vmem>>) dst(%dma_wait3A_606 : memref<5632x128xf32, #tpu.memory_space<vmem_shared>>)
      %dma_wait3A_607 = arith.constant 240 : i32
      %dma_wait3A_608 = arith.constant 0 : i32
      %dma_wait3A_609 = tpu.memref_slice %arg13[%dma_wait3A_607, %dma_wait3A_608] : memref<400x128xf32, #tpu.memory_space<vmem>> -> memref<80x128xf32, #tpu.memory_space<vmem>>
      %dma_wait3A_610 = arith.constant 0 : i32
      %dma_wait3A_611 = arith.constant 0 : i32
      %dma_wait3A_612 = tpu.memref_slice %arg14[%dma_wait3A_610, %dma_wait3A_611] : memref<5632x128xf32, #tpu.memory_space<vmem_shared>> -> memref<5632x128xf32, #tpu.memory_space<vmem_shared>>
      tpu.wait_indirect_dma semaphore(%arg15 : memref<!tpu.dma_semaphore, #tpu.memory_space<semaphore_mem>>) src(%dma_wait3A_609 : memref<80x128xf32, #tpu.memory_space<vmem>>) dst(%dma_wait3A_612 : memref<5632x128xf32, #tpu.memory_space<vmem_shared>>)
      %dma_wait3A_613 = arith.constant 320 : i32
      %dma_wait3A_614 = arith.constant 0 : i32
      %dma_wait3A_615 = tpu.memref_slice %arg13[%dma_wait3A_613, %dma_wait3A_614] : memref<400x128xf32, #tpu.memory_space<vmem>> -> memref<80x128xf32, #tpu.memory_space<vmem>>
      %dma_wait3A_616 = arith.constant 0 : i32
      %dma_wait3A_617 = arith.constant 0 : i32
      %dma_wait3A_618 = tpu.memref_slice %arg14[%dma_wait3A_616, %dma_wait3A_617] : memref<5632x128xf32, #tpu.memory_space<vmem_shared>> -> memref<5632x128xf32, #tpu.memory_space<vmem_shared>>
      tpu.wait_indirect_dma semaphore(%arg15 : memref<!tpu.dma_semaphore, #tpu.memory_space<semaphore_mem>>) src(%dma_wait3A_615 : memref<80x128xf32, #tpu.memory_space<vmem>>) dst(%dma_wait3A_618 : memref<5632x128xf32, #tpu.memory_space<vmem_shared>>)
    }
    %scan3A_13 = arith.constant 50 : i32
    %barrier3A_14 = arith.constant 0 : index
    tpu.barrier barrier_id(%barrier3A_14)
    %add3A_15 = arith.addi %mul3A_8, %multiple_of3A : i32
    %multiple_of3A_16 = tpu.assume_multiple %add3A_15, 8 : i32
    "tpu.region"() ({
      %run_scoped3A = tpu.sem_alloc : memref<!tpu.dma_semaphore, #tpu.memory_space<semaphore_mem>>
      %dma_start3A = arith.constant 0 : i32
      %dma_start3A_55 = tpu.memref_slice %arg5[%multiple_of3A_16, %dma_start3A] : memref<22528x128xf32, #tpu.memory_space<hbm>> -> memref<352x128xf32, #tpu.memory_space<hbm>>
      %dma_start3A_56 = arith.constant 0 : i32
      %dma_start3A_57 = tpu.memref_slice %arg14[%multiple_of3A, %dma_start3A_56] : memref<5632x128xf32, #tpu.memory_space<vmem_shared>> -> memref<352x128xf32, #tpu.memory_space<vmem_shared>>
      tpu.enqueue_dma source(%dma_start3A_57 : memref<352x128xf32, #tpu.memory_space<vmem_shared>>) target(%dma_start3A_55 : memref<352x128xf32, #tpu.memory_space<hbm>>) target_semaphore(%run_scoped3A : memref<!tpu.dma_semaphore, #tpu.memory_space<semaphore_mem>>)
      %dma_wait3A = arith.constant 0 : i32
      %dma_wait3A_58 = tpu.memref_slice %arg5[%multiple_of3A_16, %dma_wait3A] : memref<22528x128xf32, #tpu.memory_space<hbm>> -> memref<352x128xf32, #tpu.memory_space<hbm>>
      %dma_wait3A_59 = arith.constant 0 : i32
      %dma_wait3A_60 = tpu.memref_slice %arg14[%multiple_of3A, %dma_wait3A_59] : memref<5632x128xf32, #tpu.memory_space<vmem_shared>> -> memref<352x128xf32, #tpu.memory_space<vmem_shared>>
      tpu.wait_dma2 semaphore(%run_scoped3A : memref<!tpu.dma_semaphore, #tpu.memory_space<semaphore_mem>>) src(%dma_wait3A_60 : memref<352x128xf32, #tpu.memory_space<vmem_shared>>) dst(%dma_wait3A_58 : memref<352x128xf32, #tpu.memory_space<hbm>>)
      tpu.yield
    }) : () -> ()
    %mul3A_17 = arith.constant 320000 : i32
    %mul3A_18 = arith.muli %arg0, %mul3A_17 : i32
    %mul3A_19 = arith.constant 2 : i32
    %mul3A_20 = arith.muli %arg0, %mul3A_19 : i32
    %add3A_21 = arith.constant 1 : i32
    %add3A_22 = arith.addi %mul3A_20, %add3A_21 : i32
    %mul3A_23 = arith.constant 5632 : i32
    %mul3A_24 = arith.muli %add3A_22, %mul3A_23 : i32
    "tpu.region"() ({
      %run_scoped3A = tpu.sem_alloc : memref<!tpu.dma_semaphore, #tpu.memory_space<semaphore_mem>>
      %dma_start3A = arith.constant 0 : i32
      %dma_start3A_55 = tpu.memref_slice %arg14[%multiple_of3A, %dma_start3A] : memref<5632x128xf32, #tpu.memory_space<vmem_shared>> -> memref<352x128xf32, #tpu.memory_space<vmem_shared>>
      %dma_start3A_56 = arith.constant 0 : i32
      %dma_start3A_57 = tpu.memref_slice %arg4[%multiple_of3A, %dma_start3A_56] : memref<5632x128xf32, #tpu.memory_space<hbm>> -> memref<352x128xf32, #tpu.memory_space<hbm>>
      tpu.enqueue_dma source(%dma_start3A_57 : memref<352x128xf32, #tpu.memory_space<hbm>>) target(%dma_start3A_55 : memref<352x128xf32, #tpu.memory_space<vmem_shared>>) target_semaphore(%run_scoped3A : memref<!tpu.dma_semaphore, #tpu.memory_space<semaphore_mem>>)
      %dma_wait3A = arith.constant 0 : i32
      %dma_wait3A_58 = tpu.memref_slice %arg14[%multiple_of3A, %dma_wait3A] : memref<5632x128xf32, #tpu.memory_space<vmem_shared>> -> memref<352x128xf32, #tpu.memory_space<vmem_shared>>
      %dma_wait3A_59 = arith.constant 0 : i32
      %dma_wait3A_60 = tpu.memref_slice %arg4[%multiple_of3A, %dma_wait3A_59] : memref<5632x128xf32, #tpu.memory_space<hbm>> -> memref<352x128xf32, #tpu.memory_space<hbm>>
      tpu.wait_dma2 semaphore(%run_scoped3A : memref<!tpu.dma_semaphore, #tpu.memory_space<semaphore_mem>>) src(%dma_wait3A_60 : memref<352x128xf32, #tpu.memory_space<hbm>>) dst(%dma_wait3A_58 : memref<352x128xf32, #tpu.memory_space<vmem_shared>>)
      tpu.yield
    }) : () -> ()
    %barrier3A_25 = arith.constant 0 : index
    tpu.barrier barrier_id(%barrier3A_25)
    %scan3A_26 = arith.constant 0 : i32
    %scan3A_27 = arith.constant 0 : i32
    %scan3A_28 = arith.constant 50 : i32
    %scan3A_29 = arith.addi %scan3A_27, %scan3A_28 : i32
    %scan3A_30 = arith.constant 1 : i32
    scf.for %scan3A_55 = %scan3A_27 to %scan3A_29 step %scan3A_30  : i32 {
      %mul3A_56 = arith.constant 20000 : i32
      %mul3A_57 = arith.muli %arg1, %mul3A_56 : i32
      %add3A_58 = arith.addi %mul3A_18, %mul3A_57 : i32
      %mul3A_59 = arith.constant 400 : i32
      %mul3A_60 = arith.muli %scan3A_55, %mul3A_59 : i32
      %add3A_61 = arith.addi %add3A_58, %mul3A_60 : i32
      %multiple_of3A_62 = tpu.assume_multiple %add3A_61, 80 : i32
      "tpu.region"() ({
        %run_scoped3A = tpu.sem_alloc : memref<!tpu.dma_semaphore, #tpu.memory_space<semaphore_mem>>
        %dma_start3A_619 = tpu.memref_slice %arg3[%multiple_of3A_62] : memref<640000xi32, #tpu.memory_space<hbm>> -> memref<400xi32, #tpu.memory_space<hbm>>
        %dma_start3A_620 = tpu.memref_slice %arg3[%multiple_of3A_62] : memref<640000xi32, #tpu.memory_space<hbm>> -> memref<400xi32, #tpu.memory_space<hbm>>
        tpu.enqueue_dma source(%dma_start3A_620 : memref<400xi32, #tpu.memory_space<hbm>>) target(%arg7 : memref<400xi32, #tpu.memory_space<vmem>>) target_semaphore(%run_scoped3A : memref<!tpu.dma_semaphore, #tpu.memory_space<semaphore_mem>>)
        %dma_wait3A_621 = tpu.memref_slice %arg3[%multiple_of3A_62] : memref<640000xi32, #tpu.memory_space<hbm>> -> memref<400xi32, #tpu.memory_space<hbm>>
        %dma_wait3A_622 = tpu.memref_slice %arg3[%multiple_of3A_62] : memref<640000xi32, #tpu.memory_space<hbm>> -> memref<400xi32, #tpu.memory_space<hbm>>
        tpu.wait_dma2 semaphore(%run_scoped3A : memref<!tpu.dma_semaphore, #tpu.memory_space<semaphore_mem>>) src(%dma_wait3A_622 : memref<400xi32, #tpu.memory_space<hbm>>) dst(%arg7 : memref<400xi32, #tpu.memory_space<vmem>>)
        tpu.yield
      }) : () -> ()
      %mul3A_63 = arith.constant 20000 : i32
      %mul3A_64 = arith.muli %arg1, %mul3A_63 : i32
      %mul3A_65 = arith.constant 400 : i32
      %mul3A_66 = arith.muli %scan3A_55, %mul3A_65 : i32
      %add3A_67 = arith.addi %mul3A_64, %mul3A_66 : i32
      %multiple_of3A_68 = tpu.assume_multiple %add3A_67, 80 : i32
      "tpu.region"() ({
        %run_scoped3A = tpu.sem_alloc : memref<!tpu.dma_semaphore, #tpu.memory_space<semaphore_mem>>
        %dma_start3A_619 = arith.constant 0 : i32
        %dma_start3A_620 = tpu.memref_slice %arg2[%multiple_of3A_68, %dma_start3A_619] : memref<320000x128xf32, #tpu.memory_space<hbm>> -> memref<400x128xf32, #tpu.memory_space<hbm>>
        %dma_start3A_621 = arith.constant 0 : i32
        %dma_start3A_622 = tpu.memref_slice %arg2[%multiple_of3A_68, %dma_start3A_621] : memref<320000x128xf32, #tpu.memory_space<hbm>> -> memref<400x128xf32, #tpu.memory_space<hbm>>
        tpu.enqueue_dma source(%dma_start3A_622 : memref<400x128xf32, #tpu.memory_space<hbm>>) target(%arg13 : memref<400x128xf32, #tpu.memory_space<vmem>>) target_semaphore(%run_scoped3A : memref<!tpu.dma_semaphore, #tpu.memory_space<semaphore_mem>>)
        %dma_wait3A_623 = arith.constant 0 : i32
        %dma_wait3A_624 = tpu.memref_slice %arg2[%multiple_of3A_68, %dma_wait3A_623] : memref<320000x128xf32, #tpu.memory_space<hbm>> -> memref<400x128xf32, #tpu.memory_space<hbm>>
        %dma_wait3A_625 = arith.constant 0 : i32
        %dma_wait3A_626 = tpu.memref_slice %arg2[%multiple_of3A_68, %dma_wait3A_625] : memref<320000x128xf32, #tpu.memory_space<hbm>> -> memref<400x128xf32, #tpu.memory_space<hbm>>
        tpu.wait_dma2 semaphore(%run_scoped3A : memref<!tpu.dma_semaphore, #tpu.memory_space<semaphore_mem>>) src(%dma_wait3A_626 : memref<400x128xf32, #tpu.memory_space<hbm>>) dst(%arg13 : memref<400x128xf32, #tpu.memory_space<vmem>>)
        tpu.yield
      }) : () -> ()
      %get3A = arith.constant 0 : index
      %get3A_69 = tpu.vector_load %arg7[%get3A] {strides = array<i32>} : memref<400xi32, #tpu.memory_space<vmem>>, vector<16xi32>,
      %get3A_70 = vector.shape_cast %get3A_69 : vector<16xi32> to vector<16xi32>
      %sub3A = arith.constant 5120 : i32
      %sub3A_71 = vector.broadcast %sub3A : i32 to vector<16xi32>
      %sub3A_72 = arith.subi %get3A_70, %sub3A_71 : vector<16xi32>
      %ge3A = arith.constant 0 : i32
      %ge3A_73 = vector.broadcast %ge3A : i32 to vector<16xi32>
      %ge3A_74 = arith.cmpi sge, %sub3A_72, %ge3A_73 : vector<16xi32>
      %lt3A = arith.constant 5120 : i32
      %lt3A_75 = vector.broadcast %lt3A : i32 to vector<16xi32>
      %lt3A_76 = arith.cmpi slt, %sub3A_72, %lt3A_75 : vector<16xi32>
      %and3A = arith.andi %ge3A_74, %lt3A_76 : vector<16xi1>
      %jit3A = arith.constant 5120 : i32
      %broadcast_in_dim3A_77 = vector.broadcast %jit3A : i32 to vector<16xi32>
      %select_n3A = arith.select %and3A, %sub3A_72, %broadcast_in_dim3A_77 : vector<16xi1>, vector<16xi32>
      %swap3A = arith.constant 0 : index
      %swap3A_78 = tpu.vector_load %arg8[%swap3A] {strides = array<i32>} : memref<80xi32, #tpu.memory_space<vmem>>, vector<16xi32>,
      %swap3A_79 = vector.shape_cast %swap3A_78 : vector<16xi32> to vector<16xi32>
      %swap3A_80 = vector.shape_cast %select_n3A : vector<16xi32> to vector<16xi32>
      tpu.vector_store %arg8[%swap3A], %swap3A_80 {strides = array<i32>} : memref<80xi32, #tpu.memory_space<vmem>>, vector<16xi32>,
      %get3A_81 = arith.constant 16 : index
      %get3A_82 = tpu.vector_load %arg7[%get3A_81] {strides = array<i32>} : memref<400xi32, #tpu.memory_space<vmem>>, vector<16xi32>,
      %get3A_83 = vector.shape_cast %get3A_82 : vector<16xi32> to vector<16xi32>
      %sub3A_84 = arith.constant 5120 : i32
      %sub3A_85 = vector.broadcast %sub3A_84 : i32 to vector<16xi32>
      %sub3A_86 = arith.subi %get3A_83, %sub3A_85 : vector<16xi32>
      %ge3A_87 = arith.constant 0 : i32
      %ge3A_88 = vector.broadcast %ge3A_87 : i32 to vector<16xi32>
      %ge3A_89 = arith.cmpi sge, %sub3A_86, %ge3A_88 : vector<16xi32>
      %lt3A_90 = arith.constant 5120 : i32
      %lt3A_91 = vector.broadcast %lt3A_90 : i32 to vector<16xi32>
      %lt3A_92 = arith.cmpi slt, %sub3A_86, %lt3A_91 : vector<16xi32>
      %and3A_93 = arith.andi %ge3A_89, %lt3A_92 : vector<16xi1>
      %jit3A_94 = arith.constant 5120 : i32
      %broadcast_in_dim3A_95 = vector.broadcast %jit3A_94 : i32 to vector<16xi32>
      %select_n3A_96 = arith.select %and3A_93, %sub3A_86, %broadcast_in_dim3A_95 : vector<16xi1>, vector<16xi32>
      %swap3A_97 = arith.constant 16 : index
      %swap3A_98 = tpu.vector_load %arg8[%swap3A_97] {strides = array<i32>} : memref<80xi32, #tpu.memory_space<vmem>>, vector<16xi32>,
      %swap3A_99 = vector.shape_cast %swap3A_98 : vector<16xi32> to vector<16xi32>
      %swap3A_100 = vector.shape_cast %select_n3A_96 : vector<16xi32> to vector<16xi32>
      tpu.vector_store %arg8[%swap3A_97], %swap3A_100 {strides = array<i32>} : memref<80xi32, #tpu.memory_space<vmem>>, vector<16xi32>,
      %get3A_101 = arith.constant 32 : index
      %get3A_102 = tpu.vector_load %arg7[%get3A_101] {strides = array<i32>} : memref<400xi32, #tpu.memory_space<vmem>>, vector<16xi32>,
      %get3A_103 = vector.shape_cast %get3A_102 : vector<16xi32> to vector<16xi32>
      %sub3A_104 = arith.constant 5120 : i32
      %sub3A_105 = vector.broadcast %sub3A_104 : i32 to vector<16xi32>
      %sub3A_106 = arith.subi %get3A_103, %sub3A_105 : vector<16xi32>
      %ge3A_107 = arith.constant 0 : i32
      %ge3A_108 = vector.broadcast %ge3A_107 : i32 to vector<16xi32>
      %ge3A_109 = arith.cmpi sge, %sub3A_106, %ge3A_108 : vector<16xi32>
      %lt3A_110 = arith.constant 5120 : i32
      %lt3A_111 = vector.broadcast %lt3A_110 : i32 to vector<16xi32>
      %lt3A_112 = arith.cmpi slt, %sub3A_106, %lt3A_111 : vector<16xi32>
      %and3A_113 = arith.andi %ge3A_109, %lt3A_112 : vector<16xi1>
      %jit3A_114 = arith.constant 5120 : i32
      %broadcast_in_dim3A_115 = vector.broadcast %jit3A_114 : i32 to vector<16xi32>
      %select_n3A_116 = arith.select %and3A_113, %sub3A_106, %broadcast_in_dim3A_115 : vector<16xi1>, vector<16xi32>
      %swap3A_117 = arith.constant 32 : index
      %swap3A_118 = tpu.vector_load %arg8[%swap3A_117] {strides = array<i32>} : memref<80xi32, #tpu.memory_space<vmem>>, vector<16xi32>,
      %swap3A_119 = vector.shape_cast %swap3A_118 : vector<16xi32> to vector<16xi32>
      %swap3A_120 = vector.shape_cast %select_n3A_116 : vector<16xi32> to vector<16xi32>
      tpu.vector_store %arg8[%swap3A_117], %swap3A_120 {strides = array<i32>} : memref<80xi32, #tpu.memory_space<vmem>>, vector<16xi32>,
      %get3A_121 = arith.constant 48 : index
      %get3A_122 = tpu.vector_load %arg7[%get3A_121] {strides = array<i32>} : memref<400xi32, #tpu.memory_space<vmem>>, vector<16xi32>,
      %get3A_123 = vector.shape_cast %get3A_122 : vector<16xi32> to vector<16xi32>
      %sub3A_124 = arith.constant 5120 : i32
      %sub3A_125 = vector.broadcast %sub3A_124 : i32 to vector<16xi32>
      %sub3A_126 = arith.subi %get3A_123, %sub3A_125 : vector<16xi32>
      %ge3A_127 = arith.constant 0 : i32
      %ge3A_128 = vector.broadcast %ge3A_127 : i32 to vector<16xi32>
      %ge3A_129 = arith.cmpi sge, %sub3A_126, %ge3A_128 : vector<16xi32>
      %lt3A_130 = arith.constant 5120 : i32
      %lt3A_131 = vector.broadcast %lt3A_130 : i32 to vector<16xi32>
      %lt3A_132 = arith.cmpi slt, %sub3A_126, %lt3A_131 : vector<16xi32>
      %and3A_133 = arith.andi %ge3A_129, %lt3A_132 : vector<16xi1>
      %jit3A_134 = arith.constant 5120 : i32
      %broadcast_in_dim3A_135 = vector.broadcast %jit3A_134 : i32 to vector<16xi32>
      %select_n3A_136 = arith.select %and3A_133, %sub3A_126, %broadcast_in_dim3A_135 : vector<16xi1>, vector<16xi32>
      %swap3A_137 = arith.constant 48 : index
      %swap3A_138 = tpu.vector_load %arg8[%swap3A_137] {strides = array<i32>} : memref<80xi32, #tpu.memory_space<vmem>>, vector<16xi32>,
      %swap3A_139 = vector.shape_cast %swap3A_138 : vector<16xi32> to vector<16xi32>
      %swap3A_140 = vector.shape_cast %select_n3A_136 : vector<16xi32> to vector<16xi32>
      tpu.vector_store %arg8[%swap3A_137], %swap3A_140 {strides = array<i32>} : memref<80xi32, #tpu.memory_space<vmem>>, vector<16xi32>,
      %get3A_141 = arith.constant 64 : index
      %get3A_142 = tpu.vector_load %arg7[%get3A_141] {strides = array<i32>} : memref<400xi32, #tpu.memory_space<vmem>>, vector<16xi32>,
      %get3A_143 = vector.shape_cast %get3A_142 : vector<16xi32> to vector<16xi32>
      %sub3A_144 = arith.constant 5120 : i32
      %sub3A_145 = vector.broadcast %sub3A_144 : i32 to vector<16xi32>
      %sub3A_146 = arith.subi %get3A_143, %sub3A_145 : vector<16xi32>
      %ge3A_147 = arith.constant 0 : i32
      %ge3A_148 = vector.broadcast %ge3A_147 : i32 to vector<16xi32>
      %ge3A_149 = arith.cmpi sge, %sub3A_146, %ge3A_148 : vector<16xi32>
      %lt3A_150 = arith.constant 5120 : i32
      %lt3A_151 = vector.broadcast %lt3A_150 : i32 to vector<16xi32>
      %lt3A_152 = arith.cmpi slt, %sub3A_146, %lt3A_151 : vector<16xi32>
      %and3A_153 = arith.andi %ge3A_149, %lt3A_152 : vector<16xi1>
      %jit3A_154 = arith.constant 5120 : i32
      %broadcast_in_dim3A_155 = vector.broadcast %jit3A_154 : i32 to vector<16xi32>
      %select_n3A_156 = arith.select %and3A_153, %sub3A_146, %broadcast_in_dim3A_155 : vector<16xi1>, vector<16xi32>
      %swap3A_157 = arith.constant 64 : index
      %swap3A_158 = tpu.vector_load %arg8[%swap3A_157] {strides = array<i32>} : memref<80xi32, #tpu.memory_space<vmem>>, vector<16xi32>,
      %swap3A_159 = vector.shape_cast %swap3A_158 : vector<16xi32> to vector<16xi32>
      %swap3A_160 = vector.shape_cast %select_n3A_156 : vector<16xi32> to vector<16xi32>
      tpu.vector_store %arg8[%swap3A_157], %swap3A_160 {strides = array<i32>} : memref<80xi32, #tpu.memory_space<vmem>>, vector<16xi32>,
      %get3A_161 = arith.constant 80 : index
      %get3A_162 = tpu.vector_load %arg7[%get3A_161] {strides = array<i32>} : memref<400xi32, #tpu.memory_space<vmem>>, vector<16xi32>,
      %get3A_163 = vector.shape_cast %get3A_162 : vector<16xi32> to vector<16xi32>
      %sub3A_164 = arith.constant 5120 : i32
      %sub3A_165 = vector.broadcast %sub3A_164 : i32 to vector<16xi32>
      %sub3A_166 = arith.subi %get3A_163, %sub3A_165 : vector<16xi32>
      %ge3A_167 = arith.constant 0 : i32
      %ge3A_168 = vector.broadcast %ge3A_167 : i32 to vector<16xi32>
      %ge3A_169 = arith.cmpi sge, %sub3A_166, %ge3A_168 : vector<16xi32>
      %lt3A_170 = arith.constant 5120 : i32
      %lt3A_171 = vector.broadcast %lt3A_170 : i32 to vector<16xi32>
      %lt3A_172 = arith.cmpi slt, %sub3A_166, %lt3A_171 : vector<16xi32>
      %and3A_173 = arith.andi %ge3A_169, %lt3A_172 : vector<16xi1>
      %jit3A_174 = arith.constant 5120 : i32
      %broadcast_in_dim3A_175 = vector.broadcast %jit3A_174 : i32 to vector<16xi32>
      %select_n3A_176 = arith.select %and3A_173, %sub3A_166, %broadcast_in_dim3A_175 : vector<16xi1>, vector<16xi32>
      %swap3A_177 = arith.constant 0 : index
      %swap3A_178 = tpu.vector_load %arg9[%swap3A_177] {strides = array<i32>} : memref<80xi32, #tpu.memory_space<vmem>>, vector<16xi32>,
      %swap3A_179 = vector.shape_cast %swap3A_178 : vector<16xi32> to vector<16xi32>
      %swap3A_180 = vector.shape_cast %select_n3A_176 : vector<16xi32> to vector<16xi32>
      tpu.vector_store %arg9[%swap3A_177], %swap3A_180 {strides = array<i32>} : memref<80xi32, #tpu.memory_space<vmem>>, vector<16xi32>,
      %get3A_181 = arith.constant 96 : index
      %get3A_182 = tpu.vector_load %arg7[%get3A_181] {strides = array<i32>} : memref<400xi32, #tpu.memory_space<vmem>>, vector<16xi32>,
      %get3A_183 = vector.shape_cast %get3A_182 : vector<16xi32> to vector<16xi32>
      %sub3A_184 = arith.constant 5120 : i32
      %sub3A_185 = vector.broadcast %sub3A_184 : i32 to vector<16xi32>
      %sub3A_186 = arith.subi %get3A_183, %sub3A_185 : vector<16xi32>
      %ge3A_187 = arith.constant 0 : i32
      %ge3A_188 = vector.broadcast %ge3A_187 : i32 to vector<16xi32>
      %ge3A_189 = arith.cmpi sge, %sub3A_186, %ge3A_188 : vector<16xi32>
      %lt3A_190 = arith.constant 5120 : i32
      %lt3A_191 = vector.broadcast %lt3A_190 : i32 to vector<16xi32>
      %lt3A_192 = arith.cmpi slt, %sub3A_186, %lt3A_191 : vector<16xi32>
      %and3A_193 = arith.andi %ge3A_189, %lt3A_192 : vector<16xi1>
      %jit3A_194 = arith.constant 5120 : i32
      %broadcast_in_dim3A_195 = vector.broadcast %jit3A_194 : i32 to vector<16xi32>
      %select_n3A_196 = arith.select %and3A_193, %sub3A_186, %broadcast_in_dim3A_195 : vector<16xi1>, vector<16xi32>
      %swap3A_197 = arith.constant 16 : index
      %swap3A_198 = tpu.vector_load %arg9[%swap3A_197] {strides = array<i32>} : memref<80xi32, #tpu.memory_space<vmem>>, vector<16xi32>,
      %swap3A_199 = vector.shape_cast %swap3A_198 : vector<16xi32> to vector<16xi32>
      %swap3A_200 = vector.shape_cast %select_n3A_196 : vector<16xi32> to vector<16xi32>
      tpu.vector_store %arg9[%swap3A_197], %swap3A_200 {strides = array<i32>} : memref<80xi32, #tpu.memory_space<vmem>>, vector<16xi32>,
      %get3A_201 = arith.constant 112 : index
      %get3A_202 = tpu.vector_load %arg7[%get3A_201] {strides = array<i32>} : memref<400xi32, #tpu.memory_space<vmem>>, vector<16xi32>,
      %get3A_203 = vector.shape_cast %get3A_202 : vector<16xi32> to vector<16xi32>
      %sub3A_204 = arith.constant 5120 : i32
      %sub3A_205 = vector.broadcast %sub3A_204 : i32 to vector<16xi32>
      %sub3A_206 = arith.subi %get3A_203, %sub3A_205 : vector<16xi32>
      %ge3A_207 = arith.constant 0 : i32
      %ge3A_208 = vector.broadcast %ge3A_207 : i32 to vector<16xi32>
      %ge3A_209 = arith.cmpi sge, %sub3A_206, %ge3A_208 : vector<16xi32>
      %lt3A_210 = arith.constant 5120 : i32
      %lt3A_211 = vector.broadcast %lt3A_210 : i32 to vector<16xi32>
      %lt3A_212 = arith.cmpi slt, %sub3A_206, %lt3A_211 : vector<16xi32>
      %and3A_213 = arith.andi %ge3A_209, %lt3A_212 : vector<16xi1>
      %jit3A_214 = arith.constant 5120 : i32
      %broadcast_in_dim3A_215 = vector.broadcast %jit3A_214 : i32 to vector<16xi32>
      %select_n3A_216 = arith.select %and3A_213, %sub3A_206, %broadcast_in_dim3A_215 : vector<16xi1>, vector<16xi32>
      %swap3A_217 = arith.constant 32 : index
      %swap3A_218 = tpu.vector_load %arg9[%swap3A_217] {strides = array<i32>} : memref<80xi32, #tpu.memory_space<vmem>>, vector<16xi32>,
      %swap3A_219 = vector.shape_cast %swap3A_218 : vector<16xi32> to vector<16xi32>
      %swap3A_220 = vector.shape_cast %select_n3A_216 : vector<16xi32> to vector<16xi32>
      tpu.vector_store %arg9[%swap3A_217], %swap3A_220 {strides = array<i32>} : memref<80xi32, #tpu.memory_space<vmem>>, vector<16xi32>,
      %get3A_221 = arith.constant 128 : index
      %get3A_222 = tpu.vector_load %arg7[%get3A_221] {strides = array<i32>} : memref<400xi32, #tpu.memory_space<vmem>>, vector<16xi32>,
      %get3A_223 = vector.shape_cast %get3A_222 : vector<16xi32> to vector<16xi32>
      %sub3A_224 = arith.constant 5120 : i32
      %sub3A_225 = vector.broadcast %sub3A_224 : i32 to vector<16xi32>
      %sub3A_226 = arith.subi %get3A_223, %sub3A_225 : vector<16xi32>
      %ge3A_227 = arith.constant 0 : i32
      %ge3A_228 = vector.broadcast %ge3A_227 : i32 to vector<16xi32>
      %ge3A_229 = arith.cmpi sge, %sub3A_226, %ge3A_228 : vector<16xi32>
      %lt3A_230 = arith.constant 5120 : i32
      %lt3A_231 = vector.broadcast %lt3A_230 : i32 to vector<16xi32>
      %lt3A_232 = arith.cmpi slt, %sub3A_226, %lt3A_231 : vector<16xi32>
      %and3A_233 = arith.andi %ge3A_229, %lt3A_232 : vector<16xi1>
      %jit3A_234 = arith.constant 5120 : i32
      %broadcast_in_dim3A_235 = vector.broadcast %jit3A_234 : i32 to vector<16xi32>
      %select_n3A_236 = arith.select %and3A_233, %sub3A_226, %broadcast_in_dim3A_235 : vector<16xi1>, vector<16xi32>
      %swap3A_237 = arith.constant 48 : index
      %swap3A_238 = tpu.vector_load %arg9[%swap3A_237] {strides = array<i32>} : memref<80xi32, #tpu.memory_space<vmem>>, vector<16xi32>,
      %swap3A_239 = vector.shape_cast %swap3A_238 : vector<16xi32> to vector<16xi32>
      %swap3A_240 = vector.shape_cast %select_n3A_236 : vector<16xi32> to vector<16xi32>
      tpu.vector_store %arg9[%swap3A_237], %swap3A_240 {strides = array<i32>} : memref<80xi32, #tpu.memory_space<vmem>>, vector<16xi32>,
      %get3A_241 = arith.constant 144 : index
      %get3A_242 = tpu.vector_load %arg7[%get3A_241] {strides = array<i32>} : memref<400xi32, #tpu.memory_space<vmem>>, vector<16xi32>,
      %get3A_243 = vector.shape_cast %get3A_242 : vector<16xi32> to vector<16xi32>
      %sub3A_244 = arith.constant 5120 : i32
      %sub3A_245 = vector.broadcast %sub3A_244 : i32 to vector<16xi32>
      %sub3A_246 = arith.subi %get3A_243, %sub3A_245 : vector<16xi32>
      %ge3A_247 = arith.constant 0 : i32
      %ge3A_248 = vector.broadcast %ge3A_247 : i32 to vector<16xi32>
      %ge3A_249 = arith.cmpi sge, %sub3A_246, %ge3A_248 : vector<16xi32>
      %lt3A_250 = arith.constant 5120 : i32
      %lt3A_251 = vector.broadcast %lt3A_250 : i32 to vector<16xi32>
      %lt3A_252 = arith.cmpi slt, %sub3A_246, %lt3A_251 : vector<16xi32>
      %and3A_253 = arith.andi %ge3A_249, %lt3A_252 : vector<16xi1>
      %jit3A_254 = arith.constant 5120 : i32
      %broadcast_in_dim3A_255 = vector.broadcast %jit3A_254 : i32 to vector<16xi32>
      %select_n3A_256 = arith.select %and3A_253, %sub3A_246, %broadcast_in_dim3A_255 : vector<16xi1>, vector<16xi32>
      %swap3A_257 = arith.constant 64 : index
      %swap3A_258 = tpu.vector_load %arg9[%swap3A_257] {strides = array<i32>} : memref<80xi32, #tpu.memory_space<vmem>>, vector<16xi32>,
      %swap3A_259 = vector.shape_cast %swap3A_258 : vector<16xi32> to vector<16xi32>
      %swap3A_260 = vector.shape_cast %select_n3A_256 : vector<16xi32> to vector<16xi32>
      tpu.vector_store %arg9[%swap3A_257], %swap3A_260 {strides = array<i32>} : memref<80xi32, #tpu.memory_space<vmem>>, vector<16xi32>,
      %get3A_261 = arith.constant 160 : index
      %get3A_262 = tpu.vector_load %arg7[%get3A_261] {strides = array<i32>} : memref<400xi32, #tpu.memory_space<vmem>>, vector<16xi32>,
      %get3A_263 = vector.shape_cast %get3A_262 : vector<16xi32> to vector<16xi32>
      %sub3A_264 = arith.constant 5120 : i32
      %sub3A_265 = vector.broadcast %sub3A_264 : i32 to vector<16xi32>
      %sub3A_266 = arith.subi %get3A_263, %sub3A_265 : vector<16xi32>
      %ge3A_267 = arith.constant 0 : i32
      %ge3A_268 = vector.broadcast %ge3A_267 : i32 to vector<16xi32>
      %ge3A_269 = arith.cmpi sge, %sub3A_266, %ge3A_268 : vector<16xi32>
      %lt3A_270 = arith.constant 5120 : i32
      %lt3A_271 = vector.broadcast %lt3A_270 : i32 to vector<16xi32>
      %lt3A_272 = arith.cmpi slt, %sub3A_266, %lt3A_271 : vector<16xi32>
      %and3A_273 = arith.andi %ge3A_269, %lt3A_272 : vector<16xi1>
      %jit3A_274 = arith.constant 5120 : i32
      %broadcast_in_dim3A_275 = vector.broadcast %jit3A_274 : i32 to vector<16xi32>
      %select_n3A_276 = arith.select %and3A_273, %sub3A_266, %broadcast_in_dim3A_275 : vector<16xi1>, vector<16xi32>
      %swap3A_277 = arith.constant 0 : index
      %swap3A_278 = tpu.vector_load %arg10[%swap3A_277] {strides = array<i32>} : memref<80xi32, #tpu.memory_space<vmem>>, vector<16xi32>,
      %swap3A_279 = vector.shape_cast %swap3A_278 : vector<16xi32> to vector<16xi32>
      %swap3A_280 = vector.shape_cast %select_n3A_276 : vector<16xi32> to vector<16xi32>
      tpu.vector_store %arg10[%swap3A_277], %swap3A_280 {strides = array<i32>} : memref<80xi32, #tpu.memory_space<vmem>>, vector<16xi32>,
      %get3A_281 = arith.constant 176 : index
      %get3A_282 = tpu.vector_load %arg7[%get3A_281] {strides = array<i32>} : memref<400xi32, #tpu.memory_space<vmem>>, vector<16xi32>,
      %get3A_283 = vector.shape_cast %get3A_282 : vector<16xi32> to vector<16xi32>
      %sub3A_284 = arith.constant 5120 : i32
      %sub3A_285 = vector.broadcast %sub3A_284 : i32 to vector<16xi32>
      %sub3A_286 = arith.subi %get3A_283, %sub3A_285 : vector<16xi32>
      %ge3A_287 = arith.constant 0 : i32
      %ge3A_288 = vector.broadcast %ge3A_287 : i32 to vector<16xi32>
      %ge3A_289 = arith.cmpi sge, %sub3A_286, %ge3A_288 : vector<16xi32>
      %lt3A_290 = arith.constant 5120 : i32
      %lt3A_291 = vector.broadcast %lt3A_290 : i32 to vector<16xi32>
      %lt3A_292 = arith.cmpi slt, %sub3A_286, %lt3A_291 : vector<16xi32>
      %and3A_293 = arith.andi %ge3A_289, %lt3A_292 : vector<16xi1>
      %jit3A_294 = arith.constant 5120 : i32
      %broadcast_in_dim3A_295 = vector.broadcast %jit3A_294 : i32 to vector<16xi32>
      %select_n3A_296 = arith.select %and3A_293, %sub3A_286, %broadcast_in_dim3A_295 : vector<16xi1>, vector<16xi32>
      %swap3A_297 = arith.constant 16 : index
      %swap3A_298 = tpu.vector_load %arg10[%swap3A_297] {strides = array<i32>} : memref<80xi32, #tpu.memory_space<vmem>>, vector<16xi32>,
      %swap3A_299 = vector.shape_cast %swap3A_298 : vector<16xi32> to vector<16xi32>
      %swap3A_300 = vector.shape_cast %select_n3A_296 : vector<16xi32> to vector<16xi32>
      tpu.vector_store %arg10[%swap3A_297], %swap3A_300 {strides = array<i32>} : memref<80xi32, #tpu.memory_space<vmem>>, vector<16xi32>,
      %get3A_301 = arith.constant 192 : index
      %get3A_302 = tpu.vector_load %arg7[%get3A_301] {strides = array<i32>} : memref<400xi32, #tpu.memory_space<vmem>>, vector<16xi32>,
      %get3A_303 = vector.shape_cast %get3A_302 : vector<16xi32> to vector<16xi32>
      %sub3A_304 = arith.constant 5120 : i32
      %sub3A_305 = vector.broadcast %sub3A_304 : i32 to vector<16xi32>
      %sub3A_306 = arith.subi %get3A_303, %sub3A_305 : vector<16xi32>
      %ge3A_307 = arith.constant 0 : i32
      %ge3A_308 = vector.broadcast %ge3A_307 : i32 to vector<16xi32>
      %ge3A_309 = arith.cmpi sge, %sub3A_306, %ge3A_308 : vector<16xi32>
      %lt3A_310 = arith.constant 5120 : i32
      %lt3A_311 = vector.broadcast %lt3A_310 : i32 to vector<16xi32>
      %lt3A_312 = arith.cmpi slt, %sub3A_306, %lt3A_311 : vector<16xi32>
      %and3A_313 = arith.andi %ge3A_309, %lt3A_312 : vector<16xi1>
      %jit3A_314 = arith.constant 5120 : i32
      %broadcast_in_dim3A_315 = vector.broadcast %jit3A_314 : i32 to vector<16xi32>
      %select_n3A_316 = arith.select %and3A_313, %sub3A_306, %broadcast_in_dim3A_315 : vector<16xi1>, vector<16xi32>
      %swap3A_317 = arith.constant 32 : index
      %swap3A_318 = tpu.vector_load %arg10[%swap3A_317] {strides = array<i32>} : memref<80xi32, #tpu.memory_space<vmem>>, vector<16xi32>,
      %swap3A_319 = vector.shape_cast %swap3A_318 : vector<16xi32> to vector<16xi32>
      %swap3A_320 = vector.shape_cast %select_n3A_316 : vector<16xi32> to vector<16xi32>
      tpu.vector_store %arg10[%swap3A_317], %swap3A_320 {strides = array<i32>} : memref<80xi32, #tpu.memory_space<vmem>>, vector<16xi32>,
      %get3A_321 = arith.constant 208 : index
      %get3A_322 = tpu.vector_load %arg7[%get3A_321] {strides = array<i32>} : memref<400xi32, #tpu.memory_space<vmem>>, vector<16xi32>,
      %get3A_323 = vector.shape_cast %get3A_322 : vector<16xi32> to vector<16xi32>
      %sub3A_324 = arith.constant 5120 : i32
      %sub3A_325 = vector.broadcast %sub3A_324 : i32 to vector<16xi32>
      %sub3A_326 = arith.subi %get3A_323, %sub3A_325 : vector<16xi32>
      %ge3A_327 = arith.constant 0 : i32
      %ge3A_328 = vector.broadcast %ge3A_327 : i32 to vector<16xi32>
      %ge3A_329 = arith.cmpi sge, %sub3A_326, %ge3A_328 : vector<16xi32>
      %lt3A_330 = arith.constant 5120 : i32
      %lt3A_331 = vector.broadcast %lt3A_330 : i32 to vector<16xi32>
      %lt3A_332 = arith.cmpi slt, %sub3A_326, %lt3A_331 : vector<16xi32>
      %and3A_333 = arith.andi %ge3A_329, %lt3A_332 : vector<16xi1>
      %jit3A_334 = arith.constant 5120 : i32
      %broadcast_in_dim3A_335 = vector.broadcast %jit3A_334 : i32 to vector<16xi32>
      %select_n3A_336 = arith.select %and3A_333, %sub3A_326, %broadcast_in_dim3A_335 : vector<16xi1>, vector<16xi32>
      %swap3A_337 = arith.constant 48 : index
      %swap3A_338 = tpu.vector_load %arg10[%swap3A_337] {strides = array<i32>} : memref<80xi32, #tpu.memory_space<vmem>>, vector<16xi32>,
      %swap3A_339 = vector.shape_cast %swap3A_338 : vector<16xi32> to vector<16xi32>
      %swap3A_340 = vector.shape_cast %select_n3A_336 : vector<16xi32> to vector<16xi32>
      tpu.vector_store %arg10[%swap3A_337], %swap3A_340 {strides = array<i32>} : memref<80xi32, #tpu.memory_space<vmem>>, vector<16xi32>,
      %get3A_341 = arith.constant 224 : index
      %get3A_342 = tpu.vector_load %arg7[%get3A_341] {strides = array<i32>} : memref<400xi32, #tpu.memory_space<vmem>>, vector<16xi32>,
      %get3A_343 = vector.shape_cast %get3A_342 : vector<16xi32> to vector<16xi32>
      %sub3A_344 = arith.constant 5120 : i32
      %sub3A_345 = vector.broadcast %sub3A_344 : i32 to vector<16xi32>
      %sub3A_346 = arith.subi %get3A_343, %sub3A_345 : vector<16xi32>
      %ge3A_347 = arith.constant 0 : i32
      %ge3A_348 = vector.broadcast %ge3A_347 : i32 to vector<16xi32>
      %ge3A_349 = arith.cmpi sge, %sub3A_346, %ge3A_348 : vector<16xi32>
      %lt3A_350 = arith.constant 5120 : i32
      %lt3A_351 = vector.broadcast %lt3A_350 : i32 to vector<16xi32>
      %lt3A_352 = arith.cmpi slt, %sub3A_346, %lt3A_351 : vector<16xi32>
      %and3A_353 = arith.andi %ge3A_349, %lt3A_352 : vector<16xi1>
      %jit3A_354 = arith.constant 5120 : i32
      %broadcast_in_dim3A_355 = vector.broadcast %jit3A_354 : i32 to vector<16xi32>
      %select_n3A_356 = arith.select %and3A_353, %sub3A_346, %broadcast_in_dim3A_355 : vector<16xi1>, vector<16xi32>
      %swap3A_357 = arith.constant 64 : index
      %swap3A_358 = tpu.vector_load %arg10[%swap3A_357] {strides = array<i32>} : memref<80xi32, #tpu.memory_space<vmem>>, vector<16xi32>,
      %swap3A_359 = vector.shape_cast %swap3A_358 : vector<16xi32> to vector<16xi32>
      %swap3A_360 = vector.shape_cast %select_n3A_356 : vector<16xi32> to vector<16xi32>
      tpu.vector_store %arg10[%swap3A_357], %swap3A_360 {strides = array<i32>} : memref<80xi32, #tpu.memory_space<vmem>>, vector<16xi32>,
      %get3A_361 = arith.constant 240 : index
      %get3A_362 = tpu.vector_load %arg7[%get3A_361] {strides = array<i32>} : memref<400xi32, #tpu.memory_space<vmem>>, vector<16xi32>,
      %get3A_363 = vector.shape_cast %get3A_362 : vector<16xi32> to vector<16xi32>
      %sub3A_364 = arith.constant 5120 : i32
      %sub3A_365 = vector.broadcast %sub3A_364 : i32 to vector<16xi32>
      %sub3A_366 = arith.subi %get3A_363, %sub3A_365 : vector<16xi32>
      %ge3A_367 = arith.constant 0 : i32
      %ge3A_368 = vector.broadcast %ge3A_367 : i32 to vector<16xi32>
      %ge3A_369 = arith.cmpi sge, %sub3A_366, %ge3A_368 : vector<16xi32>
      %lt3A_370 = arith.constant 5120 : i32
      %lt3A_371 = vector.broadcast %lt3A_370 : i32 to vector<16xi32>
      %lt3A_372 = arith.cmpi slt, %sub3A_366, %lt3A_371 : vector<16xi32>
      %and3A_373 = arith.andi %ge3A_369, %lt3A_372 : vector<16xi1>
      %jit3A_374 = arith.constant 5120 : i32
      %broadcast_in_dim3A_375 = vector.broadcast %jit3A_374 : i32 to vector<16xi32>
      %select_n3A_376 = arith.select %and3A_373, %sub3A_366, %broadcast_in_dim3A_375 : vector<16xi1>, vector<16xi32>
      %swap3A_377 = arith.constant 0 : index
      %swap3A_378 = tpu.vector_load %arg11[%swap3A_377] {strides = array<i32>} : memref<80xi32, #tpu.memory_space<vmem>>, vector<16xi32>,
      %swap3A_379 = vector.shape_cast %swap3A_378 : vector<16xi32> to vector<16xi32>
      %swap3A_380 = vector.shape_cast %select_n3A_376 : vector<16xi32> to vector<16xi32>
      tpu.vector_store %arg11[%swap3A_377], %swap3A_380 {strides = array<i32>} : memref<80xi32, #tpu.memory_space<vmem>>, vector<16xi32>,
      %get3A_381 = arith.constant 256 : index
      %get3A_382 = tpu.vector_load %arg7[%get3A_381] {strides = array<i32>} : memref<400xi32, #tpu.memory_space<vmem>>, vector<16xi32>,
      %get3A_383 = vector.shape_cast %get3A_382 : vector<16xi32> to vector<16xi32>
      %sub3A_384 = arith.constant 5120 : i32
      %sub3A_385 = vector.broadcast %sub3A_384 : i32 to vector<16xi32>
      %sub3A_386 = arith.subi %get3A_383, %sub3A_385 : vector<16xi32>
      %ge3A_387 = arith.constant 0 : i32
      %ge3A_388 = vector.broadcast %ge3A_387 : i32 to vector<16xi32>
      %ge3A_389 = arith.cmpi sge, %sub3A_386, %ge3A_388 : vector<16xi32>
      %lt3A_390 = arith.constant 5120 : i32
      %lt3A_391 = vector.broadcast %lt3A_390 : i32 to vector<16xi32>
      %lt3A_392 = arith.cmpi slt, %sub3A_386, %lt3A_391 : vector<16xi32>
      %and3A_393 = arith.andi %ge3A_389, %lt3A_392 : vector<16xi1>
      %jit3A_394 = arith.constant 5120 : i32
      %broadcast_in_dim3A_395 = vector.broadcast %jit3A_394 : i32 to vector<16xi32>
      %select_n3A_396 = arith.select %and3A_393, %sub3A_386, %broadcast_in_dim3A_395 : vector<16xi1>, vector<16xi32>
      %swap3A_397 = arith.constant 16 : index
      %swap3A_398 = tpu.vector_load %arg11[%swap3A_397] {strides = array<i32>} : memref<80xi32, #tpu.memory_space<vmem>>, vector<16xi32>,
      %swap3A_399 = vector.shape_cast %swap3A_398 : vector<16xi32> to vector<16xi32>
      %swap3A_400 = vector.shape_cast %select_n3A_396 : vector<16xi32> to vector<16xi32>
      tpu.vector_store %arg11[%swap3A_397], %swap3A_400 {strides = array<i32>} : memref<80xi32, #tpu.memory_space<vmem>>, vector<16xi32>,
      %get3A_401 = arith.constant 272 : index
      %get3A_402 = tpu.vector_load %arg7[%get3A_401] {strides = array<i32>} : memref<400xi32, #tpu.memory_space<vmem>>, vector<16xi32>,
      %get3A_403 = vector.shape_cast %get3A_402 : vector<16xi32> to vector<16xi32>
      %sub3A_404 = arith.constant 5120 : i32
      %sub3A_405 = vector.broadcast %sub3A_404 : i32 to vector<16xi32>
      %sub3A_406 = arith.subi %get3A_403, %sub3A_405 : vector<16xi32>
      %ge3A_407 = arith.constant 0 : i32
      %ge3A_408 = vector.broadcast %ge3A_407 : i32 to vector<16xi32>
      %ge3A_409 = arith.cmpi sge, %sub3A_406, %ge3A_408 : vector<16xi32>
      %lt3A_410 = arith.constant 5120 : i32
      %lt3A_411 = vector.broadcast %lt3A_410 : i32 to vector<16xi32>
      %lt3A_412 = arith.cmpi slt, %sub3A_406, %lt3A_411 : vector<16xi32>
      %and3A_413 = arith.andi %ge3A_409, %lt3A_412 : vector<16xi1>
      %jit3A_414 = arith.constant 5120 : i32
      %broadcast_in_dim3A_415 = vector.broadcast %jit3A_414 : i32 to vector<16xi32>
      %select_n3A_416 = arith.select %and3A_413, %sub3A_406, %broadcast_in_dim3A_415 : vector<16xi1>, vector<16xi32>
      %swap3A_417 = arith.constant 32 : index
      %swap3A_418 = tpu.vector_load %arg11[%swap3A_417] {strides = array<i32>} : memref<80xi32, #tpu.memory_space<vmem>>, vector<16xi32>,
      %swap3A_419 = vector.shape_cast %swap3A_418 : vector<16xi32> to vector<16xi32>
      %swap3A_420 = vector.shape_cast %select_n3A_416 : vector<16xi32> to vector<16xi32>
      tpu.vector_store %arg11[%swap3A_417], %swap3A_420 {strides = array<i32>} : memref<80xi32, #tpu.memory_space<vmem>>, vector<16xi32>,
      %get3A_421 = arith.constant 288 : index
      %get3A_422 = tpu.vector_load %arg7[%get3A_421] {strides = array<i32>} : memref<400xi32, #tpu.memory_space<vmem>>, vector<16xi32>,
      %get3A_423 = vector.shape_cast %get3A_422 : vector<16xi32> to vector<16xi32>
      %sub3A_424 = arith.constant 5120 : i32
      %sub3A_425 = vector.broadcast %sub3A_424 : i32 to vector<16xi32>
      %sub3A_426 = arith.subi %get3A_423, %sub3A_425 : vector<16xi32>
      %ge3A_427 = arith.constant 0 : i32
      %ge3A_428 = vector.broadcast %ge3A_427 : i32 to vector<16xi32>
      %ge3A_429 = arith.cmpi sge, %sub3A_426, %ge3A_428 : vector<16xi32>
      %lt3A_430 = arith.constant 5120 : i32
      %lt3A_431 = vector.broadcast %lt3A_430 : i32 to vector<16xi32>
      %lt3A_432 = arith.cmpi slt, %sub3A_426, %lt3A_431 : vector<16xi32>
      %and3A_433 = arith.andi %ge3A_429, %lt3A_432 : vector<16xi1>
      %jit3A_434 = arith.constant 5120 : i32
      %broadcast_in_dim3A_435 = vector.broadcast %jit3A_434 : i32 to vector<16xi32>
      %select_n3A_436 = arith.select %and3A_433, %sub3A_426, %broadcast_in_dim3A_435 : vector<16xi1>, vector<16xi32>
      %swap3A_437 = arith.constant 48 : index
      %swap3A_438 = tpu.vector_load %arg11[%swap3A_437] {strides = array<i32>} : memref<80xi32, #tpu.memory_space<vmem>>, vector<16xi32>,
      %swap3A_439 = vector.shape_cast %swap3A_438 : vector<16xi32> to vector<16xi32>
      %swap3A_440 = vector.shape_cast %select_n3A_436 : vector<16xi32> to vector<16xi32>
      tpu.vector_store %arg11[%swap3A_437], %swap3A_440 {strides = array<i32>} : memref<80xi32, #tpu.memory_space<vmem>>, vector<16xi32>,
      %get3A_441 = arith.constant 304 : index
      %get3A_442 = tpu.vector_load %arg7[%get3A_441] {strides = array<i32>} : memref<400xi32, #tpu.memory_space<vmem>>, vector<16xi32>,
      %get3A_443 = vector.shape_cast %get3A_442 : vector<16xi32> to vector<16xi32>
      %sub3A_444 = arith.constant 5120 : i32
      %sub3A_445 = vector.broadcast %sub3A_444 : i32 to vector<16xi32>
      %sub3A_446 = arith.subi %get3A_443, %sub3A_445 : vector<16xi32>
      %ge3A_447 = arith.constant 0 : i32
      %ge3A_448 = vector.broadcast %ge3A_447 : i32 to vector<16xi32>
      %ge3A_449 = arith.cmpi sge, %sub3A_446, %ge3A_448 : vector<16xi32>
      %lt3A_450 = arith.constant 5120 : i32
      %lt3A_451 = vector.broadcast %lt3A_450 : i32 to vector<16xi32>
      %lt3A_452 = arith.cmpi slt, %sub3A_446, %lt3A_451 : vector<16xi32>
      %and3A_453 = arith.andi %ge3A_449, %lt3A_452 : vector<16xi1>
      %jit3A_454 = arith.constant 5120 : i32
      %broadcast_in_dim3A_455 = vector.broadcast %jit3A_454 : i32 to vector<16xi32>
      %select_n3A_456 = arith.select %and3A_453, %sub3A_446, %broadcast_in_dim3A_455 : vector<16xi1>, vector<16xi32>
      %swap3A_457 = arith.constant 64 : index
      %swap3A_458 = tpu.vector_load %arg11[%swap3A_457] {strides = array<i32>} : memref<80xi32, #tpu.memory_space<vmem>>, vector<16xi32>,
      %swap3A_459 = vector.shape_cast %swap3A_458 : vector<16xi32> to vector<16xi32>
      %swap3A_460 = vector.shape_cast %select_n3A_456 : vector<16xi32> to vector<16xi32>
      tpu.vector_store %arg11[%swap3A_457], %swap3A_460 {strides = array<i32>} : memref<80xi32, #tpu.memory_space<vmem>>, vector<16xi32>,
      %get3A_461 = arith.constant 320 : index
      %get3A_462 = tpu.vector_load %arg7[%get3A_461] {strides = array<i32>} : memref<400xi32, #tpu.memory_space<vmem>>, vector<16xi32>,
      %get3A_463 = vector.shape_cast %get3A_462 : vector<16xi32> to vector<16xi32>
      %sub3A_464 = arith.constant 5120 : i32
      %sub3A_465 = vector.broadcast %sub3A_464 : i32 to vector<16xi32>
      %sub3A_466 = arith.subi %get3A_463, %sub3A_465 : vector<16xi32>
      %ge3A_467 = arith.constant 0 : i32
      %ge3A_468 = vector.broadcast %ge3A_467 : i32 to vector<16xi32>
      %ge3A_469 = arith.cmpi sge, %sub3A_466, %ge3A_468 : vector<16xi32>
      %lt3A_470 = arith.constant 5120 : i32
      %lt3A_471 = vector.broadcast %lt3A_470 : i32 to vector<16xi32>
      %lt3A_472 = arith.cmpi slt, %sub3A_466, %lt3A_471 : vector<16xi32>
      %and3A_473 = arith.andi %ge3A_469, %lt3A_472 : vector<16xi1>
      %jit3A_474 = arith.constant 5120 : i32
      %broadcast_in_dim3A_475 = vector.broadcast %jit3A_474 : i32 to vector<16xi32>
      %select_n3A_476 = arith.select %and3A_473, %sub3A_466, %broadcast_in_dim3A_475 : vector<16xi1>, vector<16xi32>
      %swap3A_477 = arith.constant 0 : index
      %swap3A_478 = tpu.vector_load %arg12[%swap3A_477] {strides = array<i32>} : memref<80xi32, #tpu.memory_space<vmem>>, vector<16xi32>,
      %swap3A_479 = vector.shape_cast %swap3A_478 : vector<16xi32> to vector<16xi32>
      %swap3A_480 = vector.shape_cast %select_n3A_476 : vector<16xi32> to vector<16xi32>
      tpu.vector_store %arg12[%swap3A_477], %swap3A_480 {strides = array<i32>} : memref<80xi32, #tpu.memory_space<vmem>>, vector<16xi32>,
      %get3A_481 = arith.constant 336 : index
      %get3A_482 = tpu.vector_load %arg7[%get3A_481] {strides = array<i32>} : memref<400xi32, #tpu.memory_space<vmem>>, vector<16xi32>,
      %get3A_483 = vector.shape_cast %get3A_482 : vector<16xi32> to vector<16xi32>
      %sub3A_484 = arith.constant 5120 : i32
      %sub3A_485 = vector.broadcast %sub3A_484 : i32 to vector<16xi32>
      %sub3A_486 = arith.subi %get3A_483, %sub3A_485 : vector<16xi32>
      %ge3A_487 = arith.constant 0 : i32
      %ge3A_488 = vector.broadcast %ge3A_487 : i32 to vector<16xi32>
      %ge3A_489 = arith.cmpi sge, %sub3A_486, %ge3A_488 : vector<16xi32>
      %lt3A_490 = arith.constant 5120 : i32
      %lt3A_491 = vector.broadcast %lt3A_490 : i32 to vector<16xi32>
      %lt3A_492 = arith.cmpi slt, %sub3A_486, %lt3A_491 : vector<16xi32>
      %and3A_493 = arith.andi %ge3A_489, %lt3A_492 : vector<16xi1>
      %jit3A_494 = arith.constant 5120 : i32
      %broadcast_in_dim3A_495 = vector.broadcast %jit3A_494 : i32 to vector<16xi32>
      %select_n3A_496 = arith.select %and3A_493, %sub3A_486, %broadcast_in_dim3A_495 : vector<16xi1>, vector<16xi32>
      %swap3A_497 = arith.constant 16 : index
      %swap3A_498 = tpu.vector_load %arg12[%swap3A_497] {strides = array<i32>} : memref<80xi32, #tpu.memory_space<vmem>>, vector<16xi32>,
      %swap3A_499 = vector.shape_cast %swap3A_498 : vector<16xi32> to vector<16xi32>
      %swap3A_500 = vector.shape_cast %select_n3A_496 : vector<16xi32> to vector<16xi32>
      tpu.vector_store %arg12[%swap3A_497], %swap3A_500 {strides = array<i32>} : memref<80xi32, #tpu.memory_space<vmem>>, vector<16xi32>,
      %get3A_501 = arith.constant 352 : index
      %get3A_502 = tpu.vector_load %arg7[%get3A_501] {strides = array<i32>} : memref<400xi32, #tpu.memory_space<vmem>>, vector<16xi32>,
      %get3A_503 = vector.shape_cast %get3A_502 : vector<16xi32> to vector<16xi32>
      %sub3A_504 = arith.constant 5120 : i32
      %sub3A_505 = vector.broadcast %sub3A_504 : i32 to vector<16xi32>
      %sub3A_506 = arith.subi %get3A_503, %sub3A_505 : vector<16xi32>
      %ge3A_507 = arith.constant 0 : i32
      %ge3A_508 = vector.broadcast %ge3A_507 : i32 to vector<16xi32>
      %ge3A_509 = arith.cmpi sge, %sub3A_506, %ge3A_508 : vector<16xi32>
      %lt3A_510 = arith.constant 5120 : i32
      %lt3A_511 = vector.broadcast %lt3A_510 : i32 to vector<16xi32>
      %lt3A_512 = arith.cmpi slt, %sub3A_506, %lt3A_511 : vector<16xi32>
      %and3A_513 = arith.andi %ge3A_509, %lt3A_512 : vector<16xi1>
      %jit3A_514 = arith.constant 5120 : i32
      %broadcast_in_dim3A_515 = vector.broadcast %jit3A_514 : i32 to vector<16xi32>
      %select_n3A_516 = arith.select %and3A_513, %sub3A_506, %broadcast_in_dim3A_515 : vector<16xi1>, vector<16xi32>
      %swap3A_517 = arith.constant 32 : index
      %swap3A_518 = tpu.vector_load %arg12[%swap3A_517] {strides = array<i32>} : memref<80xi32, #tpu.memory_space<vmem>>, vector<16xi32>,
      %swap3A_519 = vector.shape_cast %swap3A_518 : vector<16xi32> to vector<16xi32>
      %swap3A_520 = vector.shape_cast %select_n3A_516 : vector<16xi32> to vector<16xi32>
      tpu.vector_store %arg12[%swap3A_517], %swap3A_520 {strides = array<i32>} : memref<80xi32, #tpu.memory_space<vmem>>, vector<16xi32>,
      %get3A_521 = arith.constant 368 : index
      %get3A_522 = tpu.vector_load %arg7[%get3A_521] {strides = array<i32>} : memref<400xi32, #tpu.memory_space<vmem>>, vector<16xi32>,
      %get3A_523 = vector.shape_cast %get3A_522 : vector<16xi32> to vector<16xi32>
      %sub3A_524 = arith.constant 5120 : i32
      %sub3A_525 = vector.broadcast %sub3A_524 : i32 to vector<16xi32>
      %sub3A_526 = arith.subi %get3A_523, %sub3A_525 : vector<16xi32>
      %ge3A_527 = arith.constant 0 : i32
      %ge3A_528 = vector.broadcast %ge3A_527 : i32 to vector<16xi32>
      %ge3A_529 = arith.cmpi sge, %sub3A_526, %ge3A_528 : vector<16xi32>
      %lt3A_530 = arith.constant 5120 : i32
      %lt3A_531 = vector.broadcast %lt3A_530 : i32 to vector<16xi32>
      %lt3A_532 = arith.cmpi slt, %sub3A_526, %lt3A_531 : vector<16xi32>
      %and3A_533 = arith.andi %ge3A_529, %lt3A_532 : vector<16xi1>
      %jit3A_534 = arith.constant 5120 : i32
      %broadcast_in_dim3A_535 = vector.broadcast %jit3A_534 : i32 to vector<16xi32>
      %select_n3A_536 = arith.select %and3A_533, %sub3A_526, %broadcast_in_dim3A_535 : vector<16xi1>, vector<16xi32>
      %swap3A_537 = arith.constant 48 : index
      %swap3A_538 = tpu.vector_load %arg12[%swap3A_537] {strides = array<i32>} : memref<80xi32, #tpu.memory_space<vmem>>, vector<16xi32>,
      %swap3A_539 = vector.shape_cast %swap3A_538 : vector<16xi32> to vector<16xi32>
      %swap3A_540 = vector.shape_cast %select_n3A_536 : vector<16xi32> to vector<16xi32>
      tpu.vector_store %arg12[%swap3A_537], %swap3A_540 {strides = array<i32>} : memref<80xi32, #tpu.memory_space<vmem>>, vector<16xi32>,
      %get3A_541 = arith.constant 384 : index
      %get3A_542 = tpu.vector_load %arg7[%get3A_541] {strides = array<i32>} : memref<400xi32, #tpu.memory_space<vmem>>, vector<16xi32>,
      %get3A_543 = vector.shape_cast %get3A_542 : vector<16xi32> to vector<16xi32>
      %sub3A_544 = arith.constant 5120 : i32
      %sub3A_545 = vector.broadcast %sub3A_544 : i32 to vector<16xi32>
      %sub3A_546 = arith.subi %get3A_543, %sub3A_545 : vector<16xi32>
      %ge3A_547 = arith.constant 0 : i32
      %ge3A_548 = vector.broadcast %ge3A_547 : i32 to vector<16xi32>
      %ge3A_549 = arith.cmpi sge, %sub3A_546, %ge3A_548 : vector<16xi32>
      %lt3A_550 = arith.constant 5120 : i32
      %lt3A_551 = vector.broadcast %lt3A_550 : i32 to vector<16xi32>
      %lt3A_552 = arith.cmpi slt, %sub3A_546, %lt3A_551 : vector<16xi32>
      %and3A_553 = arith.andi %ge3A_549, %lt3A_552 : vector<16xi1>
      %jit3A_554 = arith.constant 5120 : i32
      %broadcast_in_dim3A_555 = vector.broadcast %jit3A_554 : i32 to vector<16xi32>
      %select_n3A_556 = arith.select %and3A_553, %sub3A_546, %broadcast_in_dim3A_555 : vector<16xi1>, vector<16xi32>
      %swap3A_557 = arith.constant 64 : index
      %swap3A_558 = tpu.vector_load %arg12[%swap3A_557] {strides = array<i32>} : memref<80xi32, #tpu.memory_space<vmem>>, vector<16xi32>,
      %swap3A_559 = vector.shape_cast %swap3A_558 : vector<16xi32> to vector<16xi32>
      %swap3A_560 = vector.shape_cast %select_n3A_556 : vector<16xi32> to vector<16xi32>
      tpu.vector_store %arg12[%swap3A_557], %swap3A_560 {strides = array<i32>} : memref<80xi32, #tpu.memory_space<vmem>>, vector<16xi32>,
      %dma_start3A = arith.constant 0 : i32
      %dma_start3A_561 = arith.constant 0 : i32
      %dma_start3A_562 = tpu.memref_slice %arg13[%dma_start3A, %dma_start3A_561] : memref<400x128xf32, #tpu.memory_space<vmem>> -> memref<80x128xf32, #tpu.memory_space<vmem>>
      %dma_start3A_563 = arith.constant 0 : i32
      %dma_start3A_564 = arith.constant 0 : i32
      %dma_start3A_565 = tpu.memref_slice %arg14[%dma_start3A_563, %dma_start3A_564] : memref<5632x128xf32, #tpu.memory_space<vmem_shared>> -> memref<5632x128xf32, #tpu.memory_space<vmem_shared>>
      tpu.enqueue_indirect_dma source(%dma_start3A_562 : memref<80x128xf32, #tpu.memory_space<vmem>>) target(%dma_start3A_565 : memref<5632x128xf32, #tpu.memory_space<vmem_shared>>) offsets(%arg8 : memref<80xi32, #tpu.memory_space<vmem>>) semaphore(%arg15 : memref<!tpu.dma_semaphore, #tpu.memory_space<semaphore_mem>>) {add = true}
      %dma_start3A_566 = arith.constant 80 : i32
      %dma_start3A_567 = arith.constant 0 : i32
      %dma_start3A_568 = tpu.memref_slice %arg13[%dma_start3A_566, %dma_start3A_567] : memref<400x128xf32, #tpu.memory_space<vmem>> -> memref<80x128xf32, #tpu.memory_space<vmem>>
      %dma_start3A_569 = arith.constant 0 : i32
      %dma_start3A_570 = arith.constant 0 : i32
      %dma_start3A_571 = tpu.memref_slice %arg14[%dma_start3A_569, %dma_start3A_570] : memref<5632x128xf32, #tpu.memory_space<vmem_shared>> -> memref<5632x128xf32, #tpu.memory_space<vmem_shared>>
      tpu.enqueue_indirect_dma source(%dma_start3A_568 : memref<80x128xf32, #tpu.memory_space<vmem>>) target(%dma_start3A_571 : memref<5632x128xf32, #tpu.memory_space<vmem_shared>>) offsets(%arg9 : memref<80xi32, #tpu.memory_space<vmem>>) semaphore(%arg15 : memref<!tpu.dma_semaphore, #tpu.memory_space<semaphore_mem>>) {add = true}
      %dma_start3A_572 = arith.constant 160 : i32
      %dma_start3A_573 = arith.constant 0 : i32
      %dma_start3A_574 = tpu.memref_slice %arg13[%dma_start3A_572, %dma_start3A_573] : memref<400x128xf32, #tpu.memory_space<vmem>> -> memref<80x128xf32, #tpu.memory_space<vmem>>
      %dma_start3A_575 = arith.constant 0 : i32
      %dma_start3A_576 = arith.constant 0 : i32
      %dma_start3A_577 = tpu.memref_slice %arg14[%dma_start3A_575, %dma_start3A_576] : memref<5632x128xf32, #tpu.memory_space<vmem_shared>> -> memref<5632x128xf32, #tpu.memory_space<vmem_shared>>
      tpu.enqueue_indirect_dma source(%dma_start3A_574 : memref<80x128xf32, #tpu.memory_space<vmem>>) target(%dma_start3A_577 : memref<5632x128xf32, #tpu.memory_space<vmem_shared>>) offsets(%arg10 : memref<80xi32, #tpu.memory_space<vmem>>) semaphore(%arg15 : memref<!tpu.dma_semaphore, #tpu.memory_space<semaphore_mem>>) {add = true}
      %dma_start3A_578 = arith.constant 240 : i32
      %dma_start3A_579 = arith.constant 0 : i32
      %dma_start3A_580 = tpu.memref_slice %arg13[%dma_start3A_578, %dma_start3A_579] : memref<400x128xf32, #tpu.memory_space<vmem>> -> memref<80x128xf32, #tpu.memory_space<vmem>>
      %dma_start3A_581 = arith.constant 0 : i32
      %dma_start3A_582 = arith.constant 0 : i32
      %dma_start3A_583 = tpu.memref_slice %arg14[%dma_start3A_581, %dma_start3A_582] : memref<5632x128xf32, #tpu.memory_space<vmem_shared>> -> memref<5632x128xf32, #tpu.memory_space<vmem_shared>>
      tpu.enqueue_indirect_dma source(%dma_start3A_580 : memref<80x128xf32, #tpu.memory_space<vmem>>) target(%dma_start3A_583 : memref<5632x128xf32, #tpu.memory_space<vmem_shared>>) offsets(%arg11 : memref<80xi32, #tpu.memory_space<vmem>>) semaphore(%arg15 : memref<!tpu.dma_semaphore, #tpu.memory_space<semaphore_mem>>) {add = true}
      %dma_start3A_584 = arith.constant 320 : i32
      %dma_start3A_585 = arith.constant 0 : i32
      %dma_start3A_586 = tpu.memref_slice %arg13[%dma_start3A_584, %dma_start3A_585] : memref<400x128xf32, #tpu.memory_space<vmem>> -> memref<80x128xf32, #tpu.memory_space<vmem>>
      %dma_start3A_587 = arith.constant 0 : i32
      %dma_start3A_588 = arith.constant 0 : i32
      %dma_start3A_589 = tpu.memref_slice %arg14[%dma_start3A_587, %dma_start3A_588] : memref<5632x128xf32, #tpu.memory_space<vmem_shared>> -> memref<5632x128xf32, #tpu.memory_space<vmem_shared>>
      tpu.enqueue_indirect_dma source(%dma_start3A_586 : memref<80x128xf32, #tpu.memory_space<vmem>>) target(%dma_start3A_589 : memref<5632x128xf32, #tpu.memory_space<vmem_shared>>) offsets(%arg12 : memref<80xi32, #tpu.memory_space<vmem>>) semaphore(%arg15 : memref<!tpu.dma_semaphore, #tpu.memory_space<semaphore_mem>>) {add = true}
      %dma_wait3A = arith.constant 0 : i32
      %dma_wait3A_590 = arith.constant 0 : i32
      %dma_wait3A_591 = tpu.memref_slice %arg13[%dma_wait3A, %dma_wait3A_590] : memref<400x128xf32, #tpu.memory_space<vmem>> -> memref<80x128xf32, #tpu.memory_space<vmem>>
      %dma_wait3A_592 = arith.constant 0 : i32
      %dma_wait3A_593 = arith.constant 0 : i32
      %dma_wait3A_594 = tpu.memref_slice %arg14[%dma_wait3A_592, %dma_wait3A_593] : memref<5632x128xf32, #tpu.memory_space<vmem_shared>> -> memref<5632x128xf32, #tpu.memory_space<vmem_shared>>
      tpu.wait_indirect_dma semaphore(%arg15 : memref<!tpu.dma_semaphore, #tpu.memory_space<semaphore_mem>>) src(%dma_wait3A_591 : memref<80x128xf32, #tpu.memory_space<vmem>>) dst(%dma_wait3A_594 : memref<5632x128xf32, #tpu.memory_space<vmem_shared>>)
      %dma_wait3A_595 = arith.constant 80 : i32
      %dma_wait3A_596 = arith.constant 0 : i32
      %dma_wait3A_597 = tpu.memref_slice %arg13[%dma_wait3A_595, %dma_wait3A_596] : memref<400x128xf32, #tpu.memory_space<vmem>> -> memref<80x128xf32, #tpu.memory_space<vmem>>
      %dma_wait3A_598 = arith.constant 0 : i32
      %dma_wait3A_599 = arith.constant 0 : i32
      %dma_wait3A_600 = tpu.memref_slice %arg14[%dma_wait3A_598, %dma_wait3A_599] : memref<5632x128xf32, #tpu.memory_space<vmem_shared>> -> memref<5632x128xf32, #tpu.memory_space<vmem_shared>>
      tpu.wait_indirect_dma semaphore(%arg15 : memref<!tpu.dma_semaphore, #tpu.memory_space<semaphore_mem>>) src(%dma_wait3A_597 : memref<80x128xf32, #tpu.memory_space<vmem>>) dst(%dma_wait3A_600 : memref<5632x128xf32, #tpu.memory_space<vmem_shared>>)
      %dma_wait3A_601 = arith.constant 160 : i32
      %dma_wait3A_602 = arith.constant 0 : i32
      %dma_wait3A_603 = tpu.memref_slice %arg13[%dma_wait3A_601, %dma_wait3A_602] : memref<400x128xf32, #tpu.memory_space<vmem>> -> memref<80x128xf32, #tpu.memory_space<vmem>>
      %dma_wait3A_604 = arith.constant 0 : i32
      %dma_wait3A_605 = arith.constant 0 : i32
      %dma_wait3A_606 = tpu.memref_slice %arg14[%dma_wait3A_604, %dma_wait3A_605] : memref<5632x128xf32, #tpu.memory_space<vmem_shared>> -> memref<5632x128xf32, #tpu.memory_space<vmem_shared>>
      tpu.wait_indirect_dma semaphore(%arg15 : memref<!tpu.dma_semaphore, #tpu.memory_space<semaphore_mem>>) src(%dma_wait3A_603 : memref<80x128xf32, #tpu.memory_space<vmem>>) dst(%dma_wait3A_606 : memref<5632x128xf32, #tpu.memory_space<vmem_shared>>)
      %dma_wait3A_607 = arith.constant 240 : i32
      %dma_wait3A_608 = arith.constant 0 : i32
      %dma_wait3A_609 = tpu.memref_slice %arg13[%dma_wait3A_607, %dma_wait3A_608] : memref<400x128xf32, #tpu.memory_space<vmem>> -> memref<80x128xf32, #tpu.memory_space<vmem>>
      %dma_wait3A_610 = arith.constant 0 : i32
      %dma_wait3A_611 = arith.constant 0 : i32
      %dma_wait3A_612 = tpu.memref_slice %arg14[%dma_wait3A_610, %dma_wait3A_611] : memref<5632x128xf32, #tpu.memory_space<vmem_shared>> -> memref<5632x128xf32, #tpu.memory_space<vmem_shared>>
      tpu.wait_indirect_dma semaphore(%arg15 : memref<!tpu.dma_semaphore, #tpu.memory_space<semaphore_mem>>) src(%dma_wait3A_609 : memref<80x128xf32, #tpu.memory_space<vmem>>) dst(%dma_wait3A_612 : memref<5632x128xf32, #tpu.memory_space<vmem_shared>>)
      %dma_wait3A_613 = arith.constant 320 : i32
      %dma_wait3A_614 = arith.constant 0 : i32
      %dma_wait3A_615 = tpu.memref_slice %arg13[%dma_wait3A_613, %dma_wait3A_614] : memref<400x128xf32, #tpu.memory_space<vmem>> -> memref<80x128xf32, #tpu.memory_space<vmem>>
      %dma_wait3A_616 = arith.constant 0 : i32
      %dma_wait3A_617 = arith.constant 0 : i32
      %dma_wait3A_618 = tpu.memref_slice %arg14[%dma_wait3A_616, %dma_wait3A_617] : memref<5632x128xf32, #tpu.memory_space<vmem_shared>> -> memref<5632x128xf32, #tpu.memory_space<vmem_shared>>
      tpu.wait_indirect_dma semaphore(%arg15 : memref<!tpu.dma_semaphore, #tpu.memory_space<semaphore_mem>>) src(%dma_wait3A_615 : memref<80x128xf32, #tpu.memory_space<vmem>>) dst(%dma_wait3A_618 : memref<5632x128xf32, #tpu.memory_space<vmem_shared>>)
    }
    %scan3A_31 = arith.constant 50 : i32
    %barrier3A_32 = arith.constant 0 : index
    tpu.barrier barrier_id(%barrier3A_32)
    %add3A_33 = arith.addi %mul3A_24, %multiple_of3A : i32
    %multiple_of3A_34 = tpu.assume_multiple %add3A_33, 8 : i32
    "tpu.region"() ({
      %run_scoped3A = tpu.sem_alloc : memref<!tpu.dma_semaphore, #tpu.memory_space<semaphore_mem>>
      %dma_start3A = arith.constant 0 : i32
      %dma_start3A_55 = tpu.memref_slice %arg5[%multiple_of3A_34, %dma_start3A] : memref<22528x128xf32, #tpu.memory_space<hbm>> -> memref<352x128xf32, #tpu.memory_space<hbm>>
      %dma_start3A_56 = arith.constant 0 : i32
      %dma_start3A_57 = tpu.memref_slice %arg14[%multiple_of3A, %dma_start3A_56] : memref<5632x128xf32, #tpu.memory_space<vmem_shared>> -> memref<352x128xf32, #tpu.memory_space<vmem_shared>>
      tpu.enqueue_dma source(%dma_start3A_57 : memref<352x128xf32, #tpu.memory_space<vmem_shared>>) target(%dma_start3A_55 : memref<352x128xf32, #tpu.memory_space<hbm>>) target_semaphore(%run_scoped3A : memref<!tpu.dma_semaphore, #tpu.memory_space<semaphore_mem>>)
      %dma_wait3A = arith.constant 0 : i32
      %dma_wait3A_58 = tpu.memref_slice %arg5[%multiple_of3A_34, %dma_wait3A] : memref<22528x128xf32, #tpu.memory_space<hbm>> -> memref<352x128xf32, #tpu.memory_space<hbm>>
      %dma_wait3A_59 = arith.constant 0 : i32
      %dma_wait3A_60 = tpu.memref_slice %arg14[%multiple_of3A, %dma_wait3A_59] : memref<5632x128xf32, #tpu.memory_space<vmem_shared>> -> memref<352x128xf32, #tpu.memory_space<vmem_shared>>
      tpu.wait_dma2 semaphore(%run_scoped3A : memref<!tpu.dma_semaphore, #tpu.memory_space<semaphore_mem>>) src(%dma_wait3A_60 : memref<352x128xf32, #tpu.memory_space<vmem_shared>>) dst(%dma_wait3A_58 : memref<352x128xf32, #tpu.memory_space<hbm>>)
      tpu.yield
    }) : () -> ()
    %mul3A_35 = arith.constant 5120 : i32
    %mul3A_36 = arith.muli %arg0, %mul3A_35 : i32
    %mul3A_37 = arith.constant 5632 : i32
    %mul3A_38 = arith.muli %arg0, %mul3A_37 : i32
    "tpu.region"() ({
      %run_scoped3A = tpu.sem_alloc : memref<!tpu.dma_semaphore, #tpu.memory_space<semaphore_mem>>
      %dma_start3A = arith.constant 0 : i32
      %dma_start3A_55 = tpu.memref_slice %arg14[%multiple_of3A, %dma_start3A] : memref<5632x128xf32, #tpu.memory_space<vmem_shared>> -> memref<352x128xf32, #tpu.memory_space<vmem_shared>>
      %dma_start3A_56 = arith.constant 0 : i32
      %dma_start3A_57 = tpu.memref_slice %arg4[%multiple_of3A, %dma_start3A_56] : memref<5632x128xf32, #tpu.memory_space<hbm>> -> memref<352x128xf32, #tpu.memory_space<hbm>>
      tpu.enqueue_dma source(%dma_start3A_57 : memref<352x128xf32, #tpu.memory_space<hbm>>) target(%dma_start3A_55 : memref<352x128xf32, #tpu.memory_space<vmem_shared>>) target_semaphore(%run_scoped3A : memref<!tpu.dma_semaphore, #tpu.memory_space<semaphore_mem>>)
      %dma_wait3A = arith.constant 0 : i32
      %dma_wait3A_58 = tpu.memref_slice %arg14[%multiple_of3A, %dma_wait3A] : memref<5632x128xf32, #tpu.memory_space<vmem_shared>> -> memref<352x128xf32, #tpu.memory_space<vmem_shared>>
      %dma_wait3A_59 = arith.constant 0 : i32
      %dma_wait3A_60 = tpu.memref_slice %arg4[%multiple_of3A, %dma_wait3A_59] : memref<5632x128xf32, #tpu.memory_space<hbm>> -> memref<352x128xf32, #tpu.memory_space<hbm>>
      tpu.wait_dma2 semaphore(%run_scoped3A : memref<!tpu.dma_semaphore, #tpu.memory_space<semaphore_mem>>) src(%dma_wait3A_60 : memref<352x128xf32, #tpu.memory_space<hbm>>) dst(%dma_wait3A_58 : memref<352x128xf32, #tpu.memory_space<vmem_shared>>)
      tpu.yield
    }) : () -> ()
    %scan3A_39 = arith.constant 0 : i32
    %scan3A_40 = arith.constant 0 : i32
    %scan3A_41 = arith.constant 400 : i32
    %scan3A_42 = arith.addi %scan3A_40, %scan3A_41 : i32
    %scan3A_43 = arith.constant 1 : i32
    scf.for %scan3A_55 = %scan3A_40 to %scan3A_42 step %scan3A_43  : i32 {
      %swap3A = arith.index_cast %scan3A_55 : i32 to index
      %swap3A_56 = arith.constant 0 : index
      %swap3A_57 = tpu.vector_load %arg13[%swap3A, %swap3A_56] {strides = array<i32>} : memref<400x128xf32, #tpu.memory_space<vmem>>, vector<1x16xf32>,
      %swap3A_58 = vector.shape_cast %swap3A_57 : vector<1x16xf32> to vector<16xf32>
      %swap3A_59 = vector.shape_cast %broadcast_in_dim3A_1 : vector<16xf32> to vector<1x16xf32>
      tpu.vector_store %arg13[%swap3A, %swap3A_56], %swap3A_59 {strides = array<i32>} : memref<400x128xf32, #tpu.memory_space<vmem>>, vector<1x16xf32>,
      %swap3A_60 = arith.index_cast %scan3A_55 : i32 to index
      %swap3A_61 = arith.constant 16 : index
      %swap3A_62 = tpu.vector_load %arg13[%swap3A_60, %swap3A_61] {strides = array<i32>} : memref<400x128xf32, #tpu.memory_space<vmem>>, vector<1x16xf32>,
      %swap3A_63 = vector.shape_cast %swap3A_62 : vector<1x16xf32> to vector<16xf32>
      %swap3A_64 = vector.shape_cast %broadcast_in_dim3A_1 : vector<16xf32> to vector<1x16xf32>
      tpu.vector_store %arg13[%swap3A_60, %swap3A_61], %swap3A_64 {strides = array<i32>} : memref<400x128xf32, #tpu.memory_space<vmem>>, vector<1x16xf32>,
      %swap3A_65 = arith.index_cast %scan3A_55 : i32 to index
      %swap3A_66 = arith.constant 32 : index
      %swap3A_67 = tpu.vector_load %arg13[%swap3A_65, %swap3A_66] {strides = array<i32>} : memref<400x128xf32, #tpu.memory_space<vmem>>, vector<1x16xf32>,
      %swap3A_68 = vector.shape_cast %swap3A_67 : vector<1x16xf32> to vector<16xf32>
      %swap3A_69 = vector.shape_cast %broadcast_in_dim3A_1 : vector<16xf32> to vector<1x16xf32>
      tpu.vector_store %arg13[%swap3A_65, %swap3A_66], %swap3A_69 {strides = array<i32>} : memref<400x128xf32, #tpu.memory_space<vmem>>, vector<1x16xf32>,
      %swap3A_70 = arith.index_cast %scan3A_55 : i32 to index
      %swap3A_71 = arith.constant 48 : index
      %swap3A_72 = tpu.vector_load %arg13[%swap3A_70, %swap3A_71] {strides = array<i32>} : memref<400x128xf32, #tpu.memory_space<vmem>>, vector<1x16xf32>,
      %swap3A_73 = vector.shape_cast %swap3A_72 : vector<1x16xf32> to vector<16xf32>
      %swap3A_74 = vector.shape_cast %broadcast_in_dim3A_1 : vector<16xf32> to vector<1x16xf32>
      tpu.vector_store %arg13[%swap3A_70, %swap3A_71], %swap3A_74 {strides = array<i32>} : memref<400x128xf32, #tpu.memory_space<vmem>>, vector<1x16xf32>,
      %swap3A_75 = arith.index_cast %scan3A_55 : i32 to index
      %swap3A_76 = arith.constant 64 : index
      %swap3A_77 = tpu.vector_load %arg13[%swap3A_75, %swap3A_76] {strides = array<i32>} : memref<400x128xf32, #tpu.memory_space<vmem>>, vector<1x16xf32>,
      %swap3A_78 = vector.shape_cast %swap3A_77 : vector<1x16xf32> to vector<16xf32>
      %swap3A_79 = vector.shape_cast %broadcast_in_dim3A_1 : vector<16xf32> to vector<1x16xf32>
      tpu.vector_store %arg13[%swap3A_75, %swap3A_76], %swap3A_79 {strides = array<i32>} : memref<400x128xf32, #tpu.memory_space<vmem>>, vector<1x16xf32>,
      %swap3A_80 = arith.index_cast %scan3A_55 : i32 to index
      %swap3A_81 = arith.constant 80 : index
      %swap3A_82 = tpu.vector_load %arg13[%swap3A_80, %swap3A_81] {strides = array<i32>} : memref<400x128xf32, #tpu.memory_space<vmem>>, vector<1x16xf32>,
      %swap3A_83 = vector.shape_cast %swap3A_82 : vector<1x16xf32> to vector<16xf32>
      %swap3A_84 = vector.shape_cast %broadcast_in_dim3A_1 : vector<16xf32> to vector<1x16xf32>
      tpu.vector_store %arg13[%swap3A_80, %swap3A_81], %swap3A_84 {strides = array<i32>} : memref<400x128xf32, #tpu.memory_space<vmem>>, vector<1x16xf32>,
      %swap3A_85 = arith.index_cast %scan3A_55 : i32 to index
      %swap3A_86 = arith.constant 96 : index
      %swap3A_87 = tpu.vector_load %arg13[%swap3A_85, %swap3A_86] {strides = array<i32>} : memref<400x128xf32, #tpu.memory_space<vmem>>, vector<1x16xf32>,
      %swap3A_88 = vector.shape_cast %swap3A_87 : vector<1x16xf32> to vector<16xf32>
      %swap3A_89 = vector.shape_cast %broadcast_in_dim3A_1 : vector<16xf32> to vector<1x16xf32>
      tpu.vector_store %arg13[%swap3A_85, %swap3A_86], %swap3A_89 {strides = array<i32>} : memref<400x128xf32, #tpu.memory_space<vmem>>, vector<1x16xf32>,
      %swap3A_90 = arith.index_cast %scan3A_55 : i32 to index
      %swap3A_91 = arith.constant 112 : index
      %swap3A_92 = tpu.vector_load %arg13[%swap3A_90, %swap3A_91] {strides = array<i32>} : memref<400x128xf32, #tpu.memory_space<vmem>>, vector<1x16xf32>,
      %swap3A_93 = vector.shape_cast %swap3A_92 : vector<1x16xf32> to vector<16xf32>
      %swap3A_94 = vector.shape_cast %broadcast_in_dim3A_1 : vector<16xf32> to vector<1x16xf32>
      tpu.vector_store %arg13[%swap3A_90, %swap3A_91], %swap3A_94 {strides = array<i32>} : memref<400x128xf32, #tpu.memory_space<vmem>>, vector<1x16xf32>,
    }
    %scan3A_44 = arith.constant 400 : i32
    %barrier3A_45 = arith.constant 0 : index
    tpu.barrier barrier_id(%barrier3A_45)
    %scan3A_46 = arith.constant 0 : i32
    %scan3A_47 = arith.constant 0 : i32
    %scan3A_48 = arith.constant 50 : i32
    %scan3A_49 = arith.addi %scan3A_47, %scan3A_48 : i32
    %scan3A_50 = arith.constant 1 : i32
    scf.for %scan3A_55 = %scan3A_47 to %scan3A_49 step %scan3A_50  : i32 {
      %mul3A_56 = arith.constant 20000 : i32
      %mul3A_57 = arith.muli %arg1, %mul3A_56 : i32
      %add3A_58 = arith.constant 0 : i32
      %add3A_59 = arith.addi %add3A_58, %mul3A_57 : i32
      %mul3A_60 = arith.constant 400 : i32
      %mul3A_61 = arith.muli %scan3A_55, %mul3A_60 : i32
      %add3A_62 = arith.addi %add3A_59, %mul3A_61 : i32
      %multiple_of3A_63 = tpu.assume_multiple %add3A_62, 80 : i32
      "tpu.region"() ({
        %run_scoped3A = tpu.sem_alloc : memref<!tpu.dma_semaphore, #tpu.memory_space<semaphore_mem>>
        %dma_start3A_589 = tpu.memref_slice %arg3[%multiple_of3A_63] : memref<640000xi32, #tpu.memory_space<hbm>> -> memref<400xi32, #tpu.memory_space<hbm>>
        %dma_start3A_590 = tpu.memref_slice %arg3[%multiple_of3A_63] : memref<640000xi32, #tpu.memory_space<hbm>> -> memref<400xi32, #tpu.memory_space<hbm>>
        tpu.enqueue_dma source(%dma_start3A_590 : memref<400xi32, #tpu.memory_space<hbm>>) target(%arg7 : memref<400xi32, #tpu.memory_space<vmem>>) target_semaphore(%run_scoped3A : memref<!tpu.dma_semaphore, #tpu.memory_space<semaphore_mem>>)
        %dma_wait3A_591 = tpu.memref_slice %arg3[%multiple_of3A_63] : memref<640000xi32, #tpu.memory_space<hbm>> -> memref<400xi32, #tpu.memory_space<hbm>>
        %dma_wait3A_592 = tpu.memref_slice %arg3[%multiple_of3A_63] : memref<640000xi32, #tpu.memory_space<hbm>> -> memref<400xi32, #tpu.memory_space<hbm>>
        tpu.wait_dma2 semaphore(%run_scoped3A : memref<!tpu.dma_semaphore, #tpu.memory_space<semaphore_mem>>) src(%dma_wait3A_592 : memref<400xi32, #tpu.memory_space<hbm>>) dst(%arg7 : memref<400xi32, #tpu.memory_space<vmem>>)
        tpu.yield
      }) : () -> ()
      %get3A = arith.constant 0 : index
      %get3A_64 = tpu.vector_load %arg7[%get3A] {strides = array<i32>} : memref<400xi32, #tpu.memory_space<vmem>>, vector<16xi32>,
      %get3A_65 = vector.shape_cast %get3A_64 : vector<16xi32> to vector<16xi32>
      %sub3A = vector.broadcast %mul3A_36 : i32 to vector<16xi32>
      %sub3A_66 = arith.subi %get3A_65, %sub3A : vector<16xi32>
      %ge3A = arith.constant 0 : i32
      %ge3A_67 = vector.broadcast %ge3A : i32 to vector<16xi32>
      %ge3A_68 = arith.cmpi sge, %sub3A_66, %ge3A_67 : vector<16xi32>
      %lt3A = arith.constant 5120 : i32
      %lt3A_69 = vector.broadcast %lt3A : i32 to vector<16xi32>
      %lt3A_70 = arith.cmpi slt, %sub3A_66, %lt3A_69 : vector<16xi32>
      %and3A = arith.andi %ge3A_68, %lt3A_70 : vector<16xi1>
      %jit3A = arith.constant 5120 : i32
      %broadcast_in_dim3A_71 = vector.broadcast %jit3A : i32 to vector<16xi32>
      %select_n3A = arith.select %and3A, %sub3A_66, %broadcast_in_dim3A_71 : vector<16xi1>, vector<16xi32>
      %swap3A = arith.constant 0 : index
      %swap3A_72 = tpu.vector_load %arg8[%swap3A] {strides = array<i32>} : memref<80xi32, #tpu.memory_space<vmem>>, vector<16xi32>,
      %swap3A_73 = vector.shape_cast %swap3A_72 : vector<16xi32> to vector<16xi32>
      %swap3A_74 = vector.shape_cast %select_n3A : vector<16xi32> to vector<16xi32>
      tpu.vector_store %arg8[%swap3A], %swap3A_74 {strides = array<i32>} : memref<80xi32, #tpu.memory_space<vmem>>, vector<16xi32>,
      %get3A_75 = arith.constant 16 : index
      %get3A_76 = tpu.vector_load %arg7[%get3A_75] {strides = array<i32>} : memref<400xi32, #tpu.memory_space<vmem>>, vector<16xi32>,
      %get3A_77 = vector.shape_cast %get3A_76 : vector<16xi32> to vector<16xi32>
      %sub3A_78 = vector.broadcast %mul3A_36 : i32 to vector<16xi32>
      %sub3A_79 = arith.subi %get3A_77, %sub3A_78 : vector<16xi32>
      %ge3A_80 = arith.constant 0 : i32
      %ge3A_81 = vector.broadcast %ge3A_80 : i32 to vector<16xi32>
      %ge3A_82 = arith.cmpi sge, %sub3A_79, %ge3A_81 : vector<16xi32>
      %lt3A_83 = arith.constant 5120 : i32
      %lt3A_84 = vector.broadcast %lt3A_83 : i32 to vector<16xi32>
      %lt3A_85 = arith.cmpi slt, %sub3A_79, %lt3A_84 : vector<16xi32>
      %and3A_86 = arith.andi %ge3A_82, %lt3A_85 : vector<16xi1>
      %jit3A_87 = arith.constant 5120 : i32
      %broadcast_in_dim3A_88 = vector.broadcast %jit3A_87 : i32 to vector<16xi32>
      %select_n3A_89 = arith.select %and3A_86, %sub3A_79, %broadcast_in_dim3A_88 : vector<16xi1>, vector<16xi32>
      %swap3A_90 = arith.constant 16 : index
      %swap3A_91 = tpu.vector_load %arg8[%swap3A_90] {strides = array<i32>} : memref<80xi32, #tpu.memory_space<vmem>>, vector<16xi32>,
      %swap3A_92 = vector.shape_cast %swap3A_91 : vector<16xi32> to vector<16xi32>
      %swap3A_93 = vector.shape_cast %select_n3A_89 : vector<16xi32> to vector<16xi32>
      tpu.vector_store %arg8[%swap3A_90], %swap3A_93 {strides = array<i32>} : memref<80xi32, #tpu.memory_space<vmem>>, vector<16xi32>,
      %get3A_94 = arith.constant 32 : index
      %get3A_95 = tpu.vector_load %arg7[%get3A_94] {strides = array<i32>} : memref<400xi32, #tpu.memory_space<vmem>>, vector<16xi32>,
      %get3A_96 = vector.shape_cast %get3A_95 : vector<16xi32> to vector<16xi32>
      %sub3A_97 = vector.broadcast %mul3A_36 : i32 to vector<16xi32>
      %sub3A_98 = arith.subi %get3A_96, %sub3A_97 : vector<16xi32>
      %ge3A_99 = arith.constant 0 : i32
      %ge3A_100 = vector.broadcast %ge3A_99 : i32 to vector<16xi32>
      %ge3A_101 = arith.cmpi sge, %sub3A_98, %ge3A_100 : vector<16xi32>
      %lt3A_102 = arith.constant 5120 : i32
      %lt3A_103 = vector.broadcast %lt3A_102 : i32 to vector<16xi32>
      %lt3A_104 = arith.cmpi slt, %sub3A_98, %lt3A_103 : vector<16xi32>
      %and3A_105 = arith.andi %ge3A_101, %lt3A_104 : vector<16xi1>
      %jit3A_106 = arith.constant 5120 : i32
      %broadcast_in_dim3A_107 = vector.broadcast %jit3A_106 : i32 to vector<16xi32>
      %select_n3A_108 = arith.select %and3A_105, %sub3A_98, %broadcast_in_dim3A_107 : vector<16xi1>, vector<16xi32>
      %swap3A_109 = arith.constant 32 : index
      %swap3A_110 = tpu.vector_load %arg8[%swap3A_109] {strides = array<i32>} : memref<80xi32, #tpu.memory_space<vmem>>, vector<16xi32>,
      %swap3A_111 = vector.shape_cast %swap3A_110 : vector<16xi32> to vector<16xi32>
      %swap3A_112 = vector.shape_cast %select_n3A_108 : vector<16xi32> to vector<16xi32>
      tpu.vector_store %arg8[%swap3A_109], %swap3A_112 {strides = array<i32>} : memref<80xi32, #tpu.memory_space<vmem>>, vector<16xi32>,
      %get3A_113 = arith.constant 48 : index
      %get3A_114 = tpu.vector_load %arg7[%get3A_113] {strides = array<i32>} : memref<400xi32, #tpu.memory_space<vmem>>, vector<16xi32>,
      %get3A_115 = vector.shape_cast %get3A_114 : vector<16xi32> to vector<16xi32>
      %sub3A_116 = vector.broadcast %mul3A_36 : i32 to vector<16xi32>
      %sub3A_117 = arith.subi %get3A_115, %sub3A_116 : vector<16xi32>
      %ge3A_118 = arith.constant 0 : i32
      %ge3A_119 = vector.broadcast %ge3A_118 : i32 to vector<16xi32>
      %ge3A_120 = arith.cmpi sge, %sub3A_117, %ge3A_119 : vector<16xi32>
      %lt3A_121 = arith.constant 5120 : i32
      %lt3A_122 = vector.broadcast %lt3A_121 : i32 to vector<16xi32>
      %lt3A_123 = arith.cmpi slt, %sub3A_117, %lt3A_122 : vector<16xi32>
      %and3A_124 = arith.andi %ge3A_120, %lt3A_123 : vector<16xi1>
      %jit3A_125 = arith.constant 5120 : i32
      %broadcast_in_dim3A_126 = vector.broadcast %jit3A_125 : i32 to vector<16xi32>
      %select_n3A_127 = arith.select %and3A_124, %sub3A_117, %broadcast_in_dim3A_126 : vector<16xi1>, vector<16xi32>
      %swap3A_128 = arith.constant 48 : index
      %swap3A_129 = tpu.vector_load %arg8[%swap3A_128] {strides = array<i32>} : memref<80xi32, #tpu.memory_space<vmem>>, vector<16xi32>,
      %swap3A_130 = vector.shape_cast %swap3A_129 : vector<16xi32> to vector<16xi32>
      %swap3A_131 = vector.shape_cast %select_n3A_127 : vector<16xi32> to vector<16xi32>
      tpu.vector_store %arg8[%swap3A_128], %swap3A_131 {strides = array<i32>} : memref<80xi32, #tpu.memory_space<vmem>>, vector<16xi32>,
      %get3A_132 = arith.constant 64 : index
      %get3A_133 = tpu.vector_load %arg7[%get3A_132] {strides = array<i32>} : memref<400xi32, #tpu.memory_space<vmem>>, vector<16xi32>,
      %get3A_134 = vector.shape_cast %get3A_133 : vector<16xi32> to vector<16xi32>
      %sub3A_135 = vector.broadcast %mul3A_36 : i32 to vector<16xi32>
      %sub3A_136 = arith.subi %get3A_134, %sub3A_135 : vector<16xi32>
      %ge3A_137 = arith.constant 0 : i32
      %ge3A_138 = vector.broadcast %ge3A_137 : i32 to vector<16xi32>
      %ge3A_139 = arith.cmpi sge, %sub3A_136, %ge3A_138 : vector<16xi32>
      %lt3A_140 = arith.constant 5120 : i32
      %lt3A_141 = vector.broadcast %lt3A_140 : i32 to vector<16xi32>
      %lt3A_142 = arith.cmpi slt, %sub3A_136, %lt3A_141 : vector<16xi32>
      %and3A_143 = arith.andi %ge3A_139, %lt3A_142 : vector<16xi1>
      %jit3A_144 = arith.constant 5120 : i32
      %broadcast_in_dim3A_145 = vector.broadcast %jit3A_144 : i32 to vector<16xi32>
      %select_n3A_146 = arith.select %and3A_143, %sub3A_136, %broadcast_in_dim3A_145 : vector<16xi1>, vector<16xi32>
      %swap3A_147 = arith.constant 64 : index
      %swap3A_148 = tpu.vector_load %arg8[%swap3A_147] {strides = array<i32>} : memref<80xi32, #tpu.memory_space<vmem>>, vector<16xi32>,
      %swap3A_149 = vector.shape_cast %swap3A_148 : vector<16xi32> to vector<16xi32>
      %swap3A_150 = vector.shape_cast %select_n3A_146 : vector<16xi32> to vector<16xi32>
      tpu.vector_store %arg8[%swap3A_147], %swap3A_150 {strides = array<i32>} : memref<80xi32, #tpu.memory_space<vmem>>, vector<16xi32>,
      %get3A_151 = arith.constant 80 : index
      %get3A_152 = tpu.vector_load %arg7[%get3A_151] {strides = array<i32>} : memref<400xi32, #tpu.memory_space<vmem>>, vector<16xi32>,
      %get3A_153 = vector.shape_cast %get3A_152 : vector<16xi32> to vector<16xi32>
      %sub3A_154 = vector.broadcast %mul3A_36 : i32 to vector<16xi32>
      %sub3A_155 = arith.subi %get3A_153, %sub3A_154 : vector<16xi32>
      %ge3A_156 = arith.constant 0 : i32
      %ge3A_157 = vector.broadcast %ge3A_156 : i32 to vector<16xi32>
      %ge3A_158 = arith.cmpi sge, %sub3A_155, %ge3A_157 : vector<16xi32>
      %lt3A_159 = arith.constant 5120 : i32
      %lt3A_160 = vector.broadcast %lt3A_159 : i32 to vector<16xi32>
      %lt3A_161 = arith.cmpi slt, %sub3A_155, %lt3A_160 : vector<16xi32>
      %and3A_162 = arith.andi %ge3A_158, %lt3A_161 : vector<16xi1>
      %jit3A_163 = arith.constant 5120 : i32
      %broadcast_in_dim3A_164 = vector.broadcast %jit3A_163 : i32 to vector<16xi32>
      %select_n3A_165 = arith.select %and3A_162, %sub3A_155, %broadcast_in_dim3A_164 : vector<16xi1>, vector<16xi32>
      %swap3A_166 = arith.constant 0 : index
      %swap3A_167 = tpu.vector_load %arg9[%swap3A_166] {strides = array<i32>} : memref<80xi32, #tpu.memory_space<vmem>>, vector<16xi32>,
      %swap3A_168 = vector.shape_cast %swap3A_167 : vector<16xi32> to vector<16xi32>
      %swap3A_169 = vector.shape_cast %select_n3A_165 : vector<16xi32> to vector<16xi32>
      tpu.vector_store %arg9[%swap3A_166], %swap3A_169 {strides = array<i32>} : memref<80xi32, #tpu.memory_space<vmem>>, vector<16xi32>,
      %get3A_170 = arith.constant 96 : index
      %get3A_171 = tpu.vector_load %arg7[%get3A_170] {strides = array<i32>} : memref<400xi32, #tpu.memory_space<vmem>>, vector<16xi32>,
      %get3A_172 = vector.shape_cast %get3A_171 : vector<16xi32> to vector<16xi32>
      %sub3A_173 = vector.broadcast %mul3A_36 : i32 to vector<16xi32>
      %sub3A_174 = arith.subi %get3A_172, %sub3A_173 : vector<16xi32>
      %ge3A_175 = arith.constant 0 : i32
      %ge3A_176 = vector.broadcast %ge3A_175 : i32 to vector<16xi32>
      %ge3A_177 = arith.cmpi sge, %sub3A_174, %ge3A_176 : vector<16xi32>
      %lt3A_178 = arith.constant 5120 : i32
      %lt3A_179 = vector.broadcast %lt3A_178 : i32 to vector<16xi32>
      %lt3A_180 = arith.cmpi slt, %sub3A_174, %lt3A_179 : vector<16xi32>
      %and3A_181 = arith.andi %ge3A_177, %lt3A_180 : vector<16xi1>
      %jit3A_182 = arith.constant 5120 : i32
      %broadcast_in_dim3A_183 = vector.broadcast %jit3A_182 : i32 to vector<16xi32>
      %select_n3A_184 = arith.select %and3A_181, %sub3A_174, %broadcast_in_dim3A_183 : vector<16xi1>, vector<16xi32>
      %swap3A_185 = arith.constant 16 : index
      %swap3A_186 = tpu.vector_load %arg9[%swap3A_185] {strides = array<i32>} : memref<80xi32, #tpu.memory_space<vmem>>, vector<16xi32>,
      %swap3A_187 = vector.shape_cast %swap3A_186 : vector<16xi32> to vector<16xi32>
      %swap3A_188 = vector.shape_cast %select_n3A_184 : vector<16xi32> to vector<16xi32>
      tpu.vector_store %arg9[%swap3A_185], %swap3A_188 {strides = array<i32>} : memref<80xi32, #tpu.memory_space<vmem>>, vector<16xi32>,
      %get3A_189 = arith.constant 112 : index
      %get3A_190 = tpu.vector_load %arg7[%get3A_189] {strides = array<i32>} : memref<400xi32, #tpu.memory_space<vmem>>, vector<16xi32>,
      %get3A_191 = vector.shape_cast %get3A_190 : vector<16xi32> to vector<16xi32>
      %sub3A_192 = vector.broadcast %mul3A_36 : i32 to vector<16xi32>
      %sub3A_193 = arith.subi %get3A_191, %sub3A_192 : vector<16xi32>
      %ge3A_194 = arith.constant 0 : i32
      %ge3A_195 = vector.broadcast %ge3A_194 : i32 to vector<16xi32>
      %ge3A_196 = arith.cmpi sge, %sub3A_193, %ge3A_195 : vector<16xi32>
      %lt3A_197 = arith.constant 5120 : i32
      %lt3A_198 = vector.broadcast %lt3A_197 : i32 to vector<16xi32>
      %lt3A_199 = arith.cmpi slt, %sub3A_193, %lt3A_198 : vector<16xi32>
      %and3A_200 = arith.andi %ge3A_196, %lt3A_199 : vector<16xi1>
      %jit3A_201 = arith.constant 5120 : i32
      %broadcast_in_dim3A_202 = vector.broadcast %jit3A_201 : i32 to vector<16xi32>
      %select_n3A_203 = arith.select %and3A_200, %sub3A_193, %broadcast_in_dim3A_202 : vector<16xi1>, vector<16xi32>
      %swap3A_204 = arith.constant 32 : index
      %swap3A_205 = tpu.vector_load %arg9[%swap3A_204] {strides = array<i32>} : memref<80xi32, #tpu.memory_space<vmem>>, vector<16xi32>,
      %swap3A_206 = vector.shape_cast %swap3A_205 : vector<16xi32> to vector<16xi32>
      %swap3A_207 = vector.shape_cast %select_n3A_203 : vector<16xi32> to vector<16xi32>
      tpu.vector_store %arg9[%swap3A_204], %swap3A_207 {strides = array<i32>} : memref<80xi32, #tpu.memory_space<vmem>>, vector<16xi32>,
      %get3A_208 = arith.constant 128 : index
      %get3A_209 = tpu.vector_load %arg7[%get3A_208] {strides = array<i32>} : memref<400xi32, #tpu.memory_space<vmem>>, vector<16xi32>,
      %get3A_210 = vector.shape_cast %get3A_209 : vector<16xi32> to vector<16xi32>
      %sub3A_211 = vector.broadcast %mul3A_36 : i32 to vector<16xi32>
      %sub3A_212 = arith.subi %get3A_210, %sub3A_211 : vector<16xi32>
      %ge3A_213 = arith.constant 0 : i32
      %ge3A_214 = vector.broadcast %ge3A_213 : i32 to vector<16xi32>
      %ge3A_215 = arith.cmpi sge, %sub3A_212, %ge3A_214 : vector<16xi32>
      %lt3A_216 = arith.constant 5120 : i32
      %lt3A_217 = vector.broadcast %lt3A_216 : i32 to vector<16xi32>
      %lt3A_218 = arith.cmpi slt, %sub3A_212, %lt3A_217 : vector<16xi32>
      %and3A_219 = arith.andi %ge3A_215, %lt3A_218 : vector<16xi1>
      %jit3A_220 = arith.constant 5120 : i32
      %broadcast_in_dim3A_221 = vector.broadcast %jit3A_220 : i32 to vector<16xi32>
      %select_n3A_222 = arith.select %and3A_219, %sub3A_212, %broadcast_in_dim3A_221 : vector<16xi1>, vector<16xi32>
      %swap3A_223 = arith.constant 48 : index
      %swap3A_224 = tpu.vector_load %arg9[%swap3A_223] {strides = array<i32>} : memref<80xi32, #tpu.memory_space<vmem>>, vector<16xi32>,
      %swap3A_225 = vector.shape_cast %swap3A_224 : vector<16xi32> to vector<16xi32>
      %swap3A_226 = vector.shape_cast %select_n3A_222 : vector<16xi32> to vector<16xi32>
      tpu.vector_store %arg9[%swap3A_223], %swap3A_226 {strides = array<i32>} : memref<80xi32, #tpu.memory_space<vmem>>, vector<16xi32>,
      %get3A_227 = arith.constant 144 : index
      %get3A_228 = tpu.vector_load %arg7[%get3A_227] {strides = array<i32>} : memref<400xi32, #tpu.memory_space<vmem>>, vector<16xi32>,
      %get3A_229 = vector.shape_cast %get3A_228 : vector<16xi32> to vector<16xi32>
      %sub3A_230 = vector.broadcast %mul3A_36 : i32 to vector<16xi32>
      %sub3A_231 = arith.subi %get3A_229, %sub3A_230 : vector<16xi32>
      %ge3A_232 = arith.constant 0 : i32
      %ge3A_233 = vector.broadcast %ge3A_232 : i32 to vector<16xi32>
      %ge3A_234 = arith.cmpi sge, %sub3A_231, %ge3A_233 : vector<16xi32>
      %lt3A_235 = arith.constant 5120 : i32
      %lt3A_236 = vector.broadcast %lt3A_235 : i32 to vector<16xi32>
      %lt3A_237 = arith.cmpi slt, %sub3A_231, %lt3A_236 : vector<16xi32>
      %and3A_238 = arith.andi %ge3A_234, %lt3A_237 : vector<16xi1>
      %jit3A_239 = arith.constant 5120 : i32
      %broadcast_in_dim3A_240 = vector.broadcast %jit3A_239 : i32 to vector<16xi32>
      %select_n3A_241 = arith.select %and3A_238, %sub3A_231, %broadcast_in_dim3A_240 : vector<16xi1>, vector<16xi32>
      %swap3A_242 = arith.constant 64 : index
      %swap3A_243 = tpu.vector_load %arg9[%swap3A_242] {strides = array<i32>} : memref<80xi32, #tpu.memory_space<vmem>>, vector<16xi32>,
      %swap3A_244 = vector.shape_cast %swap3A_243 : vector<16xi32> to vector<16xi32>
      %swap3A_245 = vector.shape_cast %select_n3A_241 : vector<16xi32> to vector<16xi32>
      tpu.vector_store %arg9[%swap3A_242], %swap3A_245 {strides = array<i32>} : memref<80xi32, #tpu.memory_space<vmem>>, vector<16xi32>,
      %get3A_246 = arith.constant 160 : index
      %get3A_247 = tpu.vector_load %arg7[%get3A_246] {strides = array<i32>} : memref<400xi32, #tpu.memory_space<vmem>>, vector<16xi32>,
      %get3A_248 = vector.shape_cast %get3A_247 : vector<16xi32> to vector<16xi32>
      %sub3A_249 = vector.broadcast %mul3A_36 : i32 to vector<16xi32>
      %sub3A_250 = arith.subi %get3A_248, %sub3A_249 : vector<16xi32>
      %ge3A_251 = arith.constant 0 : i32
      %ge3A_252 = vector.broadcast %ge3A_251 : i32 to vector<16xi32>
      %ge3A_253 = arith.cmpi sge, %sub3A_250, %ge3A_252 : vector<16xi32>
      %lt3A_254 = arith.constant 5120 : i32
      %lt3A_255 = vector.broadcast %lt3A_254 : i32 to vector<16xi32>
      %lt3A_256 = arith.cmpi slt, %sub3A_250, %lt3A_255 : vector<16xi32>
      %and3A_257 = arith.andi %ge3A_253, %lt3A_256 : vector<16xi1>
      %jit3A_258 = arith.constant 5120 : i32
      %broadcast_in_dim3A_259 = vector.broadcast %jit3A_258 : i32 to vector<16xi32>
      %select_n3A_260 = arith.select %and3A_257, %sub3A_250, %broadcast_in_dim3A_259 : vector<16xi1>, vector<16xi32>
      %swap3A_261 = arith.constant 0 : index
      %swap3A_262 = tpu.vector_load %arg10[%swap3A_261] {strides = array<i32>} : memref<80xi32, #tpu.memory_space<vmem>>, vector<16xi32>,
      %swap3A_263 = vector.shape_cast %swap3A_262 : vector<16xi32> to vector<16xi32>
      %swap3A_264 = vector.shape_cast %select_n3A_260 : vector<16xi32> to vector<16xi32>
      tpu.vector_store %arg10[%swap3A_261], %swap3A_264 {strides = array<i32>} : memref<80xi32, #tpu.memory_space<vmem>>, vector<16xi32>,
      %get3A_265 = arith.constant 176 : index
      %get3A_266 = tpu.vector_load %arg7[%get3A_265] {strides = array<i32>} : memref<400xi32, #tpu.memory_space<vmem>>, vector<16xi32>,
      %get3A_267 = vector.shape_cast %get3A_266 : vector<16xi32> to vector<16xi32>
      %sub3A_268 = vector.broadcast %mul3A_36 : i32 to vector<16xi32>
      %sub3A_269 = arith.subi %get3A_267, %sub3A_268 : vector<16xi32>
      %ge3A_270 = arith.constant 0 : i32
      %ge3A_271 = vector.broadcast %ge3A_270 : i32 to vector<16xi32>
      %ge3A_272 = arith.cmpi sge, %sub3A_269, %ge3A_271 : vector<16xi32>
      %lt3A_273 = arith.constant 5120 : i32
      %lt3A_274 = vector.broadcast %lt3A_273 : i32 to vector<16xi32>
      %lt3A_275 = arith.cmpi slt, %sub3A_269, %lt3A_274 : vector<16xi32>
      %and3A_276 = arith.andi %ge3A_272, %lt3A_275 : vector<16xi1>
      %jit3A_277 = arith.constant 5120 : i32
      %broadcast_in_dim3A_278 = vector.broadcast %jit3A_277 : i32 to vector<16xi32>
      %select_n3A_279 = arith.select %and3A_276, %sub3A_269, %broadcast_in_dim3A_278 : vector<16xi1>, vector<16xi32>
      %swap3A_280 = arith.constant 16 : index
      %swap3A_281 = tpu.vector_load %arg10[%swap3A_280] {strides = array<i32>} : memref<80xi32, #tpu.memory_space<vmem>>, vector<16xi32>,
      %swap3A_282 = vector.shape_cast %swap3A_281 : vector<16xi32> to vector<16xi32>
      %swap3A_283 = vector.shape_cast %select_n3A_279 : vector<16xi32> to vector<16xi32>
      tpu.vector_store %arg10[%swap3A_280], %swap3A_283 {strides = array<i32>} : memref<80xi32, #tpu.memory_space<vmem>>, vector<16xi32>,
      %get3A_284 = arith.constant 192 : index
      %get3A_285 = tpu.vector_load %arg7[%get3A_284] {strides = array<i32>} : memref<400xi32, #tpu.memory_space<vmem>>, vector<16xi32>,
      %get3A_286 = vector.shape_cast %get3A_285 : vector<16xi32> to vector<16xi32>
      %sub3A_287 = vector.broadcast %mul3A_36 : i32 to vector<16xi32>
      %sub3A_288 = arith.subi %get3A_286, %sub3A_287 : vector<16xi32>
      %ge3A_289 = arith.constant 0 : i32
      %ge3A_290 = vector.broadcast %ge3A_289 : i32 to vector<16xi32>
      %ge3A_291 = arith.cmpi sge, %sub3A_288, %ge3A_290 : vector<16xi32>
      %lt3A_292 = arith.constant 5120 : i32
      %lt3A_293 = vector.broadcast %lt3A_292 : i32 to vector<16xi32>
      %lt3A_294 = arith.cmpi slt, %sub3A_288, %lt3A_293 : vector<16xi32>
      %and3A_295 = arith.andi %ge3A_291, %lt3A_294 : vector<16xi1>
      %jit3A_296 = arith.constant 5120 : i32
      %broadcast_in_dim3A_297 = vector.broadcast %jit3A_296 : i32 to vector<16xi32>
      %select_n3A_298 = arith.select %and3A_295, %sub3A_288, %broadcast_in_dim3A_297 : vector<16xi1>, vector<16xi32>
      %swap3A_299 = arith.constant 32 : index
      %swap3A_300 = tpu.vector_load %arg10[%swap3A_299] {strides = array<i32>} : memref<80xi32, #tpu.memory_space<vmem>>, vector<16xi32>,
      %swap3A_301 = vector.shape_cast %swap3A_300 : vector<16xi32> to vector<16xi32>
      %swap3A_302 = vector.shape_cast %select_n3A_298 : vector<16xi32> to vector<16xi32>
      tpu.vector_store %arg10[%swap3A_299], %swap3A_302 {strides = array<i32>} : memref<80xi32, #tpu.memory_space<vmem>>, vector<16xi32>,
      %get3A_303 = arith.constant 208 : index
      %get3A_304 = tpu.vector_load %arg7[%get3A_303] {strides = array<i32>} : memref<400xi32, #tpu.memory_space<vmem>>, vector<16xi32>,
      %get3A_305 = vector.shape_cast %get3A_304 : vector<16xi32> to vector<16xi32>
      %sub3A_306 = vector.broadcast %mul3A_36 : i32 to vector<16xi32>
      %sub3A_307 = arith.subi %get3A_305, %sub3A_306 : vector<16xi32>
      %ge3A_308 = arith.constant 0 : i32
      %ge3A_309 = vector.broadcast %ge3A_308 : i32 to vector<16xi32>
      %ge3A_310 = arith.cmpi sge, %sub3A_307, %ge3A_309 : vector<16xi32>
      %lt3A_311 = arith.constant 5120 : i32
      %lt3A_312 = vector.broadcast %lt3A_311 : i32 to vector<16xi32>
      %lt3A_313 = arith.cmpi slt, %sub3A_307, %lt3A_312 : vector<16xi32>
      %and3A_314 = arith.andi %ge3A_310, %lt3A_313 : vector<16xi1>
      %jit3A_315 = arith.constant 5120 : i32
      %broadcast_in_dim3A_316 = vector.broadcast %jit3A_315 : i32 to vector<16xi32>
      %select_n3A_317 = arith.select %and3A_314, %sub3A_307, %broadcast_in_dim3A_316 : vector<16xi1>, vector<16xi32>
      %swap3A_318 = arith.constant 48 : index
      %swap3A_319 = tpu.vector_load %arg10[%swap3A_318] {strides = array<i32>} : memref<80xi32, #tpu.memory_space<vmem>>, vector<16xi32>,
      %swap3A_320 = vector.shape_cast %swap3A_319 : vector<16xi32> to vector<16xi32>
      %swap3A_321 = vector.shape_cast %select_n3A_317 : vector<16xi32> to vector<16xi32>
      tpu.vector_store %arg10[%swap3A_318], %swap3A_321 {strides = array<i32>} : memref<80xi32, #tpu.memory_space<vmem>>, vector<16xi32>,
      %get3A_322 = arith.constant 224 : index
      %get3A_323 = tpu.vector_load %arg7[%get3A_322] {strides = array<i32>} : memref<400xi32, #tpu.memory_space<vmem>>, vector<16xi32>,
      %get3A_324 = vector.shape_cast %get3A_323 : vector<16xi32> to vector<16xi32>
      %sub3A_325 = vector.broadcast %mul3A_36 : i32 to vector<16xi32>
      %sub3A_326 = arith.subi %get3A_324, %sub3A_325 : vector<16xi32>
      %ge3A_327 = arith.constant 0 : i32
      %ge3A_328 = vector.broadcast %ge3A_327 : i32 to vector<16xi32>
      %ge3A_329 = arith.cmpi sge, %sub3A_326, %ge3A_328 : vector<16xi32>
      %lt3A_330 = arith.constant 5120 : i32
      %lt3A_331 = vector.broadcast %lt3A_330 : i32 to vector<16xi32>
      %lt3A_332 = arith.cmpi slt, %sub3A_326, %lt3A_331 : vector<16xi32>
      %and3A_333 = arith.andi %ge3A_329, %lt3A_332 : vector<16xi1>
      %jit3A_334 = arith.constant 5120 : i32
      %broadcast_in_dim3A_335 = vector.broadcast %jit3A_334 : i32 to vector<16xi32>
      %select_n3A_336 = arith.select %and3A_333, %sub3A_326, %broadcast_in_dim3A_335 : vector<16xi1>, vector<16xi32>
      %swap3A_337 = arith.constant 64 : index
      %swap3A_338 = tpu.vector_load %arg10[%swap3A_337] {strides = array<i32>} : memref<80xi32, #tpu.memory_space<vmem>>, vector<16xi32>,
      %swap3A_339 = vector.shape_cast %swap3A_338 : vector<16xi32> to vector<16xi32>
      %swap3A_340 = vector.shape_cast %select_n3A_336 : vector<16xi32> to vector<16xi32>
      tpu.vector_store %arg10[%swap3A_337], %swap3A_340 {strides = array<i32>} : memref<80xi32, #tpu.memory_space<vmem>>, vector<16xi32>,
      %get3A_341 = arith.constant 240 : index
      %get3A_342 = tpu.vector_load %arg7[%get3A_341] {strides = array<i32>} : memref<400xi32, #tpu.memory_space<vmem>>, vector<16xi32>,
      %get3A_343 = vector.shape_cast %get3A_342 : vector<16xi32> to vector<16xi32>
      %sub3A_344 = vector.broadcast %mul3A_36 : i32 to vector<16xi32>
      %sub3A_345 = arith.subi %get3A_343, %sub3A_344 : vector<16xi32>
      %ge3A_346 = arith.constant 0 : i32
      %ge3A_347 = vector.broadcast %ge3A_346 : i32 to vector<16xi32>
      %ge3A_348 = arith.cmpi sge, %sub3A_345, %ge3A_347 : vector<16xi32>
      %lt3A_349 = arith.constant 5120 : i32
      %lt3A_350 = vector.broadcast %lt3A_349 : i32 to vector<16xi32>
      %lt3A_351 = arith.cmpi slt, %sub3A_345, %lt3A_350 : vector<16xi32>
      %and3A_352 = arith.andi %ge3A_348, %lt3A_351 : vector<16xi1>
      %jit3A_353 = arith.constant 5120 : i32
      %broadcast_in_dim3A_354 = vector.broadcast %jit3A_353 : i32 to vector<16xi32>
      %select_n3A_355 = arith.select %and3A_352, %sub3A_345, %broadcast_in_dim3A_354 : vector<16xi1>, vector<16xi32>
      %swap3A_356 = arith.constant 0 : index
      %swap3A_357 = tpu.vector_load %arg11[%swap3A_356] {strides = array<i32>} : memref<80xi32, #tpu.memory_space<vmem>>, vector<16xi32>,
      %swap3A_358 = vector.shape_cast %swap3A_357 : vector<16xi32> to vector<16xi32>
      %swap3A_359 = vector.shape_cast %select_n3A_355 : vector<16xi32> to vector<16xi32>
      tpu.vector_store %arg11[%swap3A_356], %swap3A_359 {strides = array<i32>} : memref<80xi32, #tpu.memory_space<vmem>>, vector<16xi32>,
      %get3A_360 = arith.constant 256 : index
      %get3A_361 = tpu.vector_load %arg7[%get3A_360] {strides = array<i32>} : memref<400xi32, #tpu.memory_space<vmem>>, vector<16xi32>,
      %get3A_362 = vector.shape_cast %get3A_361 : vector<16xi32> to vector<16xi32>
      %sub3A_363 = vector.broadcast %mul3A_36 : i32 to vector<16xi32>
      %sub3A_364 = arith.subi %get3A_362, %sub3A_363 : vector<16xi32>
      %ge3A_365 = arith.constant 0 : i32
      %ge3A_366 = vector.broadcast %ge3A_365 : i32 to vector<16xi32>
      %ge3A_367 = arith.cmpi sge, %sub3A_364, %ge3A_366 : vector<16xi32>
      %lt3A_368 = arith.constant 5120 : i32
      %lt3A_369 = vector.broadcast %lt3A_368 : i32 to vector<16xi32>
      %lt3A_370 = arith.cmpi slt, %sub3A_364, %lt3A_369 : vector<16xi32>
      %and3A_371 = arith.andi %ge3A_367, %lt3A_370 : vector<16xi1>
      %jit3A_372 = arith.constant 5120 : i32
      %broadcast_in_dim3A_373 = vector.broadcast %jit3A_372 : i32 to vector<16xi32>
      %select_n3A_374 = arith.select %and3A_371, %sub3A_364, %broadcast_in_dim3A_373 : vector<16xi1>, vector<16xi32>
      %swap3A_375 = arith.constant 16 : index
      %swap3A_376 = tpu.vector_load %arg11[%swap3A_375] {strides = array<i32>} : memref<80xi32, #tpu.memory_space<vmem>>, vector<16xi32>,
      %swap3A_377 = vector.shape_cast %swap3A_376 : vector<16xi32> to vector<16xi32>
      %swap3A_378 = vector.shape_cast %select_n3A_374 : vector<16xi32> to vector<16xi32>
      tpu.vector_store %arg11[%swap3A_375], %swap3A_378 {strides = array<i32>} : memref<80xi32, #tpu.memory_space<vmem>>, vector<16xi32>,
      %get3A_379 = arith.constant 272 : index
      %get3A_380 = tpu.vector_load %arg7[%get3A_379] {strides = array<i32>} : memref<400xi32, #tpu.memory_space<vmem>>, vector<16xi32>,
      %get3A_381 = vector.shape_cast %get3A_380 : vector<16xi32> to vector<16xi32>
      %sub3A_382 = vector.broadcast %mul3A_36 : i32 to vector<16xi32>
      %sub3A_383 = arith.subi %get3A_381, %sub3A_382 : vector<16xi32>
      %ge3A_384 = arith.constant 0 : i32
      %ge3A_385 = vector.broadcast %ge3A_384 : i32 to vector<16xi32>
      %ge3A_386 = arith.cmpi sge, %sub3A_383, %ge3A_385 : vector<16xi32>
      %lt3A_387 = arith.constant 5120 : i32
      %lt3A_388 = vector.broadcast %lt3A_387 : i32 to vector<16xi32>
      %lt3A_389 = arith.cmpi slt, %sub3A_383, %lt3A_388 : vector<16xi32>
      %and3A_390 = arith.andi %ge3A_386, %lt3A_389 : vector<16xi1>
      %jit3A_391 = arith.constant 5120 : i32
      %broadcast_in_dim3A_392 = vector.broadcast %jit3A_391 : i32 to vector<16xi32>
      %select_n3A_393 = arith.select %and3A_390, %sub3A_383, %broadcast_in_dim3A_392 : vector<16xi1>, vector<16xi32>
      %swap3A_394 = arith.constant 32 : index
      %swap3A_395 = tpu.vector_load %arg11[%swap3A_394] {strides = array<i32>} : memref<80xi32, #tpu.memory_space<vmem>>, vector<16xi32>,
      %swap3A_396 = vector.shape_cast %swap3A_395 : vector<16xi32> to vector<16xi32>
      %swap3A_397 = vector.shape_cast %select_n3A_393 : vector<16xi32> to vector<16xi32>
      tpu.vector_store %arg11[%swap3A_394], %swap3A_397 {strides = array<i32>} : memref<80xi32, #tpu.memory_space<vmem>>, vector<16xi32>,
      %get3A_398 = arith.constant 288 : index
      %get3A_399 = tpu.vector_load %arg7[%get3A_398] {strides = array<i32>} : memref<400xi32, #tpu.memory_space<vmem>>, vector<16xi32>,
      %get3A_400 = vector.shape_cast %get3A_399 : vector<16xi32> to vector<16xi32>
      %sub3A_401 = vector.broadcast %mul3A_36 : i32 to vector<16xi32>
      %sub3A_402 = arith.subi %get3A_400, %sub3A_401 : vector<16xi32>
      %ge3A_403 = arith.constant 0 : i32
      %ge3A_404 = vector.broadcast %ge3A_403 : i32 to vector<16xi32>
      %ge3A_405 = arith.cmpi sge, %sub3A_402, %ge3A_404 : vector<16xi32>
      %lt3A_406 = arith.constant 5120 : i32
      %lt3A_407 = vector.broadcast %lt3A_406 : i32 to vector<16xi32>
      %lt3A_408 = arith.cmpi slt, %sub3A_402, %lt3A_407 : vector<16xi32>
      %and3A_409 = arith.andi %ge3A_405, %lt3A_408 : vector<16xi1>
      %jit3A_410 = arith.constant 5120 : i32
      %broadcast_in_dim3A_411 = vector.broadcast %jit3A_410 : i32 to vector<16xi32>
      %select_n3A_412 = arith.select %and3A_409, %sub3A_402, %broadcast_in_dim3A_411 : vector<16xi1>, vector<16xi32>
      %swap3A_413 = arith.constant 48 : index
      %swap3A_414 = tpu.vector_load %arg11[%swap3A_413] {strides = array<i32>} : memref<80xi32, #tpu.memory_space<vmem>>, vector<16xi32>,
      %swap3A_415 = vector.shape_cast %swap3A_414 : vector<16xi32> to vector<16xi32>
      %swap3A_416 = vector.shape_cast %select_n3A_412 : vector<16xi32> to vector<16xi32>
      tpu.vector_store %arg11[%swap3A_413], %swap3A_416 {strides = array<i32>} : memref<80xi32, #tpu.memory_space<vmem>>, vector<16xi32>,
      %get3A_417 = arith.constant 304 : index
      %get3A_418 = tpu.vector_load %arg7[%get3A_417] {strides = array<i32>} : memref<400xi32, #tpu.memory_space<vmem>>, vector<16xi32>,
      %get3A_419 = vector.shape_cast %get3A_418 : vector<16xi32> to vector<16xi32>
      %sub3A_420 = vector.broadcast %mul3A_36 : i32 to vector<16xi32>
      %sub3A_421 = arith.subi %get3A_419, %sub3A_420 : vector<16xi32>
      %ge3A_422 = arith.constant 0 : i32
      %ge3A_423 = vector.broadcast %ge3A_422 : i32 to vector<16xi32>
      %ge3A_424 = arith.cmpi sge, %sub3A_421, %ge3A_423 : vector<16xi32>
      %lt3A_425 = arith.constant 5120 : i32
      %lt3A_426 = vector.broadcast %lt3A_425 : i32 to vector<16xi32>
      %lt3A_427 = arith.cmpi slt, %sub3A_421, %lt3A_426 : vector<16xi32>
      %and3A_428 = arith.andi %ge3A_424, %lt3A_427 : vector<16xi1>
      %jit3A_429 = arith.constant 5120 : i32
      %broadcast_in_dim3A_430 = vector.broadcast %jit3A_429 : i32 to vector<16xi32>
      %select_n3A_431 = arith.select %and3A_428, %sub3A_421, %broadcast_in_dim3A_430 : vector<16xi1>, vector<16xi32>
      %swap3A_432 = arith.constant 64 : index
      %swap3A_433 = tpu.vector_load %arg11[%swap3A_432] {strides = array<i32>} : memref<80xi32, #tpu.memory_space<vmem>>, vector<16xi32>,
      %swap3A_434 = vector.shape_cast %swap3A_433 : vector<16xi32> to vector<16xi32>
      %swap3A_435 = vector.shape_cast %select_n3A_431 : vector<16xi32> to vector<16xi32>
      tpu.vector_store %arg11[%swap3A_432], %swap3A_435 {strides = array<i32>} : memref<80xi32, #tpu.memory_space<vmem>>, vector<16xi32>,
      %get3A_436 = arith.constant 320 : index
      %get3A_437 = tpu.vector_load %arg7[%get3A_436] {strides = array<i32>} : memref<400xi32, #tpu.memory_space<vmem>>, vector<16xi32>,
      %get3A_438 = vector.shape_cast %get3A_437 : vector<16xi32> to vector<16xi32>
      %sub3A_439 = vector.broadcast %mul3A_36 : i32 to vector<16xi32>
      %sub3A_440 = arith.subi %get3A_438, %sub3A_439 : vector<16xi32>
      %ge3A_441 = arith.constant 0 : i32
      %ge3A_442 = vector.broadcast %ge3A_441 : i32 to vector<16xi32>
      %ge3A_443 = arith.cmpi sge, %sub3A_440, %ge3A_442 : vector<16xi32>
      %lt3A_444 = arith.constant 5120 : i32
      %lt3A_445 = vector.broadcast %lt3A_444 : i32 to vector<16xi32>
      %lt3A_446 = arith.cmpi slt, %sub3A_440, %lt3A_445 : vector<16xi32>
      %and3A_447 = arith.andi %ge3A_443, %lt3A_446 : vector<16xi1>
      %jit3A_448 = arith.constant 5120 : i32
      %broadcast_in_dim3A_449 = vector.broadcast %jit3A_448 : i32 to vector<16xi32>
      %select_n3A_450 = arith.select %and3A_447, %sub3A_440, %broadcast_in_dim3A_449 : vector<16xi1>, vector<16xi32>
      %swap3A_451 = arith.constant 0 : index
      %swap3A_452 = tpu.vector_load %arg12[%swap3A_451] {strides = array<i32>} : memref<80xi32, #tpu.memory_space<vmem>>, vector<16xi32>,
      %swap3A_453 = vector.shape_cast %swap3A_452 : vector<16xi32> to vector<16xi32>
      %swap3A_454 = vector.shape_cast %select_n3A_450 : vector<16xi32> to vector<16xi32>
      tpu.vector_store %arg12[%swap3A_451], %swap3A_454 {strides = array<i32>} : memref<80xi32, #tpu.memory_space<vmem>>, vector<16xi32>,
      %get3A_455 = arith.constant 336 : index
      %get3A_456 = tpu.vector_load %arg7[%get3A_455] {strides = array<i32>} : memref<400xi32, #tpu.memory_space<vmem>>, vector<16xi32>,
      %get3A_457 = vector.shape_cast %get3A_456 : vector<16xi32> to vector<16xi32>
      %sub3A_458 = vector.broadcast %mul3A_36 : i32 to vector<16xi32>
      %sub3A_459 = arith.subi %get3A_457, %sub3A_458 : vector<16xi32>
      %ge3A_460 = arith.constant 0 : i32
      %ge3A_461 = vector.broadcast %ge3A_460 : i32 to vector<16xi32>
      %ge3A_462 = arith.cmpi sge, %sub3A_459, %ge3A_461 : vector<16xi32>
      %lt3A_463 = arith.constant 5120 : i32
      %lt3A_464 = vector.broadcast %lt3A_463 : i32 to vector<16xi32>
      %lt3A_465 = arith.cmpi slt, %sub3A_459, %lt3A_464 : vector<16xi32>
      %and3A_466 = arith.andi %ge3A_462, %lt3A_465 : vector<16xi1>
      %jit3A_467 = arith.constant 5120 : i32
      %broadcast_in_dim3A_468 = vector.broadcast %jit3A_467 : i32 to vector<16xi32>
      %select_n3A_469 = arith.select %and3A_466, %sub3A_459, %broadcast_in_dim3A_468 : vector<16xi1>, vector<16xi32>
      %swap3A_470 = arith.constant 16 : index
      %swap3A_471 = tpu.vector_load %arg12[%swap3A_470] {strides = array<i32>} : memref<80xi32, #tpu.memory_space<vmem>>, vector<16xi32>,
      %swap3A_472 = vector.shape_cast %swap3A_471 : vector<16xi32> to vector<16xi32>
      %swap3A_473 = vector.shape_cast %select_n3A_469 : vector<16xi32> to vector<16xi32>
      tpu.vector_store %arg12[%swap3A_470], %swap3A_473 {strides = array<i32>} : memref<80xi32, #tpu.memory_space<vmem>>, vector<16xi32>,
      %get3A_474 = arith.constant 352 : index
      %get3A_475 = tpu.vector_load %arg7[%get3A_474] {strides = array<i32>} : memref<400xi32, #tpu.memory_space<vmem>>, vector<16xi32>,
      %get3A_476 = vector.shape_cast %get3A_475 : vector<16xi32> to vector<16xi32>
      %sub3A_477 = vector.broadcast %mul3A_36 : i32 to vector<16xi32>
      %sub3A_478 = arith.subi %get3A_476, %sub3A_477 : vector<16xi32>
      %ge3A_479 = arith.constant 0 : i32
      %ge3A_480 = vector.broadcast %ge3A_479 : i32 to vector<16xi32>
      %ge3A_481 = arith.cmpi sge, %sub3A_478, %ge3A_480 : vector<16xi32>
      %lt3A_482 = arith.constant 5120 : i32
      %lt3A_483 = vector.broadcast %lt3A_482 : i32 to vector<16xi32>
      %lt3A_484 = arith.cmpi slt, %sub3A_478, %lt3A_483 : vector<16xi32>
      %and3A_485 = arith.andi %ge3A_481, %lt3A_484 : vector<16xi1>
      %jit3A_486 = arith.constant 5120 : i32
      %broadcast_in_dim3A_487 = vector.broadcast %jit3A_486 : i32 to vector<16xi32>
      %select_n3A_488 = arith.select %and3A_485, %sub3A_478, %broadcast_in_dim3A_487 : vector<16xi1>, vector<16xi32>
      %swap3A_489 = arith.constant 32 : index
      %swap3A_490 = tpu.vector_load %arg12[%swap3A_489] {strides = array<i32>} : memref<80xi32, #tpu.memory_space<vmem>>, vector<16xi32>,
      %swap3A_491 = vector.shape_cast %swap3A_490 : vector<16xi32> to vector<16xi32>
      %swap3A_492 = vector.shape_cast %select_n3A_488 : vector<16xi32> to vector<16xi32>
      tpu.vector_store %arg12[%swap3A_489], %swap3A_492 {strides = array<i32>} : memref<80xi32, #tpu.memory_space<vmem>>, vector<16xi32>,
      %get3A_493 = arith.constant 368 : index
      %get3A_494 = tpu.vector_load %arg7[%get3A_493] {strides = array<i32>} : memref<400xi32, #tpu.memory_space<vmem>>, vector<16xi32>,
      %get3A_495 = vector.shape_cast %get3A_494 : vector<16xi32> to vector<16xi32>
      %sub3A_496 = vector.broadcast %mul3A_36 : i32 to vector<16xi32>
      %sub3A_497 = arith.subi %get3A_495, %sub3A_496 : vector<16xi32>
      %ge3A_498 = arith.constant 0 : i32
      %ge3A_499 = vector.broadcast %ge3A_498 : i32 to vector<16xi32>
      %ge3A_500 = arith.cmpi sge, %sub3A_497, %ge3A_499 : vector<16xi32>
      %lt3A_501 = arith.constant 5120 : i32
      %lt3A_502 = vector.broadcast %lt3A_501 : i32 to vector<16xi32>
      %lt3A_503 = arith.cmpi slt, %sub3A_497, %lt3A_502 : vector<16xi32>
      %and3A_504 = arith.andi %ge3A_500, %lt3A_503 : vector<16xi1>
      %jit3A_505 = arith.constant 5120 : i32
      %broadcast_in_dim3A_506 = vector.broadcast %jit3A_505 : i32 to vector<16xi32>
      %select_n3A_507 = arith.select %and3A_504, %sub3A_497, %broadcast_in_dim3A_506 : vector<16xi1>, vector<16xi32>
      %swap3A_508 = arith.constant 48 : index
      %swap3A_509 = tpu.vector_load %arg12[%swap3A_508] {strides = array<i32>} : memref<80xi32, #tpu.memory_space<vmem>>, vector<16xi32>,
      %swap3A_510 = vector.shape_cast %swap3A_509 : vector<16xi32> to vector<16xi32>
      %swap3A_511 = vector.shape_cast %select_n3A_507 : vector<16xi32> to vector<16xi32>
      tpu.vector_store %arg12[%swap3A_508], %swap3A_511 {strides = array<i32>} : memref<80xi32, #tpu.memory_space<vmem>>, vector<16xi32>,
      %get3A_512 = arith.constant 384 : index
      %get3A_513 = tpu.vector_load %arg7[%get3A_512] {strides = array<i32>} : memref<400xi32, #tpu.memory_space<vmem>>, vector<16xi32>,
      %get3A_514 = vector.shape_cast %get3A_513 : vector<16xi32> to vector<16xi32>
      %sub3A_515 = vector.broadcast %mul3A_36 : i32 to vector<16xi32>
      %sub3A_516 = arith.subi %get3A_514, %sub3A_515 : vector<16xi32>
      %ge3A_517 = arith.constant 0 : i32
      %ge3A_518 = vector.broadcast %ge3A_517 : i32 to vector<16xi32>
      %ge3A_519 = arith.cmpi sge, %sub3A_516, %ge3A_518 : vector<16xi32>
      %lt3A_520 = arith.constant 5120 : i32
      %lt3A_521 = vector.broadcast %lt3A_520 : i32 to vector<16xi32>
      %lt3A_522 = arith.cmpi slt, %sub3A_516, %lt3A_521 : vector<16xi32>
      %and3A_523 = arith.andi %ge3A_519, %lt3A_522 : vector<16xi1>
      %jit3A_524 = arith.constant 5120 : i32
      %broadcast_in_dim3A_525 = vector.broadcast %jit3A_524 : i32 to vector<16xi32>
      %select_n3A_526 = arith.select %and3A_523, %sub3A_516, %broadcast_in_dim3A_525 : vector<16xi1>, vector<16xi32>
      %swap3A_527 = arith.constant 64 : index
      %swap3A_528 = tpu.vector_load %arg12[%swap3A_527] {strides = array<i32>} : memref<80xi32, #tpu.memory_space<vmem>>, vector<16xi32>,
      %swap3A_529 = vector.shape_cast %swap3A_528 : vector<16xi32> to vector<16xi32>
      %swap3A_530 = vector.shape_cast %select_n3A_526 : vector<16xi32> to vector<16xi32>
      tpu.vector_store %arg12[%swap3A_527], %swap3A_530 {strides = array<i32>} : memref<80xi32, #tpu.memory_space<vmem>>, vector<16xi32>,
      %dma_start3A = arith.constant 0 : i32
      %dma_start3A_531 = arith.constant 0 : i32
      %dma_start3A_532 = tpu.memref_slice %arg13[%dma_start3A, %dma_start3A_531] : memref<400x128xf32, #tpu.memory_space<vmem>> -> memref<80x128xf32, #tpu.memory_space<vmem>>
      %dma_start3A_533 = arith.constant 0 : i32
      %dma_start3A_534 = arith.constant 0 : i32
      %dma_start3A_535 = tpu.memref_slice %arg14[%dma_start3A_533, %dma_start3A_534] : memref<5632x128xf32, #tpu.memory_space<vmem_shared>> -> memref<5632x128xf32, #tpu.memory_space<vmem_shared>>
      tpu.enqueue_indirect_dma source(%dma_start3A_532 : memref<80x128xf32, #tpu.memory_space<vmem>>) target(%dma_start3A_535 : memref<5632x128xf32, #tpu.memory_space<vmem_shared>>) offsets(%arg8 : memref<80xi32, #tpu.memory_space<vmem>>) semaphore(%arg15 : memref<!tpu.dma_semaphore, #tpu.memory_space<semaphore_mem>>) {add = true}
      %dma_start3A_536 = arith.constant 80 : i32
      %dma_start3A_537 = arith.constant 0 : i32
      %dma_start3A_538 = tpu.memref_slice %arg13[%dma_start3A_536, %dma_start3A_537] : memref<400x128xf32, #tpu.memory_space<vmem>> -> memref<80x128xf32, #tpu.memory_space<vmem>>
      %dma_start3A_539 = arith.constant 0 : i32
      %dma_start3A_540 = arith.constant 0 : i32
      %dma_start3A_541 = tpu.memref_slice %arg14[%dma_start3A_539, %dma_start3A_540] : memref<5632x128xf32, #tpu.memory_space<vmem_shared>> -> memref<5632x128xf32, #tpu.memory_space<vmem_shared>>
      tpu.enqueue_indirect_dma source(%dma_start3A_538 : memref<80x128xf32, #tpu.memory_space<vmem>>) target(%dma_start3A_541 : memref<5632x128xf32, #tpu.memory_space<vmem_shared>>) offsets(%arg9 : memref<80xi32, #tpu.memory_space<vmem>>) semaphore(%arg15 : memref<!tpu.dma_semaphore, #tpu.memory_space<semaphore_mem>>) {add = true}
      %dma_start3A_542 = arith.constant 160 : i32
      %dma_start3A_543 = arith.constant 0 : i32
      %dma_start3A_544 = tpu.memref_slice %arg13[%dma_start3A_542, %dma_start3A_543] : memref<400x128xf32, #tpu.memory_space<vmem>> -> memref<80x128xf32, #tpu.memory_space<vmem>>
      %dma_start3A_545 = arith.constant 0 : i32
      %dma_start3A_546 = arith.constant 0 : i32
      %dma_start3A_547 = tpu.memref_slice %arg14[%dma_start3A_545, %dma_start3A_546] : memref<5632x128xf32, #tpu.memory_space<vmem_shared>> -> memref<5632x128xf32, #tpu.memory_space<vmem_shared>>
      tpu.enqueue_indirect_dma source(%dma_start3A_544 : memref<80x128xf32, #tpu.memory_space<vmem>>) target(%dma_start3A_547 : memref<5632x128xf32, #tpu.memory_space<vmem_shared>>) offsets(%arg10 : memref<80xi32, #tpu.memory_space<vmem>>) semaphore(%arg15 : memref<!tpu.dma_semaphore, #tpu.memory_space<semaphore_mem>>) {add = true}
      %dma_start3A_548 = arith.constant 240 : i32
      %dma_start3A_549 = arith.constant 0 : i32
      %dma_start3A_550 = tpu.memref_slice %arg13[%dma_start3A_548, %dma_start3A_549] : memref<400x128xf32, #tpu.memory_space<vmem>> -> memref<80x128xf32, #tpu.memory_space<vmem>>
      %dma_start3A_551 = arith.constant 0 : i32
      %dma_start3A_552 = arith.constant 0 : i32
      %dma_start3A_553 = tpu.memref_slice %arg14[%dma_start3A_551, %dma_start3A_552] : memref<5632x128xf32, #tpu.memory_space<vmem_shared>> -> memref<5632x128xf32, #tpu.memory_space<vmem_shared>>
      tpu.enqueue_indirect_dma source(%dma_start3A_550 : memref<80x128xf32, #tpu.memory_space<vmem>>) target(%dma_start3A_553 : memref<5632x128xf32, #tpu.memory_space<vmem_shared>>) offsets(%arg11 : memref<80xi32, #tpu.memory_space<vmem>>) semaphore(%arg15 : memref<!tpu.dma_semaphore, #tpu.memory_space<semaphore_mem>>) {add = true}
      %dma_start3A_554 = arith.constant 320 : i32
      %dma_start3A_555 = arith.constant 0 : i32
      %dma_start3A_556 = tpu.memref_slice %arg13[%dma_start3A_554, %dma_start3A_555] : memref<400x128xf32, #tpu.memory_space<vmem>> -> memref<80x128xf32, #tpu.memory_space<vmem>>
      %dma_start3A_557 = arith.constant 0 : i32
      %dma_start3A_558 = arith.constant 0 : i32
      %dma_start3A_559 = tpu.memref_slice %arg14[%dma_start3A_557, %dma_start3A_558] : memref<5632x128xf32, #tpu.memory_space<vmem_shared>> -> memref<5632x128xf32, #tpu.memory_space<vmem_shared>>
      tpu.enqueue_indirect_dma source(%dma_start3A_556 : memref<80x128xf32, #tpu.memory_space<vmem>>) target(%dma_start3A_559 : memref<5632x128xf32, #tpu.memory_space<vmem_shared>>) offsets(%arg12 : memref<80xi32, #tpu.memory_space<vmem>>) semaphore(%arg15 : memref<!tpu.dma_semaphore, #tpu.memory_space<semaphore_mem>>) {add = true}
      %dma_wait3A = arith.constant 0 : i32
      %dma_wait3A_560 = arith.constant 0 : i32
      %dma_wait3A_561 = tpu.memref_slice %arg13[%dma_wait3A, %dma_wait3A_560] : memref<400x128xf32, #tpu.memory_space<vmem>> -> memref<80x128xf32, #tpu.memory_space<vmem>>
      %dma_wait3A_562 = arith.constant 0 : i32
      %dma_wait3A_563 = arith.constant 0 : i32
      %dma_wait3A_564 = tpu.memref_slice %arg14[%dma_wait3A_562, %dma_wait3A_563] : memref<5632x128xf32, #tpu.memory_space<vmem_shared>> -> memref<5632x128xf32, #tpu.memory_space<vmem_shared>>
      tpu.wait_indirect_dma semaphore(%arg15 : memref<!tpu.dma_semaphore, #tpu.memory_space<semaphore_mem>>) src(%dma_wait3A_561 : memref<80x128xf32, #tpu.memory_space<vmem>>) dst(%dma_wait3A_564 : memref<5632x128xf32, #tpu.memory_space<vmem_shared>>)
      %dma_wait3A_565 = arith.constant 80 : i32
      %dma_wait3A_566 = arith.constant 0 : i32
      %dma_wait3A_567 = tpu.memref_slice %arg13[%dma_wait3A_565, %dma_wait3A_566] : memref<400x128xf32, #tpu.memory_space<vmem>> -> memref<80x128xf32, #tpu.memory_space<vmem>>
      %dma_wait3A_568 = arith.constant 0 : i32
      %dma_wait3A_569 = arith.constant 0 : i32
      %dma_wait3A_570 = tpu.memref_slice %arg14[%dma_wait3A_568, %dma_wait3A_569] : memref<5632x128xf32, #tpu.memory_space<vmem_shared>> -> memref<5632x128xf32, #tpu.memory_space<vmem_shared>>
      tpu.wait_indirect_dma semaphore(%arg15 : memref<!tpu.dma_semaphore, #tpu.memory_space<semaphore_mem>>) src(%dma_wait3A_567 : memref<80x128xf32, #tpu.memory_space<vmem>>) dst(%dma_wait3A_570 : memref<5632x128xf32, #tpu.memory_space<vmem_shared>>)
      %dma_wait3A_571 = arith.constant 160 : i32
      %dma_wait3A_572 = arith.constant 0 : i32
      %dma_wait3A_573 = tpu.memref_slice %arg13[%dma_wait3A_571, %dma_wait3A_572] : memref<400x128xf32, #tpu.memory_space<vmem>> -> memref<80x128xf32, #tpu.memory_space<vmem>>
      %dma_wait3A_574 = arith.constant 0 : i32
      %dma_wait3A_575 = arith.constant 0 : i32
      %dma_wait3A_576 = tpu.memref_slice %arg14[%dma_wait3A_574, %dma_wait3A_575] : memref<5632x128xf32, #tpu.memory_space<vmem_shared>> -> memref<5632x128xf32, #tpu.memory_space<vmem_shared>>
      tpu.wait_indirect_dma semaphore(%arg15 : memref<!tpu.dma_semaphore, #tpu.memory_space<semaphore_mem>>) src(%dma_wait3A_573 : memref<80x128xf32, #tpu.memory_space<vmem>>) dst(%dma_wait3A_576 : memref<5632x128xf32, #tpu.memory_space<vmem_shared>>)
      %dma_wait3A_577 = arith.constant 240 : i32
      %dma_wait3A_578 = arith.constant 0 : i32
      %dma_wait3A_579 = tpu.memref_slice %arg13[%dma_wait3A_577, %dma_wait3A_578] : memref<400x128xf32, #tpu.memory_space<vmem>> -> memref<80x128xf32, #tpu.memory_space<vmem>>
      %dma_wait3A_580 = arith.constant 0 : i32
      %dma_wait3A_581 = arith.constant 0 : i32
      %dma_wait3A_582 = tpu.memref_slice %arg14[%dma_wait3A_580, %dma_wait3A_581] : memref<5632x128xf32, #tpu.memory_space<vmem_shared>> -> memref<5632x128xf32, #tpu.memory_space<vmem_shared>>
      tpu.wait_indirect_dma semaphore(%arg15 : memref<!tpu.dma_semaphore, #tpu.memory_space<semaphore_mem>>) src(%dma_wait3A_579 : memref<80x128xf32, #tpu.memory_space<vmem>>) dst(%dma_wait3A_582 : memref<5632x128xf32, #tpu.memory_space<vmem_shared>>)
      %dma_wait3A_583 = arith.constant 320 : i32
      %dma_wait3A_584 = arith.constant 0 : i32
      %dma_wait3A_585 = tpu.memref_slice %arg13[%dma_wait3A_583, %dma_wait3A_584] : memref<400x128xf32, #tpu.memory_space<vmem>> -> memref<80x128xf32, #tpu.memory_space<vmem>>
      %dma_wait3A_586 = arith.constant 0 : i32
      %dma_wait3A_587 = arith.constant 0 : i32
      %dma_wait3A_588 = tpu.memref_slice %arg14[%dma_wait3A_586, %dma_wait3A_587] : memref<5632x128xf32, #tpu.memory_space<vmem_shared>> -> memref<5632x128xf32, #tpu.memory_space<vmem_shared>>
      tpu.wait_indirect_dma semaphore(%arg15 : memref<!tpu.dma_semaphore, #tpu.memory_space<semaphore_mem>>) src(%dma_wait3A_585 : memref<80x128xf32, #tpu.memory_space<vmem>>) dst(%dma_wait3A_588 : memref<5632x128xf32, #tpu.memory_space<vmem_shared>>)
    }
    %scan3A_51 = arith.constant 50 : i32
    %barrier3A_52 = arith.constant 0 : index
    tpu.barrier barrier_id(%barrier3A_52)
    %add3A_53 = arith.addi %mul3A_38, %multiple_of3A : i32
    %multiple_of3A_54 = tpu.assume_multiple %add3A_53, 8 : i32
    "tpu.region"() ({
      %run_scoped3A = tpu.sem_alloc : memref<!tpu.dma_semaphore, #tpu.memory_space<semaphore_mem>>
      %dma_start3A = arith.constant 0 : i32
      %dma_start3A_55 = tpu.memref_slice %arg6[%multiple_of3A_54, %dma_start3A] : memref<11264x128xf32, #tpu.memory_space<hbm>> -> memref<352x128xf32, #tpu.memory_space<hbm>>
      %dma_start3A_56 = arith.constant 0 : i32
      %dma_start3A_57 = tpu.memref_slice %arg14[%multiple_of3A, %dma_start3A_56] : memref<5632x128xf32, #tpu.memory_space<vmem_shared>> -> memref<352x128xf32, #tpu.memory_space<vmem_shared>>
      tpu.enqueue_dma source(%dma_start3A_57 : memref<352x128xf32, #tpu.memory_space<vmem_shared>>) target(%dma_start3A_55 : memref<352x128xf32, #tpu.memory_space<hbm>>) target_semaphore(%run_scoped3A : memref<!tpu.dma_semaphore, #tpu.memory_space<semaphore_mem>>)
      %dma_wait3A = arith.constant 0 : i32
      %dma_wait3A_58 = tpu.memref_slice %arg6[%multiple_of3A_54, %dma_wait3A] : memref<11264x128xf32, #tpu.memory_space<hbm>> -> memref<352x128xf32, #tpu.memory_space<hbm>>
      %dma_wait3A_59 = arith.constant 0 : i32
      %dma_wait3A_60 = tpu.memref_slice %arg14[%multiple_of3A, %dma_wait3A_59] : memref<5632x128xf32, #tpu.memory_space<vmem_shared>> -> memref<352x128xf32, #tpu.memory_space<vmem_shared>>
      tpu.wait_dma2 semaphore(%run_scoped3A : memref<!tpu.dma_semaphore, #tpu.memory_space<semaphore_mem>>) src(%dma_wait3A_60 : memref<352x128xf32, #tpu.memory_space<vmem_shared>>) dst(%dma_wait3A_58 : memref<352x128xf32, #tpu.memory_space<hbm>>)
      tpu.yield
    }) : () -> ()
    return
  }
}

#map = affine_map<(d0, d1) -> (0, 0)>
#map1 = affine_map<(d0, d1) -> (0)>
module attributes {stable_mosaic.version = 14 : i64} {
  func.func @_sc_gather_body(%arg0: i32, %arg1: i32, %arg2: memref<10000x128xf32, #tpu.memory_space<hbm>>, %arg3: memref<10000x128xf32, #tpu.memory_space<hbm>>, %arg4: memref<320000xi32, #tpu.memory_space<hbm>>, %arg5: memref<320000xi32, #tpu.memory_space<hbm>>, %arg6: memref<320000x128xf32, #tpu.memory_space<hbm>>, %arg7: memref<320000x128xf32, #tpu.memory_space<hbm>>, %arg8: memref<400xi32, #tpu.memory_space<vmem>>, %arg9: memref<400xi32, #tpu.memory_space<vmem>>, %arg10: memref<400x128xf32, #tpu.memory_space<vmem>>, %arg11: memref<400x128xf32, #tpu.memory_space<vmem>>, %arg12: memref<!tpu.dma_semaphore, #tpu.memory_space<semaphore_mem>>, %arg13: memref<!tpu.dma_semaphore, #tpu.memory_space<semaphore_mem>>) attributes {dimension_semantics = [#tpu.dimension_semantics<core_parallel>, #tpu.dimension_semantics<subcore_parallel>], iteration_bounds = array<i64: 2, 16>, scalar_prefetch = 0 : i64, scratch_operands = 6 : i64, tpu.core_type = #tpu.core_type<sc_vector_subcore>, window_params = [{transform_indices = #map}, {transform_indices = #map}, {transform_indices = #map1}, {transform_indices = #map1}, {transform_indices = #map}, {transform_indices = #map}]} {
    %mul3A = arith.constant 2 : i32
    %mul3A_0 = arith.muli %arg1, %mul3A : i32
    %add3A = arith.addi %mul3A_0, %arg0 : i32
    %scan3A = arith.constant 0 : i32
    %scan3A_1 = arith.constant 0 : i32
    %scan3A_2 = arith.constant 25 : i32
    %scan3A_3 = arith.addi %scan3A_1, %scan3A_2 : i32
    %scan3A_4 = arith.constant 1 : i32
    scf.for %scan3A_6 = %scan3A_1 to %scan3A_3 step %scan3A_4  : i32 {
      %mul3A_7 = arith.constant 10000 : i32
      %mul3A_8 = arith.muli %add3A, %mul3A_7 : i32
      %mul3A_9 = arith.constant 400 : i32
      %mul3A_10 = arith.muli %scan3A_6, %mul3A_9 : i32
      %add3A_11 = arith.addi %mul3A_8, %mul3A_10 : i32
      %multiple_of3A = tpu.assume_multiple %add3A_11, 80 : i32
      %dma_start3A = tpu.memref_slice %arg4[%multiple_of3A] : memref<320000xi32, #tpu.memory_space<hbm>> -> memref<400xi32, #tpu.memory_space<hbm>>
      %dma_start3A_12 = tpu.memref_slice %arg4[%multiple_of3A] : memref<320000xi32, #tpu.memory_space<hbm>> -> memref<400xi32, #tpu.memory_space<hbm>>
      tpu.enqueue_dma source(%dma_start3A_12 : memref<400xi32, #tpu.memory_space<hbm>>) target(%arg8 : memref<400xi32, #tpu.memory_space<vmem>>) target_semaphore(%arg12 : memref<!tpu.dma_semaphore, #tpu.memory_space<semaphore_mem>>)
      %dma_start3A_13 = tpu.memref_slice %arg5[%multiple_of3A] : memref<320000xi32, #tpu.memory_space<hbm>> -> memref<400xi32, #tpu.memory_space<hbm>>
      %dma_start3A_14 = tpu.memref_slice %arg5[%multiple_of3A] : memref<320000xi32, #tpu.memory_space<hbm>> -> memref<400xi32, #tpu.memory_space<hbm>>
      tpu.enqueue_dma source(%dma_start3A_14 : memref<400xi32, #tpu.memory_space<hbm>>) target(%arg9 : memref<400xi32, #tpu.memory_space<vmem>>) target_semaphore(%arg13 : memref<!tpu.dma_semaphore, #tpu.memory_space<semaphore_mem>>)
      %dma_wait3A = tpu.memref_slice %arg4[%multiple_of3A] : memref<320000xi32, #tpu.memory_space<hbm>> -> memref<400xi32, #tpu.memory_space<hbm>>
      %dma_wait3A_15 = tpu.memref_slice %arg4[%multiple_of3A] : memref<320000xi32, #tpu.memory_space<hbm>> -> memref<400xi32, #tpu.memory_space<hbm>>
      tpu.wait_dma2 semaphore(%arg12 : memref<!tpu.dma_semaphore, #tpu.memory_space<semaphore_mem>>) src(%dma_wait3A_15 : memref<400xi32, #tpu.memory_space<hbm>>) dst(%arg8 : memref<400xi32, #tpu.memory_space<vmem>>)
      %dma_wait3A_16 = tpu.memref_slice %arg5[%multiple_of3A] : memref<320000xi32, #tpu.memory_space<hbm>> -> memref<400xi32, #tpu.memory_space<hbm>>
      %dma_wait3A_17 = tpu.memref_slice %arg5[%multiple_of3A] : memref<320000xi32, #tpu.memory_space<hbm>> -> memref<400xi32, #tpu.memory_space<hbm>>
      tpu.wait_dma2 semaphore(%arg13 : memref<!tpu.dma_semaphore, #tpu.memory_space<semaphore_mem>>) src(%dma_wait3A_17 : memref<400xi32, #tpu.memory_space<hbm>>) dst(%arg9 : memref<400xi32, #tpu.memory_space<vmem>>)
      %dma_start3A_18 = arith.constant 0 : i32
      %dma_start3A_19 = arith.constant 0 : i32
      %dma_start3A_20 = tpu.memref_slice %arg10[%dma_start3A_18, %dma_start3A_19] : memref<400x128xf32, #tpu.memory_space<vmem>> -> memref<80x128xf32, #tpu.memory_space<vmem>>
      %dma_start3A_21 = arith.constant 0 : i32
      %dma_start3A_22 = tpu.memref_slice %arg8[%dma_start3A_21] : memref<400xi32, #tpu.memory_space<vmem>> -> memref<80xi32, #tpu.memory_space<vmem>>
      %dma_start3A_23 = arith.constant 0 : i32
      %dma_start3A_24 = arith.constant 0 : i32
      %dma_start3A_25 = tpu.memref_slice %arg2[%dma_start3A_23, %dma_start3A_24] : memref<10000x128xf32, #tpu.memory_space<hbm>> -> memref<10000x128xf32, #tpu.memory_space<hbm>>
      tpu.enqueue_indirect_dma source(%dma_start3A_25 : memref<10000x128xf32, #tpu.memory_space<hbm>>) target(%dma_start3A_20 : memref<80x128xf32, #tpu.memory_space<vmem>>) offsets(%dma_start3A_22 : memref<80xi32, #tpu.memory_space<vmem>>) semaphore(%arg12 : memref<!tpu.dma_semaphore, #tpu.memory_space<semaphore_mem>>)
      %dma_start3A_26 = arith.constant 0 : i32
      %dma_start3A_27 = arith.constant 0 : i32
      %dma_start3A_28 = tpu.memref_slice %arg11[%dma_start3A_26, %dma_start3A_27] : memref<400x128xf32, #tpu.memory_space<vmem>> -> memref<80x128xf32, #tpu.memory_space<vmem>>
      %dma_start3A_29 = arith.constant 0 : i32
      %dma_start3A_30 = tpu.memref_slice %arg9[%dma_start3A_29] : memref<400xi32, #tpu.memory_space<vmem>> -> memref<80xi32, #tpu.memory_space<vmem>>
      %dma_start3A_31 = arith.constant 0 : i32
      %dma_start3A_32 = arith.constant 0 : i32
      %dma_start3A_33 = tpu.memref_slice %arg3[%dma_start3A_31, %dma_start3A_32] : memref<10000x128xf32, #tpu.memory_space<hbm>> -> memref<10000x128xf32, #tpu.memory_space<hbm>>
      tpu.enqueue_indirect_dma source(%dma_start3A_33 : memref<10000x128xf32, #tpu.memory_space<hbm>>) target(%dma_start3A_28 : memref<80x128xf32, #tpu.memory_space<vmem>>) offsets(%dma_start3A_30 : memref<80xi32, #tpu.memory_space<vmem>>) semaphore(%arg13 : memref<!tpu.dma_semaphore, #tpu.memory_space<semaphore_mem>>)
      %dma_start3A_34 = arith.constant 80 : i32
      %dma_start3A_35 = arith.constant 0 : i32
      %dma_start3A_36 = tpu.memref_slice %arg10[%dma_start3A_34, %dma_start3A_35] : memref<400x128xf32, #tpu.memory_space<vmem>> -> memref<80x128xf32, #tpu.memory_space<vmem>>
      %dma_start3A_37 = arith.constant 80 : i32
      %dma_start3A_38 = tpu.memref_slice %arg8[%dma_start3A_37] : memref<400xi32, #tpu.memory_space<vmem>> -> memref<80xi32, #tpu.memory_space<vmem>>
      %dma_start3A_39 = arith.constant 0 : i32
      %dma_start3A_40 = arith.constant 0 : i32
      %dma_start3A_41 = tpu.memref_slice %arg2[%dma_start3A_39, %dma_start3A_40] : memref<10000x128xf32, #tpu.memory_space<hbm>> -> memref<10000x128xf32, #tpu.memory_space<hbm>>
      tpu.enqueue_indirect_dma source(%dma_start3A_41 : memref<10000x128xf32, #tpu.memory_space<hbm>>) target(%dma_start3A_36 : memref<80x128xf32, #tpu.memory_space<vmem>>) offsets(%dma_start3A_38 : memref<80xi32, #tpu.memory_space<vmem>>) semaphore(%arg12 : memref<!tpu.dma_semaphore, #tpu.memory_space<semaphore_mem>>)
      %dma_start3A_42 = arith.constant 80 : i32
      %dma_start3A_43 = arith.constant 0 : i32
      %dma_start3A_44 = tpu.memref_slice %arg11[%dma_start3A_42, %dma_start3A_43] : memref<400x128xf32, #tpu.memory_space<vmem>> -> memref<80x128xf32, #tpu.memory_space<vmem>>
      %dma_start3A_45 = arith.constant 80 : i32
      %dma_start3A_46 = tpu.memref_slice %arg9[%dma_start3A_45] : memref<400xi32, #tpu.memory_space<vmem>> -> memref<80xi32, #tpu.memory_space<vmem>>
      %dma_start3A_47 = arith.constant 0 : i32
      %dma_start3A_48 = arith.constant 0 : i32
      %dma_start3A_49 = tpu.memref_slice %arg3[%dma_start3A_47, %dma_start3A_48] : memref<10000x128xf32, #tpu.memory_space<hbm>> -> memref<10000x128xf32, #tpu.memory_space<hbm>>
      tpu.enqueue_indirect_dma source(%dma_start3A_49 : memref<10000x128xf32, #tpu.memory_space<hbm>>) target(%dma_start3A_44 : memref<80x128xf32, #tpu.memory_space<vmem>>) offsets(%dma_start3A_46 : memref<80xi32, #tpu.memory_space<vmem>>) semaphore(%arg13 : memref<!tpu.dma_semaphore, #tpu.memory_space<semaphore_mem>>)
      %dma_start3A_50 = arith.constant 160 : i32
      %dma_start3A_51 = arith.constant 0 : i32
      %dma_start3A_52 = tpu.memref_slice %arg10[%dma_start3A_50, %dma_start3A_51] : memref<400x128xf32, #tpu.memory_space<vmem>> -> memref<80x128xf32, #tpu.memory_space<vmem>>
      %dma_start3A_53 = arith.constant 160 : i32
      %dma_start3A_54 = tpu.memref_slice %arg8[%dma_start3A_53] : memref<400xi32, #tpu.memory_space<vmem>> -> memref<80xi32, #tpu.memory_space<vmem>>
      %dma_start3A_55 = arith.constant 0 : i32
      %dma_start3A_56 = arith.constant 0 : i32
      %dma_start3A_57 = tpu.memref_slice %arg2[%dma_start3A_55, %dma_start3A_56] : memref<10000x128xf32, #tpu.memory_space<hbm>> -> memref<10000x128xf32, #tpu.memory_space<hbm>>
      tpu.enqueue_indirect_dma source(%dma_start3A_57 : memref<10000x128xf32, #tpu.memory_space<hbm>>) target(%dma_start3A_52 : memref<80x128xf32, #tpu.memory_space<vmem>>) offsets(%dma_start3A_54 : memref<80xi32, #tpu.memory_space<vmem>>) semaphore(%arg12 : memref<!tpu.dma_semaphore, #tpu.memory_space<semaphore_mem>>)
      %dma_start3A_58 = arith.constant 160 : i32
      %dma_start3A_59 = arith.constant 0 : i32
      %dma_start3A_60 = tpu.memref_slice %arg11[%dma_start3A_58, %dma_start3A_59] : memref<400x128xf32, #tpu.memory_space<vmem>> -> memref<80x128xf32, #tpu.memory_space<vmem>>
      %dma_start3A_61 = arith.constant 160 : i32
      %dma_start3A_62 = tpu.memref_slice %arg9[%dma_start3A_61] : memref<400xi32, #tpu.memory_space<vmem>> -> memref<80xi32, #tpu.memory_space<vmem>>
      %dma_start3A_63 = arith.constant 0 : i32
      %dma_start3A_64 = arith.constant 0 : i32
      %dma_start3A_65 = tpu.memref_slice %arg3[%dma_start3A_63, %dma_start3A_64] : memref<10000x128xf32, #tpu.memory_space<hbm>> -> memref<10000x128xf32, #tpu.memory_space<hbm>>
      tpu.enqueue_indirect_dma source(%dma_start3A_65 : memref<10000x128xf32, #tpu.memory_space<hbm>>) target(%dma_start3A_60 : memref<80x128xf32, #tpu.memory_space<vmem>>) offsets(%dma_start3A_62 : memref<80xi32, #tpu.memory_space<vmem>>) semaphore(%arg13 : memref<!tpu.dma_semaphore, #tpu.memory_space<semaphore_mem>>)
      %dma_start3A_66 = arith.constant 240 : i32
      %dma_start3A_67 = arith.constant 0 : i32
      %dma_start3A_68 = tpu.memref_slice %arg10[%dma_start3A_66, %dma_start3A_67] : memref<400x128xf32, #tpu.memory_space<vmem>> -> memref<80x128xf32, #tpu.memory_space<vmem>>
      %dma_start3A_69 = arith.constant 240 : i32
      %dma_start3A_70 = tpu.memref_slice %arg8[%dma_start3A_69] : memref<400xi32, #tpu.memory_space<vmem>> -> memref<80xi32, #tpu.memory_space<vmem>>
      %dma_start3A_71 = arith.constant 0 : i32
      %dma_start3A_72 = arith.constant 0 : i32
      %dma_start3A_73 = tpu.memref_slice %arg2[%dma_start3A_71, %dma_start3A_72] : memref<10000x128xf32, #tpu.memory_space<hbm>> -> memref<10000x128xf32, #tpu.memory_space<hbm>>
      tpu.enqueue_indirect_dma source(%dma_start3A_73 : memref<10000x128xf32, #tpu.memory_space<hbm>>) target(%dma_start3A_68 : memref<80x128xf32, #tpu.memory_space<vmem>>) offsets(%dma_start3A_70 : memref<80xi32, #tpu.memory_space<vmem>>) semaphore(%arg12 : memref<!tpu.dma_semaphore, #tpu.memory_space<semaphore_mem>>)
      %dma_start3A_74 = arith.constant 240 : i32
      %dma_start3A_75 = arith.constant 0 : i32
      %dma_start3A_76 = tpu.memref_slice %arg11[%dma_start3A_74, %dma_start3A_75] : memref<400x128xf32, #tpu.memory_space<vmem>> -> memref<80x128xf32, #tpu.memory_space<vmem>>
      %dma_start3A_77 = arith.constant 240 : i32
      %dma_start3A_78 = tpu.memref_slice %arg9[%dma_start3A_77] : memref<400xi32, #tpu.memory_space<vmem>> -> memref<80xi32, #tpu.memory_space<vmem>>
      %dma_start3A_79 = arith.constant 0 : i32
      %dma_start3A_80 = arith.constant 0 : i32
      %dma_start3A_81 = tpu.memref_slice %arg3[%dma_start3A_79, %dma_start3A_80] : memref<10000x128xf32, #tpu.memory_space<hbm>> -> memref<10000x128xf32, #tpu.memory_space<hbm>>
      tpu.enqueue_indirect_dma source(%dma_start3A_81 : memref<10000x128xf32, #tpu.memory_space<hbm>>) target(%dma_start3A_76 : memref<80x128xf32, #tpu.memory_space<vmem>>) offsets(%dma_start3A_78 : memref<80xi32, #tpu.memory_space<vmem>>) semaphore(%arg13 : memref<!tpu.dma_semaphore, #tpu.memory_space<semaphore_mem>>)
      %dma_start3A_82 = arith.constant 320 : i32
      %dma_start3A_83 = arith.constant 0 : i32
      %dma_start3A_84 = tpu.memref_slice %arg10[%dma_start3A_82, %dma_start3A_83] : memref<400x128xf32, #tpu.memory_space<vmem>> -> memref<80x128xf32, #tpu.memory_space<vmem>>
      %dma_start3A_85 = arith.constant 320 : i32
      %dma_start3A_86 = tpu.memref_slice %arg8[%dma_start3A_85] : memref<400xi32, #tpu.memory_space<vmem>> -> memref<80xi32, #tpu.memory_space<vmem>>
      %dma_start3A_87 = arith.constant 0 : i32
      %dma_start3A_88 = arith.constant 0 : i32
      %dma_start3A_89 = tpu.memref_slice %arg2[%dma_start3A_87, %dma_start3A_88] : memref<10000x128xf32, #tpu.memory_space<hbm>> -> memref<10000x128xf32, #tpu.memory_space<hbm>>
      tpu.enqueue_indirect_dma source(%dma_start3A_89 : memref<10000x128xf32, #tpu.memory_space<hbm>>) target(%dma_start3A_84 : memref<80x128xf32, #tpu.memory_space<vmem>>) offsets(%dma_start3A_86 : memref<80xi32, #tpu.memory_space<vmem>>) semaphore(%arg12 : memref<!tpu.dma_semaphore, #tpu.memory_space<semaphore_mem>>)
      %dma_start3A_90 = arith.constant 320 : i32
      %dma_start3A_91 = arith.constant 0 : i32
      %dma_start3A_92 = tpu.memref_slice %arg11[%dma_start3A_90, %dma_start3A_91] : memref<400x128xf32, #tpu.memory_space<vmem>> -> memref<80x128xf32, #tpu.memory_space<vmem>>
      %dma_start3A_93 = arith.constant 320 : i32
      %dma_start3A_94 = tpu.memref_slice %arg9[%dma_start3A_93] : memref<400xi32, #tpu.memory_space<vmem>> -> memref<80xi32, #tpu.memory_space<vmem>>
      %dma_start3A_95 = arith.constant 0 : i32
      %dma_start3A_96 = arith.constant 0 : i32
      %dma_start3A_97 = tpu.memref_slice %arg3[%dma_start3A_95, %dma_start3A_96] : memref<10000x128xf32, #tpu.memory_space<hbm>> -> memref<10000x128xf32, #tpu.memory_space<hbm>>
      tpu.enqueue_indirect_dma source(%dma_start3A_97 : memref<10000x128xf32, #tpu.memory_space<hbm>>) target(%dma_start3A_92 : memref<80x128xf32, #tpu.memory_space<vmem>>) offsets(%dma_start3A_94 : memref<80xi32, #tpu.memory_space<vmem>>) semaphore(%arg13 : memref<!tpu.dma_semaphore, #tpu.memory_space<semaphore_mem>>)
      %dma_wait3A_98 = arith.constant 0 : i32
      %dma_wait3A_99 = arith.constant 0 : i32
      %dma_wait3A_100 = tpu.memref_slice %arg10[%dma_wait3A_98, %dma_wait3A_99] : memref<400x128xf32, #tpu.memory_space<vmem>> -> memref<80x128xf32, #tpu.memory_space<vmem>>
      %dma_wait3A_101 = arith.constant 0 : i32
      %dma_wait3A_102 = tpu.memref_slice %arg8[%dma_wait3A_101] : memref<400xi32, #tpu.memory_space<vmem>> -> memref<80xi32, #tpu.memory_space<vmem>>
      %dma_wait3A_103 = arith.constant 0 : i32
      %dma_wait3A_104 = arith.constant 0 : i32
      %dma_wait3A_105 = tpu.memref_slice %arg2[%dma_wait3A_103, %dma_wait3A_104] : memref<10000x128xf32, #tpu.memory_space<hbm>> -> memref<10000x128xf32, #tpu.memory_space<hbm>>
      tpu.wait_indirect_dma semaphore(%arg12 : memref<!tpu.dma_semaphore, #tpu.memory_space<semaphore_mem>>) src(%dma_wait3A_105 : memref<10000x128xf32, #tpu.memory_space<hbm>>) dst(%dma_wait3A_100 : memref<80x128xf32, #tpu.memory_space<vmem>>)
      %dma_wait3A_106 = arith.constant 80 : i32
      %dma_wait3A_107 = arith.constant 0 : i32
      %dma_wait3A_108 = tpu.memref_slice %arg10[%dma_wait3A_106, %dma_wait3A_107] : memref<400x128xf32, #tpu.memory_space<vmem>> -> memref<80x128xf32, #tpu.memory_space<vmem>>
      %dma_wait3A_109 = arith.constant 80 : i32
      %dma_wait3A_110 = tpu.memref_slice %arg8[%dma_wait3A_109] : memref<400xi32, #tpu.memory_space<vmem>> -> memref<80xi32, #tpu.memory_space<vmem>>
      %dma_wait3A_111 = arith.constant 0 : i32
      %dma_wait3A_112 = arith.constant 0 : i32
      %dma_wait3A_113 = tpu.memref_slice %arg2[%dma_wait3A_111, %dma_wait3A_112] : memref<10000x128xf32, #tpu.memory_space<hbm>> -> memref<10000x128xf32, #tpu.memory_space<hbm>>
      tpu.wait_indirect_dma semaphore(%arg12 : memref<!tpu.dma_semaphore, #tpu.memory_space<semaphore_mem>>) src(%dma_wait3A_113 : memref<10000x128xf32, #tpu.memory_space<hbm>>) dst(%dma_wait3A_108 : memref<80x128xf32, #tpu.memory_space<vmem>>)
      %dma_wait3A_114 = arith.constant 160 : i32
      %dma_wait3A_115 = arith.constant 0 : i32
      %dma_wait3A_116 = tpu.memref_slice %arg10[%dma_wait3A_114, %dma_wait3A_115] : memref<400x128xf32, #tpu.memory_space<vmem>> -> memref<80x128xf32, #tpu.memory_space<vmem>>
      %dma_wait3A_117 = arith.constant 160 : i32
      %dma_wait3A_118 = tpu.memref_slice %arg8[%dma_wait3A_117] : memref<400xi32, #tpu.memory_space<vmem>> -> memref<80xi32, #tpu.memory_space<vmem>>
      %dma_wait3A_119 = arith.constant 0 : i32
      %dma_wait3A_120 = arith.constant 0 : i32
      %dma_wait3A_121 = tpu.memref_slice %arg2[%dma_wait3A_119, %dma_wait3A_120] : memref<10000x128xf32, #tpu.memory_space<hbm>> -> memref<10000x128xf32, #tpu.memory_space<hbm>>
      tpu.wait_indirect_dma semaphore(%arg12 : memref<!tpu.dma_semaphore, #tpu.memory_space<semaphore_mem>>) src(%dma_wait3A_121 : memref<10000x128xf32, #tpu.memory_space<hbm>>) dst(%dma_wait3A_116 : memref<80x128xf32, #tpu.memory_space<vmem>>)
      %dma_wait3A_122 = arith.constant 240 : i32
      %dma_wait3A_123 = arith.constant 0 : i32
      %dma_wait3A_124 = tpu.memref_slice %arg10[%dma_wait3A_122, %dma_wait3A_123] : memref<400x128xf32, #tpu.memory_space<vmem>> -> memref<80x128xf32, #tpu.memory_space<vmem>>
      %dma_wait3A_125 = arith.constant 240 : i32
      %dma_wait3A_126 = tpu.memref_slice %arg8[%dma_wait3A_125] : memref<400xi32, #tpu.memory_space<vmem>> -> memref<80xi32, #tpu.memory_space<vmem>>
      %dma_wait3A_127 = arith.constant 0 : i32
      %dma_wait3A_128 = arith.constant 0 : i32
      %dma_wait3A_129 = tpu.memref_slice %arg2[%dma_wait3A_127, %dma_wait3A_128] : memref<10000x128xf32, #tpu.memory_space<hbm>> -> memref<10000x128xf32, #tpu.memory_space<hbm>>
      tpu.wait_indirect_dma semaphore(%arg12 : memref<!tpu.dma_semaphore, #tpu.memory_space<semaphore_mem>>) src(%dma_wait3A_129 : memref<10000x128xf32, #tpu.memory_space<hbm>>) dst(%dma_wait3A_124 : memref<80x128xf32, #tpu.memory_space<vmem>>)
      %dma_wait3A_130 = arith.constant 320 : i32
      %dma_wait3A_131 = arith.constant 0 : i32
      %dma_wait3A_132 = tpu.memref_slice %arg10[%dma_wait3A_130, %dma_wait3A_131] : memref<400x128xf32, #tpu.memory_space<vmem>> -> memref<80x128xf32, #tpu.memory_space<vmem>>
      %dma_wait3A_133 = arith.constant 320 : i32
      %dma_wait3A_134 = tpu.memref_slice %arg8[%dma_wait3A_133] : memref<400xi32, #tpu.memory_space<vmem>> -> memref<80xi32, #tpu.memory_space<vmem>>
      %dma_wait3A_135 = arith.constant 0 : i32
      %dma_wait3A_136 = arith.constant 0 : i32
      %dma_wait3A_137 = tpu.memref_slice %arg2[%dma_wait3A_135, %dma_wait3A_136] : memref<10000x128xf32, #tpu.memory_space<hbm>> -> memref<10000x128xf32, #tpu.memory_space<hbm>>
      tpu.wait_indirect_dma semaphore(%arg12 : memref<!tpu.dma_semaphore, #tpu.memory_space<semaphore_mem>>) src(%dma_wait3A_137 : memref<10000x128xf32, #tpu.memory_space<hbm>>) dst(%dma_wait3A_132 : memref<80x128xf32, #tpu.memory_space<vmem>>)
      %dma_wait3A_138 = arith.constant 0 : i32
      %dma_wait3A_139 = arith.constant 0 : i32
      %dma_wait3A_140 = tpu.memref_slice %arg11[%dma_wait3A_138, %dma_wait3A_139] : memref<400x128xf32, #tpu.memory_space<vmem>> -> memref<80x128xf32, #tpu.memory_space<vmem>>
      %dma_wait3A_141 = arith.constant 0 : i32
      %dma_wait3A_142 = tpu.memref_slice %arg9[%dma_wait3A_141] : memref<400xi32, #tpu.memory_space<vmem>> -> memref<80xi32, #tpu.memory_space<vmem>>
      %dma_wait3A_143 = arith.constant 0 : i32
      %dma_wait3A_144 = arith.constant 0 : i32
      %dma_wait3A_145 = tpu.memref_slice %arg3[%dma_wait3A_143, %dma_wait3A_144] : memref<10000x128xf32, #tpu.memory_space<hbm>> -> memref<10000x128xf32, #tpu.memory_space<hbm>>
      tpu.wait_indirect_dma semaphore(%arg13 : memref<!tpu.dma_semaphore, #tpu.memory_space<semaphore_mem>>) src(%dma_wait3A_145 : memref<10000x128xf32, #tpu.memory_space<hbm>>) dst(%dma_wait3A_140 : memref<80x128xf32, #tpu.memory_space<vmem>>)
      %dma_wait3A_146 = arith.constant 80 : i32
      %dma_wait3A_147 = arith.constant 0 : i32
      %dma_wait3A_148 = tpu.memref_slice %arg11[%dma_wait3A_146, %dma_wait3A_147] : memref<400x128xf32, #tpu.memory_space<vmem>> -> memref<80x128xf32, #tpu.memory_space<vmem>>
      %dma_wait3A_149 = arith.constant 80 : i32
      %dma_wait3A_150 = tpu.memref_slice %arg9[%dma_wait3A_149] : memref<400xi32, #tpu.memory_space<vmem>> -> memref<80xi32, #tpu.memory_space<vmem>>
      %dma_wait3A_151 = arith.constant 0 : i32
      %dma_wait3A_152 = arith.constant 0 : i32
      %dma_wait3A_153 = tpu.memref_slice %arg3[%dma_wait3A_151, %dma_wait3A_152] : memref<10000x128xf32, #tpu.memory_space<hbm>> -> memref<10000x128xf32, #tpu.memory_space<hbm>>
      tpu.wait_indirect_dma semaphore(%arg13 : memref<!tpu.dma_semaphore, #tpu.memory_space<semaphore_mem>>) src(%dma_wait3A_153 : memref<10000x128xf32, #tpu.memory_space<hbm>>) dst(%dma_wait3A_148 : memref<80x128xf32, #tpu.memory_space<vmem>>)
      %dma_wait3A_154 = arith.constant 160 : i32
      %dma_wait3A_155 = arith.constant 0 : i32
      %dma_wait3A_156 = tpu.memref_slice %arg11[%dma_wait3A_154, %dma_wait3A_155] : memref<400x128xf32, #tpu.memory_space<vmem>> -> memref<80x128xf32, #tpu.memory_space<vmem>>
      %dma_wait3A_157 = arith.constant 160 : i32
      %dma_wait3A_158 = tpu.memref_slice %arg9[%dma_wait3A_157] : memref<400xi32, #tpu.memory_space<vmem>> -> memref<80xi32, #tpu.memory_space<vmem>>
      %dma_wait3A_159 = arith.constant 0 : i32
      %dma_wait3A_160 = arith.constant 0 : i32
      %dma_wait3A_161 = tpu.memref_slice %arg3[%dma_wait3A_159, %dma_wait3A_160] : memref<10000x128xf32, #tpu.memory_space<hbm>> -> memref<10000x128xf32, #tpu.memory_space<hbm>>
      tpu.wait_indirect_dma semaphore(%arg13 : memref<!tpu.dma_semaphore, #tpu.memory_space<semaphore_mem>>) src(%dma_wait3A_161 : memref<10000x128xf32, #tpu.memory_space<hbm>>) dst(%dma_wait3A_156 : memref<80x128xf32, #tpu.memory_space<vmem>>)
      %dma_wait3A_162 = arith.constant 240 : i32
      %dma_wait3A_163 = arith.constant 0 : i32
      %dma_wait3A_164 = tpu.memref_slice %arg11[%dma_wait3A_162, %dma_wait3A_163] : memref<400x128xf32, #tpu.memory_space<vmem>> -> memref<80x128xf32, #tpu.memory_space<vmem>>
      %dma_wait3A_165 = arith.constant 240 : i32
      %dma_wait3A_166 = tpu.memref_slice %arg9[%dma_wait3A_165] : memref<400xi32, #tpu.memory_space<vmem>> -> memref<80xi32, #tpu.memory_space<vmem>>
      %dma_wait3A_167 = arith.constant 0 : i32
      %dma_wait3A_168 = arith.constant 0 : i32
      %dma_wait3A_169 = tpu.memref_slice %arg3[%dma_wait3A_167, %dma_wait3A_168] : memref<10000x128xf32, #tpu.memory_space<hbm>> -> memref<10000x128xf32, #tpu.memory_space<hbm>>
      tpu.wait_indirect_dma semaphore(%arg13 : memref<!tpu.dma_semaphore, #tpu.memory_space<semaphore_mem>>) src(%dma_wait3A_169 : memref<10000x128xf32, #tpu.memory_space<hbm>>) dst(%dma_wait3A_164 : memref<80x128xf32, #tpu.memory_space<vmem>>)
      %dma_wait3A_170 = arith.constant 320 : i32
      %dma_wait3A_171 = arith.constant 0 : i32
      %dma_wait3A_172 = tpu.memref_slice %arg11[%dma_wait3A_170, %dma_wait3A_171] : memref<400x128xf32, #tpu.memory_space<vmem>> -> memref<80x128xf32, #tpu.memory_space<vmem>>
      %dma_wait3A_173 = arith.constant 320 : i32
      %dma_wait3A_174 = tpu.memref_slice %arg9[%dma_wait3A_173] : memref<400xi32, #tpu.memory_space<vmem>> -> memref<80xi32, #tpu.memory_space<vmem>>
      %dma_wait3A_175 = arith.constant 0 : i32
      %dma_wait3A_176 = arith.constant 0 : i32
      %dma_wait3A_177 = tpu.memref_slice %arg3[%dma_wait3A_175, %dma_wait3A_176] : memref<10000x128xf32, #tpu.memory_space<hbm>> -> memref<10000x128xf32, #tpu.memory_space<hbm>>
      tpu.wait_indirect_dma semaphore(%arg13 : memref<!tpu.dma_semaphore, #tpu.memory_space<semaphore_mem>>) src(%dma_wait3A_177 : memref<10000x128xf32, #tpu.memory_space<hbm>>) dst(%dma_wait3A_172 : memref<80x128xf32, #tpu.memory_space<vmem>>)
      "tpu.region"() ({
        %run_scoped3A = tpu.sem_alloc : memref<!tpu.dma_semaphore, #tpu.memory_space<semaphore_mem>>
        %dma_start3A_178 = arith.constant 0 : i32
        %dma_start3A_179 = tpu.memref_slice %arg6[%multiple_of3A, %dma_start3A_178] : memref<320000x128xf32, #tpu.memory_space<hbm>> -> memref<400x128xf32, #tpu.memory_space<hbm>>
        %dma_start3A_180 = arith.constant 0 : i32
        %dma_start3A_181 = tpu.memref_slice %arg6[%multiple_of3A, %dma_start3A_180] : memref<320000x128xf32, #tpu.memory_space<hbm>> -> memref<400x128xf32, #tpu.memory_space<hbm>>
        tpu.enqueue_dma source(%arg10 : memref<400x128xf32, #tpu.memory_space<vmem>>) target(%dma_start3A_181 : memref<400x128xf32, #tpu.memory_space<hbm>>) target_semaphore(%run_scoped3A : memref<!tpu.dma_semaphore, #tpu.memory_space<semaphore_mem>>)
        %dma_wait3A_182 = arith.constant 0 : i32
        %dma_wait3A_183 = tpu.memref_slice %arg6[%multiple_of3A, %dma_wait3A_182] : memref<320000x128xf32, #tpu.memory_space<hbm>> -> memref<400x128xf32, #tpu.memory_space<hbm>>
        %dma_wait3A_184 = arith.constant 0 : i32
        %dma_wait3A_185 = tpu.memref_slice %arg6[%multiple_of3A, %dma_wait3A_184] : memref<320000x128xf32, #tpu.memory_space<hbm>> -> memref<400x128xf32, #tpu.memory_space<hbm>>
        tpu.wait_dma2 semaphore(%run_scoped3A : memref<!tpu.dma_semaphore, #tpu.memory_space<semaphore_mem>>) src(%arg10 : memref<400x128xf32, #tpu.memory_space<vmem>>) dst(%dma_wait3A_185 : memref<400x128xf32, #tpu.memory_space<hbm>>)
        tpu.yield
      }) : () -> ()
      "tpu.region"() ({
        %run_scoped3A = tpu.sem_alloc : memref<!tpu.dma_semaphore, #tpu.memory_space<semaphore_mem>>
        %dma_start3A_178 = arith.constant 0 : i32
        %dma_start3A_179 = tpu.memref_slice %arg7[%multiple_of3A, %dma_start3A_178] : memref<320000x128xf32, #tpu.memory_space<hbm>> -> memref<400x128xf32, #tpu.memory_space<hbm>>
        %dma_start3A_180 = arith.constant 0 : i32
        %dma_start3A_181 = tpu.memref_slice %arg7[%multiple_of3A, %dma_start3A_180] : memref<320000x128xf32, #tpu.memory_space<hbm>> -> memref<400x128xf32, #tpu.memory_space<hbm>>
        tpu.enqueue_dma source(%arg11 : memref<400x128xf32, #tpu.memory_space<vmem>>) target(%dma_start3A_181 : memref<400x128xf32, #tpu.memory_space<hbm>>) target_semaphore(%run_scoped3A : memref<!tpu.dma_semaphore, #tpu.memory_space<semaphore_mem>>)
        %dma_wait3A_182 = arith.constant 0 : i32
        %dma_wait3A_183 = tpu.memref_slice %arg7[%multiple_of3A, %dma_wait3A_182] : memref<320000x128xf32, #tpu.memory_space<hbm>> -> memref<400x128xf32, #tpu.memory_space<hbm>>
        %dma_wait3A_184 = arith.constant 0 : i32
        %dma_wait3A_185 = tpu.memref_slice %arg7[%multiple_of3A, %dma_wait3A_184] : memref<320000x128xf32, #tpu.memory_space<hbm>> -> memref<400x128xf32, #tpu.memory_space<hbm>>
        tpu.wait_dma2 semaphore(%run_scoped3A : memref<!tpu.dma_semaphore, #tpu.memory_space<semaphore_mem>>) src(%arg11 : memref<400x128xf32, #tpu.memory_space<vmem>>) dst(%dma_wait3A_185 : memref<400x128xf32, #tpu.memory_space<hbm>>)
        tpu.yield
      }) : () -> ()
    }
    %scan3A_5 = arith.constant 25 : i32
    return
  }
}

module attributes {stable_mosaic.version = 14 : i64} {
  func.func @_node_proj_body(%arg0: i32, %arg1: memref<2000x128xf32, #tpu.memory_space<vmem>>, %arg2: memref<128x128xf32, #tpu.memory_space<vmem>>, %arg3: memref<128x128xf32, #tpu.memory_space<vmem>>, %arg4: memref<1x128xf32, #tpu.memory_space<vmem>>, %arg5: memref<2000x128xf32, #tpu.memory_space<vmem>>, %arg6: memref<2000x128xf32, #tpu.memory_space<vmem>>) attributes {dimension_semantics = [#tpu.dimension_semantics<arbitrary>], iteration_bounds = array<i64: 5>, scalar_prefetch = 0 : i64, scratch_operands = 0 : i64, tpu.core_type = #tpu.core_type<tc>, window_params = [{transform_indices = @transform_0, window_bounds = array<i64: 2000, 128>}, {pipeline_mode = #tpu.pipeline_mode<synchronous>, transform_indices = @transform_1, window_bounds = array<i64: 128, 128>}, {pipeline_mode = #tpu.pipeline_mode<synchronous>, transform_indices = @transform_2, window_bounds = array<i64: 128, 128>}, {pipeline_mode = #tpu.pipeline_mode<synchronous>, transform_indices = @transform_3, window_bounds = array<i64: 1, 128>}, {transform_indices = @transform_4, window_bounds = array<i64: 2000, 128>}, {transform_indices = @transform_5, window_bounds = array<i64: 2000, 128>}]} {
    %get3A = arith.constant 0 : index
    %get3A_0 = arith.constant 0 : index
    %get3A_1 = vector.load %arg1[%get3A, %get3A_0] : memref<2000x128xf32, #tpu.memory_space<vmem>>, vector<2000x128xf32>
    %get3A_2 = arith.constant 0 : index
    %get3A_3 = arith.constant 0 : index
    %get3A_4 = vector.load %arg2[%get3A_2, %get3A_3] : memref<128x128xf32, #tpu.memory_space<vmem>>, vector<128x128xf32>
    %dot_general3A = arith.constant dense<0.000000e+00> : vector<2000x128xf32>
    %dot_general3A_5 = tpu.matmul %get3A_1, %get3A_4, %dot_general3A {dimension_numbers = #tpu.dot_dimension_numbers<[1], [0], [0], [1], [0, 0, 1, 1], [], []>, transpose_lhs_hint = false} : vector<2000x128xf32>, vector<128x128xf32>, vector<2000x128xf32> -> vector<2000x128xf32>
    %swap3A = arith.constant 0 : index
    %swap3A_6 = arith.constant 0 : index
    %swap3A_7 = vector.load %arg5[%swap3A, %swap3A_6] : memref<2000x128xf32, #tpu.memory_space<vmem>>, vector<2000x128xf32>
    tpu.vector_store %arg5[%swap3A, %swap3A_6], %dot_general3A_5 {strides = array<i32>} : memref<2000x128xf32, #tpu.memory_space<vmem>>, vector<2000x128xf32>,
    %get3A_8 = arith.constant 0 : index
    %get3A_9 = arith.constant 0 : index
    %get3A_10 = vector.load %arg3[%get3A_8, %get3A_9] : memref<128x128xf32, #tpu.memory_space<vmem>>, vector<128x128xf32>
    %dot_general3A_11 = arith.constant dense<0.000000e+00> : vector<2000x128xf32>
    %dot_general3A_12 = tpu.matmul %get3A_1, %get3A_10, %dot_general3A_11 {dimension_numbers = #tpu.dot_dimension_numbers<[1], [0], [0], [1], [0, 0, 1, 1], [], []>, transpose_lhs_hint = false} : vector<2000x128xf32>, vector<128x128xf32>, vector<2000x128xf32> -> vector<2000x128xf32>
    %get3A_13 = arith.constant 0 : index
    %get3A_14 = arith.constant 0 : index
    %get3A_15 = vector.load %arg4[%get3A_13, %get3A_14] : memref<1x128xf32, #tpu.memory_space<vmem>>, vector<1x128xf32>
    %add3A = vector.broadcast %get3A_15 : vector<1x128xf32> to vector<2000x128xf32>
    %add3A_16 = arith.addf %dot_general3A_12, %add3A : vector<2000x128xf32>
    %swap3A_17 = arith.constant 0 : index
    %swap3A_18 = arith.constant 0 : index
    %swap3A_19 = vector.load %arg6[%swap3A_17, %swap3A_18] : memref<2000x128xf32, #tpu.memory_space<vmem>>, vector<2000x128xf32>
    tpu.vector_store %arg6[%swap3A_17, %swap3A_18], %add3A_16 {strides = array<i32>} : memref<2000x128xf32, #tpu.memory_space<vmem>>, vector<2000x128xf32>,
    return
  }
  func.func @transform_0(%arg0: i32) -> (i32, i32) {
    %c0_i32 = arith.constant 0 : i32
    %c0_i32_0 = arith.constant 0 : i32
    return %arg0, %c0_i32 : i32, i32
  }
  func.func @transform_1(%arg0: i32) -> (i32, i32) {
    %c0_i32 = arith.constant 0 : i32
    %c0_i32_0 = arith.constant 0 : i32
    %c0_i32_1 = arith.constant 0 : i32
    return %c0_i32, %c0_i32_0 : i32, i32
  }
  func.func @transform_2(%arg0: i32) -> (i32, i32) {
    %c0_i32 = arith.constant 0 : i32
    %c0_i32_0 = arith.constant 0 : i32
    %c0_i32_1 = arith.constant 0 : i32
    return %c0_i32, %c0_i32_0 : i32, i32
  }
  func.func @transform_3(%arg0: i32) -> (i32, i32) {
    %c0_i32 = arith.constant 0 : i32
    %c0_i32_0 = arith.constant 0 : i32
    %c0_i32_1 = arith.constant 0 : i32
    return %c0_i32, %c0_i32_0 : i32, i32
  }
  func.func @transform_4(%arg0: i32) -> (i32, i32) {
    %c0_i32 = arith.constant 0 : i32
    %c0_i32_0 = arith.constant 0 : i32
    return %arg0, %c0_i32 : i32, i32
  }
  func.func @transform_5(%arg0: i32) -> (i32, i32) {
    %c0_i32 = arith.constant 0 : i32
    %c0_i32_0 = arith.constant 0 : i32
    return %arg0, %c0_i32 : i32, i32
  }
}

module attributes {stable_mosaic.version = 14 : i64} {
  func.func @_edge0_body(%arg0: i32, %arg1: memref<2000x128xf32, #tpu.memory_space<vmem>>, %arg2: memref<2000x128xf32, #tpu.memory_space<vmem>>, %arg3: memref<2000x16xf32, #tpu.memory_space<vmem>>, %arg4: memref<16x128xf32, #tpu.memory_space<vmem>>, %arg5: memref<128x128xf32, #tpu.memory_space<vmem>>, %arg6: memref<1x128xf32, #tpu.memory_space<vmem>>, %arg7: memref<2000x128xf32, #tpu.memory_space<vmem>>) attributes {dimension_semantics = [#tpu.dimension_semantics<arbitrary>], iteration_bounds = array<i64: 160>, scalar_prefetch = 0 : i64, scratch_operands = 0 : i64, tpu.core_type = #tpu.core_type<tc>, window_params = [{transform_indices = @transform_0, window_bounds = array<i64: 2000, 128>}, {transform_indices = @transform_1, window_bounds = array<i64: 2000, 128>}, {transform_indices = @transform_2, window_bounds = array<i64: 2000, 16>}, {pipeline_mode = #tpu.pipeline_mode<synchronous>, transform_indices = @transform_3, window_bounds = array<i64: 16, 128>}, {pipeline_mode = #tpu.pipeline_mode<synchronous>, transform_indices = @transform_4, window_bounds = array<i64: 128, 128>}, {pipeline_mode = #tpu.pipeline_mode<synchronous>, transform_indices = @transform_5, window_bounds = array<i64: 1, 128>}, {transform_indices = @transform_6, window_bounds = array<i64: 2000, 128>}]} {
    %get3A = arith.constant 0 : index
    %get3A_0 = arith.constant 0 : index
    %get3A_1 = vector.load %arg1[%get3A, %get3A_0] : memref<2000x128xf32, #tpu.memory_space<vmem>>, vector<2000x128xf32>
    %get3A_2 = arith.constant 0 : index
    %get3A_3 = arith.constant 0 : index
    %get3A_4 = vector.load %arg2[%get3A_2, %get3A_3] : memref<2000x128xf32, #tpu.memory_space<vmem>>, vector<2000x128xf32>
    %add3A = arith.addf %get3A_1, %get3A_4 : vector<2000x128xf32>
    %get3A_5 = arith.constant 0 : index
    %get3A_6 = arith.constant 0 : index
    %get3A_7 = vector.load %arg3[%get3A_5, %get3A_6] : memref<2000x16xf32, #tpu.memory_space<vmem>>, vector<2000x16xf32>
    %get3A_8 = arith.constant 0 : index
    %get3A_9 = arith.constant 0 : index
    %get3A_10 = vector.load %arg4[%get3A_8, %get3A_9] : memref<16x128xf32, #tpu.memory_space<vmem>>, vector<16x128xf32>
    %dot_general3A = arith.constant dense<0.000000e+00> : vector<2000x128xf32>
    %dot_general3A_11 = tpu.matmul %get3A_7, %get3A_10, %dot_general3A {dimension_numbers = #tpu.dot_dimension_numbers<[1], [0], [0], [1], [0, 0, 1, 1], [], []>, transpose_lhs_hint = false} : vector<2000x16xf32>, vector<16x128xf32>, vector<2000x128xf32> -> vector<2000x128xf32>
    %add3A_12 = arith.addf %add3A, %dot_general3A_11 : vector<2000x128xf32>
    %max3A = arith.constant 0.000000e+00 : f32
    %max3A_13 = vector.broadcast %max3A : f32 to vector<2000x128xf32>
    %max3A_14 = arith.maximumf %add3A_12, %max3A_13 : vector<2000x128xf32>
    %get3A_15 = arith.constant 0 : index
    %get3A_16 = arith.constant 0 : index
    %get3A_17 = vector.load %arg5[%get3A_15, %get3A_16] : memref<128x128xf32, #tpu.memory_space<vmem>>, vector<128x128xf32>
    %dot_general3A_18 = arith.constant dense<0.000000e+00> : vector<2000x128xf32>
    %dot_general3A_19 = tpu.matmul %max3A_14, %get3A_17, %dot_general3A_18 {dimension_numbers = #tpu.dot_dimension_numbers<[1], [0], [0], [1], [0, 0, 1, 1], [], []>, transpose_lhs_hint = false} : vector<2000x128xf32>, vector<128x128xf32>, vector<2000x128xf32> -> vector<2000x128xf32>
    %get3A_20 = arith.constant 0 : index
    %get3A_21 = arith.constant 0 : index
    %get3A_22 = vector.load %arg6[%get3A_20, %get3A_21] : memref<1x128xf32, #tpu.memory_space<vmem>>, vector<1x128xf32>
    %add3A_23 = vector.broadcast %get3A_22 : vector<1x128xf32> to vector<2000x128xf32>
    %add3A_24 = arith.addf %dot_general3A_19, %add3A_23 : vector<2000x128xf32>
    %swap3A = arith.constant 0 : index
    %swap3A_25 = arith.constant 0 : index
    %swap3A_26 = vector.load %arg7[%swap3A, %swap3A_25] : memref<2000x128xf32, #tpu.memory_space<vmem>>, vector<2000x128xf32>
    tpu.vector_store %arg7[%swap3A, %swap3A_25], %add3A_24 {strides = array<i32>} : memref<2000x128xf32, #tpu.memory_space<vmem>>, vector<2000x128xf32>,
    return
  }
  func.func @transform_0(%arg0: i32) -> (i32, i32) {
    %c0_i32 = arith.constant 0 : i32
    %c0_i32_0 = arith.constant 0 : i32
    return %arg0, %c0_i32 : i32, i32
  }
  func.func @transform_1(%arg0: i32) -> (i32, i32) {
    %c0_i32 = arith.constant 0 : i32
    %c0_i32_0 = arith.constant 0 : i32
    return %arg0, %c0_i32 : i32, i32
  }
  func.func @transform_2(%arg0: i32) -> (i32, i32) {
    %c0_i32 = arith.constant 0 : i32
    %c0_i32_0 = arith.constant 0 : i32
    return %arg0, %c0_i32 : i32, i32
  }
  func.func @transform_3(%arg0: i32) -> (i32, i32) {
    %c0_i32 = arith.constant 0 : i32
    %c0_i32_0 = arith.constant 0 : i32
    %c0_i32_1 = arith.constant 0 : i32
    return %c0_i32, %c0_i32_0 : i32, i32
  }
  func.func @transform_4(%arg0: i32) -> (i32, i32) {
    %c0_i32 = arith.constant 0 : i32
    %c0_i32_0 = arith.constant 0 : i32
    %c0_i32_1 = arith.constant 0 : i32
    return %c0_i32, %c0_i32_0 : i32, i32
  }
  func.func @transform_5(%arg0: i32) -> (i32, i32) {
    %c0_i32 = arith.constant 0 : i32
    %c0_i32_0 = arith.constant 0 : i32
    %c0_i32_1 = arith.constant 0 : i32
    return %c0_i32, %c0_i32_0 : i32, i32
  }
  func.func @transform_6(%arg0: i32) -> (i32, i32) {
    %c0_i32 = arith.constant 0 : i32
    %c0_i32_0 = arith.constant 0 : i32
    return %arg0, %c0_i32 : i32, i32
  }
}

module attributes {stable_mosaic.version = 14 : i64} {
  func.func @_node_body(%arg0: i32, %arg1: memref<2000x128xf32, #tpu.memory_space<vmem>>, %arg2: memref<2000x128xf32, #tpu.memory_space<vmem>>, %arg3: memref<2000x128xf32, #tpu.memory_space<vmem>>, %arg4: memref<2000x128xf32, #tpu.memory_space<vmem>>, %arg5: memref<128x128xf32, #tpu.memory_space<vmem>>, %arg6: memref<128x128xf32, #tpu.memory_space<vmem>>, %arg7: memref<128x128xf32, #tpu.memory_space<vmem>>, %arg8: memref<1x128xf32, #tpu.memory_space<vmem>>, %arg9: memref<128x128xf32, #tpu.memory_space<vmem>>, %arg10: memref<1x128xf32, #tpu.memory_space<vmem>>, %arg11: memref<128x128xf32, #tpu.memory_space<vmem>>, %arg12: memref<128x128xf32, #tpu.memory_space<vmem>>, %arg13: memref<1x128xf32, #tpu.memory_space<vmem>>, %arg14: memref<2000x128xf32, #tpu.memory_space<vmem>>, %arg15: memref<2000x128xf32, #tpu.memory_space<vmem>>) attributes {dimension_semantics = [#tpu.dimension_semantics<arbitrary>], iteration_bounds = array<i64: 5>, scalar_prefetch = 0 : i64, scratch_operands = 0 : i64, tpu.core_type = #tpu.core_type<tc>, window_params = [{transform_indices = @transform_0, window_bounds = array<i64: 2000, 128>}, {transform_indices = @transform_1, window_bounds = array<i64: 2000, 128>}, {transform_indices = @transform_2, window_bounds = array<i64: 2000, 128>}, {transform_indices = @transform_3, window_bounds = array<i64: 2000, 128>}, {pipeline_mode = #tpu.pipeline_mode<synchronous>, transform_indices = @transform_4, window_bounds = array<i64: 128, 128>}, {pipeline_mode = #tpu.pipeline_mode<synchronous>, transform_indices = @transform_5, window_bounds = array<i64: 128, 128>}, {pipeline_mode = #tpu.pipeline_mode<synchronous>, transform_indices = @transform_6, window_bounds = array<i64: 128, 128>}, {pipeline_mode = #tpu.pipeline_mode<synchronous>, transform_indices = @transform_7, window_bounds = array<i64: 1, 128>}, {pipeline_mode = #tpu.pipeline_mode<synchronous>, transform_indices = @transform_8, window_bounds = array<i64: 128, 128>}, {pipeline_mode = #tpu.pipeline_mode<synchronous>, transform_indices = @transform_9, window_bounds = array<i64: 1, 128>}, {pipeline_mode = #tpu.pipeline_mode<synchronous>, transform_indices = @transform_10, window_bounds = array<i64: 128, 128>}, {pipeline_mode = #tpu.pipeline_mode<synchronous>, transform_indices = @transform_11, window_bounds = array<i64: 128, 128>}, {pipeline_mode = #tpu.pipeline_mode<synchronous>, transform_indices = @transform_12, window_bounds = array<i64: 1, 128>}, {transform_indices = @transform_13, window_bounds = array<i64: 2000, 128>}, {transform_indices = @transform_14, window_bounds = array<i64: 2000, 128>}]} {
    %get3A = arith.constant 0 : index
    %get3A_0 = arith.constant 0 : index
    %get3A_1 = vector.load %arg3[%get3A, %get3A_0] : memref<2000x128xf32, #tpu.memory_space<vmem>>, vector<2000x1xf32>
    %max3A = arith.constant 1.000000e+00 : f32
    %max3A_2 = vector.broadcast %max3A : f32 to vector<2000x1xf32>
    %max3A_3 = arith.maximumf %get3A_1, %max3A_2 : vector<2000x1xf32>
    %div3A = arith.constant 1.000000e+00 : f32
    %div3A_4 = vector.broadcast %div3A : f32 to vector<2000x1xf32>
    %div3A_5 = arith.divf %div3A_4, %max3A_3 : vector<2000x1xf32>
    %get3A_6 = arith.constant 0 : index
    %get3A_7 = arith.constant 0 : index
    %get3A_8 = vector.load %arg2[%get3A_6, %get3A_7] : memref<2000x128xf32, #tpu.memory_space<vmem>>, vector<2000x128xf32>
    %mul3A = vector.broadcast %div3A_5 : vector<2000x1xf32> to vector<2000x128xf32>
    %mul3A_9 = arith.mulf %get3A_8, %mul3A : vector<2000x128xf32>
    %get3A_10 = arith.constant 0 : index
    %get3A_11 = arith.constant 0 : index
    %get3A_12 = vector.load %arg1[%get3A_10, %get3A_11] : memref<2000x128xf32, #tpu.memory_space<vmem>>, vector<2000x128xf32>
    %get3A_13 = arith.constant 0 : index
    %get3A_14 = arith.constant 0 : index
    %get3A_15 = vector.load %arg5[%get3A_13, %get3A_14] : memref<128x128xf32, #tpu.memory_space<vmem>>, vector<128x128xf32>
    %dot_general3A = arith.constant dense<0.000000e+00> : vector<2000x128xf32>
    %dot_general3A_16 = tpu.matmul %get3A_12, %get3A_15, %dot_general3A {dimension_numbers = #tpu.dot_dimension_numbers<[1], [0], [0], [1], [0, 0, 1, 1], [], []>, transpose_lhs_hint = false} : vector<2000x128xf32>, vector<128x128xf32>, vector<2000x128xf32> -> vector<2000x128xf32>
    %get3A_17 = arith.constant 0 : index
    %get3A_18 = arith.constant 0 : index
    %get3A_19 = vector.load %arg6[%get3A_17, %get3A_18] : memref<128x128xf32, #tpu.memory_space<vmem>>, vector<128x128xf32>
    %dot_general3A_20 = arith.constant dense<0.000000e+00> : vector<2000x128xf32>
    %dot_general3A_21 = tpu.matmul %mul3A_9, %get3A_19, %dot_general3A_20 {dimension_numbers = #tpu.dot_dimension_numbers<[1], [0], [0], [1], [0, 0, 1, 1], [], []>, transpose_lhs_hint = false} : vector<2000x128xf32>, vector<128x128xf32>, vector<2000x128xf32> -> vector<2000x128xf32>
    %add3A = arith.addf %dot_general3A_16, %dot_general3A_21 : vector<2000x128xf32>
    %get3A_22 = arith.constant 0 : index
    %get3A_23 = arith.constant 0 : index
    %get3A_24 = vector.load %arg4[%get3A_22, %get3A_23] : memref<2000x128xf32, #tpu.memory_space<vmem>>, vector<2000x128xf32>
    %get3A_25 = arith.constant 0 : index
    %get3A_26 = arith.constant 0 : index
    %get3A_27 = vector.load %arg7[%get3A_25, %get3A_26] : memref<128x128xf32, #tpu.memory_space<vmem>>, vector<128x128xf32>
    %dot_general3A_28 = arith.constant dense<0.000000e+00> : vector<2000x128xf32>
    %dot_general3A_29 = tpu.matmul %get3A_24, %get3A_27, %dot_general3A_28 {dimension_numbers = #tpu.dot_dimension_numbers<[1], [0], [0], [1], [0, 0, 1, 1], [], []>, transpose_lhs_hint = false} : vector<2000x128xf32>, vector<128x128xf32>, vector<2000x128xf32> -> vector<2000x128xf32>
    %add3A_30 = arith.addf %add3A, %dot_general3A_29 : vector<2000x128xf32>
    %get3A_31 = arith.constant 0 : index
    %get3A_32 = arith.constant 0 : index
    %get3A_33 = vector.load %arg8[%get3A_31, %get3A_32] : memref<1x128xf32, #tpu.memory_space<vmem>>, vector<1x128xf32>
    %add3A_34 = vector.broadcast %get3A_33 : vector<1x128xf32> to vector<2000x128xf32>
    %add3A_35 = arith.addf %add3A_30, %add3A_34 : vector<2000x128xf32>
    %max3A_36 = arith.constant 0.000000e+00 : f32
    %max3A_37 = vector.broadcast %max3A_36 : f32 to vector<2000x128xf32>
    %max3A_38 = arith.maximumf %add3A_35, %max3A_37 : vector<2000x128xf32>
    %get3A_39 = arith.constant 0 : index
    %get3A_40 = arith.constant 0 : index
    %get3A_41 = vector.load %arg9[%get3A_39, %get3A_40] : memref<128x128xf32, #tpu.memory_space<vmem>>, vector<128x128xf32>
    %dot_general3A_42 = arith.constant dense<0.000000e+00> : vector<2000x128xf32>
    %dot_general3A_43 = tpu.matmul %max3A_38, %get3A_41, %dot_general3A_42 {dimension_numbers = #tpu.dot_dimension_numbers<[1], [0], [0], [1], [0, 0, 1, 1], [], []>, transpose_lhs_hint = false} : vector<2000x128xf32>, vector<128x128xf32>, vector<2000x128xf32> -> vector<2000x128xf32>
    %get3A_44 = arith.constant 0 : index
    %get3A_45 = arith.constant 0 : index
    %get3A_46 = vector.load %arg10[%get3A_44, %get3A_45] : memref<1x128xf32, #tpu.memory_space<vmem>>, vector<1x128xf32>
    %add3A_47 = vector.broadcast %get3A_46 : vector<1x128xf32> to vector<2000x128xf32>
    %add3A_48 = arith.addf %dot_general3A_43, %add3A_47 : vector<2000x128xf32>
    %add3A_49 = arith.addf %add3A_48, %get3A_12 : vector<2000x128xf32>
    %get3A_50 = arith.constant 0 : index
    %get3A_51 = arith.constant 0 : index
    %get3A_52 = vector.load %arg11[%get3A_50, %get3A_51] : memref<128x128xf32, #tpu.memory_space<vmem>>, vector<128x128xf32>
    %dot_general3A_53 = arith.constant dense<0.000000e+00> : vector<2000x128xf32>
    %dot_general3A_54 = tpu.matmul %add3A_49, %get3A_52, %dot_general3A_53 {dimension_numbers = #tpu.dot_dimension_numbers<[1], [0], [0], [1], [0, 0, 1, 1], [], []>, transpose_lhs_hint = false} : vector<2000x128xf32>, vector<128x128xf32>, vector<2000x128xf32> -> vector<2000x128xf32>
    %swap3A = arith.constant 0 : index
    %swap3A_55 = arith.constant 0 : index
    %swap3A_56 = vector.load %arg14[%swap3A, %swap3A_55] : memref<2000x128xf32, #tpu.memory_space<vmem>>, vector<2000x128xf32>
    tpu.vector_store %arg14[%swap3A, %swap3A_55], %dot_general3A_54 {strides = array<i32>} : memref<2000x128xf32, #tpu.memory_space<vmem>>, vector<2000x128xf32>,
    %get3A_57 = arith.constant 0 : index
    %get3A_58 = arith.constant 0 : index
    %get3A_59 = vector.load %arg12[%get3A_57, %get3A_58] : memref<128x128xf32, #tpu.memory_space<vmem>>, vector<128x128xf32>
    %dot_general3A_60 = arith.constant dense<0.000000e+00> : vector<2000x128xf32>
    %dot_general3A_61 = tpu.matmul %add3A_49, %get3A_59, %dot_general3A_60 {dimension_numbers = #tpu.dot_dimension_numbers<[1], [0], [0], [1], [0, 0, 1, 1], [], []>, transpose_lhs_hint = false} : vector<2000x128xf32>, vector<128x128xf32>, vector<2000x128xf32> -> vector<2000x128xf32>
    %get3A_62 = arith.constant 0 : index
    %get3A_63 = arith.constant 0 : index
    %get3A_64 = vector.load %arg13[%get3A_62, %get3A_63] : memref<1x128xf32, #tpu.memory_space<vmem>>, vector<1x128xf32>
    %add3A_65 = vector.broadcast %get3A_64 : vector<1x128xf32> to vector<2000x128xf32>
    %add3A_66 = arith.addf %dot_general3A_61, %add3A_65 : vector<2000x128xf32>
    %swap3A_67 = arith.constant 0 : index
    %swap3A_68 = arith.constant 0 : index
    %swap3A_69 = vector.load %arg15[%swap3A_67, %swap3A_68] : memref<2000x128xf32, #tpu.memory_space<vmem>>, vector<2000x128xf32>
    tpu.vector_store %arg15[%swap3A_67, %swap3A_68], %add3A_66 {strides = array<i32>} : memref<2000x128xf32, #tpu.memory_space<vmem>>, vector<2000x128xf32>,
    return
  }
  func.func @transform_0(%arg0: i32) -> (i32, i32) {
    %c0_i32 = arith.constant 0 : i32
    %c0_i32_0 = arith.constant 0 : i32
    return %arg0, %c0_i32 : i32, i32
  }
  func.func @transform_1(%arg0: i32) -> (i32, i32) {
    %c0_i32 = arith.constant 0 : i32
    %c0_i32_0 = arith.constant 0 : i32
    return %arg0, %c0_i32 : i32, i32
  }
  func.func @transform_2(%arg0: i32) -> (i32, i32) {
    %c0_i32 = arith.constant 0 : i32
    %c0_i32_0 = arith.constant 0 : i32
    return %arg0, %c0_i32 : i32, i32
  }
  func.func @transform_3(%arg0: i32) -> (i32, i32) {
    %c0_i32 = arith.constant 0 : i32
    %c0_i32_0 = arith.constant 0 : i32
    return %arg0, %c0_i32 : i32, i32
  }
  func.func @transform_4(%arg0: i32) -> (i32, i32) {
    %c0_i32 = arith.constant 0 : i32
    %c0_i32_0 = arith.constant 0 : i32
    %c0_i32_1 = arith.constant 0 : i32
    return %c0_i32, %c0_i32_0 : i32, i32
  }
  func.func @transform_5(%arg0: i32) -> (i32, i32) {
    %c0_i32 = arith.constant 0 : i32
    %c0_i32_0 = arith.constant 0 : i32
    %c0_i32_1 = arith.constant 0 : i32
    return %c0_i32, %c0_i32_0 : i32, i32
  }
  func.func @transform_6(%arg0: i32) -> (i32, i32) {
    %c0_i32 = arith.constant 0 : i32
    %c0_i32_0 = arith.constant 0 : i32
    %c0_i32_1 = arith.constant 0 : i32
    return %c0_i32, %c0_i32_0 : i32, i32
  }
  func.func @transform_7(%arg0: i32) -> (i32, i32) {
    %c0_i32 = arith.constant 0 : i32
    %c0_i32_0 = arith.constant 0 : i32
    %c0_i32_1 = arith.constant 0 : i32
    return %c0_i32, %c0_i32_0 : i32, i32
  }
  func.func @transform_8(%arg0: i32) -> (i32, i32) {
    %c0_i32 = arith.constant 0 : i32
    %c0_i32_0 = arith.constant 0 : i32
    %c0_i32_1 = arith.constant 0 : i32
    return %c0_i32, %c0_i32_0 : i32, i32
  }
  func.func @transform_9(%arg0: i32) -> (i32, i32) {
    %c0_i32 = arith.constant 0 : i32
    %c0_i32_0 = arith.constant 0 : i32
    %c0_i32_1 = arith.constant 0 : i32
    return %c0_i32, %c0_i32_0 : i32, i32
  }
  func.func @transform_10(%arg0: i32) -> (i32, i32) {
    %c0_i32 = arith.constant 0 : i32
    %c0_i32_0 = arith.constant 0 : i32
    %c0_i32_1 = arith.constant 0 : i32
    return %c0_i32, %c0_i32_0 : i32, i32
  }
  func.func @transform_11(%arg0: i32) -> (i32, i32) {
    %c0_i32 = arith.constant 0 : i32
    %c0_i32_0 = arith.constant 0 : i32
    %c0_i32_1 = arith.constant 0 : i32
    return %c0_i32, %c0_i32_0 : i32, i32
  }
  func.func @transform_12(%arg0: i32) -> (i32, i32) {
    %c0_i32 = arith.constant 0 : i32
    %c0_i32_0 = arith.constant 0 : i32
    %c0_i32_1 = arith.constant 0 : i32
    return %c0_i32, %c0_i32_0 : i32, i32
  }
  func.func @transform_13(%arg0: i32) -> (i32, i32) {
    %c0_i32 = arith.constant 0 : i32
    %c0_i32_0 = arith.constant 0 : i32
    return %arg0, %c0_i32 : i32, i32
  }
  func.func @transform_14(%arg0: i32) -> (i32, i32) {
    %c0_i32 = arith.constant 0 : i32
    %c0_i32_0 = arith.constant 0 : i32
    return %arg0, %c0_i32 : i32, i32
  }
}

module attributes {stable_mosaic.version = 14 : i64} {
  func.func @_edge1_body(%arg0: i32, %arg1: memref<2000x128xf32, #tpu.memory_space<vmem>>, %arg2: memref<2000x128xf32, #tpu.memory_space<vmem>>, %arg3: memref<2000x128xf32, #tpu.memory_space<vmem>>, %arg4: memref<128x128xf32, #tpu.memory_space<vmem>>, %arg5: memref<128x128xf32, #tpu.memory_space<vmem>>, %arg6: memref<1x128xf32, #tpu.memory_space<vmem>>, %arg7: memref<128x128xf32, #tpu.memory_space<vmem>>, %arg8: memref<1x128xf32, #tpu.memory_space<vmem>>, %arg9: memref<1x128xf32, #tpu.memory_space<vmem>>, %arg10: memref<1x1xf32, #tpu.memory_space<vmem>>, %arg11: memref<2000x1xf32, #tpu.memory_space<vmem>>) attributes {dimension_semantics = [#tpu.dimension_semantics<arbitrary>], iteration_bounds = array<i64: 160>, scalar_prefetch = 0 : i64, scratch_operands = 0 : i64, tpu.core_type = #tpu.core_type<tc>, window_params = [{transform_indices = @transform_0, window_bounds = array<i64: 2000, 128>}, {transform_indices = @transform_1, window_bounds = array<i64: 2000, 128>}, {transform_indices = @transform_2, window_bounds = array<i64: 2000, 128>}, {pipeline_mode = #tpu.pipeline_mode<synchronous>, transform_indices = @transform_3, window_bounds = array<i64: 128, 128>}, {pipeline_mode = #tpu.pipeline_mode<synchronous>, transform_indices = @transform_4, window_bounds = array<i64: 128, 128>}, {pipeline_mode = #tpu.pipeline_mode<synchronous>, transform_indices = @transform_5, window_bounds = array<i64: 1, 128>}, {pipeline_mode = #tpu.pipeline_mode<synchronous>, transform_indices = @transform_6, window_bounds = array<i64: 128, 128>}, {pipeline_mode = #tpu.pipeline_mode<synchronous>, transform_indices = @transform_7, window_bounds = array<i64: 1, 128>}, {pipeline_mode = #tpu.pipeline_mode<synchronous>, transform_indices = @transform_8, window_bounds = array<i64: 1, 128>}, {pipeline_mode = #tpu.pipeline_mode<synchronous>, transform_indices = @transform_9, window_bounds = array<i64: 1, 1>}, {transform_indices = @transform_10, window_bounds = array<i64: 2000, 1>}]} {
    %get3A = arith.constant 0 : index
    %get3A_0 = arith.constant 0 : index
    %get3A_1 = vector.load %arg3[%get3A, %get3A_0] : memref<2000x128xf32, #tpu.memory_space<vmem>>, vector<2000x128xf32>
    %get3A_2 = arith.constant 0 : index
    %get3A_3 = arith.constant 0 : index
    %get3A_4 = vector.load %arg1[%get3A_2, %get3A_3] : memref<2000x128xf32, #tpu.memory_space<vmem>>, vector<2000x128xf32>
    %get3A_5 = arith.constant 0 : index
    %get3A_6 = arith.constant 0 : index
    %get3A_7 = vector.load %arg2[%get3A_5, %get3A_6] : memref<2000x128xf32, #tpu.memory_space<vmem>>, vector<2000x128xf32>
    %add3A = arith.addf %get3A_4, %get3A_7 : vector<2000x128xf32>
    %get3A_8 = arith.constant 0 : index
    %get3A_9 = arith.constant 0 : index
    %get3A_10 = vector.load %arg4[%get3A_8, %get3A_9] : memref<128x128xf32, #tpu.memory_space<vmem>>, vector<128x128xf32>
    %dot_general3A = arith.constant dense<0.000000e+00> : vector<2000x128xf32>
    %dot_general3A_11 = tpu.matmul %get3A_1, %get3A_10, %dot_general3A {dimension_numbers = #tpu.dot_dimension_numbers<[1], [0], [0], [1], [0, 0, 1, 1], [], []>, transpose_lhs_hint = false} : vector<2000x128xf32>, vector<128x128xf32>, vector<2000x128xf32> -> vector<2000x128xf32>
    %add3A_12 = arith.addf %add3A, %dot_general3A_11 : vector<2000x128xf32>
    %max3A = arith.constant 0.000000e+00 : f32
    %max3A_13 = vector.broadcast %max3A : f32 to vector<2000x128xf32>
    %max3A_14 = arith.maximumf %add3A_12, %max3A_13 : vector<2000x128xf32>
    %get3A_15 = arith.constant 0 : index
    %get3A_16 = arith.constant 0 : index
    %get3A_17 = vector.load %arg5[%get3A_15, %get3A_16] : memref<128x128xf32, #tpu.memory_space<vmem>>, vector<128x128xf32>
    %dot_general3A_18 = arith.constant dense<0.000000e+00> : vector<2000x128xf32>
    %dot_general3A_19 = tpu.matmul %max3A_14, %get3A_17, %dot_general3A_18 {dimension_numbers = #tpu.dot_dimension_numbers<[1], [0], [0], [1], [0, 0, 1, 1], [], []>, transpose_lhs_hint = false} : vector<2000x128xf32>, vector<128x128xf32>, vector<2000x128xf32> -> vector<2000x128xf32>
    %get3A_20 = arith.constant 0 : index
    %get3A_21 = arith.constant 0 : index
    %get3A_22 = vector.load %arg6[%get3A_20, %get3A_21] : memref<1x128xf32, #tpu.memory_space<vmem>>, vector<1x128xf32>
    %add3A_23 = vector.broadcast %get3A_22 : vector<1x128xf32> to vector<2000x128xf32>
    %add3A_24 = arith.addf %dot_general3A_19, %add3A_23 : vector<2000x128xf32>
    %add3A_25 = arith.addf %add3A_24, %get3A_1 : vector<2000x128xf32>
    %get3A_26 = arith.constant 0 : index
    %get3A_27 = arith.constant 0 : index
    %get3A_28 = vector.load %arg7[%get3A_26, %get3A_27] : memref<128x128xf32, #tpu.memory_space<vmem>>, vector<128x128xf32>
    %dot_general3A_29 = arith.constant dense<0.000000e+00> : vector<2000x128xf32>
    %dot_general3A_30 = tpu.matmul %add3A_25, %get3A_28, %dot_general3A_29 {dimension_numbers = #tpu.dot_dimension_numbers<[1], [0], [0], [1], [0, 0, 1, 1], [], []>, transpose_lhs_hint = false} : vector<2000x128xf32>, vector<128x128xf32>, vector<2000x128xf32> -> vector<2000x128xf32>
    %get3A_31 = arith.constant 0 : index
    %get3A_32 = arith.constant 0 : index
    %get3A_33 = vector.load %arg8[%get3A_31, %get3A_32] : memref<1x128xf32, #tpu.memory_space<vmem>>, vector<1x128xf32>
    %add3A_34 = vector.broadcast %get3A_33 : vector<1x128xf32> to vector<2000x128xf32>
    %add3A_35 = arith.addf %dot_general3A_30, %add3A_34 : vector<2000x128xf32>
    %max3A_36 = arith.constant 0.000000e+00 : f32
    %max3A_37 = vector.broadcast %max3A_36 : f32 to vector<2000x128xf32>
    %max3A_38 = arith.maximumf %add3A_35, %max3A_37 : vector<2000x128xf32>
    %get3A_39 = arith.constant 0 : index
    %get3A_40 = arith.constant 0 : index
    %get3A_41 = vector.load %arg9[%get3A_39, %get3A_40] : memref<1x128xf32, #tpu.memory_space<vmem>>, vector<1x128xf32>
    %mul3A = vector.broadcast %get3A_41 : vector<1x128xf32> to vector<2000x128xf32>
    %mul3A_42 = arith.mulf %max3A_38, %mul3A : vector<2000x128xf32>
    %reduce_sum3A = arith.constant dense<0.000000e+00> : vector<2000xf32>
    %reduce_sum3A_43 = vector.multi_reduction <add>, %mul3A_42, %reduce_sum3A [1] : vector<2000x128xf32> to vector<2000xf32>
    %broadcast_in_dim3A = vector.shape_cast %reduce_sum3A_43 : vector<2000xf32> to vector<2000x1xf32>
    %get3A_44 = arith.constant 0 : index
    %get3A_45 = arith.constant 0 : index
    %get3A_46 = vector.load %arg10[%get3A_44, %get3A_45] : memref<1x1xf32, #tpu.memory_space<vmem>>, vector<1x1xf32>
    %add3A_47 = vector.broadcast %get3A_46 : vector<1x1xf32> to vector<2000x1xf32>
    %add3A_48 = arith.addf %broadcast_in_dim3A, %add3A_47 : vector<2000x1xf32>
    %swap3A = arith.constant 0 : index
    %swap3A_49 = arith.constant 0 : index
    %swap3A_50 = vector.load %arg11[%swap3A, %swap3A_49] : memref<2000x1xf32, #tpu.memory_space<vmem>>, vector<2000x1xf32>
    tpu.vector_store %arg11[%swap3A, %swap3A_49], %add3A_48 {strides = array<i32>} : memref<2000x1xf32, #tpu.memory_space<vmem>>, vector<2000x1xf32>,
    return
  }
  func.func @transform_0(%arg0: i32) -> (i32, i32) {
    %c0_i32 = arith.constant 0 : i32
    %c0_i32_0 = arith.constant 0 : i32
    return %arg0, %c0_i32 : i32, i32
  }
  func.func @transform_1(%arg0: i32) -> (i32, i32) {
    %c0_i32 = arith.constant 0 : i32
    %c0_i32_0 = arith.constant 0 : i32
    return %arg0, %c0_i32 : i32, i32
  }
  func.func @transform_2(%arg0: i32) -> (i32, i32) {
    %c0_i32 = arith.constant 0 : i32
    %c0_i32_0 = arith.constant 0 : i32
    return %arg0, %c0_i32 : i32, i32
  }
  func.func @transform_3(%arg0: i32) -> (i32, i32) {
    %c0_i32 = arith.constant 0 : i32
    %c0_i32_0 = arith.constant 0 : i32
    %c0_i32_1 = arith.constant 0 : i32
    return %c0_i32, %c0_i32_0 : i32, i32
  }
  func.func @transform_4(%arg0: i32) -> (i32, i32) {
    %c0_i32 = arith.constant 0 : i32
    %c0_i32_0 = arith.constant 0 : i32
    %c0_i32_1 = arith.constant 0 : i32
    return %c0_i32, %c0_i32_0 : i32, i32
  }
  func.func @transform_5(%arg0: i32) -> (i32, i32) {
    %c0_i32 = arith.constant 0 : i32
    %c0_i32_0 = arith.constant 0 : i32
    %c0_i32_1 = arith.constant 0 : i32
    return %c0_i32, %c0_i32_0 : i32, i32
  }
  func.func @transform_6(%arg0: i32) -> (i32, i32) {
    %c0_i32 = arith.constant 0 : i32
    %c0_i32_0 = arith.constant 0 : i32
    %c0_i32_1 = arith.constant 0 : i32
    return %c0_i32, %c0_i32_0 : i32, i32
  }
  func.func @transform_7(%arg0: i32) -> (i32, i32) {
    %c0_i32 = arith.constant 0 : i32
    %c0_i32_0 = arith.constant 0 : i32
    %c0_i32_1 = arith.constant 0 : i32
    return %c0_i32, %c0_i32_0 : i32, i32
  }
  func.func @transform_8(%arg0: i32) -> (i32, i32) {
    %c0_i32 = arith.constant 0 : i32
    %c0_i32_0 = arith.constant 0 : i32
    %c0_i32_1 = arith.constant 0 : i32
    return %c0_i32, %c0_i32_0 : i32, i32
  }
  func.func @transform_9(%arg0: i32) -> (i32, i32) {
    %c0_i32 = arith.constant 0 : i32
    %c0_i32_0 = arith.constant 0 : i32
    %c0_i32_1 = arith.constant 0 : i32
    return %c0_i32, %c0_i32_0 : i32, i32
  }
  func.func @transform_10(%arg0: i32) -> (i32, i32) {
    %c0_i32 = arith.constant 0 : i32
    %c0_i32_0 = arith.constant 0 : i32
    return %arg0, %c0_i32 : i32, i32
  }
}

</mosaic_0001>

<sc_bundles>
// kernel: kernel.12.cloned.1.call-start
scs
__scs_entry_jumppad:
0x0: {  	(pc) =	sbr.rel $0x88, $3  }
0x1: {  	(tag) =	ssettag $0x0;
	lr =	simm.s32 $0x1  }
0x2: {  	[smem:$0x3F8E] =	sst lr;
	_ =	strace $0xD0000000  }
0x3: {  	_ = 	snop  }
0x4: {  	_ = 	snop  }
0x5: {  	_ = 	snop  }
0x6: {  	_ = 	snop  }
0x7: {  	_ = 	snop  }
__scs_overlays_trampoline_lowered:
0x8: {  	[smem:$0x3F9D] =	sst s0  }
0x9: {  	[smem:$0x3F9E] =	sst s1  }
0xa: {  	[smem:$0x3F9F] =	sst s2  }
0xb: {  	[smem:$0x3FA0] =	sst s3  }
0xc: {  	[smem:$0x3FA1] =	sst s4  }
0xd: {  	[smem:$0x3FA2] =	sst s5  }
0xe: {  	[smem:$0x3FA3] =	sst s6  }
0xf: {  	[smem:$0x3FA4] =	sst s7  }
0x10: {  	[smem:$0x3FA5] =	sst s8  }
0x11: {  	[smem:$0x3FA6] =	sst s9;
	s0 =	simm.s32 @!p0 $0x0  }
0x12: {  	s1 =	sld [smem:$0x3F8C];
	s0 =	simm.s32 @p0 $0x1  }
0x13: {  	[smem:$0x3FA7] =	sst s0;
	s0 =	simm.s32 @!p1 $0x0  }
0x14: {  	s2 =	sld [smem:$0x3F8B];
	s0 =	simm.s32 @p1 $0x1  }
0x15: {  	[smem:$0x3FA8] =	sst s0;
	s0 =	simm.s32 @!p2 $0x0  }
0x16: {  	s3 =	sld [smem:$0x3FDB];
	s0 =	simm.s32 @p2 $0x1  }
0x17: {  	s4 =	simm.s32 $0x1BF5;
	[smem:$0x3FAA] =	sst s0  }
0x18: {  	s0 =	sld [smem:$0x3F8D];
	_ =	swait.ge [sflag:s4], $0x0  }
0x19: {  	s7 =	sld [smem:$0x3F8E]  }
0x1a: {  	s8 =	sadd.s32 $0xFFFFE003, lr  }
0x1b: {  	s9 =	sadd.s32 $0xFFFFFEF7, lr;
	s5 =	simm.s32 $0xFFFFFFFF;
	p2 =	slt.u32 s8, $0xFFFFF086  }
0x1c: {  	p1 =	slt.u32 s9, $0xF7A;
	s5 =	simm.s32 @!p2 $0x0  }
0x1d: {  	s5 =	simm.s32 @p1 $0x1;
	p0 =	seq.s32 s7, s2  }
0x1e: {  	s7 =	smul.u32 @!p0 $0xF7A, s2;
	p2 =	seq.s32 @!p0 s5, $0x0  }
0x1f: {  	s9 =	smul.u32 $0xF7A, s1;
	s8 =	simm.s32 @!p0 $0x1BF5;
	p2 =	por !p2, p0  }
0x20: {  	[sflag:s8] =	ssyncset.s32 @!p0 $0xFFFFF086;
	s6 =	sadd.s32 @!p0 s3, s7;
	s7 =	simm.s32 @!p0 $0x108  }
0x21: {  	s3 =	sadd.s32 s3, s9;
	s6 =	sadd.s32 @!p0 $0x88, s6;
	s7 =	simm.s32 @p2 $0x1082  }
0x22: {  	[simem:s7], [sflag:s8] =	dma.local @!p0 [hbm:s6], $0xF7A  }
0x23: {  	s9 =	sor.u32 $0xD0000000, s2;
	s6 =	simm.s32 $0x108;
	_ =	swait.ge @!p0 [sflag:s8], $0x0  }
0x24: {  	s3 =	sadd.s32 $0x88, s3;
	s6 =	simm.s32 @!p1 $0x1082;
	[sflag:s4] =	ssyncset.s32 $0xFFFFF086  }
0x25: {  	[simem:s6], [sflag:s4] =	dma.local [hbm:s3], $0xF7A  }
0x26: {  	[smem:$0x3F8E] =	sst s1;
	(tag) =	ssettag s2;
	_ =	strace s9  }
0x27: {  	s1 =	sld [smem:$0x3F9E]  }
0x28: {  	s2 =	sld [smem:$0x3F9F]  }
0x29: {  	s4 =	sld [smem:$0x3FA1]  }
0x2a: {  	p0 =	seq.s32 s5, $0x0;
	s5 =	sld [smem:$0x3FA2]  }
0x2b: {  	s6 =	sld [smem:$0x3FA3]  }
0x2c: {  	s7 =	sld [smem:$0x3FA4]  }
0x2d: {  	s3 =	simm.s32 $0x108;
	s8 =	sld [smem:$0x3FA5]  }
0x2e: {  	s3 =	simm.s32 @!p0 $0x1082;
	s9 =	sld [smem:$0x3FA6]  }
0x2f: {  	lr =	sadd.s32 s0, s3;
	s0 =	sld [smem:$0x3F9D]  }
0x30: {  	s3 =	sld [smem:$0x3FA0]  }
0x31: {  	[smem:$0x3FA9] =	sst s10  }
0x32: {  	s10 =	sld [smem:$0x3FA7];
	_ =	sdelay $0x3  }
0x33: {  	p0 =	seq.s32 s10, $0x1;
	s10 =	sld [smem:$0x3FA9];
	_ =	sdelay $0x3  }
0x34: {  	[smem:$0x3FA9] =	sst s10  }
0x35: {  	s10 =	sld [smem:$0x3FA8];
	_ =	sdelay $0x3  }
0x36: {  	p1 =	seq.s32 s10, $0x1;
	s10 =	sld [smem:$0x3FA9];
	_ =	sdelay $0x3  }
0x37: {  	[smem:$0x3FA9] =	sst s10  }
0x38: {  	s10 =	sld [smem:$0x3FAA]  }
0x39: {  	_ = 	snop;
	(pc) =	sbr.ind lr, $3  }
0x3a: {  	_ = 	snop  }
0x3b: {  	_ = 	snop  }
0x3c: {  	p2 =	seq.s32 s10, $0x1;
	s10 =	sld [smem:$0x3FA9]  }
0x3d: {  	_ =	shalt  }
0x3e: {  	_ =	shalt  }
0x3f: {  	_ =	shalt  }
0x40: {  	_ =	shalt  }
0x41: {  	_ =	shalt  }
0x42: {  	_ =	shalt  }
0x43: {  	_ =	shalt  }
0x44: {  	_ =	shalt  }
0x45: {  	_ =	shalt  }
0x46: {  	_ =	shalt  }
0x47: {  	_ =	shalt  }
0x48: {  	_ =	shalt  }
0x49: {  	_ =	shalt  }
0x4a: {  	_ =	shalt  }
0x4b: {  	_ =	shalt  }
0x4c: {  	_ =	shalt  }
0x4d: {  	_ =	shalt  }
0x4e: {  	_ =	shalt  }
0x4f: {  	_ =	shalt  }
0x50: {  	_ =	shalt  }
0x51: {  	_ =	shalt  }
0x52: {  	_ =	shalt  }
0x53: {  	_ =	shalt  }
0x54: {  	_ =	shalt  }
0x55: {  	_ =	shalt  }
0x56: {  	_ =	shalt  }
0x57: {  	_ =	shalt  }
0x58: {  	_ =	shalt  }
0x59: {  	_ =	shalt  }
0x5a: {  	_ =	shalt  }
0x5b: {  	_ =	shalt  }
0x5c: {  	_ =	shalt  }
0x5d: {  	_ =	shalt  }
0x5e: {  	_ =	shalt  }
0x5f: {  	_ =	shalt  }
0x60: {  	_ =	shalt  }
0x61: {  	_ =	shalt  }
0x62: {  	_ =	shalt  }
0x63: {  	_ =	shalt  }
0x64: {  	_ =	shalt  }
0x65: {  	_ =	shalt  }
0x66: {  	_ =	shalt  }
0x67: {  	_ =	shalt  }
0x68: {  	_ =	shalt  }
0x69: {  	_ =	shalt  }
0x6a: {  	_ =	shalt  }
0x6b: {  	_ =	shalt  }
0x6c: {  	_ =	shalt  }
0x6d: {  	_ =	shalt  }
0x6e: {  	_ =	shalt  }
0x6f: {  	_ =	shalt  }
0x70: {  	_ =	shalt  }
0x71: {  	_ =	shalt  }
0x72: {  	_ =	shalt  }
0x73: {  	_ =	shalt  }
0x74: {  	_ =	shalt  }
0x75: {  	_ =	shalt  }
0x76: {  	_ =	shalt  }
0x77: {  	_ =	shalt  }
0x78: {  	_ =	shalt  }
0x79: {  	_ =	shalt  }
0x7a: {  	_ =	shalt  }
0x7b: {  	_ =	shalt  }
0x7c: {  	_ =	shalt  }
0x7d: {  	_ =	shalt  }
0x7e: {  	_ =	shalt  }
0x7f: {  	_ =	shalt  }
0x80: {  	_ =	shalt  }
0x81: {  	_ =	shalt  }
0x82: {  	_ =	shalt  }
0x83: {  	_ =	shalt  }
0x84: {  	_ =	shalt  }
0x85: {  	_ =	shalt  }
0x86: {  	_ =	shalt  }
0x87: {  	_ =	shalt  }
.Lfunc_end0:
.L_simem_size_0:
called_computation.1_lowered:
.L_overlay_start_0:
0x88: {  	s2 =	sld [smem:$0x3FD9]  }
0x89: {  	s3 =	sld [smem:$0x3FFE];
	_ =	sdelay $0x1  }
0x8a: {  	s1 =	srdreg.scid  }
0x8b: {  	s0 =	sand.u32 $0x1, s1  }
0x8c: {  	s16 =	sshll.u32 s0, $0xA;
	s2 =	sadd.s32 s3, s2  }
0x8d: {  	s2 =	sadd.s32 s2, s16  }
0x8e: {  	[smem:$0x3FB5] =	sst s2  }
0x8f: {  	_ = 	snop  }
0x90: {  	(tm) =	ssettm $0x1  }
0x91: {  	s17 =	sld [smem:$0x3FFB];
	_ =	sdelay $0x3  }
0x92: {  	_ =	strace s17  }
0x93: {  	s2 =	sld [smem:$0x3FFC];
	_ =	sdelay $0x3  }
0x94: {  	_ =	strace s2  }
0x95: {  	s2 =	sld [smem:$0x3FFD];
	_ =	sdelay $0x3  }
0x96: {  	_ =	strace s2  }
0x97: {  	_ =	strace $0x8FFFFFFF  }
0x98: {  	s18 =	sld [smem:$0x3FDB];
	_ =	sdelay $0x1  }
0x99: {  	s19 =	simm.s32 $_scs_section_size  }
0x9a: {  	s4 =	simm.s32 $_size__tile_overlayer_lowered;
	s5 =	simm.s32 $_tile_overlayer_lowered  }
0x9b: {  	s22 =	simm.s32 $0x1BFF;
	s21 =	sshll.u32 s5, $0x1;
	s2 =	sadd.s32 s19, s18  }
0x9c: {  	s6 =	simm.s32 $0x0;
	s20 =	sshll.u32 s4, $0x1;
	s4 =	sadd.s32 s21, s2  }
0x9d: {  	[timem:s6], [sflag:s22] =	dma.local [hbm:s4], s20  }
0x9e: {  	_ =	swait.ge [sflag:s22], s20  }
0x9f: {  	s3 =	ssub.s32 $0x0, s20;
	[sflag:s22] =	ssyncset.done $0x0  }
0xa0: {  	[sflag:s22] =	ssyncadd.s32 s3;
	_ =	sdelay $0x1  }
0xa1: {  	s23 =	simm.s32 $0x1B8B  }
0xa2: {  	_ =	swait.ge [sflag:s23], $0x1  }
0xa3: {  	[sflag:s23] =	ssyncset.done $0x0  }
0xa4: {  	s25 =	simm.s32 $0x1B8E;
	s24 =	sld [smem:$0x3FFE];
	[sflag:s23] =	ssyncadd.s32 $0xFFFFFFFF  }
0xa5: {  	s26 =	simm.s32 $execute0_lowered;
	[smem:$0x3FD2] =	sst s25  }
0xa6: {  	s4 =	sshll.u32 s26, $0x1;
	_ =	strace $0x80000049;
	[dreg:$0x1] =	wrdreg $0xFFFFFFFF  }
0xa7: {  	s28 =	simm.s32 $_size_execute0_lowered;
	s2 =	sadd.s32 s2, s4;
	[dreg:$0x0] =	wrdreg $0x0  }
0xa8: {  	s4 =	sshll.u32 s28, $0x1;
	[dreg:$0x2] =	wrdreg s2  }
0xa9: {  	[dreg:$0x3] =	wrdreg s4  }
0xaa: {  	[dreg:$0x4] =	wrdreg $0xC0  }
0xab: {  	_ =	task [dreg:s6], $0x5FFFF  }
0xac: {  	[dreg:$0x1] =	wrdreg $0xFFFFFFFF  }
0xad: {  	[dreg:$0x0] =	wrdreg $0x60  }
0xae: {  	[dreg:$0x2] =	wrdreg s24  }
0xaf: {  	[dreg:$0x3] =	wrdreg $0xCC800  }
0xb0: {  	[dreg:$0x4] =	wrdreg $0x9  }
0xb1: {  	_ =	task.clear_ibuf [dreg:s6], $0x5FFFF;
	_ =	strace $0x90000049  }
0xb2: {  	s29 =	simm.s32 $0x9;
	_ =	strace $0x8000004B  }
0xb3: {  	_ =	swait.ge [sflag:s29], $0x1  }
0xb4: {  	[sflag:s29] =	ssyncadd.s32 $0xFFFFFFFF  }
0xb5: {  	_ =	strace $0x9000004B  }
0xb6: {  	_ =	sfence  }
0xb7: {  	s30 =	sld [smem:$0x0];
	_ =	sdelay $0x2  }
0xb8: {  	s31 =	sshll.u32 s1, $0xD;
	s1 =	sshrl.u32 s1, $0x2  }
0xb9: {  	s3 =	sand.u32 $0x4000, s31;
	s1 =	sadd.s32 s1, s30  }
0xba: {  	s0 =	sor.u32 s3, s0;
	s1 =	sshll.u32 s1, $0x11  }
0xbb: {  	s0 =	sor.u32 s1, s0  }
0xbc: {  	s0 =	sadd.s32 $0x8F2B, s0  }
0xbd: {  	[sflag:s0] =	ssyncadd.remote.s32 $0x1  }
0xbe: {  	_ =	sfence.sel $0xFFFF  }
0xbf: {  	[dreg:$0x0] =	wrdreg $0xFFFFFFFF;
	(pc) =	sbr.abs _section_cstart, $3  }
0xc0: {  	[dreg:$0x1] =	wrdreg $0xFFFFFFFF  }
0xc1: {  	_ =	task.clear_ibuf [dreg:s6], $0x2FFFF;
	_ =	strace $0x9FFFFFFF  }
0xc2: {  	(tm) =	ssettm $0x7FFFFFFF  }
0xc3: {  	_ =	shalt  }
tec
execute0_lowered:
.L_overlay_start_1:
0x0: {  	(tag) =	ssettag $0x1  }
0x1: {  	s4 =	rddreg [dreg:$0x0]  }
0x2: {  	s2 =	rddreg [dreg:$0x1]  }
0x3: {  	s1 =	stileid.u32;
	s0 =	rddreg [dreg:$0x2]  }
0x4: {  	s7 =	srdreg.scid;
	s5 =	smul.u32 $0x4E200, s1  }
0x5: {  	s3 =	simm.s32 $0x0;
	s17 =	simm.s32 $0x200;
	s6 =	smul.u32 $0x1600, s1  }
0x6: {  	s18 =	simm.s32 $0x280;
	s19 =	simm.s32 $0x2C80;
	s8 =	smul.u32 $0x160, s1  }
0x7: {  	s20 =	simm.s32 $0x300;
	s21 =	simm.s32 $0x5480;
	s24 =	smul.u32 $0x2C000, s1  }
0x8: {  	s22 =	simm.s32 $0x380;
	s28 =	simm.s32 $0x0;
	s15 =	smul.u32 $0x4E20, s1  }
0x9: {  	s7 =	sand.u32 $0x1, s7;
	[smem:$0x7FF] =	sst s3;
	s16 =	smul.u32 $0x9C4, s1  }
0xa: {  	s12 =	sadd.s32 $0xF04200, s4;
	s30 =	sshll.u32 s1, $0x6;
	s9 =	smul.u32 $0x2C00, s7  }
0xb: {  	_ =	strace $0x8000004A;
	s23 =	smul.u32 $0x1600, s7;
	s11 =	ssub.s32 $0x2, s7  }
0xc: {  	s29 =	smul.u32 $0x4E200, s7;
	s10 =	sadd.s32 s5, s4;
	s6 =	sadd.s32 s6, s4  }
0xd: {  	s25 =	sshrl.u32 s11, $0x1;
	s26 =	sshrl.u32 s24, $0x2;
	s24 =	simm.s32 $0x400  }
0xe: {  	s9 =	sadd.s32 s8, s9;
	s5 =	sadd.s32 s8, s23;
	s11 =	ssub.s32 s11, s25  }
0xf: {  	s14 =	sadd.s32 s26, s2;
	s25 =	smul.u32 $0x1400, s7;
	s15 =	sadd.s32 s15, s29  }
0x10: {  	s10 =	sadd.s32 $0xF17C00, s10;
	s23 =	simm.s32 $0x7C80;
	s26 =	simm.s32 $0x1  }
0x11: {  	s9 =	sshll.u32 s9, $0x4;
	s5 =	sshll.u32 s5, $0x4;
	s31 =	sshrl.u32 s15, $0x3  }
0x12: {  	s15 =	simm.s32 $0x480;
	s9 =	sadd.s32 s9, s4;
	s13 =	sadd.s32 s5, s4  }
0x13: {  	s4 =	sadd.s32 $0xFE00, s6;
	s5 =	sor.u32 $0x1C02, s30;
	v0 =	vmov s25;
	s25 =	simm.s32 $0xA480  }
0x14: {  	s6 =	sadd.s32 $0x25E00, s9;
	s7 =	sadd.s32 $0x3BE00, s9;
	s8 =	sadd.s32 $0x7DE00, s13  }
0x15: {  	s9 =	smax.u32 s11, $0x1;
	s11 =	sadd.s32 s31, s12;
	s12 =	sadd.s32 s16, s12  }
0x16: {  	v1 =	vimm.f32 $1.000000000e+00;
	s13 =	sshrl.u32 s14, $0x3;
	s14 =	simm.s32 $0x2;
	s16 =	simm.s32 $0x50  }
.LBB2_1:
0x17: {  	[spmem:s13], [sflag:s5] =	dma.local [hbm:s4], $0x1600  }
0x18: {  	_ =	swait.ge [sflag:s14], $0x1600  }
0x19: {  	[sflag:s14] =	ssyncset.done $0x0  }
0x1a: {  	[sflag:s14] =	ssyncadd.s32 $0xFFFFEA00  }
0x1b: {  	s29 =	sadd.s32 $0x0, s11;
	[bflag:$0x0] =	sbarrier.arrive $0xFFFF  }
0x1c: {  	[tilespmem:s3], [sflag:$0x2] =	stream.linear.gather [hbm4b:s29+s3], $0x190, $0x38;
	[tilespmem:$0x17C80] =	vst v63  }
0x1d: {  	_ =	swait.ge [sflag:s14], $0x190  }
0x1e: {  	[sflag:s14] =	ssyncset.done $0x0  }
0x1f: {  	[sflag:s14] =	ssyncadd.s32 $0xFFFFFE70  }
0x20: {  	[tilespmem:s15], [sflag:$0x2] =	stream.linear.gather [hbm4b:s10+s3], $0xC800, $0x38;
	[tilespmem:$0x17C80] =	vst v63  }
0x21: {  	_ =	swait.ge [sflag:s14], $0xC800  }
0x22: {  	[sflag:s14] =	ssyncset.done $0x0  }
0x23: {  	[sflag:s14] =	ssyncadd.s32 $0xFFFF3800  }
0x24: {  	v2 =	vld [tilespmem:$0x180]  }
0x25: {  	v3 =	vld [tilespmem:$0x130]  }
0x26: {  	v5 =	vld [tilespmem:$0x150]  }
0x27: {  	v6 =	vld [tilespmem:$0x140]  }
0x28: {  	v4 =	vld [tilespmem:$0x160]  }
0x29: {  	v7 =	vld [tilespmem:$0xB0];
	v2 =	vmin.u32 v2, $0x1400  }
0x2a: {  	v8 =	vld [tilespmem:$0x120];
	v3 =	vmin.u32 v3, $0x1400;
	[tilespmem:$0x440] =	vst v2  }
0x2b: {  	v48 =	vld [tilespmem:$0xD0];
	v5 =	vmin.u32 v5, $0x1400;
	[tilespmem:$0x3C0] =	vst v3  }
0x2c: {  	v51 =	vld [tilespmem:$0x30];
	v6 =	vmin.u32 v6, $0x1400;
	[tilespmem:$0x410] =	vst v5  }
0x2d: {  	v2 =	vld [tilespmem:$0x110];
	v3 =	vmin.u32 v4, $0x1400;
	[tilespmem:$0x400] =	vst v6  }
0x2e: {  	v47 =	vmin.u32 v7, $0x1400;
	[tilespmem:$0x420] =	vst v3;
	v3 =	vld [tilespmem:$0xE0]  }
0x2f: {  	v55 =	vld [tilespmem:$0x50];
	v50 =	vmin.u32 v8, $0x1400;
	[tilespmem:$0x310] =	vst v47  }
0x30: {  	v57 =	vld [tilespmem:$0x170];
	v7 =	vmin.u32 v48, $0x1400;
	[tilespmem:$0x3B0] =	vst v50  }
0x31: {  	v58 =	vld [tilespmem:$0x20];
	v54 =	vmin.u32 v51, $0x1400;
	[tilespmem:$0x330] =	vst v7  }
0x32: {  	v46 =	vld [tilespmem:$0x100];
	[tilespmem:$0x230] =	vst v54;
	v2 =	vmin.u32 v2, $0x1400  }
0x33: {  	[tilespmem:$0x3A0] =	vst v2;
	v2 =	vld [tilespmem:$0x90];
	v3 =	vmin.u32 v3, $0x1400  }
0x34: {  	v59 =	vmin.u32 v55, $0x1400;
	[tilespmem:$0x340] =	vst v3;
	v3 =	vld [tilespmem:$0x60]  }
0x35: {  	v49 =	vld [tilespmem:$0xC0];
	v62 =	vmin.u32 v57, $0x1400;
	[tilespmem:$0x280] =	vst v59  }
0x36: {  	v52 =	vld [tilespmem:$0xA0];
	v63 =	vmin.u32 v58, $0x1400;
	[tilespmem:$0x430] =	vst v62  }
0x37: {  	v53 =	vld [tilespmem:$0x80];
	v4 =	vmin.u32 v46, $0x1400;
	[tilespmem:$0x220] =	vst v63  }
0x38: {  	v56 =	vld [tilespmem:$0x40];
	[tilespmem:$0x390] =	vst v4;
	v2 =	vmin.u32 v2, $0x1400  }
0x39: {  	[tilespmem:$0x2C0] =	vst v2;
	v2 =	vld [tilespmem:$0x10];
	v3 =	vmin.u32 v3, $0x1400  }
0x3a: {  	v5 =	vmin.u32 v49, $0x1400;
	[tilespmem:$0x290] =	vst v3;
	v3 =	vld [tilespmem:$0xF0]  }
0x3b: {  	v60 =	vld [tilespmem:$0x70];
	v6 =	vmin.u32 v52, $0x1400;
	[tilespmem:$0x320] =	vst v5  }
0x3c: {  	v61 =	vld [tilespmem:$0x0];
	[tilespmem:$0x300] =	vst v6;
	v4 =	vmin.u32 v53, $0x1400  }
0x3d: {  	v5 =	vmin.u32 v56, $0x1400;
	[tilespmem:$0x2B0] =	vst v4  }
0x3e: {  	[tilespmem:$0x240] =	vst v5;
	v2 =	vmin.u32 v2, $0x1400  }
0x3f: {  	[tilespmem:$0x210] =	vst v2;
	v2 =	vmin.u32 v3, $0x1400  }
0x40: {  	v3 =	vmin.u32 v60, $0x1400;
	[tilespmem:$0x380] =	vst v2  }
0x41: {  	s30 =	smov.u32 s10;
	s29 =	simm.s32 $0x32;
	v2 =	vmin.u32 v61, $0x1400;
	[tilespmem:$0x2A0] =	vst v3  }
.LBB2_2:
0x42: {  	p0 =	sne.s32 s29, $0x992  }
0x43: {  	[tilespmem:$0x200] =	vst v2;
	s30 =	sadd.s32 $0x1900, s30;
	s31 =	smov.u32 s29;
	s29 =	sadd.s32 $0x32, s29  }
0x44: {  	[spmem:s2] =	stream.indirect.scatter.add.f32 [tilespmem:s15], [sflag:$0x1], $0x80, s17, s16, $0xb8;
	[tilespmem:$0x17C80] =	vst v63  }
0x45: {  	_ = 	snop  }
0x46: {  	[spmem:s2] =	stream.indirect.scatter.add.f32 [tilespmem:s19], [sflag:$0x1], $0x80, s18, s16, $0xb8;
	[tilespmem:$0x17C80] =	vst v63  }
0x47: {  	_ = 	snop  }
0x48: {  	[spmem:s2] =	stream.indirect.scatter.add.f32 [tilespmem:s21], [sflag:$0x1], $0x80, s20, s16, $0xb8;
	[tilespmem:$0x17C80] =	vst v63  }
0x49: {  	_ = 	snop  }
0x4a: {  	[spmem:s2] =	stream.indirect.scatter.add.f32 [tilespmem:s23], [sflag:$0x1], $0x80, s22, s16, $0xb8;
	[tilespmem:$0x17C80] =	vst v63  }
0x4b: {  	_ = 	snop  }
0x4c: {  	[spmem:s2] =	stream.indirect.scatter.add.f32 [tilespmem:s25], [sflag:$0x1], $0x80, s24, s16, $0xb8;
	[tilespmem:$0x17C80] =	vst v63  }
0x4d: {  	_ =	swait.ge [sflag:s26], $0x2800  }
0x4e: {  	[sflag:s26] =	ssyncset.done $0x0  }
0x4f: {  	[sflag:s26] =	ssyncadd.s32 $0xFFFFD800  }
0x50: {  	_ =	swait.ge [sflag:s26], $0x2800  }
0x51: {  	[sflag:s26] =	ssyncset.done $0x0  }
0x52: {  	[sflag:s26] =	ssyncadd.s32 $0xFFFFD800  }
0x53: {  	_ =	swait.ge [sflag:s26], $0x2800  }
0x54: {  	[sflag:s26] =	ssyncset.done $0x0  }
0x55: {  	[sflag:s26] =	ssyncadd.s32 $0xFFFFD800  }
0x56: {  	_ =	swait.ge [sflag:s26], $0x2800  }
0x57: {  	[sflag:s26] =	ssyncset.done $0x0  }
0x58: {  	[sflag:s26] =	ssyncadd.s32 $0xFFFFD800  }
0x59: {  	_ =	swait.ge [sflag:s26], $0x2800  }
0x5a: {  	[sflag:s26] =	ssyncset.done $0x0  }
0x5b: {  	s31 =	sadd.s32 s31, s11;
	[sflag:s26] =	ssyncadd.s32 $0xFFFFD800  }
0x5c: {  	[tilespmem:s3], [sflag:$0x2] =	stream.linear.gather [hbm4b:s31+s3], $0x190, $0x38;
	[tilespmem:$0x17C80] =	vst v63  }
0x5d: {  	_ =	swait.ge [sflag:s14], $0x190  }
0x5e: {  	[sflag:s14] =	ssyncset.done $0x0  }
0x5f: {  	[sflag:s14] =	ssyncadd.s32 $0xFFFFFE70  }
0x60: {  	[tilespmem:s15], [sflag:$0x2] =	stream.linear.gather [hbm4b:s30+s3], $0xC800, $0x38;
	[tilespmem:$0x17C80] =	vst v63  }
0x61: {  	_ =	swait.ge [sflag:s14], $0xC800  }
0x62: {  	[sflag:s14] =	ssyncset.done $0x0  }
0x63: {  	[sflag:s14] =	ssyncadd.s32 $0xFFFF3800  }
0x64: {  	v2 =	vld [tilespmem:$0x180]  }
0x65: {  	v3 =	vld [tilespmem:$0x130]  }
0x66: {  	v4 =	vld [tilespmem:$0x160]  }
0x67: {  	v5 =	vld [tilespmem:$0x150]  }
0x68: {  	v6 =	vld [tilespmem:$0x140]  }
0x69: {  	v7 =	vld [tilespmem:$0xB0];
	v2 =	vmin.u32 v2, $0x1400  }
0x6a: {  	v8 =	vld [tilespmem:$0x120];
	v3 =	vmin.u32 v3, $0x1400;
	[tilespmem:$0x440] =	vst v2  }
0x6b: {  	v2 =	vld [tilespmem:$0x110];
	[tilespmem:$0x3C0] =	vst v3;
	v3 =	vmin.u32 v4, $0x1400  }
0x6c: {  	v4 =	vld [tilespmem:$0x100];
	v5 =	vmin.u32 v5, $0x1400;
	[tilespmem:$0x420] =	vst v3  }
0x6d: {  	v3 =	vld [tilespmem:$0xE0];
	v6 =	vmin.u32 v6, $0x1400;
	[tilespmem:$0x410] =	vst v5  }
0x6e: {  	v5 =	vmin.u32 v7, $0x1400;
	v7 =	vld [tilespmem:$0xD0];
	[tilespmem:$0x400] =	vst v6  }
0x6f: {  	[tilespmem:$0x310] =	vst v5;
	v5 =	vld [tilespmem:$0xC0];
	v6 =	vmin.u32 v8, $0x1400  }
0x70: {  	v8 =	vld [tilespmem:$0x30];
	v2 =	vmin.u32 v2, $0x1400;
	[tilespmem:$0x3B0] =	vst v6  }
0x71: {  	v6 =	vld [tilespmem:$0xA0];
	v4 =	vmin.u32 v4, $0x1400;
	[tilespmem:$0x3A0] =	vst v2  }
0x72: {  	v2 =	vld [tilespmem:$0x90];
	v3 =	vmin.u32 v3, $0x1400;
	[tilespmem:$0x390] =	vst v4  }
0x73: {  	v4 =	vld [tilespmem:$0x80];
	v7 =	vmin.u32 v7, $0x1400;
	[tilespmem:$0x340] =	vst v3  }
0x74: {  	v3 =	vld [tilespmem:$0x60];
	v5 =	vmin.u32 v5, $0x1400;
	[tilespmem:$0x330] =	vst v7  }
0x75: {  	v7 =	vmin.u32 v8, $0x1400;
	v8 =	vld [tilespmem:$0x50];
	[tilespmem:$0x320] =	vst v5  }
0x76: {  	[tilespmem:$0x230] =	vst v7;
	v5 =	vld [tilespmem:$0x40];
	v6 =	vmin.u32 v6, $0x1400  }
0x77: {  	v2 =	vmin.u32 v2, $0x1400;
	[tilespmem:$0x300] =	vst v6;
	v6 =	vld [tilespmem:$0x170]  }
0x78: {  	v7 =	vld [tilespmem:$0x20];
	v4 =	vmin.u32 v4, $0x1400;
	[tilespmem:$0x2C0] =	vst v2  }
0x79: {  	v2 =	vld [tilespmem:$0x10];
	v3 =	vmin.u32 v3, $0x1400;
	[tilespmem:$0x2B0] =	vst v4  }
0x7a: {  	v4 =	vmin.u32 v8, $0x1400;
	[tilespmem:$0x290] =	vst v3;
	v3 =	vld [tilespmem:$0xF0]  }
0x7b: {  	v5 =	vmin.u32 v5, $0x1400;
	[tilespmem:$0x280] =	vst v4;
	v4 =	vld [tilespmem:$0x70]  }
0x7c: {  	v8 =	vld [tilespmem:$0x0];
	[tilespmem:$0x240] =	vst v5;
	v5 =	vmin.u32 v6, $0x1400  }
.Ltmp0:
0x7d: {  	v6 =	vmin.u32 v7, $0x1400;
	[tilespmem:$0x430] =	vst v5;
	(pc) =	sbr.rel @p0 .LBB2_2-.Ltmp0, $4  }
0x7e: {  	v2 =	vmin.u32 v2, $0x1400;
	[tilespmem:$0x220] =	vst v6  }
0x7f: {  	[tilespmem:$0x210] =	vst v2;
	v2 =	vmin.u32 v3, $0x1400  }
0x80: {  	v3 =	vmin.u32 v4, $0x1400;
	[tilespmem:$0x380] =	vst v2  }
0x81: {  	v2 =	vmin.u32 v8, $0x1400;
	[tilespmem:$0x2A0] =	vst v3  }
0x82: {  	[tilespmem:$0x200] =	vst v2  }
0x83: {  	[spmem:s2] =	stream.indirect.scatter.add.f32 [tilespmem:s15], [sflag:$0x1], $0x80, s17, s16, $0xb8;
	[tilespmem:$0x17C80] =	vst v63  }
0x84: {  	_ = 	snop  }
0x85: {  	[spmem:s2] =	stream.indirect.scatter.add.f32 [tilespmem:s19], [sflag:$0x1], $0x80, s18, s16, $0xb8;
	[tilespmem:$0x17C80] =	vst v63  }
0x86: {  	_ = 	snop  }
0x87: {  	[spmem:s2] =	stream.indirect.scatter.add.f32 [tilespmem:s21], [sflag:$0x1], $0x80, s20, s16, $0xb8;
	[tilespmem:$0x17C80] =	vst v63  }
0x88: {  	_ = 	snop  }
0x89: {  	[spmem:s2] =	stream.indirect.scatter.add.f32 [tilespmem:s23], [sflag:$0x1], $0x80, s22, s16, $0xb8;
	[tilespmem:$0x17C80] =	vst v63  }
0x8a: {  	_ = 	snop  }
0x8b: {  	[spmem:s2] =	stream.indirect.scatter.add.f32 [tilespmem:s25], [sflag:$0x1], $0x80, s24, s16, $0xb8;
	[tilespmem:$0x17C80] =	vst v63  }
0x8c: {  	_ =	swait.ge [sflag:s26], $0x2800  }
0x8d: {  	[sflag:s26] =	ssyncset.done $0x0  }
0x8e: {  	[sflag:s26] =	ssyncadd.s32 $0xFFFFD800  }
0x8f: {  	_ =	swait.ge [sflag:s26], $0x2800  }
0x90: {  	[sflag:s26] =	ssyncset.done $0x0  }
0x91: {  	[sflag:s26] =	ssyncadd.s32 $0xFFFFD800  }
0x92: {  	_ =	swait.ge [sflag:s26], $0x2800  }
0x93: {  	[sflag:s26] =	ssyncset.done $0x0  }
0x94: {  	[sflag:s26] =	ssyncadd.s32 $0xFFFFD800  }
0x95: {  	_ =	swait.ge [sflag:s26], $0x2800  }
0x96: {  	[sflag:s26] =	ssyncset.done $0x0  }
0x97: {  	[sflag:s26] =	ssyncadd.s32 $0xFFFFD800  }
0x98: {  	_ =	swait.ge [sflag:s26], $0x2800  }
0x99: {  	[sflag:s26] =	ssyncset.done $0x0  }
0x9a: {  	[sflag:s26] =	ssyncadd.s32 $0xFFFFD800  }
0x9b: {  	[bflag:$0x0] =	sbarrier.arrive $0xFFFF  }
0x9c: {  	[hbm:s6], [sflag:s5] =	dma.local [spmem:s13], $0x1600  }
0x9d: {  	_ =	swait.ge [sflag:s14], $0x1600  }
0x9e: {  	[sflag:s14] =	ssyncset.done $0x0  }
0x9f: {  	[sflag:s14] =	ssyncadd.s32 $0xFFFFEA00  }
0xa0: {  	[spmem:s13], [sflag:s5] =	dma.local [hbm:s4], $0x1600  }
0xa1: {  	_ =	swait.ge [sflag:s14], $0x1600  }
0xa2: {  	[sflag:s14] =	ssyncset.done $0x0  }
0xa3: {  	[sflag:s14] =	ssyncadd.s32 $0xFFFFEA00  }
0xa4: {  	s29 =	sadd.s32 $0x0, s11;
	[bflag:$0x0] =	sbarrier.arrive $0xFFFF  }
0xa5: {  	[tilespmem:s3], [sflag:$0x2] =	stream.linear.gather [hbm4b:s29+s3], $0x190, $0x38;
	[tilespmem:$0x17C80] =	vst v63  }
0xa6: {  	_ =	swait.ge [sflag:s14], $0x190  }
0xa7: {  	[sflag:s14] =	ssyncset.done $0x0  }
0xa8: {  	[sflag:s14] =	ssyncadd.s32 $0xFFFFFE70  }
0xa9: {  	[tilespmem:s15], [sflag:$0x2] =	stream.linear.gather [hbm4b:s10+s3], $0xC800, $0x38;
	[tilespmem:$0x17C80] =	vst v63  }
0xaa: {  	_ =	swait.ge [sflag:s14], $0xC800  }
0xab: {  	[sflag:s14] =	ssyncset.done $0x0  }
0xac: {  	[sflag:s14] =	ssyncadd.s32 $0xFFFF3800  }
0xad: {  	v2 =	vld [tilespmem:$0x180]  }
0xae: {  	v3 =	vld [tilespmem:$0xB0]  }
0xaf: {  	v4 =	vld [tilespmem:$0x160]  }
0xb0: {  	v5 =	vld [tilespmem:$0x150]  }
0xb1: {  	v6 =	vld [tilespmem:$0x140]  }
0xb2: {  	v7 =	vld [tilespmem:$0x120]  }
0xb3: {  	v8 =	vld [tilespmem:$0x110];
	v2 =	vadd.s32 $0xFFFFEC00, v2  }
0xb4: {  	v9 =	vld [tilespmem:$0x100];
	v3 =	vadd.s32 $0xFFFFEC00, v3;
	v2 =	vmin.u32 v2, $0x1400  }
0xb5: {  	v51 =	vld [tilespmem:$0xA0];
	v4 =	vadd.s32 $0xFFFFEC00, v4;
	v3 =	vmin.u32 v3, $0x1400;
	[tilespmem:$0x440] =	vst v2  }
0xb6: {  	v6 =	vadd.s32 $0xFFFFEC00, v6;
	v4 =	vmin.u32 v4, $0x1400;
	[tilespmem:$0x310] =	vst v3  }
0xb7: {  	v7 =	vadd.s32 $0xFFFFEC00, v7;
	v6 =	vmin.u32 v6, $0x1400;
	v2 =	vld [tilespmem:$0xE0];
	[tilespmem:$0x420] =	vst v4  }
0xb8: {  	v47 =	vld [tilespmem:$0xF0];
	v8 =	vadd.s32 $0xFFFFEC00, v8;
	v7 =	vmin.u32 v7, $0x1400;
	[tilespmem:$0x400] =	vst v6  }
0xb9: {  	v48 =	vld [tilespmem:$0xD0];
	v8 =	vmin.u32 v8, $0x1400;
	v3 =	vadd.s32 $0xFFFFEC00, v5;
	[tilespmem:$0x3B0] =	vst v7  }
0xba: {  	v52 =	vld [tilespmem:$0x90];
	v49 =	vadd.s32 $0xFFFFEC00, v9;
	v9 =	vadd.s32 $0xFFFFEC00, v51;
	[tilespmem:$0x3A0] =	vst v8;
	v3 =	vmin.u32 v3, $0x1400  }
0xbb: {  	v9 =	vmin.u32 v9, $0x1400;
	[tilespmem:$0x410] =	vst v3;
	v3 =	vld [tilespmem:$0xC0]  }
0xbc: {  	v50 =	vld [tilespmem:$0x170];
	v6 =	vmin.u32 v49, $0x1400;
	[tilespmem:$0x300] =	vst v9;
	v2 =	vadd.s32 $0xFFFFEC00, v2  }
0xbd: {  	v56 =	vld [tilespmem:$0x50];
	v5 =	vadd.s32 $0xFFFFEC00, v47;
	[tilespmem:$0x390] =	vst v6;
	v2 =	vmin.u32 v2, $0x1400  }
0xbe: {  	v53 =	vld [tilespmem:$0x80];
	v4 =	vadd.s32 $0xFFFFEC00, v48;
	[tilespmem:$0x340] =	vst v2;
	v2 =	vmin.u32 v5, $0x1400  }
0xbf: {  	v8 =	vadd.s32 $0xFFFFEC00, v52;
	v4 =	vmin.u32 v4, $0x1400;
	[tilespmem:$0x380] =	vst v2;
	v2 =	vld [tilespmem:$0x60]  }
0xc0: {  	v57 =	vld [tilespmem:$0x40];
	v8 =	vmin.u32 v8, $0x1400;
	[tilespmem:$0x330] =	vst v4;
	v3 =	vadd.s32 $0xFFFFEC00, v3  }
0xc1: {  	v59 =	vld [tilespmem:$0x10];
	v55 =	vadd.s32 $0xFFFFEC00, v50;
	[tilespmem:$0x2C0] =	vst v8;
	v3 =	vmin.u32 v3, $0x1400  }
0xc2: {  	v54 =	vld [tilespmem:$0x70];
	v7 =	vadd.s32 $0xFFFFEC00, v56;
	[tilespmem:$0x320] =	vst v3;
	v3 =	vmin.u32 v55, $0x1400  }
0xc3: {  	v6 =	vadd.s32 $0xFFFFEC00, v53;
	v61 =	vmin.u32 v7, $0x1400;
	[tilespmem:$0x430] =	vst v3;
	v3 =	vld [tilespmem:$0x30]  }
0xc4: {  	v58 =	vld [tilespmem:$0x20];
	v6 =	vmin.u32 v6, $0x1400;
	[tilespmem:$0x280] =	vst v61;
	v2 =	vadd.s32 $0xFFFFEC00, v2  }
0xc5: {  	v60 =	vld [tilespmem:$0x0];
	v4 =	vadd.s32 $0xFFFFEC00, v57;
	[tilespmem:$0x2B0] =	vst v6;
	v2 =	vmin.u32 v2, $0x1400  }
0xc6: {  	v63 =	vadd.s32 $0xFFFFEC00, v59;
	v4 =	vmin.u32 v4, $0x1400;
	[tilespmem:$0x290] =	vst v2;
	v2 =	vld [tilespmem:$0x130]  }
0xc7: {  	[tilespmem:$0x240] =	vst v4;
	v4 =	vmin.u32 v63, $0x1400;
	v5 =	vadd.s32 $0xFFFFEC00, v54  }
0xc8: {  	[tilespmem:$0x210] =	vst v4;
	v5 =	vmin.u32 v5, $0x1400;
	v3 =	vadd.s32 $0xFFFFEC00, v3  }
0xc9: {  	v62 =	vadd.s32 $0xFFFFEC00, v58;
	[tilespmem:$0x2A0] =	vst v5;
	v3 =	vmin.u32 v3, $0x1400  }
0xca: {  	v5 =	vmin.u32 v62, $0x1400;
	[tilespmem:$0x230] =	vst v3;
	v3 =	vadd.s32 $0xFFFFEC00, v60  }
0xcb: {  	[tilespmem:$0x220] =	vst v5;
	v3 =	vmin.u32 v3, $0x1400;
	v2 =	vadd.s32 $0xFFFFEC00, v2  }
0xcc: {  	s30 =	smov.u32 s10;
	s29 =	simm.s32 $0x32;
	[tilespmem:$0x200] =	vst v3;
	v2 =	vmin.u32 v2, $0x1400  }
.LBB2_4:
0xcd: {  	p0 =	sne.s32 s29, $0x992  }
0xce: {  	[tilespmem:$0x3C0] =	vst v2;
	s30 =	sadd.s32 $0x1900, s30;
	s31 =	smov.u32 s29;
	s29 =	sadd.s32 $0x32, s29  }
0xcf: {  	[spmem:s2] =	stream.indirect.scatter.add.f32 [tilespmem:s15], [sflag:$0x1], $0x80, s17, s16, $0xb8;
	[tilespmem:$0x17C80] =	vst v63  }
0xd0: {  	_ = 	snop  }
0xd1: {  	[spmem:s2] =	stream.indirect.scatter.add.f32 [tilespmem:s19], [sflag:$0x1], $0x80, s18, s16, $0xb8;
	[tilespmem:$0x17C80] =	vst v63  }
0xd2: {  	_ = 	snop  }
0xd3: {  	[spmem:s2] =	stream.indirect.scatter.add.f32 [tilespmem:s21], [sflag:$0x1], $0x80, s20, s16, $0xb8;
	[tilespmem:$0x17C80] =	vst v63  }
0xd4: {  	_ = 	snop  }
0xd5: {  	[spmem:s2] =	stream.indirect.scatter.add.f32 [tilespmem:s23], [sflag:$0x1], $0x80, s22, s16, $0xb8;
	[tilespmem:$0x17C80] =	vst v63  }
0xd6: {  	_ = 	snop  }
0xd7: {  	[spmem:s2] =	stream.indirect.scatter.add.f32 [tilespmem:s25], [sflag:$0x1], $0x80, s24, s16, $0xb8;
	[tilespmem:$0x17C80] =	vst v63  }
0xd8: {  	_ =	swait.ge [sflag:s26], $0x2800  }
0xd9: {  	[sflag:s26] =	ssyncset.done $0x0  }
0xda: {  	[sflag:s26] =	ssyncadd.s32 $0xFFFFD800  }
0xdb: {  	_ =	swait.ge [sflag:s26], $0x2800  }
0xdc: {  	[sflag:s26] =	ssyncset.done $0x0  }
0xdd: {  	[sflag:s26] =	ssyncadd.s32 $0xFFFFD800  }
0xde: {  	_ =	swait.ge [sflag:s26], $0x2800  }
0xdf: {  	[sflag:s26] =	ssyncset.done $0x0  }
0xe0: {  	[sflag:s26] =	ssyncadd.s32 $0xFFFFD800  }
0xe1: {  	_ =	swait.ge [sflag:s26], $0x2800  }
0xe2: {  	[sflag:s26] =	ssyncset.done $0x0  }
0xe3: {  	[sflag:s26] =	ssyncadd.s32 $0xFFFFD800  }
0xe4: {  	_ =	swait.ge [sflag:s26], $0x2800  }
0xe5: {  	[sflag:s26] =	ssyncset.done $0x0  }
0xe6: {  	s31 =	sadd.s32 s31, s11;
	[sflag:s26] =	ssyncadd.s32 $0xFFFFD800  }
0xe7: {  	[tilespmem:s3], [sflag:$0x2] =	stream.linear.gather [hbm4b:s31+s3], $0x190, $0x38;
	[tilespmem:$0x17C80] =	vst v63  }
0xe8: {  	_ =	swait.ge [sflag:s14], $0x190  }
0xe9: {  	[sflag:s14] =	ssyncset.done $0x0  }
0xea: {  	[sflag:s14] =	ssyncadd.s32 $0xFFFFFE70  }
0xeb: {  	[tilespmem:s15], [sflag:$0x2] =	stream.linear.gather [hbm4b:s30+s3], $0xC800, $0x38;
	[tilespmem:$0x17C80] =	vst v63  }
0xec: {  	_ =	swait.ge [sflag:s14], $0xC800  }
0xed: {  	[sflag:s14] =	ssyncset.done $0x0  }
0xee: {  	[sflag:s14] =	ssyncadd.s32 $0xFFFF3800  }
0xef: {  	v2 =	vld [tilespmem:$0x180]  }
0xf0: {  	v3 =	vld [tilespmem:$0xB0]  }
0xf1: {  	v4 =	vld [tilespmem:$0x160]  }
0xf2: {  	v5 =	vld [tilespmem:$0x150]  }
0xf3: {  	v6 =	vld [tilespmem:$0x140]  }
0xf4: {  	v7 =	vld [tilespmem:$0x120];
	v2 =	vadd.s32 $0xFFFFEC00, v2  }
0xf5: {  	v3 =	vadd.s32 $0xFFFFEC00, v3;
	v8 =	vld [tilespmem:$0x110];
	v2 =	vmin.u32 v2, $0x1400  }
0xf6: {  	v3 =	vmin.u32 v3, $0x1400;
	v9 =	vld [tilespmem:$0x100];
	v4 =	vadd.s32 $0xFFFFEC00, v4;
	[tilespmem:$0x440] =	vst v2  }
0xf7: {  	[tilespmem:$0x310] =	vst v3;
	v2 =	vld [tilespmem:$0xE0];
	v3 =	vadd.s32 $0xFFFFEC00, v5;
	v4 =	vmin.u32 v4, $0x1400  }
0xf8: {  	v5 =	vld [tilespmem:$0xF0];
	v6 =	vadd.s32 $0xFFFFEC00, v6;
	v3 =	vmin.u32 v3, $0x1400;
	[tilespmem:$0x420] =	vst v4  }
0xf9: {  	v4 =	vld [tilespmem:$0xD0];
	v7 =	vadd.s32 $0xFFFFEC00, v7;
	v6 =	vmin.u32 v6, $0x1400;
	[tilespmem:$0x410] =	vst v3  }
0xfa: {  	v3 =	vld [tilespmem:$0xC0];
	v8 =	vadd.s32 $0xFFFFEC00, v8;
	v7 =	vmin.u32 v7, $0x1400;
	[tilespmem:$0x400] =	vst v6  }
0xfb: {  	v6 =	vadd.s32 $0xFFFFEC00, v9;
	v8 =	vmin.u32 v8, $0x1400;
	[tilespmem:$0x3B0] =	vst v7;
	v7 =	vld [tilespmem:$0x170]  }
0xfc: {  	v9 =	vld [tilespmem:$0xA0];
	v2 =	vadd.s32 $0xFFFFEC00, v2;
	v6 =	vmin.u32 v6, $0x1400;
	[tilespmem:$0x3A0] =	vst v8  }
0xfd: {  	v8 =	vld [tilespmem:$0x90];
	v2 =	vmin.u32 v2, $0x1400;
	v5 =	vadd.s32 $0xFFFFEC00, v5;
	[tilespmem:$0x390] =	vst v6  }
0xfe: {  	v6 =	vld [tilespmem:$0x80];
	v4 =	vadd.s32 $0xFFFFEC00, v4;
	[tilespmem:$0x340] =	vst v2;
	v2 =	vmin.u32 v5, $0x1400  }
0xff: {  	v5 =	vld [tilespmem:$0x70];
	v3 =	vadd.s32 $0xFFFFEC00, v3;
	v4 =	vmin.u32 v4, $0x1400;
	[tilespmem:$0x380] =	vst v2  }
0x100: {  	v2 =	vld [tilespmem:$0x60];
	v3 =	vmin.u32 v3, $0x1400;
	[tilespmem:$0x330] =	vst v4;
	v4 =	vadd.s32 $0xFFFFEC00, v7  }
0x101: {  	v7 =	vld [tilespmem:$0x50];
	v9 =	vadd.s32 $0xFFFFEC00, v9;
	[tilespmem:$0x320] =	vst v3;
	v3 =	vmin.u32 v4, $0x1400  }
0x102: {  	v4 =	vld [tilespmem:$0x40];
	v8 =	vadd.s32 $0xFFFFEC00, v8;
	v9 =	vmin.u32 v9, $0x1400;
	[tilespmem:$0x430] =	vst v3  }
0x103: {  	v3 =	vld [tilespmem:$0x30];
	v6 =	vadd.s32 $0xFFFFEC00, v6;
	v8 =	vmin.u32 v8, $0x1400;
	[tilespmem:$0x300] =	vst v9  }
0x104: {  	v9 =	vld [tilespmem:$0x20];
	v5 =	vadd.s32 $0xFFFFEC00, v5;
	v6 =	vmin.u32 v6, $0x1400;
	[tilespmem:$0x2C0] =	vst v8  }
0x105: {  	v8 =	vld [tilespmem:$0x10];
	v2 =	vadd.s32 $0xFFFFEC00, v2;
	v5 =	vmin.u32 v5, $0x1400;
	[tilespmem:$0x2B0] =	vst v6  }
0x106: {  	v6 =	vld [tilespmem:$0x0];
	v7 =	vadd.s32 $0xFFFFEC00, v7;
	v2 =	vmin.u32 v2, $0x1400;
	[tilespmem:$0x2A0] =	vst v5  }
0x107: {  	v4 =	vadd.s32 $0xFFFFEC00, v4;
	v5 =	vmin.u32 v7, $0x1400;
	[tilespmem:$0x290] =	vst v2;
	v2 =	vld [tilespmem:$0x130]  }
0x108: {  	v3 =	vadd.s32 $0xFFFFEC00, v3;
	v4 =	vmin.u32 v4, $0x1400;
	[tilespmem:$0x280] =	vst v5  }
.Ltmp1:
0x109: {  	v5 =	vadd.s32 $0xFFFFEC00, v9;
	v3 =	vmin.u32 v3, $0x1400;
	[tilespmem:$0x240] =	vst v4;
	(pc) =	sbr.rel @p0 .LBB2_4-.Ltmp1, $4  }
0x10a: {  	v4 =	vadd.s32 $0xFFFFEC00, v8;
	v5 =	vmin.u32 v5, $0x1400;
	[tilespmem:$0x230] =	vst v3  }
0x10b: {  	v3 =	vadd.s32 $0xFFFFEC00, v6;
	v4 =	vmin.u32 v4, $0x1400;
	[tilespmem:$0x220] =	vst v5  }
0x10c: {  	v3 =	vmin.u32 v3, $0x1400;
	[tilespmem:$0x210] =	vst v4;
	v2 =	vadd.s32 $0xFFFFEC00, v2  }
0x10d: {  	[tilespmem:$0x200] =	vst v3;
	v2 =	vmin.u32 v2, $0x1400  }
0x10e: {  	[tilespmem:$0x3C0] =	vst v2  }
0x10f: {  	[spmem:s2] =	stream.indirect.scatter.add.f32 [tilespmem:s15], [sflag:$0x1], $0x80, s17, s16, $0xb8;
	[tilespmem:$0x17C80] =	vst v63  }
0x110: {  	_ = 	snop  }
0x111: {  	[spmem:s2] =	stream.indirect.scatter.add.f32 [tilespmem:s19], [sflag:$0x1], $0x80, s18, s16, $0xb8;
	[tilespmem:$0x17C80] =	vst v63  }
0x112: {  	_ = 	snop  }
0x113: {  	[spmem:s2] =	stream.indirect.scatter.add.f32 [tilespmem:s21], [sflag:$0x1], $0x80, s20, s16, $0xb8;
	[tilespmem:$0x17C80] =	vst v63  }
0x114: {  	_ = 	snop  }
0x115: {  	[spmem:s2] =	stream.indirect.scatter.add.f32 [tilespmem:s23], [sflag:$0x1], $0x80, s22, s16, $0xb8;
	[tilespmem:$0x17C80] =	vst v63  }
0x116: {  	_ = 	snop  }
0x117: {  	[spmem:s2] =	stream.indirect.scatter.add.f32 [tilespmem:s25], [sflag:$0x1], $0x80, s24, s16, $0xb8;
	[tilespmem:$0x17C80] =	vst v63  }
0x118: {  	_ =	swait.ge [sflag:s26], $0x2800  }
0x119: {  	[sflag:s26] =	ssyncset.done $0x0  }
0x11a: {  	[sflag:s26] =	ssyncadd.s32 $0xFFFFD800  }
0x11b: {  	_ =	swait.ge [sflag:s26], $0x2800  }
0x11c: {  	[sflag:s26] =	ssyncset.done $0x0  }
0x11d: {  	[sflag:s26] =	ssyncadd.s32 $0xFFFFD800  }
0x11e: {  	_ =	swait.ge [sflag:s26], $0x2800  }
0x11f: {  	[sflag:s26] =	ssyncset.done $0x0  }
0x120: {  	[sflag:s26] =	ssyncadd.s32 $0xFFFFD800  }
0x121: {  	_ =	swait.ge [sflag:s26], $0x2800  }
0x122: {  	[sflag:s26] =	ssyncset.done $0x0  }
0x123: {  	[sflag:s26] =	ssyncadd.s32 $0xFFFFD800  }
0x124: {  	_ =	swait.ge [sflag:s26], $0x2800  }
0x125: {  	[sflag:s26] =	ssyncset.done $0x0  }
0x126: {  	[sflag:s26] =	ssyncadd.s32 $0xFFFFD800  }
0x127: {  	[bflag:$0x0] =	sbarrier.arrive $0xFFFF  }
0x128: {  	[hbm:s7], [sflag:s5] =	dma.local [spmem:s13], $0x1600  }
0x129: {  	_ =	swait.ge [sflag:s14], $0x1600  }
0x12a: {  	[sflag:s14] =	ssyncset.done $0x0  }
0x12b: {  	[sflag:s14] =	ssyncadd.s32 $0xFFFFEA00  }
0x12c: {  	[spmem:s13], [sflag:s5] =	dma.local [hbm:s4], $0x1600  }
0x12d: {  	_ =	swait.ge [sflag:s14], $0x1600  }
0x12e: {  	[sflag:s14] =	ssyncset.done $0x0  }
0x12f: {  	s29 =	simm.s32 $0x0;
	s30 =	simm.s32 $0x200;
	[sflag:s14] =	ssyncadd.s32 $0xFFFFEA00  }
.LBB2_6:
0x130: {  	p0 =	sne.s32 s30, $0x31E00;
	[tilespmem:s29+$0x4F0] =	vst v1  }
0x131: {  	[tilespmem:s29+$0x480] =	vst v1  }
0x132: {  	[tilespmem:s29+$0x490] =	vst v1  }
.Ltmp2:
0x133: {  	[tilespmem:s29+$0x4A0] =	vst v1;
	(pc) =	sbr.rel @p0 .LBB2_6-.Ltmp2, $4  }
0x134: {  	[tilespmem:s29+$0x4B0] =	vst v1  }
0x135: {  	[tilespmem:s29+$0x4C0] =	vst v1  }
0x136: {  	[tilespmem:s29+$0x4D0] =	vst v1  }
0x137: {  	[tilespmem:s29+$0x4E0] =	vst v1;
	s29 =	sshra.s32 s30, $0x2;
	s30 =	sadd.s32 $0x200, s30  }
0x138: {  	[tilespmem:s29+$0x4F0] =	vst v1  }
0x139: {  	[tilespmem:s29+$0x480] =	vst v1  }
0x13a: {  	[tilespmem:s29+$0x490] =	vst v1  }
0x13b: {  	[tilespmem:s29+$0x4A0] =	vst v1  }
0x13c: {  	[tilespmem:s29+$0x4B0] =	vst v1  }
0x13d: {  	[tilespmem:s29+$0x4C0] =	vst v1  }
0x13e: {  	[tilespmem:s29+$0x4D0] =	vst v1  }
0x13f: {  	[tilespmem:s29+$0x4E0] =	vst v1  }
0x140: {  	s29 =	sadd.s32 $0x0, s12;
	[bflag:$0x0] =	sbarrier.arrive $0xFFFF  }
0x141: {  	[tilespmem:s3], [sflag:$0x2] =	stream.linear.gather [hbm4b:s29+s3], $0x190, $0x38;
	[tilespmem:$0x17C80] =	vst v63  }
0x142: {  	_ =	swait.ge [sflag:s14], $0x190  }
0x143: {  	[sflag:s14] =	ssyncset.done $0x0  }
0x144: {  	[sflag:s14] =	ssyncadd.s32 $0xFFFFFE70  }
0x145: {  	v2 =	vld [tilespmem:$0x180]  }
0x146: {  	v3 =	vld [tilespmem:$0xB0]  }
0x147: {  	v4 =	vld [tilespmem:$0x160]  }
0x148: {  	v5 =	vld [tilespmem:$0x150]  }
0x149: {  	v6 =	vld [tilespmem:$0x140]  }
0x14a: {  	v7 =	vld [tilespmem:$0x120]  }
0x14b: {  	v8 =	vld [tilespmem:$0x110];
	v2 =	vsub.s32 v2, v0  }
0x14c: {  	v9 =	vld [tilespmem:$0x100];
	v3 =	vsub.s32 v3, v0;
	v2 =	vmin.u32 v2, $0x1400  }
0x14d: {  	v51 =	vld [tilespmem:$0xA0];
	v4 =	vsub.s32 v4, v0;
	v3 =	vmin.u32 v3, $0x1400;
	[tilespmem:$0x440] =	vst v2  }
0x14e: {  	v6 =	vsub.s32 v6, v0;
	v4 =	vmin.u32 v4, $0x1400;
	[tilespmem:$0x310] =	vst v3  }
0x14f: {  	v7 =	vsub.s32 v7, v0;
	v6 =	vmin.u32 v6, $0x1400;
	v2 =	vld [tilespmem:$0xE0];
	[tilespmem:$0x420] =	vst v4  }
0x150: {  	v47 =	vld [tilespmem:$0xF0];
	v8 =	vsub.s32 v8, v0;
	v7 =	vmin.u32 v7, $0x1400;
	[tilespmem:$0x400] =	vst v6  }
0x151: {  	v48 =	vld [tilespmem:$0xD0];
	v8 =	vmin.u32 v8, $0x1400;
	v3 =	vsub.s32 v5, v0;
	[tilespmem:$0x3B0] =	vst v7  }
0x152: {  	v52 =	vld [tilespmem:$0x90];
	v49 =	vsub.s32 v9, v0;
	v9 =	vsub.s32 v51, v0;
	[tilespmem:$0x3A0] =	vst v8;
	v3 =	vmin.u32 v3, $0x1400  }
0x153: {  	v9 =	vmin.u32 v9, $0x1400;
	[tilespmem:$0x410] =	vst v3;
	v3 =	vld [tilespmem:$0xC0]  }
0x154: {  	v50 =	vld [tilespmem:$0x170];
	v6 =	vmin.u32 v49, $0x1400;
	[tilespmem:$0x300] =	vst v9;
	v2 =	vsub.s32 v2, v0  }
0x155: {  	v56 =	vld [tilespmem:$0x50];
	v5 =	vsub.s32 v47, v0;
	[tilespmem:$0x390] =	vst v6;
	v2 =	vmin.u32 v2, $0x1400  }
0x156: {  	v53 =	vld [tilespmem:$0x80];
	v4 =	vsub.s32 v48, v0;
	[tilespmem:$0x340] =	vst v2;
	v2 =	vmin.u32 v5, $0x1400  }
0x157: {  	v8 =	vsub.s32 v52, v0;
	v4 =	vmin.u32 v4, $0x1400;
	[tilespmem:$0x380] =	vst v2;
	v2 =	vld [tilespmem:$0x60]  }
0x158: {  	v57 =	vld [tilespmem:$0x40];
	v8 =	vmin.u32 v8, $0x1400;
	[tilespmem:$0x330] =	vst v4;
	v3 =	vsub.s32 v3, v0  }
0x159: {  	v59 =	vld [tilespmem:$0x10];
	v55 =	vsub.s32 v50, v0;
	[tilespmem:$0x2C0] =	vst v8;
	v3 =	vmin.u32 v3, $0x1400  }
0x15a: {  	v54 =	vld [tilespmem:$0x70];
	v7 =	vsub.s32 v56, v0;
	[tilespmem:$0x320] =	vst v3;
	v3 =	vmin.u32 v55, $0x1400  }
0x15b: {  	v6 =	vsub.s32 v53, v0;
	v61 =	vmin.u32 v7, $0x1400;
	[tilespmem:$0x430] =	vst v3;
	v3 =	vld [tilespmem:$0x30]  }
0x15c: {  	v58 =	vld [tilespmem:$0x20];
	v6 =	vmin.u32 v6, $0x1400;
	[tilespmem:$0x280] =	vst v61;
	v2 =	vsub.s32 v2, v0  }
0x15d: {  	v60 =	vld [tilespmem:$0x0];
	v4 =	vsub.s32 v57, v0;
	[tilespmem:$0x2B0] =	vst v6;
	v2 =	vmin.u32 v2, $0x1400  }
0x15e: {  	v63 =	vsub.s32 v59, v0;
	v4 =	vmin.u32 v4, $0x1400;
	[tilespmem:$0x290] =	vst v2;
	v2 =	vld [tilespmem:$0x130]  }
0x15f: {  	[tilespmem:$0x240] =	vst v4;
	v4 =	vmin.u32 v63, $0x1400;
	v5 =	vsub.s32 v54, v0  }
0x160: {  	[tilespmem:$0x210] =	vst v4;
	v5 =	vmin.u32 v5, $0x1400;
	v3 =	vsub.s32 v3, v0  }
0x161: {  	v62 =	vsub.s32 v58, v0;
	[tilespmem:$0x2A0] =	vst v5;
	v3 =	vmin.u32 v3, $0x1400  }
0x162: {  	v5 =	vmin.u32 v62, $0x1400;
	[tilespmem:$0x230] =	vst v3;
	v3 =	vsub.s32 v60, v0  }
0x163: {  	[tilespmem:$0x220] =	vst v5;
	v3 =	vmin.u32 v3, $0x1400;
	v2 =	vsub.s32 v2, v0  }
0x164: {  	s29 =	simm.s32 $0x32;
	[tilespmem:$0x200] =	vst v3;
	v2 =	vmin.u32 v2, $0x1400  }
.LBB2_8:
0x165: {  	p0 =	sne.s32 s29, $0x992;
	[tilespmem:$0x3C0] =	vst v2;
	s30 =	smov.u32 s29;
	s29 =	sadd.s32 $0x32, s29  }
0x166: {  	[spmem:s2] =	stream.indirect.scatter.add.f32 [tilespmem:s15], [sflag:$0x1], $0x80, s17, s16, $0xb8;
	[tilespmem:$0x17C80] =	vst v63  }
0x167: {  	_ = 	snop  }
0x168: {  	[spmem:s2] =	stream.indirect.scatter.add.f32 [tilespmem:s19], [sflag:$0x1], $0x80, s18, s16, $0xb8;
	[tilespmem:$0x17C80] =	vst v63  }
0x169: {  	_ = 	snop  }
0x16a: {  	[spmem:s2] =	stream.indirect.scatter.add.f32 [tilespmem:s21], [sflag:$0x1], $0x80, s20, s16, $0xb8;
	[tilespmem:$0x17C80] =	vst v63  }
0x16b: {  	_ = 	snop  }
0x16c: {  	[spmem:s2] =	stream.indirect.scatter.add.f32 [tilespmem:s23], [sflag:$0x1], $0x80, s22, s16, $0xb8;
	[tilespmem:$0x17C80] =	vst v63  }
0x16d: {  	_ = 	snop  }
0x16e: {  	[spmem:s2] =	stream.indirect.scatter.add.f32 [tilespmem:s25], [sflag:$0x1], $0x80, s24, s16, $0xb8;
	[tilespmem:$0x17C80] =	vst v63  }
0x16f: {  	_ =	swait.ge [sflag:s26], $0x2800  }
0x170: {  	[sflag:s26] =	ssyncset.done $0x0  }
0x171: {  	[sflag:s26] =	ssyncadd.s32 $0xFFFFD800  }
0x172: {  	_ =	swait.ge [sflag:s26], $0x2800  }
0x173: {  	[sflag:s26] =	ssyncset.done $0x0  }
0x174: {  	[sflag:s26] =	ssyncadd.s32 $0xFFFFD800  }
0x175: {  	_ =	swait.ge [sflag:s26], $0x2800  }
0x176: {  	[sflag:s26] =	ssyncset.done $0x0  }
0x177: {  	[sflag:s26] =	ssyncadd.s32 $0xFFFFD800  }
0x178: {  	_ =	swait.ge [sflag:s26], $0x2800  }
0x179: {  	[sflag:s26] =	ssyncset.done $0x0  }
0x17a: {  	[sflag:s26] =	ssyncadd.s32 $0xFFFFD800  }
0x17b: {  	_ =	swait.ge [sflag:s26], $0x2800  }
0x17c: {  	[sflag:s26] =	ssyncset.done $0x0  }
0x17d: {  	s30 =	sadd.s32 s30, s12;
	[sflag:s26] =	ssyncadd.s32 $0xFFFFD800  }
0x17e: {  	[tilespmem:s3], [sflag:$0x2] =	stream.linear.gather [hbm4b:s30+s3], $0x190, $0x38;
	[tilespmem:$0x17C80] =	vst v63  }
0x17f: {  	_ =	swait.ge [sflag:s14], $0x190  }
0x180: {  	[sflag:s14] =	ssyncset.done $0x0  }
0x181: {  	[sflag:s14] =	ssyncadd.s32 $0xFFFFFE70  }
0x182: {  	v2 =	vld [tilespmem:$0x180]  }
0x183: {  	v3 =	vld [tilespmem:$0xB0]  }
0x184: {  	v4 =	vld [tilespmem:$0x160]  }
0x185: {  	v5 =	vld [tilespmem:$0x150]  }
0x186: {  	v6 =	vld [tilespmem:$0x140]  }
0x187: {  	v7 =	vld [tilespmem:$0x120];
	v2 =	vsub.s32 v2, v0  }
0x188: {  	v3 =	vsub.s32 v3, v0;
	v8 =	vld [tilespmem:$0x110];
	v2 =	vmin.u32 v2, $0x1400  }
0x189: {  	v3 =	vmin.u32 v3, $0x1400;
	v9 =	vld [tilespmem:$0x100];
	v4 =	vsub.s32 v4, v0;
	[tilespmem:$0x440] =	vst v2  }
0x18a: {  	[tilespmem:$0x310] =	vst v3;
	v2 =	vld [tilespmem:$0xE0];
	v3 =	vsub.s32 v5, v0;
	v4 =	vmin.u32 v4, $0x1400  }
0x18b: {  	v5 =	vld [tilespmem:$0xF0];
	v6 =	vsub.s32 v6, v0;
	v3 =	vmin.u32 v3, $0x1400;
	[tilespmem:$0x420] =	vst v4  }
0x18c: {  	v4 =	vld [tilespmem:$0xD0];
	v7 =	vsub.s32 v7, v0;
	v6 =	vmin.u32 v6, $0x1400;
	[tilespmem:$0x410] =	vst v3  }
0x18d: {  	v3 =	vld [tilespmem:$0xC0];
	v8 =	vsub.s32 v8, v0;
	v7 =	vmin.u32 v7, $0x1400;
	[tilespmem:$0x400] =	vst v6  }
0x18e: {  	v6 =	vsub.s32 v9, v0;
	v8 =	vmin.u32 v8, $0x1400;
	[tilespmem:$0x3B0] =	vst v7;
	v7 =	vld [tilespmem:$0x170]  }
0x18f: {  	v9 =	vld [tilespmem:$0xA0];
	v2 =	vsub.s32 v2, v0;
	v6 =	vmin.u32 v6, $0x1400;
	[tilespmem:$0x3A0] =	vst v8  }
0x190: {  	v8 =	vld [tilespmem:$0x90];
	v2 =	vmin.u32 v2, $0x1400;
	v5 =	vsub.s32 v5, v0;
	[tilespmem:$0x390] =	vst v6  }
0x191: {  	v6 =	vld [tilespmem:$0x80];
	v4 =	vsub.s32 v4, v0;
	[tilespmem:$0x340] =	vst v2;
	v2 =	vmin.u32 v5, $0x1400  }
0x192: {  	v5 =	vld [tilespmem:$0x70];
	v3 =	vsub.s32 v3, v0;
	v4 =	vmin.u32 v4, $0x1400;
	[tilespmem:$0x380] =	vst v2  }
0x193: {  	v2 =	vld [tilespmem:$0x60];
	v3 =	vmin.u32 v3, $0x1400;
	[tilespmem:$0x330] =	vst v4;
	v4 =	vsub.s32 v7, v0  }
0x194: {  	v7 =	vld [tilespmem:$0x50];
	v9 =	vsub.s32 v9, v0;
	[tilespmem:$0x320] =	vst v3;
	v3 =	vmin.u32 v4, $0x1400  }
0x195: {  	v4 =	vld [tilespmem:$0x40];
	v8 =	vsub.s32 v8, v0;
	v9 =	vmin.u32 v9, $0x1400;
	[tilespmem:$0x430] =	vst v3  }
0x196: {  	v3 =	vld [tilespmem:$0x30];
	v6 =	vsub.s32 v6, v0;
	v8 =	vmin.u32 v8, $0x1400;
	[tilespmem:$0x300] =	vst v9  }
0x197: {  	v9 =	vld [tilespmem:$0x20];
	v5 =	vsub.s32 v5, v0;
	v6 =	vmin.u32 v6, $0x1400;
	[tilespmem:$0x2C0] =	vst v8  }
0x198: {  	v8 =	vld [tilespmem:$0x10];
	v2 =	vsub.s32 v2, v0;
	v5 =	vmin.u32 v5, $0x1400;
	[tilespmem:$0x2B0] =	vst v6  }
0x199: {  	v6 =	vld [tilespmem:$0x0];
	v7 =	vsub.s32 v7, v0;
	v2 =	vmin.u32 v2, $0x1400;
	[tilespmem:$0x2A0] =	vst v5  }
0x19a: {  	v4 =	vsub.s32 v4, v0;
	v5 =	vmin.u32 v7, $0x1400;
	[tilespmem:$0x290] =	vst v2;
	v2 =	vld [tilespmem:$0x130]  }
0x19b: {  	v3 =	vsub.s32 v3, v0;
	v4 =	vmin.u32 v4, $0x1400;
	[tilespmem:$0x280] =	vst v5  }
.Ltmp3:
0x19c: {  	v5 =	vsub.s32 v9, v0;
	v3 =	vmin.u32 v3, $0x1400;
	[tilespmem:$0x240] =	vst v4;
	(pc) =	sbr.rel @p0 .LBB2_8-.Ltmp3, $4  }
0x19d: {  	v4 =	vsub.s32 v8, v0;
	v5 =	vmin.u32 v5, $0x1400;
	[tilespmem:$0x230] =	vst v3  }
0x19e: {  	v3 =	vsub.s32 v6, v0;
	v4 =	vmin.u32 v4, $0x1400;
	[tilespmem:$0x220] =	vst v5  }
0x19f: {  	v3 =	vmin.u32 v3, $0x1400;
	[tilespmem:$0x210] =	vst v4;
	v2 =	vsub.s32 v2, v0  }
0x1a0: {  	[tilespmem:$0x200] =	vst v3;
	v2 =	vmin.u32 v2, $0x1400  }
0x1a1: {  	[tilespmem:$0x3C0] =	vst v2  }
0x1a2: {  	[spmem:s2] =	stream.indirect.scatter.add.f32 [tilespmem:s15], [sflag:$0x1], $0x80, s17, s16, $0xb8;
	[tilespmem:$0x17C80] =	vst v63  }
0x1a3: {  	_ = 	snop  }
0x1a4: {  	[spmem:s2] =	stream.indirect.scatter.add.f32 [tilespmem:s19], [sflag:$0x1], $0x80, s18, s16, $0xb8;
	[tilespmem:$0x17C80] =	vst v63  }
0x1a5: {  	_ = 	snop  }
0x1a6: {  	[spmem:s2] =	stream.indirect.scatter.add.f32 [tilespmem:s21], [sflag:$0x1], $0x80, s20, s16, $0xb8;
	[tilespmem:$0x17C80] =	vst v63  }
0x1a7: {  	_ = 	snop  }
0x1a8: {  	[spmem:s2] =	stream.indirect.scatter.add.f32 [tilespmem:s23], [sflag:$0x1], $0x80, s22, s16, $0xb8;
	[tilespmem:$0x17C80] =	vst v63  }
0x1a9: {  	_ = 	snop  }
0x1aa: {  	[spmem:s2] =	stream.indirect.scatter.add.f32 [tilespmem:s25], [sflag:$0x1], $0x80, s24, s16, $0xb8;
	[tilespmem:$0x17C80] =	vst v63  }
0x1ab: {  	_ =	swait.ge [sflag:s26], $0x2800  }
0x1ac: {  	[sflag:s26] =	ssyncset.done $0x0  }
0x1ad: {  	[sflag:s26] =	ssyncadd.s32 $0xFFFFD800  }
0x1ae: {  	_ =	swait.ge [sflag:s26], $0x2800  }
0x1af: {  	[sflag:s26] =	ssyncset.done $0x0  }
0x1b0: {  	[sflag:s26] =	ssyncadd.s32 $0xFFFFD800  }
0x1b1: {  	_ =	swait.ge [sflag:s26], $0x2800  }
0x1b2: {  	[sflag:s26] =	ssyncset.done $0x0  }
0x1b3: {  	[sflag:s26] =	ssyncadd.s32 $0xFFFFD800  }
0x1b4: {  	_ =	swait.ge [sflag:s26], $0x2800  }
0x1b5: {  	[sflag:s26] =	ssyncset.done $0x0  }
0x1b6: {  	[sflag:s26] =	ssyncadd.s32 $0xFFFFD800  }
0x1b7: {  	_ =	swait.ge [sflag:s26], $0x2800  }
0x1b8: {  	s28 =	sadd.s32 $0x1, s28;
	[sflag:s26] =	ssyncset.done $0x0  }
0x1b9: {  	p0 =	sne.s32 s28, s9;
	[sflag:s26] =	ssyncadd.s32 $0xFFFFD800  }
.Ltmp4:
0x1ba: {  	[bflag:$0x0] =	sbarrier.arrive $0xFFFF;
	(pc) =	sbr.rel @p0 .LBB2_1-.Ltmp4, $4  }
0x1bb: {  	[hbm:s8], [sflag:s5] =	dma.local [spmem:s13], $0x1600  }
0x1bc: {  	_ =	swait.ge [sflag:s14], $0x1600  }
0x1bd: {  	[sflag:s14] =	ssyncset.done $0x0  }
0x1be: {  	[sflag:s14] =	ssyncadd.s32 $0xFFFFEA00  }
0x1bf: {  	_ =	sfence.sel $0x180000  }
0x1c0: {  	[bflag:$0x0] =	sbarrier.arrive $0xFFFF  }
0x1c1: {  	p0 =	sne.s32 s1, $0x0;
	_ =	strace $0x9000004A  }
0x1c2: {  	s0 =	sadd.s32 @!p0 $0x100000, s0;
	[bflag:$0x2] =	sbarrier.arrive $0xFFFF  }
0x1c3: {  	[sflag:s0] =	ssyncadd.tile.s32 @!p0 $0x1;
	_ =	shalt  }
.Lfunc_end2:
_tile_overlayer_lowered:
.L_overlay_start_2:
0x1c4: {  	(tag) =	ssettag $0x2  }
0x1c5: {  	s0 =	rddreg [dreg:$0x0];
	s2 =	stileid.u32  }
0x1c6: {  	s1 =	rddreg [dreg:$0x1];
	p0 =	sne.s32 s2, $0x0  }
0x1c7: {  	s3 =	rddreg [dreg:$0x2];
	[bflag:$0x3] =	sbarrier.arrive $0xFFFF;
	s2 =	simm.s32 @!p0 $0x1C02  }
0x1c8: {  	[timem:s3], [sflag:s2] =	dma.local @!p0 [hbm:s0], s1  }
0x1c9: {  	s0 =	simm.s32 @!p0 $0x2  }
0x1ca: {  	_ =	swait.ge @!p0 [sflag:s0], s1  }
0x1cb: {  	s1 =	ssub.s32 @!p0 $0x0, s1;
	[sflag:s0] =	ssyncset.done @!p0 $0x0  }
0x1cc: {  	[sflag:s0] =	ssyncadd.s32 @!p0 s1  }
0x1cd: {  	[bflag:$0x3] =	sbarrier.arrive $0xFFFF  }
0x1ce: {  	_ =	shalt  }

// kernel: kernel.15.cloned.1.call-start
scs
__scs_entry_jumppad:
0x0: {  	(pc) =	sbr.rel $0x88, $3  }
0x1: {  	(tag) =	ssettag $0x0;
	lr =	simm.s32 $0x1  }
0x2: {  	[smem:$0x3F8E] =	sst lr;
	_ =	strace $0xD0000000  }
0x3: {  	_ = 	snop  }
0x4: {  	_ = 	snop  }
0x5: {  	_ = 	snop  }
0x6: {  	_ = 	snop  }
0x7: {  	_ = 	snop  }
__scs_overlays_trampoline_lowered:
0x8: {  	[smem:$0x3F9D] =	sst s0  }
0x9: {  	[smem:$0x3F9E] =	sst s1  }
0xa: {  	[smem:$0x3F9F] =	sst s2  }
0xb: {  	[smem:$0x3FA0] =	sst s3  }
0xc: {  	[smem:$0x3FA1] =	sst s4  }
0xd: {  	[smem:$0x3FA2] =	sst s5  }
0xe: {  	[smem:$0x3FA3] =	sst s6  }
0xf: {  	[smem:$0x3FA4] =	sst s7  }
0x10: {  	[smem:$0x3FA5] =	sst s8  }
0x11: {  	[smem:$0x3FA6] =	sst s9;
	s0 =	simm.s32 @!p0 $0x0  }
0x12: {  	s1 =	sld [smem:$0x3F8C];
	s0 =	simm.s32 @p0 $0x1  }
0x13: {  	[smem:$0x3FA7] =	sst s0;
	s0 =	simm.s32 @!p1 $0x0  }
0x14: {  	s2 =	sld [smem:$0x3F8B];
	s0 =	simm.s32 @p1 $0x1  }
0x15: {  	[smem:$0x3FA8] =	sst s0;
	s0 =	simm.s32 @!p2 $0x0  }
0x16: {  	s3 =	sld [smem:$0x3FDB];
	s0 =	simm.s32 @p2 $0x1  }
0x17: {  	s4 =	simm.s32 $0x1BF5;
	[smem:$0x3FAA] =	sst s0  }
0x18: {  	s0 =	sld [smem:$0x3F8D];
	_ =	swait.ge [sflag:s4], $0x0  }
0x19: {  	s7 =	sld [smem:$0x3F8E]  }
0x1a: {  	s8 =	sadd.s32 $0xFFFFE003, lr  }
0x1b: {  	s9 =	sadd.s32 $0xFFFFFEF7, lr;
	s5 =	simm.s32 $0xFFFFFFFF;
	p2 =	slt.u32 s8, $0xFFFFF086  }
0x1c: {  	p1 =	slt.u32 s9, $0xF7A;
	s5 =	simm.s32 @!p2 $0x0  }
0x1d: {  	s5 =	simm.s32 @p1 $0x1;
	p0 =	seq.s32 s7, s2  }
0x1e: {  	s7 =	smul.u32 @!p0 $0xF7A, s2;
	p2 =	seq.s32 @!p0 s5, $0x0  }
0x1f: {  	s9 =	smul.u32 $0xF7A, s1;
	s8 =	simm.s32 @!p0 $0x1BF5;
	p2 =	por !p2, p0  }
0x20: {  	[sflag:s8] =	ssyncset.s32 @!p0 $0xFFFFF086;
	s6 =	sadd.s32 @!p0 s3, s7;
	s7 =	simm.s32 @!p0 $0x108  }
0x21: {  	s3 =	sadd.s32 s3, s9;
	s6 =	sadd.s32 @!p0 $0x88, s6;
	s7 =	simm.s32 @p2 $0x1082  }
0x22: {  	[simem:s7], [sflag:s8] =	dma.local @!p0 [hbm:s6], $0xF7A  }
0x23: {  	s9 =	sor.u32 $0xD0000000, s2;
	s6 =	simm.s32 $0x108;
	_ =	swait.ge @!p0 [sflag:s8], $0x0  }
0x24: {  	s3 =	sadd.s32 $0x88, s3;
	s6 =	simm.s32 @!p1 $0x1082;
	[sflag:s4] =	ssyncset.s32 $0xFFFFF086  }
0x25: {  	[simem:s6], [sflag:s4] =	dma.local [hbm:s3], $0xF7A  }
0x26: {  	[smem:$0x3F8E] =	sst s1;
	(tag) =	ssettag s2;
	_ =	strace s9  }
0x27: {  	s1 =	sld [smem:$0x3F9E]  }
0x28: {  	s2 =	sld [smem:$0x3F9F]  }
0x29: {  	s4 =	sld [smem:$0x3FA1]  }
0x2a: {  	p0 =	seq.s32 s5, $0x0;
	s5 =	sld [smem:$0x3FA2]  }
0x2b: {  	s6 =	sld [smem:$0x3FA3]  }
0x2c: {  	s7 =	sld [smem:$0x3FA4]  }
0x2d: {  	s3 =	simm.s32 $0x108;
	s8 =	sld [smem:$0x3FA5]  }
0x2e: {  	s3 =	simm.s32 @!p0 $0x1082;
	s9 =	sld [smem:$0x3FA6]  }
0x2f: {  	lr =	sadd.s32 s0, s3;
	s0 =	sld [smem:$0x3F9D]  }
0x30: {  	s3 =	sld [smem:$0x3FA0]  }
0x31: {  	[smem:$0x3FA9] =	sst s10  }
0x32: {  	s10 =	sld [smem:$0x3FA7];
	_ =	sdelay $0x3  }
0x33: {  	p0 =	seq.s32 s10, $0x1;
	s10 =	sld [smem:$0x3FA9];
	_ =	sdelay $0x3  }
0x34: {  	[smem:$0x3FA9] =	sst s10  }
0x35: {  	s10 =	sld [smem:$0x3FA8];
	_ =	sdelay $0x3  }
0x36: {  	p1 =	seq.s32 s10, $0x1;
	s10 =	sld [smem:$0x3FA9];
	_ =	sdelay $0x3  }
0x37: {  	[smem:$0x3FA9] =	sst s10  }
0x38: {  	s10 =	sld [smem:$0x3FAA]  }
0x39: {  	_ = 	snop;
	(pc) =	sbr.ind lr, $3  }
0x3a: {  	_ = 	snop  }
0x3b: {  	_ = 	snop  }
0x3c: {  	p2 =	seq.s32 s10, $0x1;
	s10 =	sld [smem:$0x3FA9]  }
0x3d: {  	_ =	shalt  }
0x3e: {  	_ =	shalt  }
0x3f: {  	_ =	shalt  }
0x40: {  	_ =	shalt  }
0x41: {  	_ =	shalt  }
0x42: {  	_ =	shalt  }
0x43: {  	_ =	shalt  }
0x44: {  	_ =	shalt  }
0x45: {  	_ =	shalt  }
0x46: {  	_ =	shalt  }
0x47: {  	_ =	shalt  }
0x48: {  	_ =	shalt  }
0x49: {  	_ =	shalt  }
0x4a: {  	_ =	shalt  }
0x4b: {  	_ =	shalt  }
0x4c: {  	_ =	shalt  }
0x4d: {  	_ =	shalt  }
0x4e: {  	_ =	shalt  }
0x4f: {  	_ =	shalt  }
0x50: {  	_ =	shalt  }
0x51: {  	_ =	shalt  }
0x52: {  	_ =	shalt  }
0x53: {  	_ =	shalt  }
0x54: {  	_ =	shalt  }
0x55: {  	_ =	shalt  }
0x56: {  	_ =	shalt  }
0x57: {  	_ =	shalt  }
0x58: {  	_ =	shalt  }
0x59: {  	_ =	shalt  }
0x5a: {  	_ =	shalt  }
0x5b: {  	_ =	shalt  }
0x5c: {  	_ =	shalt  }
0x5d: {  	_ =	shalt  }
0x5e: {  	_ =	shalt  }
0x5f: {  	_ =	shalt  }
0x60: {  	_ =	shalt  }
0x61: {  	_ =	shalt  }
0x62: {  	_ =	shalt  }
0x63: {  	_ =	shalt  }
0x64: {  	_ =	shalt  }
0x65: {  	_ =	shalt  }
0x66: {  	_ =	shalt  }
0x67: {  	_ =	shalt  }
0x68: {  	_ =	shalt  }
0x69: {  	_ =	shalt  }
0x6a: {  	_ =	shalt  }
0x6b: {  	_ =	shalt  }
0x6c: {  	_ =	shalt  }
0x6d: {  	_ =	shalt  }
0x6e: {  	_ =	shalt  }
0x6f: {  	_ =	shalt  }
0x70: {  	_ =	shalt  }
0x71: {  	_ =	shalt  }
0x72: {  	_ =	shalt  }
0x73: {  	_ =	shalt  }
0x74: {  	_ =	shalt  }
0x75: {  	_ =	shalt  }
0x76: {  	_ =	shalt  }
0x77: {  	_ =	shalt  }
0x78: {  	_ =	shalt  }
0x79: {  	_ =	shalt  }
0x7a: {  	_ =	shalt  }
0x7b: {  	_ =	shalt  }
0x7c: {  	_ =	shalt  }
0x7d: {  	_ =	shalt  }
0x7e: {  	_ =	shalt  }
0x7f: {  	_ =	shalt  }
0x80: {  	_ =	shalt  }
0x81: {  	_ =	shalt  }
0x82: {  	_ =	shalt  }
0x83: {  	_ =	shalt  }
0x84: {  	_ =	shalt  }
0x85: {  	_ =	shalt  }
0x86: {  	_ =	shalt  }
0x87: {  	_ =	shalt  }
.Lfunc_end0:
.L_simem_size_0:
called_computation.2_lowered:
.L_overlay_start_0:
0x88: {  	s2 =	sld [smem:$0x3FD9]  }
0x89: {  	s3 =	sld [smem:$0x3FFE];
	_ =	sdelay $0x1  }
0x8a: {  	s1 =	srdreg.scid  }
0x8b: {  	s0 =	sand.u32 $0x1, s1  }
0x8c: {  	s17 =	sshll.u32 s0, $0xA;
	s2 =	sadd.s32 s3, s2  }
0x8d: {  	s2 =	sadd.s32 s2, s17  }
0x8e: {  	[smem:$0x3FB5] =	sst s2  }
0x8f: {  	_ = 	snop  }
0x90: {  	s2 =	sld [smem:$0x3FD0];
	(tm) =	ssettm $0x1  }
0x91: {  	s18 =	sld [smem:$0x3FFB];
	_ =	sdelay $0x3  }
0x92: {  	_ =	strace s18  }
0x93: {  	s3 =	sld [smem:$0x3FFC];
	_ =	sdelay $0x3  }
0x94: {  	_ =	strace s3  }
0x95: {  	s3 =	sld [smem:$0x3FFD];
	_ =	sdelay $0x3  }
0x96: {  	_ =	strace s3  }
0x97: {  	_ =	strace $0x8FFFFFFF  }
0x98: {  	s19 =	sld [smem:$0x3FDB];
	_ =	sdelay $0x1  }
0x99: {  	s4 =	simm.s32 $_scs_section_size  }
0x9a: {  	s5 =	simm.s32 $_size__tile_overlayer_lowered;
	s6 =	simm.s32 $_tile_overlayer_lowered  }
0x9b: {  	s22 =	simm.s32 $0x1BFF;
	s21 =	sshll.u32 s6, $0x1;
	s3 =	sadd.s32 s4, s19  }
0x9c: {  	s7 =	simm.s32 $0x0;
	s20 =	sshll.u32 s5, $0x1;
	s5 =	sadd.s32 s21, s3  }
0x9d: {  	[timem:s7], [sflag:s22] =	dma.local [hbm:s5], s20  }
0x9e: {  	_ =	swait.ge [sflag:s22], s20  }
0x9f: {  	s4 =	ssub.s32 $0x0, s20;
	[sflag:s22] =	ssyncset.done $0x0  }
0xa0: {  	[sflag:s22] =	ssyncadd.s32 s4;
	_ =	sdelay $0x1  }
0xa1: {  	s23 =	simm.s32 $0x1B8B  }
0xa2: {  	_ =	swait.ge [sflag:s23], $0x1  }
0xa3: {  	[sflag:s23] =	ssyncset.done $0x0  }
0xa4: {  	s25 =	simm.s32 $0x1B8E;
	s24 =	sld [smem:$0x3FFE];
	[sflag:s23] =	ssyncadd.s32 $0xFFFFFFFF  }
0xa5: {  	s26 =	simm.s32 $execute0_lowered;
	[smem:$0x3FD2] =	sst s25  }
0xa6: {  	s5 =	sshll.u32 s26, $0x1;
	_ =	strace $0x8000004C;
	[dreg:$0x1] =	wrdreg $0xFFFFFFFF  }
0xa7: {  	s28 =	simm.s32 $_size_execute0_lowered;
	s3 =	sadd.s32 s3, s5;
	[dreg:$0x0] =	wrdreg $0x0  }
0xa8: {  	s5 =	sshll.u32 s28, $0x1;
	[dreg:$0x2] =	wrdreg s3  }
0xa9: {  	[dreg:$0x3] =	wrdreg s5  }
0xaa: {  	[dreg:$0x4] =	wrdreg $0xC0  }
0xab: {  	_ =	task [dreg:s7], $0x5FFFF  }
0xac: {  	[dreg:$0x1] =	wrdreg $0xFFFFFFFF  }
0xad: {  	[dreg:$0x0] =	wrdreg $0x60  }
0xae: {  	[dreg:$0x2] =	wrdreg s24  }
0xaf: {  	[dreg:$0x3] =	wrdreg s2  }
0xb0: {  	[dreg:$0x4] =	wrdreg $0x9  }
0xb1: {  	_ =	task.clear_ibuf [dreg:s7], $0x5FFFF;
	_ =	strace $0x9000004C  }
0xb2: {  	s29 =	simm.s32 $0x9;
	_ =	strace $0x8000004E  }
0xb3: {  	_ =	swait.ge [sflag:s29], $0x1  }
0xb4: {  	[sflag:s29] =	ssyncadd.s32 $0xFFFFFFFF  }
0xb5: {  	_ =	strace $0x9000004E  }
0xb6: {  	_ =	sfence  }
0xb7: {  	s30 =	sld [smem:$0x0];
	_ =	sdelay $0x2  }
0xb8: {  	s31 =	sshll.u32 s1, $0xD;
	s1 =	sshrl.u32 s1, $0x2  }
0xb9: {  	s3 =	sand.u32 $0x4000, s31;
	s1 =	sadd.s32 s1, s30  }
0xba: {  	s0 =	sor.u32 s3, s0;
	s1 =	sshll.u32 s1, $0x11  }
0xbb: {  	s0 =	sor.u32 s1, s0  }
0xbc: {  	s0 =	sadd.s32 $0x8F2B, s0  }
0xbd: {  	[sflag:s0] =	ssyncadd.remote.s32 $0x1  }
0xbe: {  	_ =	sfence.sel $0xFFFF  }
0xbf: {  	[dreg:$0x0] =	wrdreg $0xFFFFFFFF;
	(pc) =	sbr.abs _section_cstart, $3  }
0xc0: {  	[dreg:$0x1] =	wrdreg $0xFFFFFFFF  }
0xc1: {  	_ =	task.clear_ibuf [dreg:s7], $0x2FFFF;
	_ =	strace $0x9FFFFFFF  }
0xc2: {  	(tm) =	ssettm $0x7FFFFFFF  }
0xc3: {  	_ =	shalt  }
tec
execute0_lowered:
.L_overlay_start_1:
0x0: {  	(tag) =	ssettag $0x1  }
0x1: {  	s0 =	rddreg [dreg:$0x0]  }
0x2: {  	s1 =	rddreg [dreg:$0x1];
	s3 =	srdreg.scid  }
0x3: {  	s8 =	stileid.u32;
	s2 =	simm.s32 $0x0;
	s30 =	simm.s32 $0x2C00  }
0x4: {  	s11 =	simm.s32 $0x50;
	s31 =	simm.s32 $0x250;
	s12 =	simm.s32 $0x400  }
0x5: {  	s13 =	simm.s32 $0xCC00;
	s14 =	simm.s32 $0xF400;
	s15 =	simm.s32 $0xA0  }
0x6: {  	s16 =	simm.s32 $0x5400;
	s17 =	simm.s32 $0x2A0;
	s18 =	simm.s32 $0x11C00  }
0x7: {  	s19 =	simm.s32 $0xF0;
	s20 =	simm.s32 $0x7C00;
	s21 =	simm.s32 $0x2F0  }
0x8: {  	s22 =	simm.s32 $0x14400;
	s28 =	simm.s32 $0x3;
	s29 =	simm.s32 $0x0  }
0x9: {  	s5 =	sand.u32 $0x1, s3;
	s6 =	smul.u32 $0x4E20, s8;
	[smem:$0x7FF] =	sst s2  }
0xa: {  	s3 =	sadd.s32 $0xFE00, s0;
	s4 =	sadd.s32 $0x37000, s0;
	s23 =	smul.u32 $0x4E200, s8  }
0xb: {  	s8 =	simm.s32 $0x200;
	s7 =	smul.u32 $0x2710, s5;
	_ =	strace $0x8000004D  }
0xc: {  	s24 =	ssub.s32 $0x2, s5;
	s5 =	smul.u32 $0x27100, s5;
	[dreg:$0x5] =	wrdreg s30  }
0xd: {  	[dreg:$0x6] =	wrdreg s31;
	s9 =	sshrl.u32 s24, $0x1;
	s6 =	sadd.s32 s7, s6  }
0xe: {  	s25 =	ssub.s32 s24, s9;
	s9 =	simm.s32 $0x1;
	s6 =	sshrl.u32 s6, $0x3  }
0xf: {  	s24 =	simm.s32 $0xA400;
	s7 =	smax.u32 s25, $0x1;
	s10 =	sadd.s32 s6, s0  }
0x10: {  	s0 =	sadd.s32 s23, s0;
	[dreg:$0x7] =	wrdreg s7;
	s1 =	sadd.s32 s6, s1  }
0x11: {  	s0 =	sadd.s32 s5, s0;
	[dreg:$0x3] =	wrdreg s1;
	s26 =	sadd.s32 $0x6000, s10  }
0x12: {  	s25 =	simm.s32 $0x340;
	s5 =	sadd.s32 $0x5E200, s0;
	[dreg:$0x4] =	wrdreg s26  }
0x13: {  	s23 =	simm.s32 $0x140;
	s0 =	sadd.s32 $0x540200, s0;
	[dreg:$0x8] =	wrdreg s5  }
0x14: {  	s10 =	simm.s32 $0x2;
	s26 =	simm.s32 $0x16C00;
	[dreg:$0x9] =	wrdreg s0  }
.LBB2_1:
0x15: {  	s0 =	rddreg [dreg:$0x4]  }
0x16: {  	s1 =	rddreg [dreg:$0x3];
	s0 =	sadd.s32 $0x0, s0  }
0x17: {  	[tilespmem:s2], [sflag:$0x1] =	stream.linear.gather [hbm4b:s0+s2], $0x190, $0x38;
	[tilespmem:$0x19400] =	vst v63  }
0x18: {  	s5 =	sadd.s32 $0x0, s1  }
0x19: {  	[tilespmem:s8], [sflag:$0x2] =	stream.linear.gather [hbm4b:s5+s2], $0x190, $0x38;
	[tilespmem:$0x19400] =	vst v63  }
0x1a: {  	_ =	swait.ge [sflag:s9], $0x190  }
0x1b: {  	[sflag:s9] =	ssyncset.done $0x0  }
0x1c: {  	[sflag:s9] =	ssyncadd.s32 $0xFFFFFE70  }
0x1d: {  	_ =	swait.ge [sflag:s10], $0x190  }
0x1e: {  	[sflag:s10] =	ssyncset.done $0x0  }
0x1f: {  	[sflag:s10] =	ssyncadd.s32 $0xFFFFFE70  }
0x20: {  	[tilespmem:s12], [sflag:$0x1] =	stream.indirect.gather [hbm4b:s3+s11], $0x80, s2, s11, $0xb8;
	[tilespmem:$0x19400] =	vst v63  }
0x21: {  	_ = 	snop  }
0x22: {  	[tilespmem:s13], [sflag:$0x2] =	stream.indirect.gather [hbm4b:s4+s11], $0x80, s8, s11, $0xb8;
	[tilespmem:$0x19400] =	vst v63  }
0x23: {  	s6 =	rddreg [dreg:$0x5]  }
0x24: {  	[tilespmem:s6], [sflag:$0x1] =	stream.indirect.gather [hbm4b:s3+s11], $0x80, s11, s11, $0xb8;
	[tilespmem:$0x19400] =	vst v63  }
0x25: {  	s7 =	rddreg [dreg:$0x6]  }
0x26: {  	[tilespmem:s14], [sflag:$0x2] =	stream.indirect.gather [hbm4b:s4+s11], $0x80, s7, s11, $0xb8;
	[tilespmem:$0x19400] =	vst v63  }
0x27: {  	_ = 	snop  }
0x28: {  	[tilespmem:s16], [sflag:$0x1] =	stream.indirect.gather [hbm4b:s3+s11], $0x80, s15, s11, $0xb8;
	[tilespmem:$0x19400] =	vst v63  }
0x29: {  	_ = 	snop  }
0x2a: {  	[tilespmem:s18], [sflag:$0x2] =	stream.indirect.gather [hbm4b:s4+s11], $0x80, s17, s11, $0xb8;
	[tilespmem:$0x19400] =	vst v63  }
0x2b: {  	_ = 	snop  }
0x2c: {  	[tilespmem:s20], [sflag:$0x1] =	stream.indirect.gather [hbm4b:s3+s11], $0x80, s19, s11, $0xb8;
	[tilespmem:$0x19400] =	vst v63  }
0x2d: {  	_ = 	snop  }
0x2e: {  	[tilespmem:s22], [sflag:$0x2] =	stream.indirect.gather [hbm4b:s4+s11], $0x80, s21, s11, $0xb8;
	[tilespmem:$0x19400] =	vst v63  }
0x2f: {  	_ = 	snop  }
0x30: {  	[tilespmem:s24], [sflag:$0x1] =	stream.indirect.gather [hbm4b:s3+s11], $0x80, s23, s11, $0xb8;
	[tilespmem:$0x19400] =	vst v63  }
0x31: {  	_ = 	snop  }
0x32: {  	[tilespmem:s26], [sflag:$0x2] =	stream.indirect.gather [hbm4b:s4+s11], $0x80, s25, s11, $0xb8;
	[tilespmem:$0x19400] =	vst v63  }
0x33: {  	_ =	swait.ge [sflag:s9], $0x2800  }
0x34: {  	[sflag:s9] =	ssyncset.done $0x0  }
0x35: {  	[sflag:s9] =	ssyncadd.s32 $0xFFFFD800  }
0x36: {  	_ =	swait.ge [sflag:s9], $0x2800  }
0x37: {  	[sflag:s9] =	ssyncset.done $0x0  }
0x38: {  	[sflag:s9] =	ssyncadd.s32 $0xFFFFD800  }
0x39: {  	_ =	swait.ge [sflag:s9], $0x2800  }
0x3a: {  	[sflag:s9] =	ssyncset.done $0x0  }
0x3b: {  	[sflag:s9] =	ssyncadd.s32 $0xFFFFD800  }
0x3c: {  	_ =	swait.ge [sflag:s9], $0x2800  }
0x3d: {  	[sflag:s9] =	ssyncset.done $0x0  }
0x3e: {  	[sflag:s9] =	ssyncadd.s32 $0xFFFFD800  }
0x3f: {  	_ =	swait.ge [sflag:s9], $0x2800  }
0x40: {  	[sflag:s9] =	ssyncset.done $0x0  }
0x41: {  	[sflag:s9] =	ssyncadd.s32 $0xFFFFD800  }
0x42: {  	_ =	swait.ge [sflag:s10], $0x2800  }
0x43: {  	[sflag:s10] =	ssyncset.done $0x0  }
0x44: {  	[sflag:s10] =	ssyncadd.s32 $0xFFFFD800  }
0x45: {  	_ =	swait.ge [sflag:s10], $0x2800  }
0x46: {  	[sflag:s10] =	ssyncset.done $0x0  }
0x47: {  	[sflag:s10] =	ssyncadd.s32 $0xFFFFD800  }
0x48: {  	_ =	swait.ge [sflag:s10], $0x2800  }
0x49: {  	[sflag:s10] =	ssyncset.done $0x0  }
0x4a: {  	[sflag:s10] =	ssyncadd.s32 $0xFFFFD800  }
0x4b: {  	_ =	swait.ge [sflag:s10], $0x2800  }
0x4c: {  	[sflag:s10] =	ssyncset.done $0x0  }
0x4d: {  	[sflag:s10] =	ssyncadd.s32 $0xFFFFD800  }
0x4e: {  	_ =	swait.ge [sflag:s10], $0x2800  }
0x4f: {  	[sflag:s10] =	ssyncset.done $0x0  }
0x50: {  	s31 =	rddreg [dreg:$0x8];
	[sflag:s10] =	ssyncadd.s32 $0xFFFFD800  }
0x51: {  	[hbm4b:s31+s2] =	stream.linear.scatter [tilespmem:s12], [sflag:$0x3], $0xC800, $0x38;
	[tilespmem:$0x19400] =	vst v63  }
0x52: {  	_ =	swait.ge [sflag:s28], $0xC800  }
0x53: {  	[sflag:s28] =	ssyncset.done $0x0  }
0x54: {  	s30 =	rddreg [dreg:$0x9];
	[sflag:s28] =	ssyncadd.s32 $0xFFFF3800  }
0x55: {  	[hbm4b:s30+s2] =	stream.linear.scatter [tilespmem:s13], [sflag:$0x3], $0xC800, $0x38;
	[tilespmem:$0x19400] =	vst v63  }
0x56: {  	s1 =	simm.s32 $0x64;
	_ =	swait.ge [sflag:s28], $0xC800  }
0x57: {  	s0 =	simm.s32 $0x32;
	s5 =	rddreg [dreg:$0x4];
	[sflag:s28] =	ssyncset.done $0x0  }
.LBB2_2:
0x58: {  	[sflag:s28] =	ssyncadd.s32 $0xFFFF3800;
	s7 =	rddreg [dreg:$0x3];
	s5 =	sadd.s32 s0, s5  }
0x59: {  	[tilespmem:s2], [sflag:$0x1] =	stream.linear.gather [hbm4b:s5+s2], $0x190, $0x38;
	[tilespmem:$0x19400] =	vst v63  }
0x5a: {  	s7 =	sadd.s32 s0, s7  }
0x5b: {  	[tilespmem:s8], [sflag:$0x2] =	stream.linear.gather [hbm4b:s7+s2], $0x190, $0x38;
	[tilespmem:$0x19400] =	vst v63  }
0x5c: {  	_ =	swait.ge [sflag:s9], $0x190  }
0x5d: {  	[sflag:s9] =	ssyncset.done $0x0  }
0x5e: {  	[sflag:s9] =	ssyncadd.s32 $0xFFFFFE70  }
0x5f: {  	_ =	swait.ge [sflag:s10], $0x190  }
0x60: {  	[sflag:s10] =	ssyncset.done $0x0  }
0x61: {  	[sflag:s10] =	ssyncadd.s32 $0xFFFFFE70  }
0x62: {  	[tilespmem:s12], [sflag:$0x1] =	stream.indirect.gather [hbm4b:s3+s11], $0x80, s2, s11, $0xb8;
	[tilespmem:$0x19400] =	vst v63  }
0x63: {  	s6 =	smov.u32 s1  }
0x64: {  	[tilespmem:s13], [sflag:$0x2] =	stream.indirect.gather [hbm4b:s4+s11], $0x80, s8, s11, $0xb8;
	[tilespmem:$0x19400] =	vst v63  }
0x65: {  	s0 =	smov.u32 s6;
	s6 =	rddreg [dreg:$0x5]  }
0x66: {  	[tilespmem:s6], [sflag:$0x1] =	stream.indirect.gather [hbm4b:s3+s11], $0x80, s11, s11, $0xb8;
	[tilespmem:$0x19400] =	vst v63  }
0x67: {  	s7 =	rddreg [dreg:$0x6]  }
0x68: {  	[tilespmem:s14], [sflag:$0x2] =	stream.indirect.gather [hbm4b:s4+s11], $0x80, s7, s11, $0xb8;
	[tilespmem:$0x19400] =	vst v63  }
0x69: {  	_ = 	snop  }
0x6a: {  	[tilespmem:s16], [sflag:$0x1] =	stream.indirect.gather [hbm4b:s3+s11], $0x80, s15, s11, $0xb8;
	[tilespmem:$0x19400] =	vst v63  }
0x6b: {  	_ = 	snop  }
0x6c: {  	[tilespmem:s18], [sflag:$0x2] =	stream.indirect.gather [hbm4b:s4+s11], $0x80, s17, s11, $0xb8;
	[tilespmem:$0x19400] =	vst v63  }
0x6d: {  	_ = 	snop  }
0x6e: {  	[tilespmem:s20], [sflag:$0x1] =	stream.indirect.gather [hbm4b:s3+s11], $0x80, s19, s11, $0xb8;
	[tilespmem:$0x19400] =	vst v63  }
0x6f: {  	_ = 	snop  }
0x70: {  	[tilespmem:s22], [sflag:$0x2] =	stream.indirect.gather [hbm4b:s4+s11], $0x80, s21, s11, $0xb8;
	[tilespmem:$0x19400] =	vst v63  }
0x71: {  	_ = 	snop  }
0x72: {  	[tilespmem:s24], [sflag:$0x1] =	stream.indirect.gather [hbm4b:s3+s11], $0x80, s23, s11, $0xb8;
	[tilespmem:$0x19400] =	vst v63  }
0x73: {  	_ = 	snop  }
0x74: {  	[tilespmem:s26], [sflag:$0x2] =	stream.indirect.gather [hbm4b:s4+s11], $0x80, s25, s11, $0xb8;
	[tilespmem:$0x19400] =	vst v63  }
0x75: {  	_ =	swait.ge [sflag:s9], $0x2800  }
0x76: {  	[sflag:s9] =	ssyncset.done $0x0  }
0x77: {  	[sflag:s9] =	ssyncadd.s32 $0xFFFFD800  }
0x78: {  	_ =	swait.ge [sflag:s9], $0x2800  }
0x79: {  	[sflag:s9] =	ssyncset.done $0x0  }
0x7a: {  	[sflag:s9] =	ssyncadd.s32 $0xFFFFD800  }
0x7b: {  	_ =	swait.ge [sflag:s9], $0x2800  }
0x7c: {  	[sflag:s9] =	ssyncset.done $0x0  }
0x7d: {  	[sflag:s9] =	ssyncadd.s32 $0xFFFFD800  }
0x7e: {  	_ =	swait.ge [sflag:s9], $0x2800  }
0x7f: {  	[sflag:s9] =	ssyncset.done $0x0  }
0x80: {  	[sflag:s9] =	ssyncadd.s32 $0xFFFFD800  }
0x81: {  	_ =	swait.ge [sflag:s9], $0x2800  }
0x82: {  	[sflag:s9] =	ssyncset.done $0x0  }
0x83: {  	[sflag:s9] =	ssyncadd.s32 $0xFFFFD800  }
0x84: {  	_ =	swait.ge [sflag:s10], $0x2800  }
0x85: {  	[sflag:s10] =	ssyncset.done $0x0  }
0x86: {  	[sflag:s10] =	ssyncadd.s32 $0xFFFFD800  }
0x87: {  	_ =	swait.ge [sflag:s10], $0x2800  }
0x88: {  	[sflag:s10] =	ssyncset.done $0x0  }
0x89: {  	[sflag:s10] =	ssyncadd.s32 $0xFFFFD800  }
0x8a: {  	_ =	swait.ge [sflag:s10], $0x2800  }
0x8b: {  	[sflag:s10] =	ssyncset.done $0x0  }
0x8c: {  	[sflag:s10] =	ssyncadd.s32 $0xFFFFD800  }
0x8d: {  	_ =	swait.ge [sflag:s10], $0x2800  }
0x8e: {  	[sflag:s10] =	ssyncset.done $0x0  }
0x8f: {  	[sflag:s10] =	ssyncadd.s32 $0xFFFFD800  }
0x90: {  	_ =	swait.ge [sflag:s10], $0x2800  }
0x91: {  	[sflag:s10] =	ssyncset.done $0x0  }
0x92: {  	s31 =	sadd.s32 $0x1900, s31;
	[sflag:s10] =	ssyncadd.s32 $0xFFFFD800  }
0x93: {  	[hbm4b:s31+s2] =	stream.linear.scatter [tilespmem:s12], [sflag:$0x3], $0xC800, $0x38;
	[tilespmem:$0x19400] =	vst v63  }
0x94: {  	p0 =	sne.s32 s1, $0x4B0;
	_ =	swait.ge [sflag:s28], $0xC800  }
.Ltmp0:
0x95: {  	[sflag:s28] =	ssyncset.done $0x0;
	(pc) =	sbr.rel @p0 .LBB2_2-.Ltmp0, $4  }
0x96: {  	s30 =	sadd.s32 $0x1900, s30;
	[sflag:s28] =	ssyncadd.s32 $0xFFFF3800  }
0x97: {  	[hbm4b:s30+s2] =	stream.linear.scatter [tilespmem:s13], [sflag:$0x3], $0xC800, $0x38;
	[tilespmem:$0x19400] =	vst v63  }
0x98: {  	_ =	swait.ge [sflag:s28], $0xC800  }
0x99: {  	s1 =	sadd.s32 $0x32, s1;
	s5 =	rddreg [dreg:$0x4];
	[sflag:s28] =	ssyncset.done $0x0  }
0x9a: {  	s1 =	rddreg [dreg:$0x3];
	[sflag:s28] =	ssyncadd.s32 $0xFFFF3800;
	s5 =	sadd.s32 s0, s5  }
0x9b: {  	[tilespmem:s2], [sflag:$0x1] =	stream.linear.gather [hbm4b:s5+s2], $0x190, $0x38;
	[tilespmem:$0x19400] =	vst v63  }
0x9c: {  	s1 =	sadd.s32 s0, s1  }
0x9d: {  	[tilespmem:s8], [sflag:$0x2] =	stream.linear.gather [hbm4b:s1+s2], $0x190, $0x38;
	[tilespmem:$0x19400] =	vst v63  }
0x9e: {  	_ =	swait.ge [sflag:s9], $0x190  }
0x9f: {  	[sflag:s9] =	ssyncset.done $0x0  }
0xa0: {  	[sflag:s9] =	ssyncadd.s32 $0xFFFFFE70  }
0xa1: {  	_ =	swait.ge [sflag:s10], $0x190  }
0xa2: {  	[sflag:s10] =	ssyncset.done $0x0  }
0xa3: {  	[sflag:s10] =	ssyncadd.s32 $0xFFFFFE70  }
0xa4: {  	[tilespmem:s12], [sflag:$0x1] =	stream.indirect.gather [hbm4b:s3+s11], $0x80, s2, s11, $0xb8;
	[tilespmem:$0x19400] =	vst v63  }
0xa5: {  	_ = 	snop  }
0xa6: {  	[tilespmem:s13], [sflag:$0x2] =	stream.indirect.gather [hbm4b:s4+s11], $0x80, s8, s11, $0xb8;
	[tilespmem:$0x19400] =	vst v63  }
0xa7: {  	s5 =	rddreg [dreg:$0x5]  }
0xa8: {  	[tilespmem:s5], [sflag:$0x1] =	stream.indirect.gather [hbm4b:s3+s11], $0x80, s11, s11, $0xb8;
	[tilespmem:$0x19400] =	vst v63  }
0xa9: {  	s6 =	rddreg [dreg:$0x6]  }
0xaa: {  	[tilespmem:s14], [sflag:$0x2] =	stream.indirect.gather [hbm4b:s4+s11], $0x80, s6, s11, $0xb8;
	[tilespmem:$0x19400] =	vst v63  }
0xab: {  	_ = 	snop  }
0xac: {  	[tilespmem:s16], [sflag:$0x1] =	stream.indirect.gather [hbm4b:s3+s11], $0x80, s15, s11, $0xb8;
	[tilespmem:$0x19400] =	vst v63  }
0xad: {  	_ = 	snop  }
0xae: {  	[tilespmem:s18], [sflag:$0x2] =	stream.indirect.gather [hbm4b:s4+s11], $0x80, s17, s11, $0xb8;
	[tilespmem:$0x19400] =	vst v63  }
0xaf: {  	_ = 	snop  }
0xb0: {  	[tilespmem:s20], [sflag:$0x1] =	stream.indirect.gather [hbm4b:s3+s11], $0x80, s19, s11, $0xb8;
	[tilespmem:$0x19400] =	vst v63  }
0xb1: {  	_ = 	snop  }
0xb2: {  	[tilespmem:s22], [sflag:$0x2] =	stream.indirect.gather [hbm4b:s4+s11], $0x80, s21, s11, $0xb8;
	[tilespmem:$0x19400] =	vst v63  }
0xb3: {  	_ = 	snop  }
0xb4: {  	[tilespmem:s24], [sflag:$0x1] =	stream.indirect.gather [hbm4b:s3+s11], $0x80, s23, s11, $0xb8;
	[tilespmem:$0x19400] =	vst v63  }
0xb5: {  	_ = 	snop  }
0xb6: {  	[tilespmem:s26], [sflag:$0x2] =	stream.indirect.gather [hbm4b:s4+s11], $0x80, s25, s11, $0xb8;
	[tilespmem:$0x19400] =	vst v63  }
0xb7: {  	_ =	swait.ge [sflag:s9], $0x2800  }
0xb8: {  	[sflag:s9] =	ssyncset.done $0x0  }
0xb9: {  	[sflag:s9] =	ssyncadd.s32 $0xFFFFD800  }
0xba: {  	_ =	swait.ge [sflag:s9], $0x2800  }
0xbb: {  	[sflag:s9] =	ssyncset.done $0x0  }
0xbc: {  	[sflag:s9] =	ssyncadd.s32 $0xFFFFD800  }
0xbd: {  	_ =	swait.ge [sflag:s9], $0x2800  }
0xbe: {  	[sflag:s9] =	ssyncset.done $0x0  }
0xbf: {  	[sflag:s9] =	ssyncadd.s32 $0xFFFFD800  }
0xc0: {  	_ =	swait.ge [sflag:s9], $0x2800  }
0xc1: {  	[sflag:s9] =	ssyncset.done $0x0  }
0xc2: {  	[sflag:s9] =	ssyncadd.s32 $0xFFFFD800  }
0xc3: {  	_ =	swait.ge [sflag:s9], $0x2800  }
0xc4: {  	[sflag:s9] =	ssyncset.done $0x0  }
0xc5: {  	[sflag:s9] =	ssyncadd.s32 $0xFFFFD800  }
0xc6: {  	_ =	swait.ge [sflag:s10], $0x2800  }
0xc7: {  	[sflag:s10] =	ssyncset.done $0x0  }
0xc8: {  	[sflag:s10] =	ssyncadd.s32 $0xFFFFD800  }
0xc9: {  	_ =	swait.ge [sflag:s10], $0x2800  }
0xca: {  	[sflag:s10] =	ssyncset.done $0x0  }
0xcb: {  	[sflag:s10] =	ssyncadd.s32 $0xFFFFD800  }
0xcc: {  	_ =	swait.ge [sflag:s10], $0x2800  }
0xcd: {  	[sflag:s10] =	ssyncset.done $0x0  }
0xce: {  	[sflag:s10] =	ssyncadd.s32 $0xFFFFD800  }
0xcf: {  	_ =	swait.ge [sflag:s10], $0x2800  }
0xd0: {  	[sflag:s10] =	ssyncset.done $0x0  }
0xd1: {  	[sflag:s10] =	ssyncadd.s32 $0xFFFFD800  }
0xd2: {  	_ =	swait.ge [sflag:s10], $0x2800  }
0xd3: {  	[sflag:s10] =	ssyncset.done $0x0  }
0xd4: {  	s7 =	sadd.s32 $0x1900, s31;
	[sflag:s10] =	ssyncadd.s32 $0xFFFFD800  }
0xd5: {  	[hbm4b:s7+s2] =	stream.linear.scatter [tilespmem:s12], [sflag:$0x3], $0xC800, $0x38;
	[tilespmem:$0x19400] =	vst v63  }
0xd6: {  	_ =	swait.ge [sflag:s28], $0xC800  }
0xd7: {  	[sflag:s28] =	ssyncset.done $0x0  }
0xd8: {  	s30 =	sadd.s32 $0x1900, s30;
	[sflag:s28] =	ssyncadd.s32 $0xFFFF3800  }
0xd9: {  	[hbm4b:s30+s2] =	stream.linear.scatter [tilespmem:s13], [sflag:$0x3], $0xC800, $0x38;
	[tilespmem:$0x19400] =	vst v63  }
0xda: {  	_ =	swait.ge [sflag:s28], $0xC800  }
0xdb: {  	s29 =	sadd.s32 $0x1, s29;
	s31 =	rddreg [dreg:$0x7]  }
0xdc: {  	p0 =	sne.s32 s29, s31  }
.Ltmp1:
0xdd: {  	_ = 	snop;
	(pc) =	sbr.rel @p0 .LBB2_1-.Ltmp1, $3  }
0xde: {  	_ =	sdelay $0x1  }
0xdf: {  	[sflag:s28] =	ssyncset.done $0x0  }
0xe0: {  	[sflag:s28] =	ssyncadd.s32 $0xFFFF3800  }
0xe1: {  	_ =	sfence.sel $0x180000  }
0xe2: {  	[bflag:$0x0] =	sbarrier.arrive $0xFFFF  }
0xe3: {  	_ =	strace $0x9000004D  }
0xe4: {  	s0 =	stileid.u32;
	[bflag:$0x2] =	sbarrier.arrive $0xFFFF  }
0xe5: {  	p0 =	sne.s32 s0, $0x0;
	s0 =	rddreg [dreg:$0x2]  }
0xe6: {  	s0 =	sadd.s32 @!p0 $0x100000, s0  }
0xe7: {  	[sflag:s0] =	ssyncadd.tile.s32 @!p0 $0x1;
	_ =	shalt  }
.Lfunc_end2:
_tile_overlayer_lowered:
.L_overlay_start_2:
0xe8: {  	(tag) =	ssettag $0x2  }
0xe9: {  	s0 =	rddreg [dreg:$0x0];
	s2 =	stileid.u32  }
0xea: {  	s1 =	rddreg [dreg:$0x1];
	p0 =	sne.s32 s2, $0x0  }
0xeb: {  	s3 =	rddreg [dreg:$0x2];
	[bflag:$0x3] =	sbarrier.arrive $0xFFFF;
	s2 =	simm.s32 @!p0 $0x1C03  }
0xec: {  	[timem:s3], [sflag:s2] =	dma.local @!p0 [hbm:s0], s1  }
0xed: {  	s0 =	simm.s32 @!p0 $0x3  }
0xee: {  	_ =	swait.ge @!p0 [sflag:s0], s1  }
0xef: {  	s1 =	ssub.s32 @!p0 $0x0, s1;
	[sflag:s0] =	ssyncset.done @!p0 $0x0  }
0xf0: {  	[sflag:s0] =	ssyncadd.s32 @!p0 s1  }
0xf1: {  	[bflag:$0x3] =	sbarrier.arrive $0xFFFF  }
0xf2: {  	_ =	shalt  }

// kernel: kernel.9.cloned.1.call-start
scs
__scs_entry_jumppad:
0x0: {  	(pc) =	sbr.rel $0x88, $3  }
0x1: {  	(tag) =	ssettag $0x0;
	lr =	simm.s32 $0x1  }
0x2: {  	[smem:$0x3F8E] =	sst lr;
	_ =	strace $0xD0000000  }
0x3: {  	_ = 	snop  }
0x4: {  	_ = 	snop  }
0x5: {  	_ = 	snop  }
0x6: {  	_ = 	snop  }
0x7: {  	_ = 	snop  }
__scs_overlays_trampoline_lowered:
0x8: {  	[smem:$0x3F9D] =	sst s0  }
0x9: {  	[smem:$0x3F9E] =	sst s1  }
0xa: {  	[smem:$0x3F9F] =	sst s2  }
0xb: {  	[smem:$0x3FA0] =	sst s3  }
0xc: {  	[smem:$0x3FA1] =	sst s4  }
0xd: {  	[smem:$0x3FA2] =	sst s5  }
0xe: {  	[smem:$0x3FA3] =	sst s6  }
0xf: {  	[smem:$0x3FA4] =	sst s7  }
0x10: {  	[smem:$0x3FA5] =	sst s8  }
0x11: {  	[smem:$0x3FA6] =	sst s9;
	s0 =	simm.s32 @!p0 $0x0  }
0x12: {  	s1 =	sld [smem:$0x3F8C];
	s0 =	simm.s32 @p0 $0x1  }
0x13: {  	[smem:$0x3FA7] =	sst s0;
	s0 =	simm.s32 @!p1 $0x0  }
0x14: {  	s2 =	sld [smem:$0x3F8B];
	s0 =	simm.s32 @p1 $0x1  }
0x15: {  	[smem:$0x3FA8] =	sst s0;
	s0 =	simm.s32 @!p2 $0x0  }
0x16: {  	s3 =	sld [smem:$0x3FDB];
	s0 =	simm.s32 @p2 $0x1  }
0x17: {  	s4 =	simm.s32 $0x1BF5;
	[smem:$0x3FAA] =	sst s0  }
0x18: {  	s0 =	sld [smem:$0x3F8D];
	_ =	swait.ge [sflag:s4], $0x0  }
0x19: {  	s7 =	sld [smem:$0x3F8E]  }
0x1a: {  	s8 =	sadd.s32 $0xFFFFE003, lr  }
0x1b: {  	s9 =	sadd.s32 $0xFFFFFEF7, lr;
	s5 =	simm.s32 $0xFFFFFFFF;
	p2 =	slt.u32 s8, $0xFFFFF086  }
0x1c: {  	p1 =	slt.u32 s9, $0xF7A;
	s5 =	simm.s32 @!p2 $0x0  }
0x1d: {  	s5 =	simm.s32 @p1 $0x1;
	p0 =	seq.s32 s7, s2  }
0x1e: {  	s7 =	smul.u32 @!p0 $0xF7A, s2;
	p2 =	seq.s32 @!p0 s5, $0x0  }
0x1f: {  	s9 =	smul.u32 $0xF7A, s1;
	s8 =	simm.s32 @!p0 $0x1BF5;
	p2 =	por !p2, p0  }
0x20: {  	[sflag:s8] =	ssyncset.s32 @!p0 $0xFFFFF086;
	s6 =	sadd.s32 @!p0 s3, s7;
	s7 =	simm.s32 @!p0 $0x108  }
0x21: {  	s3 =	sadd.s32 s3, s9;
	s6 =	sadd.s32 @!p0 $0x88, s6;
	s7 =	simm.s32 @p2 $0x1082  }
0x22: {  	[simem:s7], [sflag:s8] =	dma.local @!p0 [hbm:s6], $0xF7A  }
0x23: {  	s9 =	sor.u32 $0xD0000000, s2;
	s6 =	simm.s32 $0x108;
	_ =	swait.ge @!p0 [sflag:s8], $0x0  }
0x24: {  	s3 =	sadd.s32 $0x88, s3;
	s6 =	simm.s32 @!p1 $0x1082;
	[sflag:s4] =	ssyncset.s32 $0xFFFFF086  }
0x25: {  	[simem:s6], [sflag:s4] =	dma.local [hbm:s3], $0xF7A  }
0x26: {  	[smem:$0x3F8E] =	sst s1;
	(tag) =	ssettag s2;
	_ =	strace s9  }
0x27: {  	s1 =	sld [smem:$0x3F9E]  }
0x28: {  	s2 =	sld [smem:$0x3F9F]  }
0x29: {  	s4 =	sld [smem:$0x3FA1]  }
0x2a: {  	p0 =	seq.s32 s5, $0x0;
	s5 =	sld [smem:$0x3FA2]  }
0x2b: {  	s6 =	sld [smem:$0x3FA3]  }
0x2c: {  	s7 =	sld [smem:$0x3FA4]  }
0x2d: {  	s3 =	simm.s32 $0x108;
	s8 =	sld [smem:$0x3FA5]  }
0x2e: {  	s3 =	simm.s32 @!p0 $0x1082;
	s9 =	sld [smem:$0x3FA6]  }
0x2f: {  	lr =	sadd.s32 s0, s3;
	s0 =	sld [smem:$0x3F9D]  }
0x30: {  	s3 =	sld [smem:$0x3FA0]  }
0x31: {  	[smem:$0x3FA9] =	sst s10  }
0x32: {  	s10 =	sld [smem:$0x3FA7];
	_ =	sdelay $0x3  }
0x33: {  	p0 =	seq.s32 s10, $0x1;
	s10 =	sld [smem:$0x3FA9];
	_ =	sdelay $0x3  }
0x34: {  	[smem:$0x3FA9] =	sst s10  }
0x35: {  	s10 =	sld [smem:$0x3FA8];
	_ =	sdelay $0x3  }
0x36: {  	p1 =	seq.s32 s10, $0x1;
	s10 =	sld [smem:$0x3FA9];
	_ =	sdelay $0x3  }
0x37: {  	[smem:$0x3FA9] =	sst s10  }
0x38: {  	s10 =	sld [smem:$0x3FAA]  }
0x39: {  	_ = 	snop;
	(pc) =	sbr.ind lr, $3  }
0x3a: {  	_ = 	snop  }
0x3b: {  	_ = 	snop  }
0x3c: {  	p2 =	seq.s32 s10, $0x1;
	s10 =	sld [smem:$0x3FA9]  }
0x3d: {  	_ =	shalt  }
0x3e: {  	_ =	shalt  }
0x3f: {  	_ =	shalt  }
0x40: {  	_ =	shalt  }
0x41: {  	_ =	shalt  }
0x42: {  	_ =	shalt  }
0x43: {  	_ =	shalt  }
0x44: {  	_ =	shalt  }
0x45: {  	_ =	shalt  }
0x46: {  	_ =	shalt  }
0x47: {  	_ =	shalt  }
0x48: {  	_ =	shalt  }
0x49: {  	_ =	shalt  }
0x4a: {  	_ =	shalt  }
0x4b: {  	_ =	shalt  }
0x4c: {  	_ =	shalt  }
0x4d: {  	_ =	shalt  }
0x4e: {  	_ =	shalt  }
0x4f: {  	_ =	shalt  }
0x50: {  	_ =	shalt  }
0x51: {  	_ =	shalt  }
0x52: {  	_ =	shalt  }
0x53: {  	_ =	shalt  }
0x54: {  	_ =	shalt  }
0x55: {  	_ =	shalt  }
0x56: {  	_ =	shalt  }
0x57: {  	_ =	shalt  }
0x58: {  	_ =	shalt  }
0x59: {  	_ =	shalt  }
0x5a: {  	_ =	shalt  }
0x5b: {  	_ =	shalt  }
0x5c: {  	_ =	shalt  }
0x5d: {  	_ =	shalt  }
0x5e: {  	_ =	shalt  }
0x5f: {  	_ =	shalt  }
0x60: {  	_ =	shalt  }
0x61: {  	_ =	shalt  }
0x62: {  	_ =	shalt  }
0x63: {  	_ =	shalt  }
0x64: {  	_ =	shalt  }
0x65: {  	_ =	shalt  }
0x66: {  	_ =	shalt  }
0x67: {  	_ =	shalt  }
0x68: {  	_ =	shalt  }
0x69: {  	_ =	shalt  }
0x6a: {  	_ =	shalt  }
0x6b: {  	_ =	shalt  }
0x6c: {  	_ =	shalt  }
0x6d: {  	_ =	shalt  }
0x6e: {  	_ =	shalt  }
0x6f: {  	_ =	shalt  }
0x70: {  	_ =	shalt  }
0x71: {  	_ =	shalt  }
0x72: {  	_ =	shalt  }
0x73: {  	_ =	shalt  }
0x74: {  	_ =	shalt  }
0x75: {  	_ =	shalt  }
0x76: {  	_ =	shalt  }
0x77: {  	_ =	shalt  }
0x78: {  	_ =	shalt  }
0x79: {  	_ =	shalt  }
0x7a: {  	_ =	shalt  }
0x7b: {  	_ =	shalt  }
0x7c: {  	_ =	shalt  }
0x7d: {  	_ =	shalt  }
0x7e: {  	_ =	shalt  }
0x7f: {  	_ =	shalt  }
0x80: {  	_ =	shalt  }
0x81: {  	_ =	shalt  }
0x82: {  	_ =	shalt  }
0x83: {  	_ =	shalt  }
0x84: {  	_ =	shalt  }
0x85: {  	_ =	shalt  }
0x86: {  	_ =	shalt  }
0x87: {  	_ =	shalt  }
.Lfunc_end0:
.L_simem_size_0:
called_computation_lowered:
.L_overlay_start_0:
0x88: {  	s2 =	sld [smem:$0x3FD9]  }
0x89: {  	s3 =	sld [smem:$0x3FFE];
	_ =	sdelay $0x1  }
0x8a: {  	s1 =	srdreg.scid  }
0x8b: {  	s0 =	sand.u32 $0x1, s1  }
0x8c: {  	s17 =	sshll.u32 s0, $0xA;
	s2 =	sadd.s32 s3, s2  }
0x8d: {  	s2 =	sadd.s32 s2, s17  }
0x8e: {  	[smem:$0x3FB5] =	sst s2  }
0x8f: {  	_ = 	snop  }
0x90: {  	s2 =	sld [smem:$0x3FD0];
	(tm) =	ssettm $0x1  }
0x91: {  	s18 =	sld [smem:$0x3FFB];
	_ =	sdelay $0x3  }
0x92: {  	_ =	strace s18  }
0x93: {  	s3 =	sld [smem:$0x3FFC];
	_ =	sdelay $0x3  }
0x94: {  	_ =	strace s3  }
0x95: {  	s3 =	sld [smem:$0x3FFD];
	_ =	sdelay $0x3  }
0x96: {  	_ =	strace s3  }
0x97: {  	_ =	strace $0x8FFFFFFF  }
0x98: {  	s19 =	sld [smem:$0x3FDB];
	_ =	sdelay $0x1  }
0x99: {  	s4 =	simm.s32 $_scs_section_size  }
0x9a: {  	s5 =	simm.s32 $_size__tile_overlayer_lowered;
	s6 =	simm.s32 $_tile_overlayer_lowered  }
0x9b: {  	s22 =	simm.s32 $0x1BFF;
	s21 =	sshll.u32 s6, $0x1;
	s3 =	sadd.s32 s4, s19  }
0x9c: {  	s7 =	simm.s32 $0x0;
	s20 =	sshll.u32 s5, $0x1;
	s5 =	sadd.s32 s21, s3  }
0x9d: {  	[timem:s7], [sflag:s22] =	dma.local [hbm:s5], s20  }
0x9e: {  	_ =	swait.ge [sflag:s22], s20  }
0x9f: {  	s4 =	ssub.s32 $0x0, s20;
	[sflag:s22] =	ssyncset.done $0x0  }
0xa0: {  	[sflag:s22] =	ssyncadd.s32 s4;
	_ =	sdelay $0x1  }
0xa1: {  	s23 =	simm.s32 $0x1B8B  }
0xa2: {  	_ =	swait.ge [sflag:s23], $0x1  }
0xa3: {  	[sflag:s23] =	ssyncset.done $0x0  }
0xa4: {  	s25 =	simm.s32 $0x1B8E;
	s24 =	sld [smem:$0x3FFE];
	[sflag:s23] =	ssyncadd.s32 $0xFFFFFFFF  }
0xa5: {  	s26 =	simm.s32 $execute0_lowered;
	[smem:$0x3FD2] =	sst s25  }
0xa6: {  	s5 =	sshll.u32 s26, $0x1;
	_ =	strace $0x80000046;
	[dreg:$0x1] =	wrdreg $0xFFFFFFFF  }
0xa7: {  	s28 =	simm.s32 $_size_execute0_lowered;
	s3 =	sadd.s32 s3, s5;
	[dreg:$0x0] =	wrdreg $0x0  }
0xa8: {  	s5 =	sshll.u32 s28, $0x1;
	[dreg:$0x2] =	wrdreg s3  }
0xa9: {  	[dreg:$0x3] =	wrdreg s5  }
0xaa: {  	[dreg:$0x4] =	wrdreg $0xC0  }
0xab: {  	_ =	task [dreg:s7], $0x5FFFF  }
0xac: {  	[dreg:$0x1] =	wrdreg $0xFFFFFFFF  }
0xad: {  	[dreg:$0x0] =	wrdreg $0x60  }
0xae: {  	[dreg:$0x2] =	wrdreg s24  }
0xaf: {  	[dreg:$0x3] =	wrdreg s2  }
0xb0: {  	[dreg:$0x4] =	wrdreg $0x9  }
0xb1: {  	_ =	task.clear_ibuf [dreg:s7], $0x5FFFF;
	_ =	strace $0x90000046  }
0xb2: {  	s29 =	simm.s32 $0x9;
	_ =	strace $0x80000048  }
0xb3: {  	_ =	swait.ge [sflag:s29], $0x1  }
0xb4: {  	[sflag:s29] =	ssyncadd.s32 $0xFFFFFFFF  }
0xb5: {  	_ =	strace $0x90000048  }
0xb6: {  	_ =	sfence  }
0xb7: {  	s30 =	sld [smem:$0x0];
	_ =	sdelay $0x2  }
0xb8: {  	s31 =	sshll.u32 s1, $0xD;
	s1 =	sshrl.u32 s1, $0x2  }
0xb9: {  	s3 =	sand.u32 $0x4000, s31;
	s1 =	sadd.s32 s1, s30  }
0xba: {  	s0 =	sor.u32 s3, s0;
	s1 =	sshll.u32 s1, $0x11  }
0xbb: {  	s0 =	sor.u32 s1, s0  }
0xbc: {  	s0 =	sadd.s32 $0x8F2B, s0  }
0xbd: {  	[sflag:s0] =	ssyncadd.remote.s32 $0x1  }
0xbe: {  	_ =	sfence.sel $0xFFFF  }
0xbf: {  	[dreg:$0x0] =	wrdreg $0xFFFFFFFF;
	(pc) =	sbr.abs _section_cstart, $3  }
0xc0: {  	[dreg:$0x1] =	wrdreg $0xFFFFFFFF  }
0xc1: {  	_ =	task.clear_ibuf [dreg:s7], $0x2FFFF;
	_ =	strace $0x9FFFFFFF  }
0xc2: {  	(tm) =	ssettm $0x7FFFFFFF  }
0xc3: {  	_ =	shalt  }
tec
execute0_lowered:
.L_overlay_start_1:
0x0: {  	(tag) =	ssettag $0x1  }
0x1: {  	s0 =	rddreg [dreg:$0x0]  }
0x2: {  	s1 =	rddreg [dreg:$0x1];
	s3 =	srdreg.scid  }
0x3: {  	s8 =	stileid.u32;
	s2 =	simm.s32 $0x0;
	s30 =	simm.s32 $0x2C00  }
0x4: {  	s11 =	simm.s32 $0x50;
	s31 =	simm.s32 $0x250;
	s12 =	simm.s32 $0x400  }
0x5: {  	s13 =	simm.s32 $0xCC00;
	s14 =	simm.s32 $0xF400;
	s15 =	simm.s32 $0xA0  }
0x6: {  	s16 =	simm.s32 $0x5400;
	s17 =	simm.s32 $0x2A0;
	s18 =	simm.s32 $0x11C00  }
0x7: {  	s19 =	simm.s32 $0xF0;
	s20 =	simm.s32 $0x7C00;
	s21 =	simm.s32 $0x2F0  }
0x8: {  	s22 =	simm.s32 $0x14400;
	s28 =	simm.s32 $0x3;
	s29 =	simm.s32 $0x0  }
0x9: {  	s5 =	sand.u32 $0x1, s3;
	s6 =	smul.u32 $0x4E20, s8;
	[smem:$0x7FF] =	sst s2  }
0xa: {  	s3 =	sadd.s32 $0xFE00, s0;
	s4 =	sadd.s32 $0x37000, s0;
	s23 =	smul.u32 $0x4E200, s8  }
0xb: {  	s8 =	simm.s32 $0x200;
	s7 =	smul.u32 $0x2710, s5;
	_ =	strace $0x80000047  }
0xc: {  	s24 =	ssub.s32 $0x2, s5;
	s5 =	smul.u32 $0x27100, s5;
	[dreg:$0x5] =	wrdreg s30  }
0xd: {  	[dreg:$0x6] =	wrdreg s31;
	s9 =	sshrl.u32 s24, $0x1;
	s6 =	sadd.s32 s7, s6  }
0xe: {  	s25 =	ssub.s32 s24, s9;
	s9 =	simm.s32 $0x1;
	s6 =	sshrl.u32 s6, $0x3  }
0xf: {  	s24 =	simm.s32 $0xA400;
	s7 =	smax.u32 s25, $0x1;
	s10 =	sadd.s32 s6, s0  }
0x10: {  	s0 =	sadd.s32 s23, s0;
	[dreg:$0x7] =	wrdreg s7;
	s1 =	sadd.s32 s6, s1  }
0x11: {  	s0 =	sadd.s32 s5, s0;
	[dreg:$0x3] =	wrdreg s1;
	s26 =	sadd.s32 $0x6000, s10  }
0x12: {  	s25 =	simm.s32 $0x340;
	s5 =	sadd.s32 $0x5E200, s0;
	[dreg:$0x4] =	wrdreg s26  }
0x13: {  	s23 =	simm.s32 $0x140;
	s0 =	sadd.s32 $0x540200, s0;
	[dreg:$0x8] =	wrdreg s5  }
0x14: {  	s10 =	simm.s32 $0x2;
	s26 =	simm.s32 $0x16C00;
	[dreg:$0x9] =	wrdreg s0  }
.LBB2_1:
0x15: {  	s0 =	rddreg [dreg:$0x4]  }
0x16: {  	s1 =	rddreg [dreg:$0x3];
	s0 =	sadd.s32 $0x0, s0  }
0x17: {  	[tilespmem:s2], [sflag:$0x1] =	stream.linear.gather [hbm4b:s0+s2], $0x190, $0x38;
	[tilespmem:$0x19400] =	vst v63  }
0x18: {  	s5 =	sadd.s32 $0x0, s1  }
0x19: {  	[tilespmem:s8], [sflag:$0x2] =	stream.linear.gather [hbm4b:s5+s2], $0x190, $0x38;
	[tilespmem:$0x19400] =	vst v63  }
0x1a: {  	_ =	swait.ge [sflag:s9], $0x190  }
0x1b: {  	[sflag:s9] =	ssyncset.done $0x0  }
0x1c: {  	[sflag:s9] =	ssyncadd.s32 $0xFFFFFE70  }
0x1d: {  	_ =	swait.ge [sflag:s10], $0x190  }
0x1e: {  	[sflag:s10] =	ssyncset.done $0x0  }
0x1f: {  	[sflag:s10] =	ssyncadd.s32 $0xFFFFFE70  }
0x20: {  	[tilespmem:s12], [sflag:$0x1] =	stream.indirect.gather [hbm4b:s3+s11], $0x80, s2, s11, $0xb8;
	[tilespmem:$0x19400] =	vst v63  }
0x21: {  	_ = 	snop  }
0x22: {  	[tilespmem:s13], [sflag:$0x2] =	stream.indirect.gather [hbm4b:s4+s11], $0x80, s8, s11, $0xb8;
	[tilespmem:$0x19400] =	vst v63  }
0x23: {  	s6 =	rddreg [dreg:$0x5]  }
0x24: {  	[tilespmem:s6], [sflag:$0x1] =	stream.indirect.gather [hbm4b:s3+s11], $0x80, s11, s11, $0xb8;
	[tilespmem:$0x19400] =	vst v63  }
0x25: {  	s7 =	rddreg [dreg:$0x6]  }
0x26: {  	[tilespmem:s14], [sflag:$0x2] =	stream.indirect.gather [hbm4b:s4+s11], $0x80, s7, s11, $0xb8;
	[tilespmem:$0x19400] =	vst v63  }
0x27: {  	_ = 	snop  }
0x28: {  	[tilespmem:s16], [sflag:$0x1] =	stream.indirect.gather [hbm4b:s3+s11], $0x80, s15, s11, $0xb8;
	[tilespmem:$0x19400] =	vst v63  }
0x29: {  	_ = 	snop  }
0x2a: {  	[tilespmem:s18], [sflag:$0x2] =	stream.indirect.gather [hbm4b:s4+s11], $0x80, s17, s11, $0xb8;
	[tilespmem:$0x19400] =	vst v63  }
0x2b: {  	_ = 	snop  }
0x2c: {  	[tilespmem:s20], [sflag:$0x1] =	stream.indirect.gather [hbm4b:s3+s11], $0x80, s19, s11, $0xb8;
	[tilespmem:$0x19400] =	vst v63  }
0x2d: {  	_ = 	snop  }
0x2e: {  	[tilespmem:s22], [sflag:$0x2] =	stream.indirect.gather [hbm4b:s4+s11], $0x80, s21, s11, $0xb8;
	[tilespmem:$0x19400] =	vst v63  }
0x2f: {  	_ = 	snop  }
0x30: {  	[tilespmem:s24], [sflag:$0x1] =	stream.indirect.gather [hbm4b:s3+s11], $0x80, s23, s11, $0xb8;
	[tilespmem:$0x19400] =	vst v63  }
0x31: {  	_ = 	snop  }
0x32: {  	[tilespmem:s26], [sflag:$0x2] =	stream.indirect.gather [hbm4b:s4+s11], $0x80, s25, s11, $0xb8;
	[tilespmem:$0x19400] =	vst v63  }
0x33: {  	_ =	swait.ge [sflag:s9], $0x2800  }
0x34: {  	[sflag:s9] =	ssyncset.done $0x0  }
0x35: {  	[sflag:s9] =	ssyncadd.s32 $0xFFFFD800  }
0x36: {  	_ =	swait.ge [sflag:s9], $0x2800  }
0x37: {  	[sflag:s9] =	ssyncset.done $0x0  }
0x38: {  	[sflag:s9] =	ssyncadd.s32 $0xFFFFD800  }
0x39: {  	_ =	swait.ge [sflag:s9], $0x2800  }
0x3a: {  	[sflag:s9] =	ssyncset.done $0x0  }
0x3b: {  	[sflag:s9] =	ssyncadd.s32 $0xFFFFD800  }
0x3c: {  	_ =	swait.ge [sflag:s9], $0x2800  }
0x3d: {  	[sflag:s9] =	ssyncset.done $0x0  }
0x3e: {  	[sflag:s9] =	ssyncadd.s32 $0xFFFFD800  }
0x3f: {  	_ =	swait.ge [sflag:s9], $0x2800  }
0x40: {  	[sflag:s9] =	ssyncset.done $0x0  }
0x41: {  	[sflag:s9] =	ssyncadd.s32 $0xFFFFD800  }
0x42: {  	_ =	swait.ge [sflag:s10], $0x2800  }
0x43: {  	[sflag:s10] =	ssyncset.done $0x0  }
0x44: {  	[sflag:s10] =	ssyncadd.s32 $0xFFFFD800  }
0x45: {  	_ =	swait.ge [sflag:s10], $0x2800  }
0x46: {  	[sflag:s10] =	ssyncset.done $0x0  }
0x47: {  	[sflag:s10] =	ssyncadd.s32 $0xFFFFD800  }
0x48: {  	_ =	swait.ge [sflag:s10], $0x2800  }
0x49: {  	[sflag:s10] =	ssyncset.done $0x0  }
0x4a: {  	[sflag:s10] =	ssyncadd.s32 $0xFFFFD800  }
0x4b: {  	_ =	swait.ge [sflag:s10], $0x2800  }
0x4c: {  	[sflag:s10] =	ssyncset.done $0x0  }
0x4d: {  	[sflag:s10] =	ssyncadd.s32 $0xFFFFD800  }
0x4e: {  	_ =	swait.ge [sflag:s10], $0x2800  }
0x4f: {  	[sflag:s10] =	ssyncset.done $0x0  }
0x50: {  	s31 =	rddreg [dreg:$0x8];
	[sflag:s10] =	ssyncadd.s32 $0xFFFFD800  }
0x51: {  	[hbm4b:s31+s2] =	stream.linear.scatter [tilespmem:s12], [sflag:$0x3], $0xC800, $0x38;
	[tilespmem:$0x19400] =	vst v63  }
0x52: {  	_ =	swait.ge [sflag:s28], $0xC800  }
0x53: {  	[sflag:s28] =	ssyncset.done $0x0  }
0x54: {  	s30 =	rddreg [dreg:$0x9];
	[sflag:s28] =	ssyncadd.s32 $0xFFFF3800  }
0x55: {  	[hbm4b:s30+s2] =	stream.linear.scatter [tilespmem:s13], [sflag:$0x3], $0xC800, $0x38;
	[tilespmem:$0x19400] =	vst v63  }
0x56: {  	s1 =	simm.s32 $0x64;
	_ =	swait.ge [sflag:s28], $0xC800  }
0x57: {  	s0 =	simm.s32 $0x32;
	s5 =	rddreg [dreg:$0x4];
	[sflag:s28] =	ssyncset.done $0x0  }
.LBB2_2:
0x58: {  	[sflag:s28] =	ssyncadd.s32 $0xFFFF3800;
	s7 =	rddreg [dreg:$0x3];
	s5 =	sadd.s32 s0, s5  }
0x59: {  	[tilespmem:s2], [sflag:$0x1] =	stream.linear.gather [hbm4b:s5+s2], $0x190, $0x38;
	[tilespmem:$0x19400] =	vst v63  }
0x5a: {  	s7 =	sadd.s32 s0, s7  }
0x5b: {  	[tilespmem:s8], [sflag:$0x2] =	stream.linear.gather [hbm4b:s7+s2], $0x190, $0x38;
	[tilespmem:$0x19400] =	vst v63  }
0x5c: {  	_ =	swait.ge [sflag:s9], $0x190  }
0x5d: {  	[sflag:s9] =	ssyncset.done $0x0  }
0x5e: {  	[sflag:s9] =	ssyncadd.s32 $0xFFFFFE70  }
0x5f: {  	_ =	swait.ge [sflag:s10], $0x190  }
0x60: {  	[sflag:s10] =	ssyncset.done $0x0  }
0x61: {  	[sflag:s10] =	ssyncadd.s32 $0xFFFFFE70  }
0x62: {  	[tilespmem:s12], [sflag:$0x1] =	stream.indirect.gather [hbm4b:s3+s11], $0x80, s2, s11, $0xb8;
	[tilespmem:$0x19400] =	vst v63  }
0x63: {  	s6 =	smov.u32 s1  }
0x64: {  	[tilespmem:s13], [sflag:$0x2] =	stream.indirect.gather [hbm4b:s4+s11], $0x80, s8, s11, $0xb8;
	[tilespmem:$0x19400] =	vst v63  }
0x65: {  	s0 =	smov.u32 s6;
	s6 =	rddreg [dreg:$0x5]  }
0x66: {  	[tilespmem:s6], [sflag:$0x1] =	stream.indirect.gather [hbm4b:s3+s11], $0x80, s11, s11, $0xb8;
	[tilespmem:$0x19400] =	vst v63  }
0x67: {  	s7 =	rddreg [dreg:$0x6]  }
0x68: {  	[tilespmem:s14], [sflag:$0x2] =	stream.indirect.gather [hbm4b:s4+s11], $0x80, s7, s11, $0xb8;
	[tilespmem:$0x19400] =	vst v63  }
0x69: {  	_ = 	snop  }
0x6a: {  	[tilespmem:s16], [sflag:$0x1] =	stream.indirect.gather [hbm4b:s3+s11], $0x80, s15, s11, $0xb8;
	[tilespmem:$0x19400] =	vst v63  }
0x6b: {  	_ = 	snop  }
0x6c: {  	[tilespmem:s18], [sflag:$0x2] =	stream.indirect.gather [hbm4b:s4+s11], $0x80, s17, s11, $0xb8;
	[tilespmem:$0x19400] =	vst v63  }
0x6d: {  	_ = 	snop  }
0x6e: {  	[tilespmem:s20], [sflag:$0x1] =	stream.indirect.gather [hbm4b:s3+s11], $0x80, s19, s11, $0xb8;
	[tilespmem:$0x19400] =	vst v63  }
0x6f: {  	_ = 	snop  }
0x70: {  	[tilespmem:s22], [sflag:$0x2] =	stream.indirect.gather [hbm4b:s4+s11], $0x80, s21, s11, $0xb8;
	[tilespmem:$0x19400] =	vst v63  }
0x71: {  	_ = 	snop  }
0x72: {  	[tilespmem:s24], [sflag:$0x1] =	stream.indirect.gather [hbm4b:s3+s11], $0x80, s23, s11, $0xb8;
	[tilespmem:$0x19400] =	vst v63  }
0x73: {  	_ = 	snop  }
0x74: {  	[tilespmem:s26], [sflag:$0x2] =	stream.indirect.gather [hbm4b:s4+s11], $0x80, s25, s11, $0xb8;
	[tilespmem:$0x19400] =	vst v63  }
0x75: {  	_ =	swait.ge [sflag:s9], $0x2800  }
0x76: {  	[sflag:s9] =	ssyncset.done $0x0  }
0x77: {  	[sflag:s9] =	ssyncadd.s32 $0xFFFFD800  }
0x78: {  	_ =	swait.ge [sflag:s9], $0x2800  }
0x79: {  	[sflag:s9] =	ssyncset.done $0x0  }
0x7a: {  	[sflag:s9] =	ssyncadd.s32 $0xFFFFD800  }
0x7b: {  	_ =	swait.ge [sflag:s9], $0x2800  }
0x7c: {  	[sflag:s9] =	ssyncset.done $0x0  }
0x7d: {  	[sflag:s9] =	ssyncadd.s32 $0xFFFFD800  }
0x7e: {  	_ =	swait.ge [sflag:s9], $0x2800  }
0x7f: {  	[sflag:s9] =	ssyncset.done $0x0  }
0x80: {  	[sflag:s9] =	ssyncadd.s32 $0xFFFFD800  }
0x81: {  	_ =	swait.ge [sflag:s9], $0x2800  }
0x82: {  	[sflag:s9] =	ssyncset.done $0x0  }
0x83: {  	[sflag:s9] =	ssyncadd.s32 $0xFFFFD800  }
0x84: {  	_ =	swait.ge [sflag:s10], $0x2800  }
0x85: {  	[sflag:s10] =	ssyncset.done $0x0  }
0x86: {  	[sflag:s10] =	ssyncadd.s32 $0xFFFFD800  }
0x87: {  	_ =	swait.ge [sflag:s10], $0x2800  }
0x88: {  	[sflag:s10] =	ssyncset.done $0x0  }
0x89: {  	[sflag:s10] =	ssyncadd.s32 $0xFFFFD800  }
0x8a: {  	_ =	swait.ge [sflag:s10], $0x2800  }
0x8b: {  	[sflag:s10] =	ssyncset.done $0x0  }
0x8c: {  	[sflag:s10] =	ssyncadd.s32 $0xFFFFD800  }
0x8d: {  	_ =	swait.ge [sflag:s10], $0x2800  }
0x8e: {  	[sflag:s10] =	ssyncset.done $0x0  }
0x8f: {  	[sflag:s10] =	ssyncadd.s32 $0xFFFFD800  }
0x90: {  	_ =	swait.ge [sflag:s10], $0x2800  }
0x91: {  	[sflag:s10] =	ssyncset.done $0x0  }
0x92: {  	s31 =	sadd.s32 $0x1900, s31;
	[sflag:s10] =	ssyncadd.s32 $0xFFFFD800  }
0x93: {  	[hbm4b:s31+s2] =	stream.linear.scatter [tilespmem:s12], [sflag:$0x3], $0xC800, $0x38;
	[tilespmem:$0x19400] =	vst v63  }
0x94: {  	p0 =	sne.s32 s1, $0x4B0;
	_ =	swait.ge [sflag:s28], $0xC800  }
.Ltmp0:
0x95: {  	[sflag:s28] =	ssyncset.done $0x0;
	(pc) =	sbr.rel @p0 .LBB2_2-.Ltmp0, $4  }
0x96: {  	s30 =	sadd.s32 $0x1900, s30;
	[sflag:s28] =	ssyncadd.s32 $0xFFFF3800  }
0x97: {  	[hbm4b:s30+s2] =	stream.linear.scatter [tilespmem:s13], [sflag:$0x3], $0xC800, $0x38;
	[tilespmem:$0x19400] =	vst v63  }
0x98: {  	_ =	swait.ge [sflag:s28], $0xC800  }
0x99: {  	s1 =	sadd.s32 $0x32, s1;
	s5 =	rddreg [dreg:$0x4];
	[sflag:s28] =	ssyncset.done $0x0  }
0x9a: {  	s1 =	rddreg [dreg:$0x3];
	[sflag:s28] =	ssyncadd.s32 $0xFFFF3800;
	s5 =	sadd.s32 s0, s5  }
0x9b: {  	[tilespmem:s2], [sflag:$0x1] =	stream.linear.gather [hbm4b:s5+s2], $0x190, $0x38;
	[tilespmem:$0x19400] =	vst v63  }
0x9c: {  	s1 =	sadd.s32 s0, s1  }
0x9d: {  	[tilespmem:s8], [sflag:$0x2] =	stream.linear.gather [hbm4b:s1+s2], $0x190, $0x38;
	[tilespmem:$0x19400] =	vst v63  }
0x9e: {  	_ =	swait.ge [sflag:s9], $0x190  }
0x9f: {  	[sflag:s9] =	ssyncset.done $0x0  }
0xa0: {  	[sflag:s9] =	ssyncadd.s32 $0xFFFFFE70  }
0xa1: {  	_ =	swait.ge [sflag:s10], $0x190  }
0xa2: {  	[sflag:s10] =	ssyncset.done $0x0  }
0xa3: {  	[sflag:s10] =	ssyncadd.s32 $0xFFFFFE70  }
0xa4: {  	[tilespmem:s12], [sflag:$0x1] =	stream.indirect.gather [hbm4b:s3+s11], $0x80, s2, s11, $0xb8;
	[tilespmem:$0x19400] =	vst v63  }
0xa5: {  	_ = 	snop  }
0xa6: {  	[tilespmem:s13], [sflag:$0x2] =	stream.indirect.gather [hbm4b:s4+s11], $0x80, s8, s11, $0xb8;
	[tilespmem:$0x19400] =	vst v63  }
0xa7: {  	s5 =	rddreg [dreg:$0x5]  }
0xa8: {  	[tilespmem:s5], [sflag:$0x1] =	stream.indirect.gather [hbm4b:s3+s11], $0x80, s11, s11, $0xb8;
	[tilespmem:$0x19400] =	vst v63  }
0xa9: {  	s6 =	rddreg [dreg:$0x6]  }
0xaa: {  	[tilespmem:s14], [sflag:$0x2] =	stream.indirect.gather [hbm4b:s4+s11], $0x80, s6, s11, $0xb8;
	[tilespmem:$0x19400] =	vst v63  }
0xab: {  	_ = 	snop  }
0xac: {  	[tilespmem:s16], [sflag:$0x1] =	stream.indirect.gather [hbm4b:s3+s11], $0x80, s15, s11, $0xb8;
	[tilespmem:$0x19400] =	vst v63  }
0xad: {  	_ = 	snop  }
0xae: {  	[tilespmem:s18], [sflag:$0x2] =	stream.indirect.gather [hbm4b:s4+s11], $0x80, s17, s11, $0xb8;
	[tilespmem:$0x19400] =	vst v63  }
0xaf: {  	_ = 	snop  }
0xb0: {  	[tilespmem:s20], [sflag:$0x1] =	stream.indirect.gather [hbm4b:s3+s11], $0x80, s19, s11, $0xb8;
	[tilespmem:$0x19400] =	vst v63  }
0xb1: {  	_ = 	snop  }
0xb2: {  	[tilespmem:s22], [sflag:$0x2] =	stream.indirect.gather [hbm4b:s4+s11], $0x80, s21, s11, $0xb8;
	[tilespmem:$0x19400] =	vst v63  }
0xb3: {  	_ = 	snop  }
0xb4: {  	[tilespmem:s24], [sflag:$0x1] =	stream.indirect.gather [hbm4b:s3+s11], $0x80, s23, s11, $0xb8;
	[tilespmem:$0x19400] =	vst v63  }
0xb5: {  	_ = 	snop  }
0xb6: {  	[tilespmem:s26], [sflag:$0x2] =	stream.indirect.gather [hbm4b:s4+s11], $0x80, s25, s11, $0xb8;
	[tilespmem:$0x19400] =	vst v63  }
0xb7: {  	_ =	swait.ge [sflag:s9], $0x2800  }
0xb8: {  	[sflag:s9] =	ssyncset.done $0x0  }
0xb9: {  	[sflag:s9] =	ssyncadd.s32 $0xFFFFD800  }
0xba: {  	_ =	swait.ge [sflag:s9], $0x2800  }
0xbb: {  	[sflag:s9] =	ssyncset.done $0x0  }
0xbc: {  	[sflag:s9] =	ssyncadd.s32 $0xFFFFD800  }
0xbd: {  	_ =	swait.ge [sflag:s9], $0x2800  }
0xbe: {  	[sflag:s9] =	ssyncset.done $0x0  }
0xbf: {  	[sflag:s9] =	ssyncadd.s32 $0xFFFFD800  }
0xc0: {  	_ =	swait.ge [sflag:s9], $0x2800  }
0xc1: {  	[sflag:s9] =	ssyncset.done $0x0  }
0xc2: {  	[sflag:s9] =	ssyncadd.s32 $0xFFFFD800  }
0xc3: {  	_ =	swait.ge [sflag:s9], $0x2800  }
0xc4: {  	[sflag:s9] =	ssyncset.done $0x0  }
0xc5: {  	[sflag:s9] =	ssyncadd.s32 $0xFFFFD800  }
0xc6: {  	_ =	swait.ge [sflag:s10], $0x2800  }
0xc7: {  	[sflag:s10] =	ssyncset.done $0x0  }
0xc8: {  	[sflag:s10] =	ssyncadd.s32 $0xFFFFD800  }
0xc9: {  	_ =	swait.ge [sflag:s10], $0x2800  }
0xca: {  	[sflag:s10] =	ssyncset.done $0x0  }
0xcb: {  	[sflag:s10] =	ssyncadd.s32 $0xFFFFD800  }
0xcc: {  	_ =	swait.ge [sflag:s10], $0x2800  }
0xcd: {  	[sflag:s10] =	ssyncset.done $0x0  }
0xce: {  	[sflag:s10] =	ssyncadd.s32 $0xFFFFD800  }
0xcf: {  	_ =	swait.ge [sflag:s10], $0x2800  }
0xd0: {  	[sflag:s10] =	ssyncset.done $0x0  }
0xd1: {  	[sflag:s10] =	ssyncadd.s32 $0xFFFFD800  }
0xd2: {  	_ =	swait.ge [sflag:s10], $0x2800  }
0xd3: {  	[sflag:s10] =	ssyncset.done $0x0  }
0xd4: {  	s7 =	sadd.s32 $0x1900, s31;
	[sflag:s10] =	ssyncadd.s32 $0xFFFFD800  }
0xd5: {  	[hbm4b:s7+s2] =	stream.linear.scatter [tilespmem:s12], [sflag:$0x3], $0xC800, $0x38;
	[tilespmem:$0x19400] =	vst v63  }
0xd6: {  	_ =	swait.ge [sflag:s28], $0xC800  }
0xd7: {  	[sflag:s28] =	ssyncset.done $0x0  }
0xd8: {  	s30 =	sadd.s32 $0x1900, s30;
	[sflag:s28] =	ssyncadd.s32 $0xFFFF3800  }
0xd9: {  	[hbm4b:s30+s2] =	stream.linear.scatter [tilespmem:s13], [sflag:$0x3], $0xC800, $0x38;
	[tilespmem:$0x19400] =	vst v63  }
0xda: {  	_ =	swait.ge [sflag:s28], $0xC800  }
0xdb: {  	s29 =	sadd.s32 $0x1, s29;
	s31 =	rddreg [dreg:$0x7]  }
0xdc: {  	p0 =	sne.s32 s29, s31  }
.Ltmp1:
0xdd: {  	_ = 	snop;
	(pc) =	sbr.rel @p0 .LBB2_1-.Ltmp1, $3  }
0xde: {  	_ =	sdelay $0x1  }
0xdf: {  	[sflag:s28] =	ssyncset.done $0x0  }
0xe0: {  	[sflag:s28] =	ssyncadd.s32 $0xFFFF3800  }
0xe1: {  	_ =	sfence.sel $0x180000  }
0xe2: {  	[bflag:$0x0] =	sbarrier.arrive $0xFFFF  }
0xe3: {  	_ =	strace $0x90000047  }
0xe4: {  	s0 =	stileid.u32;
	[bflag:$0x2] =	sbarrier.arrive $0xFFFF  }
0xe5: {  	p0 =	sne.s32 s0, $0x0;
	s0 =	rddreg [dreg:$0x2]  }
0xe6: {  	s0 =	sadd.s32 @!p0 $0x100000, s0  }
0xe7: {  	[sflag:s0] =	ssyncadd.tile.s32 @!p0 $0x1;
	_ =	shalt  }
.Lfunc_end2:
_tile_overlayer_lowered:
.L_overlay_start_2:
0xe8: {  	(tag) =	ssettag $0x2  }
0xe9: {  	s0 =	rddreg [dreg:$0x0];
	s2 =	stileid.u32  }
0xea: {  	s1 =	rddreg [dreg:$0x1];
	p0 =	sne.s32 s2, $0x0  }
0xeb: {  	s3 =	rddreg [dreg:$0x2];
	[bflag:$0x3] =	sbarrier.arrive $0xFFFF;
	s2 =	simm.s32 @!p0 $0x1C03  }
0xec: {  	[timem:s3], [sflag:s2] =	dma.local @!p0 [hbm:s0], s1  }
0xed: {  	s0 =	simm.s32 @!p0 $0x3  }
0xee: {  	_ =	swait.ge @!p0 [sflag:s0], s1  }
0xef: {  	s1 =	ssub.s32 @!p0 $0x0, s1;
	[sflag:s0] =	ssyncset.done @!p0 $0x0  }
0xf0: {  	[sflag:s0] =	ssyncadd.s32 @!p0 s1  }
0xf1: {  	[bflag:$0x3] =	sbarrier.arrive $0xFFFF  }
0xf2: {  	_ =	shalt  }

</sc_bundles>
